<compile_context>
chip_gen: v7x
topology: tpu7x:2x2x1
jax: 0.10.2.dev20260603
libtpu: 0.0.44.dev20260713+nightly
codegen_flags: <defaults>
</compile_context>

<pallas_src>
import jax
import jax.numpy as jnp
from jax import lax
from jax.experimental import pallas as pl
from jax.experimental.pallas import tpu as pltpu
from jax.experimental.pallas import tpu_sc as plsc

DIM = 64
NC = 2
NS = 16
NW = NC * NS
FLIGHT = 16


def _gather_body(tbl_ref, idx_ref, out_ref, idx_v, stage_v, h_v, sem):
    wid = lax.axis_index("s") * NC + lax.axis_index("c")
    b_per_w = h_v.shape[1]
    nchunk = b_per_w // FLIGHT
    iota = lax.iota(jnp.int32, 16)

    pltpu.sync_copy(idx_ref.at[wid], idx_v)

    def fire(j):
        half = (j % 2) * (16 * FLIGHT)
        vec = idx_v[pl.ds(j * FLIGHT, FLIGHT)]
        for u in range(FLIGHT):
            base = (vec[u] // 16) * 16
            pltpu.async_copy(
                tbl_ref.at[:, :, pl.ds(base, 16)],
                stage_v.at[:, :, pl.ds(half + u * 16, 16)],
                sem,
            )

    def drain():
        pltpu.make_async_copy(
            tbl_ref.at[:, :, pl.ds(0, 16 * FLIGHT)],
            stage_v.at[:, :, pl.ds(0, 16 * FLIGHT)],
            sem,
        ).wait()

    fire(0)

    def chunk(j, carry):
        @pl.when(j + 1 < nchunk)
        def _():
            fire(j + 1)
        drain()
        half = (j % 2) * (16 * FLIGHT)
        vec = idx_v[pl.ds(j * FLIGHT, FLIGHT)]
        lanes = half + iota * 16 + vec % 16
        for c in range(DIM):
            vals = plsc.load_gather(
                stage_v, [jnp.full((16,), c // 8, jnp.int32),
                          jnp.full((16,), c % 8, jnp.int32), lanes])
            h_v[c, pl.ds(j * FLIGHT, FLIGHT)] = vals
        return carry

    lax.fori_loop(0, nchunk, chunk, 0)
    pltpu.sync_copy(h_v, out_ref.at[:, pl.ds(wid * b_per_w, b_per_w)])


def _sc_gather_t(tbl3, idx):
    batch = idx.shape[0]
    b_per_w = batch // NW
    idx2 = idx.reshape(NW, b_per_w)
    fn = pl.kernel(
        _gather_body,
        mesh=plsc.VectorSubcoreMesh(core_axis_name="c", subcore_axis_name="s"),
        compiler_params=pltpu.CompilerParams(needs_layout_passes=False),
        out_type=jax.ShapeDtypeStruct((DIM, batch), jnp.float32),
        scratch_types=[
            pltpu.VMEM((b_per_w,), jnp.int32),
            pltpu.VMEM((8, 8, 32 * FLIGHT), jnp.float32),
            pltpu.VMEM((DIM, b_per_w), jnp.float32),
            pltpu.SemaphoreType.DMA,
        ],
    )
    return fn(tbl3, idx2)


def _proj_body(h_ref, w_ref, b_ref, o_ref):
    h = h_ref[...]
    y = lax.dot_general(w_ref[...], h, (((1,), (0,)), ((), ())),
                        preferred_element_type=jnp.float32)
    y = y + b_ref[...]
    s = jnp.sum(y * y, axis=0, keepdims=True)
    n = jnp.maximum(jnp.sqrt(s), 1e-12)
    o_ref[...] = y / n


def _proj_norm_t(hT, W, b):
    batch = hT.shape[1]
    bn = 2048
    grid = (batch // bn,)
    return pl.pallas_call(
        _proj_body,
        grid=grid,
        in_specs=[
            pl.BlockSpec((DIM, bn), lambda i: (0, i)),
            pl.BlockSpec((DIM, DIM), lambda i: (0, 0)),
            pl.BlockSpec((DIM, 1), lambda i: (0, 0)),
        ],
        out_specs=pl.BlockSpec((DIM, bn), lambda i: (0, i)),
        out_shape=jax.ShapeDtypeStruct((DIM, batch), jnp.float32),
    )(hT, W, b.reshape(DIM, 1))


def kernel(item_ids, emb_table, W, b):
    batch = item_ids.shape[0]
    tbl3 = emb_table.T.reshape(8, DIM // 8, emb_table.shape[0])
    hT = _sc_gather_t(tbl3, item_ids)
    yT = _proj_norm_t(hT, W, b)
    return yT.T

# --- scband reference (transcript-rebuilt; emitter-appended) ---
"""Pipeline reference for scband-item-tower-49289044689042 (READ-ONLY COPY).

The authoritative reference and input builder live on the scoring server;
editing this copy changes nothing except your own understanding.
"""

import jax, jax.numpy as jnp
import numpy as np

VOCAB = 1000000
DIM = 64
BATCH = 16384

def setup_inputs(seed: int = 0) -> dict:
    key = jax.random.key(seed)
    k1, k2, k3, k4 = jax.random.split(key, 4)
    item_ids = jax.random.randint(k1, (BATCH,), 0, VOCAB, dtype=jnp.int64) if jax.config.jax_enable_x64 else jax.random.randint(k1, (BATCH,), 0, VOCAB, dtype=jnp.int32)
    # learned parameters
    emb_table = jax.random.normal(k2, (VOCAB, DIM), dtype=jnp.float32) * (1.0 / np.sqrt(DIM))
    W = jax.random.normal(k3, (DIM, DIM), dtype=jnp.float32) * (1.0 / np.sqrt(DIM))
    b = jax.random.normal(k4, (DIM,), dtype=jnp.float32) * 0.01
    return {"item_ids": item_ids, "emb_table": emb_table, "W": W, "b": b}

def reference(item_ids, emb_table, W, b):
    # 1. embedding lookup (SparseCore gather)
    h = jnp.take(emb_table, item_ids, axis=0)  # [B, d]
    # 2. linear projection: y = h @ W^T + b (torch nn.Linear semantics)
    h = jnp.dot(h, W.T) + b
    # 3. L2 normalize along last dim (torch F.normalize with eps=1e-12)
    norm = jnp.linalg.norm(h, ord=2, axis=-1, keepdims=True)
    h = h / jnp.maximum(norm, 1e-12)
    return h

if __name__ == "__main__":
    import jax
    _d = setup_inputs()
    print(jax.jit(kernel)(*tuple(_d.values())))

</pallas_src>

<mosaic_0001>
#map = affine_map<(d0, d1) -> (0, 0, 0)>
#map1 = affine_map<(d0, d1) -> (0, 0)>
module attributes {stable_mosaic.version = 14 : i64} {
  func.func @_gather_body(%arg0: i32, %arg1: i32, %arg2: memref<8x8x1000000xf32, #tpu.memory_space<hbm>>, %arg3: memref<32x512xi32, #tpu.memory_space<hbm>>, %arg4: memref<64x16384xf32, #tpu.memory_space<hbm>>, %arg5: memref<512xi32, #tpu.memory_space<vmem>>, %arg6: memref<8x8x512xf32, #tpu.memory_space<vmem>>, %arg7: memref<64x512xf32, #tpu.memory_space<vmem>>, %arg8: memref<!tpu.dma_semaphore, #tpu.memory_space<semaphore_mem>>) attributes {dimension_semantics = [#tpu.dimension_semantics<core_parallel>, #tpu.dimension_semantics<subcore_parallel>], iteration_bounds = array<i64: 2, 16>, scalar_prefetch = 0 : i64, scratch_operands = 4 : i64, tpu.core_type = #tpu.core_type<sc_vector_subcore>, window_params = [{transform_indices = #map}, {transform_indices = #map1}, {transform_indices = #map1}]} {
    %mul3A = arith.constant 2 : i32
    %mul3A_0 = arith.muli %arg1, %mul3A : i32
    %add3A = arith.addi %mul3A_0, %arg0 : i32
    %iota3A = tpu.iota {dimensions = array<i32: 0>} : vector<16xi32>
    "tpu.region"() ({
      %run_scoped3A = tpu.sem_alloc : memref<!tpu.dma_semaphore, #tpu.memory_space<semaphore_mem>>
      %dma_start3A_670 = arith.constant 0 : i32
      %dma_start3A_671 = tpu.memref_slice %arg3[%add3A, %dma_start3A_670] : memref<32x512xi32, #tpu.memory_space<hbm>> -> memref<1x512xi32, #tpu.memory_space<hbm>>
      %dma_start3A_672 = tpu.memref_squeeze %dma_start3A_671 : memref<1x512xi32, #tpu.memory_space<hbm>> -> memref<512xi32, #tpu.memory_space<hbm>>
      %dma_start3A_673 = arith.constant 0 : i32
      %dma_start3A_674 = tpu.memref_slice %arg3[%add3A, %dma_start3A_673] : memref<32x512xi32, #tpu.memory_space<hbm>> -> memref<1x512xi32, #tpu.memory_space<hbm>>
      %dma_start3A_675 = tpu.memref_squeeze %dma_start3A_674 : memref<1x512xi32, #tpu.memory_space<hbm>> -> memref<512xi32, #tpu.memory_space<hbm>>
      tpu.enqueue_dma source(%dma_start3A_675 : memref<512xi32, #tpu.memory_space<hbm>>) target(%arg5 : memref<512xi32, #tpu.memory_space<vmem>>) target_semaphore(%run_scoped3A : memref<!tpu.dma_semaphore, #tpu.memory_space<semaphore_mem>>)
      %dma_wait3A = arith.constant 0 : i32
      %dma_wait3A_676 = tpu.memref_slice %arg3[%add3A, %dma_wait3A] : memref<32x512xi32, #tpu.memory_space<hbm>> -> memref<1x512xi32, #tpu.memory_space<hbm>>
      %dma_wait3A_677 = tpu.memref_squeeze %dma_wait3A_676 : memref<1x512xi32, #tpu.memory_space<hbm>> -> memref<512xi32, #tpu.memory_space<hbm>>
      %dma_wait3A_678 = arith.constant 0 : i32
      %dma_wait3A_679 = tpu.memref_slice %arg3[%add3A, %dma_wait3A_678] : memref<32x512xi32, #tpu.memory_space<hbm>> -> memref<1x512xi32, #tpu.memory_space<hbm>>
      %dma_wait3A_680 = tpu.memref_squeeze %dma_wait3A_679 : memref<1x512xi32, #tpu.memory_space<hbm>> -> memref<512xi32, #tpu.memory_space<hbm>>
      tpu.wait_dma2 semaphore(%run_scoped3A : memref<!tpu.dma_semaphore, #tpu.memory_space<semaphore_mem>>) src(%dma_wait3A_680 : memref<512xi32, #tpu.memory_space<hbm>>) dst(%arg5 : memref<512xi32, #tpu.memory_space<vmem>>)
      tpu.yield
    }) : () -> ()
    %get3A = arith.constant 0 : index
    %get3A_1 = tpu.vector_load %arg5[%get3A] {strides = array<i32>} : memref<512xi32, #tpu.memory_space<vmem>>, vector<16xi32>,
    %slice3A = vector.extract_strided_slice %get3A_1 {offsets = [0], sizes = [1], strides = [1]} : vector<16xi32> to vector<1xi32>
    %squeeze3A = vector.extract %slice3A[0] : i32 from vector<1xi32>
    %jit3A = arith.constant 16 : i32
    %div3A = arith.divsi %squeeze3A, %jit3A : i32
    %sign3A = arith.constant 0 : i32
    %sign3A_2 = arith.cmpi sgt, %squeeze3A, %sign3A : i32
    %sign3A_3 = arith.extui %sign3A_2 : i1 to i32
    %sign3A_4 = arith.constant 0 : i32
    %sign3A_5 = arith.cmpi slt, %squeeze3A, %sign3A_4 : i32
    %sign3A_6 = arith.extui %sign3A_5 : i1 to i32
    %sign3A_7 = arith.subi %sign3A_3, %sign3A_6 : i32
    %sign3A_8 = arith.constant 0 : i32
    %sign3A_9 = arith.cmpi sgt, %jit3A, %sign3A_8 : i32
    %sign3A_10 = arith.extui %sign3A_9 : i1 to i32
    %sign3A_11 = arith.constant 0 : i32
    %sign3A_12 = arith.cmpi slt, %jit3A, %sign3A_11 : i32
    %sign3A_13 = arith.extui %sign3A_12 : i1 to i32
    %sign3A_14 = arith.subi %sign3A_10, %sign3A_13 : i32
    %ne3A = arith.cmpi ne, %sign3A_7, %sign3A_14 : i32
    %rem3A = arith.remsi %squeeze3A, %jit3A : i32
    %ne3A_15 = arith.constant 0 : i32
    %ne3A_16 = arith.cmpi ne, %rem3A, %ne3A_15 : i32
    %and3A = arith.andi %ne3A, %ne3A_16 : i1
    %sub3A = arith.constant 1 : i32
    %sub3A_17 = arith.subi %div3A, %sub3A : i32
    %select_n3A = arith.select %and3A, %sub3A_17, %div3A : i32
    %mul3A_18 = arith.constant 16 : i32
    %mul3A_19 = arith.muli %select_n3A, %mul3A_18 : i32
    %dma_start3A = arith.constant 0 : i32
    %dma_start3A_20 = arith.constant 0 : i32
    %dma_start3A_21 = arith.constant 0 : i32
    %dma_start3A_22 = tpu.memref_slice %arg6[%dma_start3A, %dma_start3A_20, %dma_start3A_21] : memref<8x8x512xf32, #tpu.memory_space<vmem>> -> memref<8x8x16xf32, #tpu.memory_space<vmem>>
    %dma_start3A_23 = arith.constant 0 : i32
    %dma_start3A_24 = arith.constant 0 : i32
    %dma_start3A_25 = tpu.memref_slice %arg2[%dma_start3A_23, %dma_start3A_24, %mul3A_19] : memref<8x8x1000000xf32, #tpu.memory_space<hbm>> -> memref<8x8x16xf32, #tpu.memory_space<hbm>>
    %dma_start3A_26 = arith.constant 0 : i32
    %dma_start3A_27 = arith.constant 0 : i32
    %dma_start3A_28 = arith.constant 0 : i32
    %dma_start3A_29 = tpu.memref_slice %arg6[%dma_start3A_26, %dma_start3A_27, %dma_start3A_28] : memref<8x8x512xf32, #tpu.memory_space<vmem>> -> memref<8x8x16xf32, #tpu.memory_space<vmem>>
    %dma_start3A_30 = arith.constant 0 : i32
    %dma_start3A_31 = arith.constant 0 : i32
    %dma_start3A_32 = tpu.memref_slice %arg2[%dma_start3A_30, %dma_start3A_31, %mul3A_19] : memref<8x8x1000000xf32, #tpu.memory_space<hbm>> -> memref<8x8x16xf32, #tpu.memory_space<hbm>>
    tpu.enqueue_dma source(%dma_start3A_32 : memref<8x8x16xf32, #tpu.memory_space<hbm>>) target(%dma_start3A_29 : memref<8x8x16xf32, #tpu.memory_space<vmem>>) target_semaphore(%arg8 : memref<!tpu.dma_semaphore, #tpu.memory_space<semaphore_mem>>)
    %slice3A_33 = vector.extract_strided_slice %get3A_1 {offsets = [1], sizes = [1], strides = [1]} : vector<16xi32> to vector<1xi32>
    %squeeze3A_34 = vector.extract %slice3A_33[0] : i32 from vector<1xi32>
    %jit3A_35 = arith.constant 16 : i32
    %div3A_36 = arith.divsi %squeeze3A_34, %jit3A_35 : i32
    %sign3A_37 = arith.constant 0 : i32
    %sign3A_38 = arith.cmpi sgt, %squeeze3A_34, %sign3A_37 : i32
    %sign3A_39 = arith.extui %sign3A_38 : i1 to i32
    %sign3A_40 = arith.constant 0 : i32
    %sign3A_41 = arith.cmpi slt, %squeeze3A_34, %sign3A_40 : i32
    %sign3A_42 = arith.extui %sign3A_41 : i1 to i32
    %sign3A_43 = arith.subi %sign3A_39, %sign3A_42 : i32
    %sign3A_44 = arith.constant 0 : i32
    %sign3A_45 = arith.cmpi sgt, %jit3A_35, %sign3A_44 : i32
    %sign3A_46 = arith.extui %sign3A_45 : i1 to i32
    %sign3A_47 = arith.constant 0 : i32
    %sign3A_48 = arith.cmpi slt, %jit3A_35, %sign3A_47 : i32
    %sign3A_49 = arith.extui %sign3A_48 : i1 to i32
    %sign3A_50 = arith.subi %sign3A_46, %sign3A_49 : i32
    %ne3A_51 = arith.cmpi ne, %sign3A_43, %sign3A_50 : i32
    %rem3A_52 = arith.remsi %squeeze3A_34, %jit3A_35 : i32
    %ne3A_53 = arith.constant 0 : i32
    %ne3A_54 = arith.cmpi ne, %rem3A_52, %ne3A_53 : i32
    %and3A_55 = arith.andi %ne3A_51, %ne3A_54 : i1
    %sub3A_56 = arith.constant 1 : i32
    %sub3A_57 = arith.subi %div3A_36, %sub3A_56 : i32
    %select_n3A_58 = arith.select %and3A_55, %sub3A_57, %div3A_36 : i32
    %mul3A_59 = arith.constant 16 : i32
    %mul3A_60 = arith.muli %select_n3A_58, %mul3A_59 : i32
    %dma_start3A_61 = arith.constant 0 : i32
    %dma_start3A_62 = arith.constant 0 : i32
    %dma_start3A_63 = arith.constant 16 : i32
    %dma_start3A_64 = tpu.memref_slice %arg6[%dma_start3A_61, %dma_start3A_62, %dma_start3A_63] : memref<8x8x512xf32, #tpu.memory_space<vmem>> -> memref<8x8x16xf32, #tpu.memory_space<vmem>>
    %dma_start3A_65 = arith.constant 0 : i32
    %dma_start3A_66 = arith.constant 0 : i32
    %dma_start3A_67 = tpu.memref_slice %arg2[%dma_start3A_65, %dma_start3A_66, %mul3A_60] : memref<8x8x1000000xf32, #tpu.memory_space<hbm>> -> memref<8x8x16xf32, #tpu.memory_space<hbm>>
    %dma_start3A_68 = arith.constant 0 : i32
    %dma_start3A_69 = arith.constant 0 : i32
    %dma_start3A_70 = arith.constant 16 : i32
    %dma_start3A_71 = tpu.memref_slice %arg6[%dma_start3A_68, %dma_start3A_69, %dma_start3A_70] : memref<8x8x512xf32, #tpu.memory_space<vmem>> -> memref<8x8x16xf32, #tpu.memory_space<vmem>>
    %dma_start3A_72 = arith.constant 0 : i32
    %dma_start3A_73 = arith.constant 0 : i32
    %dma_start3A_74 = tpu.memref_slice %arg2[%dma_start3A_72, %dma_start3A_73, %mul3A_60] : memref<8x8x1000000xf32, #tpu.memory_space<hbm>> -> memref<8x8x16xf32, #tpu.memory_space<hbm>>
    tpu.enqueue_dma source(%dma_start3A_74 : memref<8x8x16xf32, #tpu.memory_space<hbm>>) target(%dma_start3A_71 : memref<8x8x16xf32, #tpu.memory_space<vmem>>) target_semaphore(%arg8 : memref<!tpu.dma_semaphore, #tpu.memory_space<semaphore_mem>>)
    %slice3A_75 = vector.extract_strided_slice %get3A_1 {offsets = [2], sizes = [1], strides = [1]} : vector<16xi32> to vector<1xi32>
    %squeeze3A_76 = vector.extract %slice3A_75[0] : i32 from vector<1xi32>
    %jit3A_77 = arith.constant 16 : i32
    %div3A_78 = arith.divsi %squeeze3A_76, %jit3A_77 : i32
    %sign3A_79 = arith.constant 0 : i32
    %sign3A_80 = arith.cmpi sgt, %squeeze3A_76, %sign3A_79 : i32
    %sign3A_81 = arith.extui %sign3A_80 : i1 to i32
    %sign3A_82 = arith.constant 0 : i32
    %sign3A_83 = arith.cmpi slt, %squeeze3A_76, %sign3A_82 : i32
    %sign3A_84 = arith.extui %sign3A_83 : i1 to i32
    %sign3A_85 = arith.subi %sign3A_81, %sign3A_84 : i32
    %sign3A_86 = arith.constant 0 : i32
    %sign3A_87 = arith.cmpi sgt, %jit3A_77, %sign3A_86 : i32
    %sign3A_88 = arith.extui %sign3A_87 : i1 to i32
    %sign3A_89 = arith.constant 0 : i32
    %sign3A_90 = arith.cmpi slt, %jit3A_77, %sign3A_89 : i32
    %sign3A_91 = arith.extui %sign3A_90 : i1 to i32
    %sign3A_92 = arith.subi %sign3A_88, %sign3A_91 : i32
    %ne3A_93 = arith.cmpi ne, %sign3A_85, %sign3A_92 : i32
    %rem3A_94 = arith.remsi %squeeze3A_76, %jit3A_77 : i32
    %ne3A_95 = arith.constant 0 : i32
    %ne3A_96 = arith.cmpi ne, %rem3A_94, %ne3A_95 : i32
    %and3A_97 = arith.andi %ne3A_93, %ne3A_96 : i1
    %sub3A_98 = arith.constant 1 : i32
    %sub3A_99 = arith.subi %div3A_78, %sub3A_98 : i32
    %select_n3A_100 = arith.select %and3A_97, %sub3A_99, %div3A_78 : i32
    %mul3A_101 = arith.constant 16 : i32
    %mul3A_102 = arith.muli %select_n3A_100, %mul3A_101 : i32
    %dma_start3A_103 = arith.constant 0 : i32
    %dma_start3A_104 = arith.constant 0 : i32
    %dma_start3A_105 = arith.constant 32 : i32
    %dma_start3A_106 = tpu.memref_slice %arg6[%dma_start3A_103, %dma_start3A_104, %dma_start3A_105] : memref<8x8x512xf32, #tpu.memory_space<vmem>> -> memref<8x8x16xf32, #tpu.memory_space<vmem>>
    %dma_start3A_107 = arith.constant 0 : i32
    %dma_start3A_108 = arith.constant 0 : i32
    %dma_start3A_109 = tpu.memref_slice %arg2[%dma_start3A_107, %dma_start3A_108, %mul3A_102] : memref<8x8x1000000xf32, #tpu.memory_space<hbm>> -> memref<8x8x16xf32, #tpu.memory_space<hbm>>
    %dma_start3A_110 = arith.constant 0 : i32
    %dma_start3A_111 = arith.constant 0 : i32
    %dma_start3A_112 = arith.constant 32 : i32
    %dma_start3A_113 = tpu.memref_slice %arg6[%dma_start3A_110, %dma_start3A_111, %dma_start3A_112] : memref<8x8x512xf32, #tpu.memory_space<vmem>> -> memref<8x8x16xf32, #tpu.memory_space<vmem>>
    %dma_start3A_114 = arith.constant 0 : i32
    %dma_start3A_115 = arith.constant 0 : i32
    %dma_start3A_116 = tpu.memref_slice %arg2[%dma_start3A_114, %dma_start3A_115, %mul3A_102] : memref<8x8x1000000xf32, #tpu.memory_space<hbm>> -> memref<8x8x16xf32, #tpu.memory_space<hbm>>
    tpu.enqueue_dma source(%dma_start3A_116 : memref<8x8x16xf32, #tpu.memory_space<hbm>>) target(%dma_start3A_113 : memref<8x8x16xf32, #tpu.memory_space<vmem>>) target_semaphore(%arg8 : memref<!tpu.dma_semaphore, #tpu.memory_space<semaphore_mem>>)
    %slice3A_117 = vector.extract_strided_slice %get3A_1 {offsets = [3], sizes = [1], strides = [1]} : vector<16xi32> to vector<1xi32>
    %squeeze3A_118 = vector.extract %slice3A_117[0] : i32 from vector<1xi32>
    %jit3A_119 = arith.constant 16 : i32
    %div3A_120 = arith.divsi %squeeze3A_118, %jit3A_119 : i32
    %sign3A_121 = arith.constant 0 : i32
    %sign3A_122 = arith.cmpi sgt, %squeeze3A_118, %sign3A_121 : i32
    %sign3A_123 = arith.extui %sign3A_122 : i1 to i32
    %sign3A_124 = arith.constant 0 : i32
    %sign3A_125 = arith.cmpi slt, %squeeze3A_118, %sign3A_124 : i32
    %sign3A_126 = arith.extui %sign3A_125 : i1 to i32
    %sign3A_127 = arith.subi %sign3A_123, %sign3A_126 : i32
    %sign3A_128 = arith.constant 0 : i32
    %sign3A_129 = arith.cmpi sgt, %jit3A_119, %sign3A_128 : i32
    %sign3A_130 = arith.extui %sign3A_129 : i1 to i32
    %sign3A_131 = arith.constant 0 : i32
    %sign3A_132 = arith.cmpi slt, %jit3A_119, %sign3A_131 : i32
    %sign3A_133 = arith.extui %sign3A_132 : i1 to i32
    %sign3A_134 = arith.subi %sign3A_130, %sign3A_133 : i32
    %ne3A_135 = arith.cmpi ne, %sign3A_127, %sign3A_134 : i32
    %rem3A_136 = arith.remsi %squeeze3A_118, %jit3A_119 : i32
    %ne3A_137 = arith.constant 0 : i32
    %ne3A_138 = arith.cmpi ne, %rem3A_136, %ne3A_137 : i32
    %and3A_139 = arith.andi %ne3A_135, %ne3A_138 : i1
    %sub3A_140 = arith.constant 1 : i32
    %sub3A_141 = arith.subi %div3A_120, %sub3A_140 : i32
    %select_n3A_142 = arith.select %and3A_139, %sub3A_141, %div3A_120 : i32
    %mul3A_143 = arith.constant 16 : i32
    %mul3A_144 = arith.muli %select_n3A_142, %mul3A_143 : i32
    %dma_start3A_145 = arith.constant 0 : i32
    %dma_start3A_146 = arith.constant 0 : i32
    %dma_start3A_147 = arith.constant 48 : i32
    %dma_start3A_148 = tpu.memref_slice %arg6[%dma_start3A_145, %dma_start3A_146, %dma_start3A_147] : memref<8x8x512xf32, #tpu.memory_space<vmem>> -> memref<8x8x16xf32, #tpu.memory_space<vmem>>
    %dma_start3A_149 = arith.constant 0 : i32
    %dma_start3A_150 = arith.constant 0 : i32
    %dma_start3A_151 = tpu.memref_slice %arg2[%dma_start3A_149, %dma_start3A_150, %mul3A_144] : memref<8x8x1000000xf32, #tpu.memory_space<hbm>> -> memref<8x8x16xf32, #tpu.memory_space<hbm>>
    %dma_start3A_152 = arith.constant 0 : i32
    %dma_start3A_153 = arith.constant 0 : i32
    %dma_start3A_154 = arith.constant 48 : i32
    %dma_start3A_155 = tpu.memref_slice %arg6[%dma_start3A_152, %dma_start3A_153, %dma_start3A_154] : memref<8x8x512xf32, #tpu.memory_space<vmem>> -> memref<8x8x16xf32, #tpu.memory_space<vmem>>
    %dma_start3A_156 = arith.constant 0 : i32
    %dma_start3A_157 = arith.constant 0 : i32
    %dma_start3A_158 = tpu.memref_slice %arg2[%dma_start3A_156, %dma_start3A_157, %mul3A_144] : memref<8x8x1000000xf32, #tpu.memory_space<hbm>> -> memref<8x8x16xf32, #tpu.memory_space<hbm>>
    tpu.enqueue_dma source(%dma_start3A_158 : memref<8x8x16xf32, #tpu.memory_space<hbm>>) target(%dma_start3A_155 : memref<8x8x16xf32, #tpu.memory_space<vmem>>) target_semaphore(%arg8 : memref<!tpu.dma_semaphore, #tpu.memory_space<semaphore_mem>>)
    %slice3A_159 = vector.extract_strided_slice %get3A_1 {offsets = [4], sizes = [1], strides = [1]} : vector<16xi32> to vector<1xi32>
    %squeeze3A_160 = vector.extract %slice3A_159[0] : i32 from vector<1xi32>
    %jit3A_161 = arith.constant 16 : i32
    %div3A_162 = arith.divsi %squeeze3A_160, %jit3A_161 : i32
    %sign3A_163 = arith.constant 0 : i32
    %sign3A_164 = arith.cmpi sgt, %squeeze3A_160, %sign3A_163 : i32
    %sign3A_165 = arith.extui %sign3A_164 : i1 to i32
    %sign3A_166 = arith.constant 0 : i32
    %sign3A_167 = arith.cmpi slt, %squeeze3A_160, %sign3A_166 : i32
    %sign3A_168 = arith.extui %sign3A_167 : i1 to i32
    %sign3A_169 = arith.subi %sign3A_165, %sign3A_168 : i32
    %sign3A_170 = arith.constant 0 : i32
    %sign3A_171 = arith.cmpi sgt, %jit3A_161, %sign3A_170 : i32
    %sign3A_172 = arith.extui %sign3A_171 : i1 to i32
    %sign3A_173 = arith.constant 0 : i32
    %sign3A_174 = arith.cmpi slt, %jit3A_161, %sign3A_173 : i32
    %sign3A_175 = arith.extui %sign3A_174 : i1 to i32
    %sign3A_176 = arith.subi %sign3A_172, %sign3A_175 : i32
    %ne3A_177 = arith.cmpi ne, %sign3A_169, %sign3A_176 : i32
    %rem3A_178 = arith.remsi %squeeze3A_160, %jit3A_161 : i32
    %ne3A_179 = arith.constant 0 : i32
    %ne3A_180 = arith.cmpi ne, %rem3A_178, %ne3A_179 : i32
    %and3A_181 = arith.andi %ne3A_177, %ne3A_180 : i1
    %sub3A_182 = arith.constant 1 : i32
    %sub3A_183 = arith.subi %div3A_162, %sub3A_182 : i32
    %select_n3A_184 = arith.select %and3A_181, %sub3A_183, %div3A_162 : i32
    %mul3A_185 = arith.constant 16 : i32
    %mul3A_186 = arith.muli %select_n3A_184, %mul3A_185 : i32
    %dma_start3A_187 = arith.constant 0 : i32
    %dma_start3A_188 = arith.constant 0 : i32
    %dma_start3A_189 = arith.constant 64 : i32
    %dma_start3A_190 = tpu.memref_slice %arg6[%dma_start3A_187, %dma_start3A_188, %dma_start3A_189] : memref<8x8x512xf32, #tpu.memory_space<vmem>> -> memref<8x8x16xf32, #tpu.memory_space<vmem>>
    %dma_start3A_191 = arith.constant 0 : i32
    %dma_start3A_192 = arith.constant 0 : i32
    %dma_start3A_193 = tpu.memref_slice %arg2[%dma_start3A_191, %dma_start3A_192, %mul3A_186] : memref<8x8x1000000xf32, #tpu.memory_space<hbm>> -> memref<8x8x16xf32, #tpu.memory_space<hbm>>
    %dma_start3A_194 = arith.constant 0 : i32
    %dma_start3A_195 = arith.constant 0 : i32
    %dma_start3A_196 = arith.constant 64 : i32
    %dma_start3A_197 = tpu.memref_slice %arg6[%dma_start3A_194, %dma_start3A_195, %dma_start3A_196] : memref<8x8x512xf32, #tpu.memory_space<vmem>> -> memref<8x8x16xf32, #tpu.memory_space<vmem>>
    %dma_start3A_198 = arith.constant 0 : i32
    %dma_start3A_199 = arith.constant 0 : i32
    %dma_start3A_200 = tpu.memref_slice %arg2[%dma_start3A_198, %dma_start3A_199, %mul3A_186] : memref<8x8x1000000xf32, #tpu.memory_space<hbm>> -> memref<8x8x16xf32, #tpu.memory_space<hbm>>
    tpu.enqueue_dma source(%dma_start3A_200 : memref<8x8x16xf32, #tpu.memory_space<hbm>>) target(%dma_start3A_197 : memref<8x8x16xf32, #tpu.memory_space<vmem>>) target_semaphore(%arg8 : memref<!tpu.dma_semaphore, #tpu.memory_space<semaphore_mem>>)
    %slice3A_201 = vector.extract_strided_slice %get3A_1 {offsets = [5], sizes = [1], strides = [1]} : vector<16xi32> to vector<1xi32>
    %squeeze3A_202 = vector.extract %slice3A_201[0] : i32 from vector<1xi32>
    %jit3A_203 = arith.constant 16 : i32
    %div3A_204 = arith.divsi %squeeze3A_202, %jit3A_203 : i32
    %sign3A_205 = arith.constant 0 : i32
    %sign3A_206 = arith.cmpi sgt, %squeeze3A_202, %sign3A_205 : i32
    %sign3A_207 = arith.extui %sign3A_206 : i1 to i32
    %sign3A_208 = arith.constant 0 : i32
    %sign3A_209 = arith.cmpi slt, %squeeze3A_202, %sign3A_208 : i32
    %sign3A_210 = arith.extui %sign3A_209 : i1 to i32
    %sign3A_211 = arith.subi %sign3A_207, %sign3A_210 : i32
    %sign3A_212 = arith.constant 0 : i32
    %sign3A_213 = arith.cmpi sgt, %jit3A_203, %sign3A_212 : i32
    %sign3A_214 = arith.extui %sign3A_213 : i1 to i32
    %sign3A_215 = arith.constant 0 : i32
    %sign3A_216 = arith.cmpi slt, %jit3A_203, %sign3A_215 : i32
    %sign3A_217 = arith.extui %sign3A_216 : i1 to i32
    %sign3A_218 = arith.subi %sign3A_214, %sign3A_217 : i32
    %ne3A_219 = arith.cmpi ne, %sign3A_211, %sign3A_218 : i32
    %rem3A_220 = arith.remsi %squeeze3A_202, %jit3A_203 : i32
    %ne3A_221 = arith.constant 0 : i32
    %ne3A_222 = arith.cmpi ne, %rem3A_220, %ne3A_221 : i32
    %and3A_223 = arith.andi %ne3A_219, %ne3A_222 : i1
    %sub3A_224 = arith.constant 1 : i32
    %sub3A_225 = arith.subi %div3A_204, %sub3A_224 : i32
    %select_n3A_226 = arith.select %and3A_223, %sub3A_225, %div3A_204 : i32
    %mul3A_227 = arith.constant 16 : i32
    %mul3A_228 = arith.muli %select_n3A_226, %mul3A_227 : i32
    %dma_start3A_229 = arith.constant 0 : i32
    %dma_start3A_230 = arith.constant 0 : i32
    %dma_start3A_231 = arith.constant 80 : i32
    %dma_start3A_232 = tpu.memref_slice %arg6[%dma_start3A_229, %dma_start3A_230, %dma_start3A_231] : memref<8x8x512xf32, #tpu.memory_space<vmem>> -> memref<8x8x16xf32, #tpu.memory_space<vmem>>
    %dma_start3A_233 = arith.constant 0 : i32
    %dma_start3A_234 = arith.constant 0 : i32
    %dma_start3A_235 = tpu.memref_slice %arg2[%dma_start3A_233, %dma_start3A_234, %mul3A_228] : memref<8x8x1000000xf32, #tpu.memory_space<hbm>> -> memref<8x8x16xf32, #tpu.memory_space<hbm>>
    %dma_start3A_236 = arith.constant 0 : i32
    %dma_start3A_237 = arith.constant 0 : i32
    %dma_start3A_238 = arith.constant 80 : i32
    %dma_start3A_239 = tpu.memref_slice %arg6[%dma_start3A_236, %dma_start3A_237, %dma_start3A_238] : memref<8x8x512xf32, #tpu.memory_space<vmem>> -> memref<8x8x16xf32, #tpu.memory_space<vmem>>
    %dma_start3A_240 = arith.constant 0 : i32
    %dma_start3A_241 = arith.constant 0 : i32
    %dma_start3A_242 = tpu.memref_slice %arg2[%dma_start3A_240, %dma_start3A_241, %mul3A_228] : memref<8x8x1000000xf32, #tpu.memory_space<hbm>> -> memref<8x8x16xf32, #tpu.memory_space<hbm>>
    tpu.enqueue_dma source(%dma_start3A_242 : memref<8x8x16xf32, #tpu.memory_space<hbm>>) target(%dma_start3A_239 : memref<8x8x16xf32, #tpu.memory_space<vmem>>) target_semaphore(%arg8 : memref<!tpu.dma_semaphore, #tpu.memory_space<semaphore_mem>>)
    %slice3A_243 = vector.extract_strided_slice %get3A_1 {offsets = [6], sizes = [1], strides = [1]} : vector<16xi32> to vector<1xi32>
    %squeeze3A_244 = vector.extract %slice3A_243[0] : i32 from vector<1xi32>
    %jit3A_245 = arith.constant 16 : i32
    %div3A_246 = arith.divsi %squeeze3A_244, %jit3A_245 : i32
    %sign3A_247 = arith.constant 0 : i32
    %sign3A_248 = arith.cmpi sgt, %squeeze3A_244, %sign3A_247 : i32
    %sign3A_249 = arith.extui %sign3A_248 : i1 to i32
    %sign3A_250 = arith.constant 0 : i32
    %sign3A_251 = arith.cmpi slt, %squeeze3A_244, %sign3A_250 : i32
    %sign3A_252 = arith.extui %sign3A_251 : i1 to i32
    %sign3A_253 = arith.subi %sign3A_249, %sign3A_252 : i32
    %sign3A_254 = arith.constant 0 : i32
    %sign3A_255 = arith.cmpi sgt, %jit3A_245, %sign3A_254 : i32
    %sign3A_256 = arith.extui %sign3A_255 : i1 to i32
    %sign3A_257 = arith.constant 0 : i32
    %sign3A_258 = arith.cmpi slt, %jit3A_245, %sign3A_257 : i32
    %sign3A_259 = arith.extui %sign3A_258 : i1 to i32
    %sign3A_260 = arith.subi %sign3A_256, %sign3A_259 : i32
    %ne3A_261 = arith.cmpi ne, %sign3A_253, %sign3A_260 : i32
    %rem3A_262 = arith.remsi %squeeze3A_244, %jit3A_245 : i32
    %ne3A_263 = arith.constant 0 : i32
    %ne3A_264 = arith.cmpi ne, %rem3A_262, %ne3A_263 : i32
    %and3A_265 = arith.andi %ne3A_261, %ne3A_264 : i1
    %sub3A_266 = arith.constant 1 : i32
    %sub3A_267 = arith.subi %div3A_246, %sub3A_266 : i32
    %select_n3A_268 = arith.select %and3A_265, %sub3A_267, %div3A_246 : i32
    %mul3A_269 = arith.constant 16 : i32
    %mul3A_270 = arith.muli %select_n3A_268, %mul3A_269 : i32
    %dma_start3A_271 = arith.constant 0 : i32
    %dma_start3A_272 = arith.constant 0 : i32
    %dma_start3A_273 = arith.constant 96 : i32
    %dma_start3A_274 = tpu.memref_slice %arg6[%dma_start3A_271, %dma_start3A_272, %dma_start3A_273] : memref<8x8x512xf32, #tpu.memory_space<vmem>> -> memref<8x8x16xf32, #tpu.memory_space<vmem>>
    %dma_start3A_275 = arith.constant 0 : i32
    %dma_start3A_276 = arith.constant 0 : i32
    %dma_start3A_277 = tpu.memref_slice %arg2[%dma_start3A_275, %dma_start3A_276, %mul3A_270] : memref<8x8x1000000xf32, #tpu.memory_space<hbm>> -> memref<8x8x16xf32, #tpu.memory_space<hbm>>
    %dma_start3A_278 = arith.constant 0 : i32
    %dma_start3A_279 = arith.constant 0 : i32
    %dma_start3A_280 = arith.constant 96 : i32
    %dma_start3A_281 = tpu.memref_slice %arg6[%dma_start3A_278, %dma_start3A_279, %dma_start3A_280] : memref<8x8x512xf32, #tpu.memory_space<vmem>> -> memref<8x8x16xf32, #tpu.memory_space<vmem>>
    %dma_start3A_282 = arith.constant 0 : i32
    %dma_start3A_283 = arith.constant 0 : i32
    %dma_start3A_284 = tpu.memref_slice %arg2[%dma_start3A_282, %dma_start3A_283, %mul3A_270] : memref<8x8x1000000xf32, #tpu.memory_space<hbm>> -> memref<8x8x16xf32, #tpu.memory_space<hbm>>
    tpu.enqueue_dma source(%dma_start3A_284 : memref<8x8x16xf32, #tpu.memory_space<hbm>>) target(%dma_start3A_281 : memref<8x8x16xf32, #tpu.memory_space<vmem>>) target_semaphore(%arg8 : memref<!tpu.dma_semaphore, #tpu.memory_space<semaphore_mem>>)
    %slice3A_285 = vector.extract_strided_slice %get3A_1 {offsets = [7], sizes = [1], strides = [1]} : vector<16xi32> to vector<1xi32>
    %squeeze3A_286 = vector.extract %slice3A_285[0] : i32 from vector<1xi32>
    %jit3A_287 = arith.constant 16 : i32
    %div3A_288 = arith.divsi %squeeze3A_286, %jit3A_287 : i32
    %sign3A_289 = arith.constant 0 : i32
    %sign3A_290 = arith.cmpi sgt, %squeeze3A_286, %sign3A_289 : i32
    %sign3A_291 = arith.extui %sign3A_290 : i1 to i32
    %sign3A_292 = arith.constant 0 : i32
    %sign3A_293 = arith.cmpi slt, %squeeze3A_286, %sign3A_292 : i32
    %sign3A_294 = arith.extui %sign3A_293 : i1 to i32
    %sign3A_295 = arith.subi %sign3A_291, %sign3A_294 : i32
    %sign3A_296 = arith.constant 0 : i32
    %sign3A_297 = arith.cmpi sgt, %jit3A_287, %sign3A_296 : i32
    %sign3A_298 = arith.extui %sign3A_297 : i1 to i32
    %sign3A_299 = arith.constant 0 : i32
    %sign3A_300 = arith.cmpi slt, %jit3A_287, %sign3A_299 : i32
    %sign3A_301 = arith.extui %sign3A_300 : i1 to i32
    %sign3A_302 = arith.subi %sign3A_298, %sign3A_301 : i32
    %ne3A_303 = arith.cmpi ne, %sign3A_295, %sign3A_302 : i32
    %rem3A_304 = arith.remsi %squeeze3A_286, %jit3A_287 : i32
    %ne3A_305 = arith.constant 0 : i32
    %ne3A_306 = arith.cmpi ne, %rem3A_304, %ne3A_305 : i32
    %and3A_307 = arith.andi %ne3A_303, %ne3A_306 : i1
    %sub3A_308 = arith.constant 1 : i32
    %sub3A_309 = arith.subi %div3A_288, %sub3A_308 : i32
    %select_n3A_310 = arith.select %and3A_307, %sub3A_309, %div3A_288 : i32
    %mul3A_311 = arith.constant 16 : i32
    %mul3A_312 = arith.muli %select_n3A_310, %mul3A_311 : i32
    %dma_start3A_313 = arith.constant 0 : i32
    %dma_start3A_314 = arith.constant 0 : i32
    %dma_start3A_315 = arith.constant 112 : i32
    %dma_start3A_316 = tpu.memref_slice %arg6[%dma_start3A_313, %dma_start3A_314, %dma_start3A_315] : memref<8x8x512xf32, #tpu.memory_space<vmem>> -> memref<8x8x16xf32, #tpu.memory_space<vmem>>
    %dma_start3A_317 = arith.constant 0 : i32
    %dma_start3A_318 = arith.constant 0 : i32
    %dma_start3A_319 = tpu.memref_slice %arg2[%dma_start3A_317, %dma_start3A_318, %mul3A_312] : memref<8x8x1000000xf32, #tpu.memory_space<hbm>> -> memref<8x8x16xf32, #tpu.memory_space<hbm>>
    %dma_start3A_320 = arith.constant 0 : i32
    %dma_start3A_321 = arith.constant 0 : i32
    %dma_start3A_322 = arith.constant 112 : i32
    %dma_start3A_323 = tpu.memref_slice %arg6[%dma_start3A_320, %dma_start3A_321, %dma_start3A_322] : memref<8x8x512xf32, #tpu.memory_space<vmem>> -> memref<8x8x16xf32, #tpu.memory_space<vmem>>
    %dma_start3A_324 = arith.constant 0 : i32
    %dma_start3A_325 = arith.constant 0 : i32
    %dma_start3A_326 = tpu.memref_slice %arg2[%dma_start3A_324, %dma_start3A_325, %mul3A_312] : memref<8x8x1000000xf32, #tpu.memory_space<hbm>> -> memref<8x8x16xf32, #tpu.memory_space<hbm>>
    tpu.enqueue_dma source(%dma_start3A_326 : memref<8x8x16xf32, #tpu.memory_space<hbm>>) target(%dma_start3A_323 : memref<8x8x16xf32, #tpu.memory_space<vmem>>) target_semaphore(%arg8 : memref<!tpu.dma_semaphore, #tpu.memory_space<semaphore_mem>>)
    %slice3A_327 = vector.extract_strided_slice %get3A_1 {offsets = [8], sizes = [1], strides = [1]} : vector<16xi32> to vector<1xi32>
    %squeeze3A_328 = vector.extract %slice3A_327[0] : i32 from vector<1xi32>
    %jit3A_329 = arith.constant 16 : i32
    %div3A_330 = arith.divsi %squeeze3A_328, %jit3A_329 : i32
    %sign3A_331 = arith.constant 0 : i32
    %sign3A_332 = arith.cmpi sgt, %squeeze3A_328, %sign3A_331 : i32
    %sign3A_333 = arith.extui %sign3A_332 : i1 to i32
    %sign3A_334 = arith.constant 0 : i32
    %sign3A_335 = arith.cmpi slt, %squeeze3A_328, %sign3A_334 : i32
    %sign3A_336 = arith.extui %sign3A_335 : i1 to i32
    %sign3A_337 = arith.subi %sign3A_333, %sign3A_336 : i32
    %sign3A_338 = arith.constant 0 : i32
    %sign3A_339 = arith.cmpi sgt, %jit3A_329, %sign3A_338 : i32
    %sign3A_340 = arith.extui %sign3A_339 : i1 to i32
    %sign3A_341 = arith.constant 0 : i32
    %sign3A_342 = arith.cmpi slt, %jit3A_329, %sign3A_341 : i32
    %sign3A_343 = arith.extui %sign3A_342 : i1 to i32
    %sign3A_344 = arith.subi %sign3A_340, %sign3A_343 : i32
    %ne3A_345 = arith.cmpi ne, %sign3A_337, %sign3A_344 : i32
    %rem3A_346 = arith.remsi %squeeze3A_328, %jit3A_329 : i32
    %ne3A_347 = arith.constant 0 : i32
    %ne3A_348 = arith.cmpi ne, %rem3A_346, %ne3A_347 : i32
    %and3A_349 = arith.andi %ne3A_345, %ne3A_348 : i1
    %sub3A_350 = arith.constant 1 : i32
    %sub3A_351 = arith.subi %div3A_330, %sub3A_350 : i32
    %select_n3A_352 = arith.select %and3A_349, %sub3A_351, %div3A_330 : i32
    %mul3A_353 = arith.constant 16 : i32
    %mul3A_354 = arith.muli %select_n3A_352, %mul3A_353 : i32
    %dma_start3A_355 = arith.constant 0 : i32
    %dma_start3A_356 = arith.constant 0 : i32
    %dma_start3A_357 = arith.constant 128 : i32
    %dma_start3A_358 = tpu.memref_slice %arg6[%dma_start3A_355, %dma_start3A_356, %dma_start3A_357] : memref<8x8x512xf32, #tpu.memory_space<vmem>> -> memref<8x8x16xf32, #tpu.memory_space<vmem>>
    %dma_start3A_359 = arith.constant 0 : i32
    %dma_start3A_360 = arith.constant 0 : i32
    %dma_start3A_361 = tpu.memref_slice %arg2[%dma_start3A_359, %dma_start3A_360, %mul3A_354] : memref<8x8x1000000xf32, #tpu.memory_space<hbm>> -> memref<8x8x16xf32, #tpu.memory_space<hbm>>
    %dma_start3A_362 = arith.constant 0 : i32
    %dma_start3A_363 = arith.constant 0 : i32
    %dma_start3A_364 = arith.constant 128 : i32
    %dma_start3A_365 = tpu.memref_slice %arg6[%dma_start3A_362, %dma_start3A_363, %dma_start3A_364] : memref<8x8x512xf32, #tpu.memory_space<vmem>> -> memref<8x8x16xf32, #tpu.memory_space<vmem>>
    %dma_start3A_366 = arith.constant 0 : i32
    %dma_start3A_367 = arith.constant 0 : i32
    %dma_start3A_368 = tpu.memref_slice %arg2[%dma_start3A_366, %dma_start3A_367, %mul3A_354] : memref<8x8x1000000xf32, #tpu.memory_space<hbm>> -> memref<8x8x16xf32, #tpu.memory_space<hbm>>
    tpu.enqueue_dma source(%dma_start3A_368 : memref<8x8x16xf32, #tpu.memory_space<hbm>>) target(%dma_start3A_365 : memref<8x8x16xf32, #tpu.memory_space<vmem>>) target_semaphore(%arg8 : memref<!tpu.dma_semaphore, #tpu.memory_space<semaphore_mem>>)
    %slice3A_369 = vector.extract_strided_slice %get3A_1 {offsets = [9], sizes = [1], strides = [1]} : vector<16xi32> to vector<1xi32>
    %squeeze3A_370 = vector.extract %slice3A_369[0] : i32 from vector<1xi32>
    %jit3A_371 = arith.constant 16 : i32
    %div3A_372 = arith.divsi %squeeze3A_370, %jit3A_371 : i32
    %sign3A_373 = arith.constant 0 : i32
    %sign3A_374 = arith.cmpi sgt, %squeeze3A_370, %sign3A_373 : i32
    %sign3A_375 = arith.extui %sign3A_374 : i1 to i32
    %sign3A_376 = arith.constant 0 : i32
    %sign3A_377 = arith.cmpi slt, %squeeze3A_370, %sign3A_376 : i32
    %sign3A_378 = arith.extui %sign3A_377 : i1 to i32
    %sign3A_379 = arith.subi %sign3A_375, %sign3A_378 : i32
    %sign3A_380 = arith.constant 0 : i32
    %sign3A_381 = arith.cmpi sgt, %jit3A_371, %sign3A_380 : i32
    %sign3A_382 = arith.extui %sign3A_381 : i1 to i32
    %sign3A_383 = arith.constant 0 : i32
    %sign3A_384 = arith.cmpi slt, %jit3A_371, %sign3A_383 : i32
    %sign3A_385 = arith.extui %sign3A_384 : i1 to i32
    %sign3A_386 = arith.subi %sign3A_382, %sign3A_385 : i32
    %ne3A_387 = arith.cmpi ne, %sign3A_379, %sign3A_386 : i32
    %rem3A_388 = arith.remsi %squeeze3A_370, %jit3A_371 : i32
    %ne3A_389 = arith.constant 0 : i32
    %ne3A_390 = arith.cmpi ne, %rem3A_388, %ne3A_389 : i32
    %and3A_391 = arith.andi %ne3A_387, %ne3A_390 : i1
    %sub3A_392 = arith.constant 1 : i32
    %sub3A_393 = arith.subi %div3A_372, %sub3A_392 : i32
    %select_n3A_394 = arith.select %and3A_391, %sub3A_393, %div3A_372 : i32
    %mul3A_395 = arith.constant 16 : i32
    %mul3A_396 = arith.muli %select_n3A_394, %mul3A_395 : i32
    %dma_start3A_397 = arith.constant 0 : i32
    %dma_start3A_398 = arith.constant 0 : i32
    %dma_start3A_399 = arith.constant 144 : i32
    %dma_start3A_400 = tpu.memref_slice %arg6[%dma_start3A_397, %dma_start3A_398, %dma_start3A_399] : memref<8x8x512xf32, #tpu.memory_space<vmem>> -> memref<8x8x16xf32, #tpu.memory_space<vmem>>
    %dma_start3A_401 = arith.constant 0 : i32
    %dma_start3A_402 = arith.constant 0 : i32
    %dma_start3A_403 = tpu.memref_slice %arg2[%dma_start3A_401, %dma_start3A_402, %mul3A_396] : memref<8x8x1000000xf32, #tpu.memory_space<hbm>> -> memref<8x8x16xf32, #tpu.memory_space<hbm>>
    %dma_start3A_404 = arith.constant 0 : i32
    %dma_start3A_405 = arith.constant 0 : i32
    %dma_start3A_406 = arith.constant 144 : i32
    %dma_start3A_407 = tpu.memref_slice %arg6[%dma_start3A_404, %dma_start3A_405, %dma_start3A_406] : memref<8x8x512xf32, #tpu.memory_space<vmem>> -> memref<8x8x16xf32, #tpu.memory_space<vmem>>
    %dma_start3A_408 = arith.constant 0 : i32
    %dma_start3A_409 = arith.constant 0 : i32
    %dma_start3A_410 = tpu.memref_slice %arg2[%dma_start3A_408, %dma_start3A_409, %mul3A_396] : memref<8x8x1000000xf32, #tpu.memory_space<hbm>> -> memref<8x8x16xf32, #tpu.memory_space<hbm>>
    tpu.enqueue_dma source(%dma_start3A_410 : memref<8x8x16xf32, #tpu.memory_space<hbm>>) target(%dma_start3A_407 : memref<8x8x16xf32, #tpu.memory_space<vmem>>) target_semaphore(%arg8 : memref<!tpu.dma_semaphore, #tpu.memory_space<semaphore_mem>>)
    %slice3A_411 = vector.extract_strided_slice %get3A_1 {offsets = [10], sizes = [1], strides = [1]} : vector<16xi32> to vector<1xi32>
    %squeeze3A_412 = vector.extract %slice3A_411[0] : i32 from vector<1xi32>
    %jit3A_413 = arith.constant 16 : i32
    %div3A_414 = arith.divsi %squeeze3A_412, %jit3A_413 : i32
    %sign3A_415 = arith.constant 0 : i32
    %sign3A_416 = arith.cmpi sgt, %squeeze3A_412, %sign3A_415 : i32
    %sign3A_417 = arith.extui %sign3A_416 : i1 to i32
    %sign3A_418 = arith.constant 0 : i32
    %sign3A_419 = arith.cmpi slt, %squeeze3A_412, %sign3A_418 : i32
    %sign3A_420 = arith.extui %sign3A_419 : i1 to i32
    %sign3A_421 = arith.subi %sign3A_417, %sign3A_420 : i32
    %sign3A_422 = arith.constant 0 : i32
    %sign3A_423 = arith.cmpi sgt, %jit3A_413, %sign3A_422 : i32
    %sign3A_424 = arith.extui %sign3A_423 : i1 to i32
    %sign3A_425 = arith.constant 0 : i32
    %sign3A_426 = arith.cmpi slt, %jit3A_413, %sign3A_425 : i32
    %sign3A_427 = arith.extui %sign3A_426 : i1 to i32
    %sign3A_428 = arith.subi %sign3A_424, %sign3A_427 : i32
    %ne3A_429 = arith.cmpi ne, %sign3A_421, %sign3A_428 : i32
    %rem3A_430 = arith.remsi %squeeze3A_412, %jit3A_413 : i32
    %ne3A_431 = arith.constant 0 : i32
    %ne3A_432 = arith.cmpi ne, %rem3A_430, %ne3A_431 : i32
    %and3A_433 = arith.andi %ne3A_429, %ne3A_432 : i1
    %sub3A_434 = arith.constant 1 : i32
    %sub3A_435 = arith.subi %div3A_414, %sub3A_434 : i32
    %select_n3A_436 = arith.select %and3A_433, %sub3A_435, %div3A_414 : i32
    %mul3A_437 = arith.constant 16 : i32
    %mul3A_438 = arith.muli %select_n3A_436, %mul3A_437 : i32
    %dma_start3A_439 = arith.constant 0 : i32
    %dma_start3A_440 = arith.constant 0 : i32
    %dma_start3A_441 = arith.constant 160 : i32
    %dma_start3A_442 = tpu.memref_slice %arg6[%dma_start3A_439, %dma_start3A_440, %dma_start3A_441] : memref<8x8x512xf32, #tpu.memory_space<vmem>> -> memref<8x8x16xf32, #tpu.memory_space<vmem>>
    %dma_start3A_443 = arith.constant 0 : i32
    %dma_start3A_444 = arith.constant 0 : i32
    %dma_start3A_445 = tpu.memref_slice %arg2[%dma_start3A_443, %dma_start3A_444, %mul3A_438] : memref<8x8x1000000xf32, #tpu.memory_space<hbm>> -> memref<8x8x16xf32, #tpu.memory_space<hbm>>
    %dma_start3A_446 = arith.constant 0 : i32
    %dma_start3A_447 = arith.constant 0 : i32
    %dma_start3A_448 = arith.constant 160 : i32
    %dma_start3A_449 = tpu.memref_slice %arg6[%dma_start3A_446, %dma_start3A_447, %dma_start3A_448] : memref<8x8x512xf32, #tpu.memory_space<vmem>> -> memref<8x8x16xf32, #tpu.memory_space<vmem>>
    %dma_start3A_450 = arith.constant 0 : i32
    %dma_start3A_451 = arith.constant 0 : i32
    %dma_start3A_452 = tpu.memref_slice %arg2[%dma_start3A_450, %dma_start3A_451, %mul3A_438] : memref<8x8x1000000xf32, #tpu.memory_space<hbm>> -> memref<8x8x16xf32, #tpu.memory_space<hbm>>
    tpu.enqueue_dma source(%dma_start3A_452 : memref<8x8x16xf32, #tpu.memory_space<hbm>>) target(%dma_start3A_449 : memref<8x8x16xf32, #tpu.memory_space<vmem>>) target_semaphore(%arg8 : memref<!tpu.dma_semaphore, #tpu.memory_space<semaphore_mem>>)
    %slice3A_453 = vector.extract_strided_slice %get3A_1 {offsets = [11], sizes = [1], strides = [1]} : vector<16xi32> to vector<1xi32>
    %squeeze3A_454 = vector.extract %slice3A_453[0] : i32 from vector<1xi32>
    %jit3A_455 = arith.constant 16 : i32
    %div3A_456 = arith.divsi %squeeze3A_454, %jit3A_455 : i32
    %sign3A_457 = arith.constant 0 : i32
    %sign3A_458 = arith.cmpi sgt, %squeeze3A_454, %sign3A_457 : i32
    %sign3A_459 = arith.extui %sign3A_458 : i1 to i32
    %sign3A_460 = arith.constant 0 : i32
    %sign3A_461 = arith.cmpi slt, %squeeze3A_454, %sign3A_460 : i32
    %sign3A_462 = arith.extui %sign3A_461 : i1 to i32
    %sign3A_463 = arith.subi %sign3A_459, %sign3A_462 : i32
    %sign3A_464 = arith.constant 0 : i32
    %sign3A_465 = arith.cmpi sgt, %jit3A_455, %sign3A_464 : i32
    %sign3A_466 = arith.extui %sign3A_465 : i1 to i32
    %sign3A_467 = arith.constant 0 : i32
    %sign3A_468 = arith.cmpi slt, %jit3A_455, %sign3A_467 : i32
    %sign3A_469 = arith.extui %sign3A_468 : i1 to i32
    %sign3A_470 = arith.subi %sign3A_466, %sign3A_469 : i32
    %ne3A_471 = arith.cmpi ne, %sign3A_463, %sign3A_470 : i32
    %rem3A_472 = arith.remsi %squeeze3A_454, %jit3A_455 : i32
    %ne3A_473 = arith.constant 0 : i32
    %ne3A_474 = arith.cmpi ne, %rem3A_472, %ne3A_473 : i32
    %and3A_475 = arith.andi %ne3A_471, %ne3A_474 : i1
    %sub3A_476 = arith.constant 1 : i32
    %sub3A_477 = arith.subi %div3A_456, %sub3A_476 : i32
    %select_n3A_478 = arith.select %and3A_475, %sub3A_477, %div3A_456 : i32
    %mul3A_479 = arith.constant 16 : i32
    %mul3A_480 = arith.muli %select_n3A_478, %mul3A_479 : i32
    %dma_start3A_481 = arith.constant 0 : i32
    %dma_start3A_482 = arith.constant 0 : i32
    %dma_start3A_483 = arith.constant 176 : i32
    %dma_start3A_484 = tpu.memref_slice %arg6[%dma_start3A_481, %dma_start3A_482, %dma_start3A_483] : memref<8x8x512xf32, #tpu.memory_space<vmem>> -> memref<8x8x16xf32, #tpu.memory_space<vmem>>
    %dma_start3A_485 = arith.constant 0 : i32
    %dma_start3A_486 = arith.constant 0 : i32
    %dma_start3A_487 = tpu.memref_slice %arg2[%dma_start3A_485, %dma_start3A_486, %mul3A_480] : memref<8x8x1000000xf32, #tpu.memory_space<hbm>> -> memref<8x8x16xf32, #tpu.memory_space<hbm>>
    %dma_start3A_488 = arith.constant 0 : i32
    %dma_start3A_489 = arith.constant 0 : i32
    %dma_start3A_490 = arith.constant 176 : i32
    %dma_start3A_491 = tpu.memref_slice %arg6[%dma_start3A_488, %dma_start3A_489, %dma_start3A_490] : memref<8x8x512xf32, #tpu.memory_space<vmem>> -> memref<8x8x16xf32, #tpu.memory_space<vmem>>
    %dma_start3A_492 = arith.constant 0 : i32
    %dma_start3A_493 = arith.constant 0 : i32
    %dma_start3A_494 = tpu.memref_slice %arg2[%dma_start3A_492, %dma_start3A_493, %mul3A_480] : memref<8x8x1000000xf32, #tpu.memory_space<hbm>> -> memref<8x8x16xf32, #tpu.memory_space<hbm>>
    tpu.enqueue_dma source(%dma_start3A_494 : memref<8x8x16xf32, #tpu.memory_space<hbm>>) target(%dma_start3A_491 : memref<8x8x16xf32, #tpu.memory_space<vmem>>) target_semaphore(%arg8 : memref<!tpu.dma_semaphore, #tpu.memory_space<semaphore_mem>>)
    %slice3A_495 = vector.extract_strided_slice %get3A_1 {offsets = [12], sizes = [1], strides = [1]} : vector<16xi32> to vector<1xi32>
    %squeeze3A_496 = vector.extract %slice3A_495[0] : i32 from vector<1xi32>
    %jit3A_497 = arith.constant 16 : i32
    %div3A_498 = arith.divsi %squeeze3A_496, %jit3A_497 : i32
    %sign3A_499 = arith.constant 0 : i32
    %sign3A_500 = arith.cmpi sgt, %squeeze3A_496, %sign3A_499 : i32
    %sign3A_501 = arith.extui %sign3A_500 : i1 to i32
    %sign3A_502 = arith.constant 0 : i32
    %sign3A_503 = arith.cmpi slt, %squeeze3A_496, %sign3A_502 : i32
    %sign3A_504 = arith.extui %sign3A_503 : i1 to i32
    %sign3A_505 = arith.subi %sign3A_501, %sign3A_504 : i32
    %sign3A_506 = arith.constant 0 : i32
    %sign3A_507 = arith.cmpi sgt, %jit3A_497, %sign3A_506 : i32
    %sign3A_508 = arith.extui %sign3A_507 : i1 to i32
    %sign3A_509 = arith.constant 0 : i32
    %sign3A_510 = arith.cmpi slt, %jit3A_497, %sign3A_509 : i32
    %sign3A_511 = arith.extui %sign3A_510 : i1 to i32
    %sign3A_512 = arith.subi %sign3A_508, %sign3A_511 : i32
    %ne3A_513 = arith.cmpi ne, %sign3A_505, %sign3A_512 : i32
    %rem3A_514 = arith.remsi %squeeze3A_496, %jit3A_497 : i32
    %ne3A_515 = arith.constant 0 : i32
    %ne3A_516 = arith.cmpi ne, %rem3A_514, %ne3A_515 : i32
    %and3A_517 = arith.andi %ne3A_513, %ne3A_516 : i1
    %sub3A_518 = arith.constant 1 : i32
    %sub3A_519 = arith.subi %div3A_498, %sub3A_518 : i32
    %select_n3A_520 = arith.select %and3A_517, %sub3A_519, %div3A_498 : i32
    %mul3A_521 = arith.constant 16 : i32
    %mul3A_522 = arith.muli %select_n3A_520, %mul3A_521 : i32
    %dma_start3A_523 = arith.constant 0 : i32
    %dma_start3A_524 = arith.constant 0 : i32
    %dma_start3A_525 = arith.constant 192 : i32
    %dma_start3A_526 = tpu.memref_slice %arg6[%dma_start3A_523, %dma_start3A_524, %dma_start3A_525] : memref<8x8x512xf32, #tpu.memory_space<vmem>> -> memref<8x8x16xf32, #tpu.memory_space<vmem>>
    %dma_start3A_527 = arith.constant 0 : i32
    %dma_start3A_528 = arith.constant 0 : i32
    %dma_start3A_529 = tpu.memref_slice %arg2[%dma_start3A_527, %dma_start3A_528, %mul3A_522] : memref<8x8x1000000xf32, #tpu.memory_space<hbm>> -> memref<8x8x16xf32, #tpu.memory_space<hbm>>
    %dma_start3A_530 = arith.constant 0 : i32
    %dma_start3A_531 = arith.constant 0 : i32
    %dma_start3A_532 = arith.constant 192 : i32
    %dma_start3A_533 = tpu.memref_slice %arg6[%dma_start3A_530, %dma_start3A_531, %dma_start3A_532] : memref<8x8x512xf32, #tpu.memory_space<vmem>> -> memref<8x8x16xf32, #tpu.memory_space<vmem>>
    %dma_start3A_534 = arith.constant 0 : i32
    %dma_start3A_535 = arith.constant 0 : i32
    %dma_start3A_536 = tpu.memref_slice %arg2[%dma_start3A_534, %dma_start3A_535, %mul3A_522] : memref<8x8x1000000xf32, #tpu.memory_space<hbm>> -> memref<8x8x16xf32, #tpu.memory_space<hbm>>
    tpu.enqueue_dma source(%dma_start3A_536 : memref<8x8x16xf32, #tpu.memory_space<hbm>>) target(%dma_start3A_533 : memref<8x8x16xf32, #tpu.memory_space<vmem>>) target_semaphore(%arg8 : memref<!tpu.dma_semaphore, #tpu.memory_space<semaphore_mem>>)
    %slice3A_537 = vector.extract_strided_slice %get3A_1 {offsets = [13], sizes = [1], strides = [1]} : vector<16xi32> to vector<1xi32>
    %squeeze3A_538 = vector.extract %slice3A_537[0] : i32 from vector<1xi32>
    %jit3A_539 = arith.constant 16 : i32
    %div3A_540 = arith.divsi %squeeze3A_538, %jit3A_539 : i32
    %sign3A_541 = arith.constant 0 : i32
    %sign3A_542 = arith.cmpi sgt, %squeeze3A_538, %sign3A_541 : i32
    %sign3A_543 = arith.extui %sign3A_542 : i1 to i32
    %sign3A_544 = arith.constant 0 : i32
    %sign3A_545 = arith.cmpi slt, %squeeze3A_538, %sign3A_544 : i32
    %sign3A_546 = arith.extui %sign3A_545 : i1 to i32
    %sign3A_547 = arith.subi %sign3A_543, %sign3A_546 : i32
    %sign3A_548 = arith.constant 0 : i32
    %sign3A_549 = arith.cmpi sgt, %jit3A_539, %sign3A_548 : i32
    %sign3A_550 = arith.extui %sign3A_549 : i1 to i32
    %sign3A_551 = arith.constant 0 : i32
    %sign3A_552 = arith.cmpi slt, %jit3A_539, %sign3A_551 : i32
    %sign3A_553 = arith.extui %sign3A_552 : i1 to i32
    %sign3A_554 = arith.subi %sign3A_550, %sign3A_553 : i32
    %ne3A_555 = arith.cmpi ne, %sign3A_547, %sign3A_554 : i32
    %rem3A_556 = arith.remsi %squeeze3A_538, %jit3A_539 : i32
    %ne3A_557 = arith.constant 0 : i32
    %ne3A_558 = arith.cmpi ne, %rem3A_556, %ne3A_557 : i32
    %and3A_559 = arith.andi %ne3A_555, %ne3A_558 : i1
    %sub3A_560 = arith.constant 1 : i32
    %sub3A_561 = arith.subi %div3A_540, %sub3A_560 : i32
    %select_n3A_562 = arith.select %and3A_559, %sub3A_561, %div3A_540 : i32
    %mul3A_563 = arith.constant 16 : i32
    %mul3A_564 = arith.muli %select_n3A_562, %mul3A_563 : i32
    %dma_start3A_565 = arith.constant 0 : i32
    %dma_start3A_566 = arith.constant 0 : i32
    %dma_start3A_567 = arith.constant 208 : i32
    %dma_start3A_568 = tpu.memref_slice %arg6[%dma_start3A_565, %dma_start3A_566, %dma_start3A_567] : memref<8x8x512xf32, #tpu.memory_space<vmem>> -> memref<8x8x16xf32, #tpu.memory_space<vmem>>
    %dma_start3A_569 = arith.constant 0 : i32
    %dma_start3A_570 = arith.constant 0 : i32
    %dma_start3A_571 = tpu.memref_slice %arg2[%dma_start3A_569, %dma_start3A_570, %mul3A_564] : memref<8x8x1000000xf32, #tpu.memory_space<hbm>> -> memref<8x8x16xf32, #tpu.memory_space<hbm>>
    %dma_start3A_572 = arith.constant 0 : i32
    %dma_start3A_573 = arith.constant 0 : i32
    %dma_start3A_574 = arith.constant 208 : i32
    %dma_start3A_575 = tpu.memref_slice %arg6[%dma_start3A_572, %dma_start3A_573, %dma_start3A_574] : memref<8x8x512xf32, #tpu.memory_space<vmem>> -> memref<8x8x16xf32, #tpu.memory_space<vmem>>
    %dma_start3A_576 = arith.constant 0 : i32
    %dma_start3A_577 = arith.constant 0 : i32
    %dma_start3A_578 = tpu.memref_slice %arg2[%dma_start3A_576, %dma_start3A_577, %mul3A_564] : memref<8x8x1000000xf32, #tpu.memory_space<hbm>> -> memref<8x8x16xf32, #tpu.memory_space<hbm>>
    tpu.enqueue_dma source(%dma_start3A_578 : memref<8x8x16xf32, #tpu.memory_space<hbm>>) target(%dma_start3A_575 : memref<8x8x16xf32, #tpu.memory_space<vmem>>) target_semaphore(%arg8 : memref<!tpu.dma_semaphore, #tpu.memory_space<semaphore_mem>>)
    %slice3A_579 = vector.extract_strided_slice %get3A_1 {offsets = [14], sizes = [1], strides = [1]} : vector<16xi32> to vector<1xi32>
    %squeeze3A_580 = vector.extract %slice3A_579[0] : i32 from vector<1xi32>
    %jit3A_581 = arith.constant 16 : i32
    %div3A_582 = arith.divsi %squeeze3A_580, %jit3A_581 : i32
    %sign3A_583 = arith.constant 0 : i32
    %sign3A_584 = arith.cmpi sgt, %squeeze3A_580, %sign3A_583 : i32
    %sign3A_585 = arith.extui %sign3A_584 : i1 to i32
    %sign3A_586 = arith.constant 0 : i32
    %sign3A_587 = arith.cmpi slt, %squeeze3A_580, %sign3A_586 : i32
    %sign3A_588 = arith.extui %sign3A_587 : i1 to i32
    %sign3A_589 = arith.subi %sign3A_585, %sign3A_588 : i32
    %sign3A_590 = arith.constant 0 : i32
    %sign3A_591 = arith.cmpi sgt, %jit3A_581, %sign3A_590 : i32
    %sign3A_592 = arith.extui %sign3A_591 : i1 to i32
    %sign3A_593 = arith.constant 0 : i32
    %sign3A_594 = arith.cmpi slt, %jit3A_581, %sign3A_593 : i32
    %sign3A_595 = arith.extui %sign3A_594 : i1 to i32
    %sign3A_596 = arith.subi %sign3A_592, %sign3A_595 : i32
    %ne3A_597 = arith.cmpi ne, %sign3A_589, %sign3A_596 : i32
    %rem3A_598 = arith.remsi %squeeze3A_580, %jit3A_581 : i32
    %ne3A_599 = arith.constant 0 : i32
    %ne3A_600 = arith.cmpi ne, %rem3A_598, %ne3A_599 : i32
    %and3A_601 = arith.andi %ne3A_597, %ne3A_600 : i1
    %sub3A_602 = arith.constant 1 : i32
    %sub3A_603 = arith.subi %div3A_582, %sub3A_602 : i32
    %select_n3A_604 = arith.select %and3A_601, %sub3A_603, %div3A_582 : i32
    %mul3A_605 = arith.constant 16 : i32
    %mul3A_606 = arith.muli %select_n3A_604, %mul3A_605 : i32
    %dma_start3A_607 = arith.constant 0 : i32
    %dma_start3A_608 = arith.constant 0 : i32
    %dma_start3A_609 = arith.constant 224 : i32
    %dma_start3A_610 = tpu.memref_slice %arg6[%dma_start3A_607, %dma_start3A_608, %dma_start3A_609] : memref<8x8x512xf32, #tpu.memory_space<vmem>> -> memref<8x8x16xf32, #tpu.memory_space<vmem>>
    %dma_start3A_611 = arith.constant 0 : i32
    %dma_start3A_612 = arith.constant 0 : i32
    %dma_start3A_613 = tpu.memref_slice %arg2[%dma_start3A_611, %dma_start3A_612, %mul3A_606] : memref<8x8x1000000xf32, #tpu.memory_space<hbm>> -> memref<8x8x16xf32, #tpu.memory_space<hbm>>
    %dma_start3A_614 = arith.constant 0 : i32
    %dma_start3A_615 = arith.constant 0 : i32
    %dma_start3A_616 = arith.constant 224 : i32
    %dma_start3A_617 = tpu.memref_slice %arg6[%dma_start3A_614, %dma_start3A_615, %dma_start3A_616] : memref<8x8x512xf32, #tpu.memory_space<vmem>> -> memref<8x8x16xf32, #tpu.memory_space<vmem>>
    %dma_start3A_618 = arith.constant 0 : i32
    %dma_start3A_619 = arith.constant 0 : i32
    %dma_start3A_620 = tpu.memref_slice %arg2[%dma_start3A_618, %dma_start3A_619, %mul3A_606] : memref<8x8x1000000xf32, #tpu.memory_space<hbm>> -> memref<8x8x16xf32, #tpu.memory_space<hbm>>
    tpu.enqueue_dma source(%dma_start3A_620 : memref<8x8x16xf32, #tpu.memory_space<hbm>>) target(%dma_start3A_617 : memref<8x8x16xf32, #tpu.memory_space<vmem>>) target_semaphore(%arg8 : memref<!tpu.dma_semaphore, #tpu.memory_space<semaphore_mem>>)
    %slice3A_621 = vector.extract_strided_slice %get3A_1 {offsets = [15], sizes = [1], strides = [1]} : vector<16xi32> to vector<1xi32>
    %squeeze3A_622 = vector.extract %slice3A_621[0] : i32 from vector<1xi32>
    %jit3A_623 = arith.constant 16 : i32
    %div3A_624 = arith.divsi %squeeze3A_622, %jit3A_623 : i32
    %sign3A_625 = arith.constant 0 : i32
    %sign3A_626 = arith.cmpi sgt, %squeeze3A_622, %sign3A_625 : i32
    %sign3A_627 = arith.extui %sign3A_626 : i1 to i32
    %sign3A_628 = arith.constant 0 : i32
    %sign3A_629 = arith.cmpi slt, %squeeze3A_622, %sign3A_628 : i32
    %sign3A_630 = arith.extui %sign3A_629 : i1 to i32
    %sign3A_631 = arith.subi %sign3A_627, %sign3A_630 : i32
    %sign3A_632 = arith.constant 0 : i32
    %sign3A_633 = arith.cmpi sgt, %jit3A_623, %sign3A_632 : i32
    %sign3A_634 = arith.extui %sign3A_633 : i1 to i32
    %sign3A_635 = arith.constant 0 : i32
    %sign3A_636 = arith.cmpi slt, %jit3A_623, %sign3A_635 : i32
    %sign3A_637 = arith.extui %sign3A_636 : i1 to i32
    %sign3A_638 = arith.subi %sign3A_634, %sign3A_637 : i32
    %ne3A_639 = arith.cmpi ne, %sign3A_631, %sign3A_638 : i32
    %rem3A_640 = arith.remsi %squeeze3A_622, %jit3A_623 : i32
    %ne3A_641 = arith.constant 0 : i32
    %ne3A_642 = arith.cmpi ne, %rem3A_640, %ne3A_641 : i32
    %and3A_643 = arith.andi %ne3A_639, %ne3A_642 : i1
    %sub3A_644 = arith.constant 1 : i32
    %sub3A_645 = arith.subi %div3A_624, %sub3A_644 : i32
    %select_n3A_646 = arith.select %and3A_643, %sub3A_645, %div3A_624 : i32
    %mul3A_647 = arith.constant 16 : i32
    %mul3A_648 = arith.muli %select_n3A_646, %mul3A_647 : i32
    %dma_start3A_649 = arith.constant 0 : i32
    %dma_start3A_650 = arith.constant 0 : i32
    %dma_start3A_651 = arith.constant 240 : i32
    %dma_start3A_652 = tpu.memref_slice %arg6[%dma_start3A_649, %dma_start3A_650, %dma_start3A_651] : memref<8x8x512xf32, #tpu.memory_space<vmem>> -> memref<8x8x16xf32, #tpu.memory_space<vmem>>
    %dma_start3A_653 = arith.constant 0 : i32
    %dma_start3A_654 = arith.constant 0 : i32
    %dma_start3A_655 = tpu.memref_slice %arg2[%dma_start3A_653, %dma_start3A_654, %mul3A_648] : memref<8x8x1000000xf32, #tpu.memory_space<hbm>> -> memref<8x8x16xf32, #tpu.memory_space<hbm>>
    %dma_start3A_656 = arith.constant 0 : i32
    %dma_start3A_657 = arith.constant 0 : i32
    %dma_start3A_658 = arith.constant 240 : i32
    %dma_start3A_659 = tpu.memref_slice %arg6[%dma_start3A_656, %dma_start3A_657, %dma_start3A_658] : memref<8x8x512xf32, #tpu.memory_space<vmem>> -> memref<8x8x16xf32, #tpu.memory_space<vmem>>
    %dma_start3A_660 = arith.constant 0 : i32
    %dma_start3A_661 = arith.constant 0 : i32
    %dma_start3A_662 = tpu.memref_slice %arg2[%dma_start3A_660, %dma_start3A_661, %mul3A_648] : memref<8x8x1000000xf32, #tpu.memory_space<hbm>> -> memref<8x8x16xf32, #tpu.memory_space<hbm>>
    tpu.enqueue_dma source(%dma_start3A_662 : memref<8x8x16xf32, #tpu.memory_space<hbm>>) target(%dma_start3A_659 : memref<8x8x16xf32, #tpu.memory_space<vmem>>) target_semaphore(%arg8 : memref<!tpu.dma_semaphore, #tpu.memory_space<semaphore_mem>>)
    %scan3A = arith.constant 0 : i32
    %scan3A_663 = arith.constant 0 : i32
    %scan3A_664 = arith.constant 32 : i32
    %scan3A_665 = arith.addi %scan3A_663, %scan3A_664 : i32
    %scan3A_666 = arith.constant 1 : i32
    scf.for %scan3A_670 = %scan3A_663 to %scan3A_665 step %scan3A_666  : i32 {
      %add3A_671 = arith.constant 1 : i32
      %add3A_672 = arith.addi %scan3A_670, %add3A_671 : i32
      %lt3A = arith.constant 32 : i32
      %lt3A_673 = arith.cmpi slt, %add3A_672, %lt3A : i32
      %convert_element_type3A = arith.extui %lt3A_673 : i1 to i32
      %cond3A = arith.constant 0 : i32
      %cond3A_674 = arith.cmpi ne, %convert_element_type3A, %cond3A : i32
      scf.if %cond3A_674 {
        %add3A_1440 = arith.constant 1 : i32
        %add3A_1441 = arith.addi %scan3A_670, %add3A_1440 : i32
        %jit3A_1442 = arith.constant 2 : i32
        %eq3A_1443 = arith.constant 0 : i32
        %eq3A_1444 = arith.cmpi eq, %jit3A_1442, %eq3A_1443 : i32
        %jit3A_1445 = arith.constant 1 : i32
        %select_n3A_1446 = arith.select %eq3A_1444, %jit3A_1445, %jit3A_1442 : i32
        %rem3A_1447 = arith.remsi %add3A_1441, %select_n3A_1446 : i32
        %ne3A_1448 = arith.constant 0 : i32
        %ne3A_1449 = arith.cmpi ne, %rem3A_1447, %ne3A_1448 : i32
        %lt3A_1450 = arith.constant 0 : i32
        %lt3A_1451 = arith.cmpi slt, %rem3A_1447, %lt3A_1450 : i32
        %lt3A_1452 = arith.constant 0 : i32
        %lt3A_1453 = arith.cmpi slt, %select_n3A_1446, %lt3A_1452 : i32
        %ne3A_1454 = arith.xori %lt3A_1451, %lt3A_1453 : i1
        %and3A_1455 = arith.andi %ne3A_1454, %ne3A_1449 : i1
        %add3A_1456 = arith.addi %rem3A_1447, %select_n3A_1446 : i32
        %select_n3A_1457 = arith.select %and3A_1455, %add3A_1456, %rem3A_1447 : i32
        %mul3A_1458 = arith.constant 256 : i32
        %mul3A_1459 = arith.muli %select_n3A_1457, %mul3A_1458 : i32
        %mul3A_1460 = arith.constant 16 : i32
        %mul3A_1461 = arith.muli %add3A_1441, %mul3A_1460 : i32
        %get3A_1462 = arith.index_cast %mul3A_1461 : i32 to index
        %get3A_1463 = tpu.vector_load %arg5[%get3A_1462] {strides = array<i32>} : memref<512xi32, #tpu.memory_space<vmem>>, vector<16xi32>,
        %slice3A_1464 = vector.extract_strided_slice %get3A_1463 {offsets = [0], sizes = [1], strides = [1]} : vector<16xi32> to vector<1xi32>
        %squeeze3A_1465 = vector.extract %slice3A_1464[0] : i32 from vector<1xi32>
        %jit3A_1466 = arith.constant 16 : i32
        %div3A_1467 = arith.divsi %squeeze3A_1465, %jit3A_1466 : i32
        %sign3A_1468 = arith.constant 0 : i32
        %sign3A_1469 = arith.cmpi sgt, %squeeze3A_1465, %sign3A_1468 : i32
        %sign3A_1470 = arith.extui %sign3A_1469 : i1 to i32
        %sign3A_1471 = arith.constant 0 : i32
        %sign3A_1472 = arith.cmpi slt, %squeeze3A_1465, %sign3A_1471 : i32
        %sign3A_1473 = arith.extui %sign3A_1472 : i1 to i32
        %sign3A_1474 = arith.subi %sign3A_1470, %sign3A_1473 : i32
        %sign3A_1475 = arith.constant 0 : i32
        %sign3A_1476 = arith.cmpi sgt, %jit3A_1466, %sign3A_1475 : i32
        %sign3A_1477 = arith.extui %sign3A_1476 : i1 to i32
        %sign3A_1478 = arith.constant 0 : i32
        %sign3A_1479 = arith.cmpi slt, %jit3A_1466, %sign3A_1478 : i32
        %sign3A_1480 = arith.extui %sign3A_1479 : i1 to i32
        %sign3A_1481 = arith.subi %sign3A_1477, %sign3A_1480 : i32
        %ne3A_1482 = arith.cmpi ne, %sign3A_1474, %sign3A_1481 : i32
        %rem3A_1483 = arith.remsi %squeeze3A_1465, %jit3A_1466 : i32
        %ne3A_1484 = arith.constant 0 : i32
        %ne3A_1485 = arith.cmpi ne, %rem3A_1483, %ne3A_1484 : i32
        %and3A_1486 = arith.andi %ne3A_1482, %ne3A_1485 : i1
        %sub3A_1487 = arith.constant 1 : i32
        %sub3A_1488 = arith.subi %div3A_1467, %sub3A_1487 : i32
        %select_n3A_1489 = arith.select %and3A_1486, %sub3A_1488, %div3A_1467 : i32
        %mul3A_1490 = arith.constant 16 : i32
        %mul3A_1491 = arith.muli %select_n3A_1489, %mul3A_1490 : i32
        %add3A_1492 = arith.constant 0 : i32
        %add3A_1493 = arith.addi %mul3A_1459, %add3A_1492 : i32
        %dma_start3A_1494 = arith.constant 0 : i32
        %dma_start3A_1495 = arith.constant 0 : i32
        %dma_start3A_1496 = tpu.memref_slice %arg6[%dma_start3A_1494, %dma_start3A_1495, %add3A_1493] : memref<8x8x512xf32, #tpu.memory_space<vmem>> -> memref<8x8x16xf32, #tpu.memory_space<vmem>>
        %dma_start3A_1497 = arith.constant 0 : i32
        %dma_start3A_1498 = arith.constant 0 : i32
        %dma_start3A_1499 = tpu.memref_slice %arg2[%dma_start3A_1497, %dma_start3A_1498, %mul3A_1491] : memref<8x8x1000000xf32, #tpu.memory_space<hbm>> -> memref<8x8x16xf32, #tpu.memory_space<hbm>>
        %dma_start3A_1500 = arith.constant 0 : i32
        %dma_start3A_1501 = arith.constant 0 : i32
        %dma_start3A_1502 = tpu.memref_slice %arg6[%dma_start3A_1500, %dma_start3A_1501, %add3A_1493] : memref<8x8x512xf32, #tpu.memory_space<vmem>> -> memref<8x8x16xf32, #tpu.memory_space<vmem>>
        %dma_start3A_1503 = arith.constant 0 : i32
        %dma_start3A_1504 = arith.constant 0 : i32
        %dma_start3A_1505 = tpu.memref_slice %arg2[%dma_start3A_1503, %dma_start3A_1504, %mul3A_1491] : memref<8x8x1000000xf32, #tpu.memory_space<hbm>> -> memref<8x8x16xf32, #tpu.memory_space<hbm>>
        tpu.enqueue_dma source(%dma_start3A_1505 : memref<8x8x16xf32, #tpu.memory_space<hbm>>) target(%dma_start3A_1502 : memref<8x8x16xf32, #tpu.memory_space<vmem>>) target_semaphore(%arg8 : memref<!tpu.dma_semaphore, #tpu.memory_space<semaphore_mem>>)
        %slice3A_1506 = vector.extract_strided_slice %get3A_1463 {offsets = [1], sizes = [1], strides = [1]} : vector<16xi32> to vector<1xi32>
        %squeeze3A_1507 = vector.extract %slice3A_1506[0] : i32 from vector<1xi32>
        %jit3A_1508 = arith.constant 16 : i32
        %div3A_1509 = arith.divsi %squeeze3A_1507, %jit3A_1508 : i32
        %sign3A_1510 = arith.constant 0 : i32
        %sign3A_1511 = arith.cmpi sgt, %squeeze3A_1507, %sign3A_1510 : i32
        %sign3A_1512 = arith.extui %sign3A_1511 : i1 to i32
        %sign3A_1513 = arith.constant 0 : i32
        %sign3A_1514 = arith.cmpi slt, %squeeze3A_1507, %sign3A_1513 : i32
        %sign3A_1515 = arith.extui %sign3A_1514 : i1 to i32
        %sign3A_1516 = arith.subi %sign3A_1512, %sign3A_1515 : i32
        %sign3A_1517 = arith.constant 0 : i32
        %sign3A_1518 = arith.cmpi sgt, %jit3A_1508, %sign3A_1517 : i32
        %sign3A_1519 = arith.extui %sign3A_1518 : i1 to i32
        %sign3A_1520 = arith.constant 0 : i32
        %sign3A_1521 = arith.cmpi slt, %jit3A_1508, %sign3A_1520 : i32
        %sign3A_1522 = arith.extui %sign3A_1521 : i1 to i32
        %sign3A_1523 = arith.subi %sign3A_1519, %sign3A_1522 : i32
        %ne3A_1524 = arith.cmpi ne, %sign3A_1516, %sign3A_1523 : i32
        %rem3A_1525 = arith.remsi %squeeze3A_1507, %jit3A_1508 : i32
        %ne3A_1526 = arith.constant 0 : i32
        %ne3A_1527 = arith.cmpi ne, %rem3A_1525, %ne3A_1526 : i32
        %and3A_1528 = arith.andi %ne3A_1524, %ne3A_1527 : i1
        %sub3A_1529 = arith.constant 1 : i32
        %sub3A_1530 = arith.subi %div3A_1509, %sub3A_1529 : i32
        %select_n3A_1531 = arith.select %and3A_1528, %sub3A_1530, %div3A_1509 : i32
        %mul3A_1532 = arith.constant 16 : i32
        %mul3A_1533 = arith.muli %select_n3A_1531, %mul3A_1532 : i32
        %add3A_1534 = arith.constant 16 : i32
        %add3A_1535 = arith.addi %mul3A_1459, %add3A_1534 : i32
        %dma_start3A_1536 = arith.constant 0 : i32
        %dma_start3A_1537 = arith.constant 0 : i32
        %dma_start3A_1538 = tpu.memref_slice %arg6[%dma_start3A_1536, %dma_start3A_1537, %add3A_1535] : memref<8x8x512xf32, #tpu.memory_space<vmem>> -> memref<8x8x16xf32, #tpu.memory_space<vmem>>
        %dma_start3A_1539 = arith.constant 0 : i32
        %dma_start3A_1540 = arith.constant 0 : i32
        %dma_start3A_1541 = tpu.memref_slice %arg2[%dma_start3A_1539, %dma_start3A_1540, %mul3A_1533] : memref<8x8x1000000xf32, #tpu.memory_space<hbm>> -> memref<8x8x16xf32, #tpu.memory_space<hbm>>
        %dma_start3A_1542 = arith.constant 0 : i32
        %dma_start3A_1543 = arith.constant 0 : i32
        %dma_start3A_1544 = tpu.memref_slice %arg6[%dma_start3A_1542, %dma_start3A_1543, %add3A_1535] : memref<8x8x512xf32, #tpu.memory_space<vmem>> -> memref<8x8x16xf32, #tpu.memory_space<vmem>>
        %dma_start3A_1545 = arith.constant 0 : i32
        %dma_start3A_1546 = arith.constant 0 : i32
        %dma_start3A_1547 = tpu.memref_slice %arg2[%dma_start3A_1545, %dma_start3A_1546, %mul3A_1533] : memref<8x8x1000000xf32, #tpu.memory_space<hbm>> -> memref<8x8x16xf32, #tpu.memory_space<hbm>>
        tpu.enqueue_dma source(%dma_start3A_1547 : memref<8x8x16xf32, #tpu.memory_space<hbm>>) target(%dma_start3A_1544 : memref<8x8x16xf32, #tpu.memory_space<vmem>>) target_semaphore(%arg8 : memref<!tpu.dma_semaphore, #tpu.memory_space<semaphore_mem>>)
        %slice3A_1548 = vector.extract_strided_slice %get3A_1463 {offsets = [2], sizes = [1], strides = [1]} : vector<16xi32> to vector<1xi32>
        %squeeze3A_1549 = vector.extract %slice3A_1548[0] : i32 from vector<1xi32>
        %jit3A_1550 = arith.constant 16 : i32
        %div3A_1551 = arith.divsi %squeeze3A_1549, %jit3A_1550 : i32
        %sign3A_1552 = arith.constant 0 : i32
        %sign3A_1553 = arith.cmpi sgt, %squeeze3A_1549, %sign3A_1552 : i32
        %sign3A_1554 = arith.extui %sign3A_1553 : i1 to i32
        %sign3A_1555 = arith.constant 0 : i32
        %sign3A_1556 = arith.cmpi slt, %squeeze3A_1549, %sign3A_1555 : i32
        %sign3A_1557 = arith.extui %sign3A_1556 : i1 to i32
        %sign3A_1558 = arith.subi %sign3A_1554, %sign3A_1557 : i32
        %sign3A_1559 = arith.constant 0 : i32
        %sign3A_1560 = arith.cmpi sgt, %jit3A_1550, %sign3A_1559 : i32
        %sign3A_1561 = arith.extui %sign3A_1560 : i1 to i32
        %sign3A_1562 = arith.constant 0 : i32
        %sign3A_1563 = arith.cmpi slt, %jit3A_1550, %sign3A_1562 : i32
        %sign3A_1564 = arith.extui %sign3A_1563 : i1 to i32
        %sign3A_1565 = arith.subi %sign3A_1561, %sign3A_1564 : i32
        %ne3A_1566 = arith.cmpi ne, %sign3A_1558, %sign3A_1565 : i32
        %rem3A_1567 = arith.remsi %squeeze3A_1549, %jit3A_1550 : i32
        %ne3A_1568 = arith.constant 0 : i32
        %ne3A_1569 = arith.cmpi ne, %rem3A_1567, %ne3A_1568 : i32
        %and3A_1570 = arith.andi %ne3A_1566, %ne3A_1569 : i1
        %sub3A_1571 = arith.constant 1 : i32
        %sub3A_1572 = arith.subi %div3A_1551, %sub3A_1571 : i32
        %select_n3A_1573 = arith.select %and3A_1570, %sub3A_1572, %div3A_1551 : i32
        %mul3A_1574 = arith.constant 16 : i32
        %mul3A_1575 = arith.muli %select_n3A_1573, %mul3A_1574 : i32
        %add3A_1576 = arith.constant 32 : i32
        %add3A_1577 = arith.addi %mul3A_1459, %add3A_1576 : i32
        %dma_start3A_1578 = arith.constant 0 : i32
        %dma_start3A_1579 = arith.constant 0 : i32
        %dma_start3A_1580 = tpu.memref_slice %arg6[%dma_start3A_1578, %dma_start3A_1579, %add3A_1577] : memref<8x8x512xf32, #tpu.memory_space<vmem>> -> memref<8x8x16xf32, #tpu.memory_space<vmem>>
        %dma_start3A_1581 = arith.constant 0 : i32
        %dma_start3A_1582 = arith.constant 0 : i32
        %dma_start3A_1583 = tpu.memref_slice %arg2[%dma_start3A_1581, %dma_start3A_1582, %mul3A_1575] : memref<8x8x1000000xf32, #tpu.memory_space<hbm>> -> memref<8x8x16xf32, #tpu.memory_space<hbm>>
        %dma_start3A_1584 = arith.constant 0 : i32
        %dma_start3A_1585 = arith.constant 0 : i32
        %dma_start3A_1586 = tpu.memref_slice %arg6[%dma_start3A_1584, %dma_start3A_1585, %add3A_1577] : memref<8x8x512xf32, #tpu.memory_space<vmem>> -> memref<8x8x16xf32, #tpu.memory_space<vmem>>
        %dma_start3A_1587 = arith.constant 0 : i32
        %dma_start3A_1588 = arith.constant 0 : i32
        %dma_start3A_1589 = tpu.memref_slice %arg2[%dma_start3A_1587, %dma_start3A_1588, %mul3A_1575] : memref<8x8x1000000xf32, #tpu.memory_space<hbm>> -> memref<8x8x16xf32, #tpu.memory_space<hbm>>
        tpu.enqueue_dma source(%dma_start3A_1589 : memref<8x8x16xf32, #tpu.memory_space<hbm>>) target(%dma_start3A_1586 : memref<8x8x16xf32, #tpu.memory_space<vmem>>) target_semaphore(%arg8 : memref<!tpu.dma_semaphore, #tpu.memory_space<semaphore_mem>>)
        %slice3A_1590 = vector.extract_strided_slice %get3A_1463 {offsets = [3], sizes = [1], strides = [1]} : vector<16xi32> to vector<1xi32>
        %squeeze3A_1591 = vector.extract %slice3A_1590[0] : i32 from vector<1xi32>
        %jit3A_1592 = arith.constant 16 : i32
        %div3A_1593 = arith.divsi %squeeze3A_1591, %jit3A_1592 : i32
        %sign3A_1594 = arith.constant 0 : i32
        %sign3A_1595 = arith.cmpi sgt, %squeeze3A_1591, %sign3A_1594 : i32
        %sign3A_1596 = arith.extui %sign3A_1595 : i1 to i32
        %sign3A_1597 = arith.constant 0 : i32
        %sign3A_1598 = arith.cmpi slt, %squeeze3A_1591, %sign3A_1597 : i32
        %sign3A_1599 = arith.extui %sign3A_1598 : i1 to i32
        %sign3A_1600 = arith.subi %sign3A_1596, %sign3A_1599 : i32
        %sign3A_1601 = arith.constant 0 : i32
        %sign3A_1602 = arith.cmpi sgt, %jit3A_1592, %sign3A_1601 : i32
        %sign3A_1603 = arith.extui %sign3A_1602 : i1 to i32
        %sign3A_1604 = arith.constant 0 : i32
        %sign3A_1605 = arith.cmpi slt, %jit3A_1592, %sign3A_1604 : i32
        %sign3A_1606 = arith.extui %sign3A_1605 : i1 to i32
        %sign3A_1607 = arith.subi %sign3A_1603, %sign3A_1606 : i32
        %ne3A_1608 = arith.cmpi ne, %sign3A_1600, %sign3A_1607 : i32
        %rem3A_1609 = arith.remsi %squeeze3A_1591, %jit3A_1592 : i32
        %ne3A_1610 = arith.constant 0 : i32
        %ne3A_1611 = arith.cmpi ne, %rem3A_1609, %ne3A_1610 : i32
        %and3A_1612 = arith.andi %ne3A_1608, %ne3A_1611 : i1
        %sub3A_1613 = arith.constant 1 : i32
        %sub3A_1614 = arith.subi %div3A_1593, %sub3A_1613 : i32
        %select_n3A_1615 = arith.select %and3A_1612, %sub3A_1614, %div3A_1593 : i32
        %mul3A_1616 = arith.constant 16 : i32
        %mul3A_1617 = arith.muli %select_n3A_1615, %mul3A_1616 : i32
        %add3A_1618 = arith.constant 48 : i32
        %add3A_1619 = arith.addi %mul3A_1459, %add3A_1618 : i32
        %dma_start3A_1620 = arith.constant 0 : i32
        %dma_start3A_1621 = arith.constant 0 : i32
        %dma_start3A_1622 = tpu.memref_slice %arg6[%dma_start3A_1620, %dma_start3A_1621, %add3A_1619] : memref<8x8x512xf32, #tpu.memory_space<vmem>> -> memref<8x8x16xf32, #tpu.memory_space<vmem>>
        %dma_start3A_1623 = arith.constant 0 : i32
        %dma_start3A_1624 = arith.constant 0 : i32
        %dma_start3A_1625 = tpu.memref_slice %arg2[%dma_start3A_1623, %dma_start3A_1624, %mul3A_1617] : memref<8x8x1000000xf32, #tpu.memory_space<hbm>> -> memref<8x8x16xf32, #tpu.memory_space<hbm>>
        %dma_start3A_1626 = arith.constant 0 : i32
        %dma_start3A_1627 = arith.constant 0 : i32
        %dma_start3A_1628 = tpu.memref_slice %arg6[%dma_start3A_1626, %dma_start3A_1627, %add3A_1619] : memref<8x8x512xf32, #tpu.memory_space<vmem>> -> memref<8x8x16xf32, #tpu.memory_space<vmem>>
        %dma_start3A_1629 = arith.constant 0 : i32
        %dma_start3A_1630 = arith.constant 0 : i32
        %dma_start3A_1631 = tpu.memref_slice %arg2[%dma_start3A_1629, %dma_start3A_1630, %mul3A_1617] : memref<8x8x1000000xf32, #tpu.memory_space<hbm>> -> memref<8x8x16xf32, #tpu.memory_space<hbm>>
        tpu.enqueue_dma source(%dma_start3A_1631 : memref<8x8x16xf32, #tpu.memory_space<hbm>>) target(%dma_start3A_1628 : memref<8x8x16xf32, #tpu.memory_space<vmem>>) target_semaphore(%arg8 : memref<!tpu.dma_semaphore, #tpu.memory_space<semaphore_mem>>)
        %slice3A_1632 = vector.extract_strided_slice %get3A_1463 {offsets = [4], sizes = [1], strides = [1]} : vector<16xi32> to vector<1xi32>
        %squeeze3A_1633 = vector.extract %slice3A_1632[0] : i32 from vector<1xi32>
        %jit3A_1634 = arith.constant 16 : i32
        %div3A_1635 = arith.divsi %squeeze3A_1633, %jit3A_1634 : i32
        %sign3A_1636 = arith.constant 0 : i32
        %sign3A_1637 = arith.cmpi sgt, %squeeze3A_1633, %sign3A_1636 : i32
        %sign3A_1638 = arith.extui %sign3A_1637 : i1 to i32
        %sign3A_1639 = arith.constant 0 : i32
        %sign3A_1640 = arith.cmpi slt, %squeeze3A_1633, %sign3A_1639 : i32
        %sign3A_1641 = arith.extui %sign3A_1640 : i1 to i32
        %sign3A_1642 = arith.subi %sign3A_1638, %sign3A_1641 : i32
        %sign3A_1643 = arith.constant 0 : i32
        %sign3A_1644 = arith.cmpi sgt, %jit3A_1634, %sign3A_1643 : i32
        %sign3A_1645 = arith.extui %sign3A_1644 : i1 to i32
        %sign3A_1646 = arith.constant 0 : i32
        %sign3A_1647 = arith.cmpi slt, %jit3A_1634, %sign3A_1646 : i32
        %sign3A_1648 = arith.extui %sign3A_1647 : i1 to i32
        %sign3A_1649 = arith.subi %sign3A_1645, %sign3A_1648 : i32
        %ne3A_1650 = arith.cmpi ne, %sign3A_1642, %sign3A_1649 : i32
        %rem3A_1651 = arith.remsi %squeeze3A_1633, %jit3A_1634 : i32
        %ne3A_1652 = arith.constant 0 : i32
        %ne3A_1653 = arith.cmpi ne, %rem3A_1651, %ne3A_1652 : i32
        %and3A_1654 = arith.andi %ne3A_1650, %ne3A_1653 : i1
        %sub3A_1655 = arith.constant 1 : i32
        %sub3A_1656 = arith.subi %div3A_1635, %sub3A_1655 : i32
        %select_n3A_1657 = arith.select %and3A_1654, %sub3A_1656, %div3A_1635 : i32
        %mul3A_1658 = arith.constant 16 : i32
        %mul3A_1659 = arith.muli %select_n3A_1657, %mul3A_1658 : i32
        %add3A_1660 = arith.constant 64 : i32
        %add3A_1661 = arith.addi %mul3A_1459, %add3A_1660 : i32
        %dma_start3A_1662 = arith.constant 0 : i32
        %dma_start3A_1663 = arith.constant 0 : i32
        %dma_start3A_1664 = tpu.memref_slice %arg6[%dma_start3A_1662, %dma_start3A_1663, %add3A_1661] : memref<8x8x512xf32, #tpu.memory_space<vmem>> -> memref<8x8x16xf32, #tpu.memory_space<vmem>>
        %dma_start3A_1665 = arith.constant 0 : i32
        %dma_start3A_1666 = arith.constant 0 : i32
        %dma_start3A_1667 = tpu.memref_slice %arg2[%dma_start3A_1665, %dma_start3A_1666, %mul3A_1659] : memref<8x8x1000000xf32, #tpu.memory_space<hbm>> -> memref<8x8x16xf32, #tpu.memory_space<hbm>>
        %dma_start3A_1668 = arith.constant 0 : i32
        %dma_start3A_1669 = arith.constant 0 : i32
        %dma_start3A_1670 = tpu.memref_slice %arg6[%dma_start3A_1668, %dma_start3A_1669, %add3A_1661] : memref<8x8x512xf32, #tpu.memory_space<vmem>> -> memref<8x8x16xf32, #tpu.memory_space<vmem>>
        %dma_start3A_1671 = arith.constant 0 : i32
        %dma_start3A_1672 = arith.constant 0 : i32
        %dma_start3A_1673 = tpu.memref_slice %arg2[%dma_start3A_1671, %dma_start3A_1672, %mul3A_1659] : memref<8x8x1000000xf32, #tpu.memory_space<hbm>> -> memref<8x8x16xf32, #tpu.memory_space<hbm>>
        tpu.enqueue_dma source(%dma_start3A_1673 : memref<8x8x16xf32, #tpu.memory_space<hbm>>) target(%dma_start3A_1670 : memref<8x8x16xf32, #tpu.memory_space<vmem>>) target_semaphore(%arg8 : memref<!tpu.dma_semaphore, #tpu.memory_space<semaphore_mem>>)
        %slice3A_1674 = vector.extract_strided_slice %get3A_1463 {offsets = [5], sizes = [1], strides = [1]} : vector<16xi32> to vector<1xi32>
        %squeeze3A_1675 = vector.extract %slice3A_1674[0] : i32 from vector<1xi32>
        %jit3A_1676 = arith.constant 16 : i32
        %div3A_1677 = arith.divsi %squeeze3A_1675, %jit3A_1676 : i32
        %sign3A_1678 = arith.constant 0 : i32
        %sign3A_1679 = arith.cmpi sgt, %squeeze3A_1675, %sign3A_1678 : i32
        %sign3A_1680 = arith.extui %sign3A_1679 : i1 to i32
        %sign3A_1681 = arith.constant 0 : i32
        %sign3A_1682 = arith.cmpi slt, %squeeze3A_1675, %sign3A_1681 : i32
        %sign3A_1683 = arith.extui %sign3A_1682 : i1 to i32
        %sign3A_1684 = arith.subi %sign3A_1680, %sign3A_1683 : i32
        %sign3A_1685 = arith.constant 0 : i32
        %sign3A_1686 = arith.cmpi sgt, %jit3A_1676, %sign3A_1685 : i32
        %sign3A_1687 = arith.extui %sign3A_1686 : i1 to i32
        %sign3A_1688 = arith.constant 0 : i32
        %sign3A_1689 = arith.cmpi slt, %jit3A_1676, %sign3A_1688 : i32
        %sign3A_1690 = arith.extui %sign3A_1689 : i1 to i32
        %sign3A_1691 = arith.subi %sign3A_1687, %sign3A_1690 : i32
        %ne3A_1692 = arith.cmpi ne, %sign3A_1684, %sign3A_1691 : i32
        %rem3A_1693 = arith.remsi %squeeze3A_1675, %jit3A_1676 : i32
        %ne3A_1694 = arith.constant 0 : i32
        %ne3A_1695 = arith.cmpi ne, %rem3A_1693, %ne3A_1694 : i32
        %and3A_1696 = arith.andi %ne3A_1692, %ne3A_1695 : i1
        %sub3A_1697 = arith.constant 1 : i32
        %sub3A_1698 = arith.subi %div3A_1677, %sub3A_1697 : i32
        %select_n3A_1699 = arith.select %and3A_1696, %sub3A_1698, %div3A_1677 : i32
        %mul3A_1700 = arith.constant 16 : i32
        %mul3A_1701 = arith.muli %select_n3A_1699, %mul3A_1700 : i32
        %add3A_1702 = arith.constant 80 : i32
        %add3A_1703 = arith.addi %mul3A_1459, %add3A_1702 : i32
        %dma_start3A_1704 = arith.constant 0 : i32
        %dma_start3A_1705 = arith.constant 0 : i32
        %dma_start3A_1706 = tpu.memref_slice %arg6[%dma_start3A_1704, %dma_start3A_1705, %add3A_1703] : memref<8x8x512xf32, #tpu.memory_space<vmem>> -> memref<8x8x16xf32, #tpu.memory_space<vmem>>
        %dma_start3A_1707 = arith.constant 0 : i32
        %dma_start3A_1708 = arith.constant 0 : i32
        %dma_start3A_1709 = tpu.memref_slice %arg2[%dma_start3A_1707, %dma_start3A_1708, %mul3A_1701] : memref<8x8x1000000xf32, #tpu.memory_space<hbm>> -> memref<8x8x16xf32, #tpu.memory_space<hbm>>
        %dma_start3A_1710 = arith.constant 0 : i32
        %dma_start3A_1711 = arith.constant 0 : i32
        %dma_start3A_1712 = tpu.memref_slice %arg6[%dma_start3A_1710, %dma_start3A_1711, %add3A_1703] : memref<8x8x512xf32, #tpu.memory_space<vmem>> -> memref<8x8x16xf32, #tpu.memory_space<vmem>>
        %dma_start3A_1713 = arith.constant 0 : i32
        %dma_start3A_1714 = arith.constant 0 : i32
        %dma_start3A_1715 = tpu.memref_slice %arg2[%dma_start3A_1713, %dma_start3A_1714, %mul3A_1701] : memref<8x8x1000000xf32, #tpu.memory_space<hbm>> -> memref<8x8x16xf32, #tpu.memory_space<hbm>>
        tpu.enqueue_dma source(%dma_start3A_1715 : memref<8x8x16xf32, #tpu.memory_space<hbm>>) target(%dma_start3A_1712 : memref<8x8x16xf32, #tpu.memory_space<vmem>>) target_semaphore(%arg8 : memref<!tpu.dma_semaphore, #tpu.memory_space<semaphore_mem>>)
        %slice3A_1716 = vector.extract_strided_slice %get3A_1463 {offsets = [6], sizes = [1], strides = [1]} : vector<16xi32> to vector<1xi32>
        %squeeze3A_1717 = vector.extract %slice3A_1716[0] : i32 from vector<1xi32>
        %jit3A_1718 = arith.constant 16 : i32
        %div3A_1719 = arith.divsi %squeeze3A_1717, %jit3A_1718 : i32
        %sign3A_1720 = arith.constant 0 : i32
        %sign3A_1721 = arith.cmpi sgt, %squeeze3A_1717, %sign3A_1720 : i32
        %sign3A_1722 = arith.extui %sign3A_1721 : i1 to i32
        %sign3A_1723 = arith.constant 0 : i32
        %sign3A_1724 = arith.cmpi slt, %squeeze3A_1717, %sign3A_1723 : i32
        %sign3A_1725 = arith.extui %sign3A_1724 : i1 to i32
        %sign3A_1726 = arith.subi %sign3A_1722, %sign3A_1725 : i32
        %sign3A_1727 = arith.constant 0 : i32
        %sign3A_1728 = arith.cmpi sgt, %jit3A_1718, %sign3A_1727 : i32
        %sign3A_1729 = arith.extui %sign3A_1728 : i1 to i32
        %sign3A_1730 = arith.constant 0 : i32
        %sign3A_1731 = arith.cmpi slt, %jit3A_1718, %sign3A_1730 : i32
        %sign3A_1732 = arith.extui %sign3A_1731 : i1 to i32
        %sign3A_1733 = arith.subi %sign3A_1729, %sign3A_1732 : i32
        %ne3A_1734 = arith.cmpi ne, %sign3A_1726, %sign3A_1733 : i32
        %rem3A_1735 = arith.remsi %squeeze3A_1717, %jit3A_1718 : i32
        %ne3A_1736 = arith.constant 0 : i32
        %ne3A_1737 = arith.cmpi ne, %rem3A_1735, %ne3A_1736 : i32
        %and3A_1738 = arith.andi %ne3A_1734, %ne3A_1737 : i1
        %sub3A_1739 = arith.constant 1 : i32
        %sub3A_1740 = arith.subi %div3A_1719, %sub3A_1739 : i32
        %select_n3A_1741 = arith.select %and3A_1738, %sub3A_1740, %div3A_1719 : i32
        %mul3A_1742 = arith.constant 16 : i32
        %mul3A_1743 = arith.muli %select_n3A_1741, %mul3A_1742 : i32
        %add3A_1744 = arith.constant 96 : i32
        %add3A_1745 = arith.addi %mul3A_1459, %add3A_1744 : i32
        %dma_start3A_1746 = arith.constant 0 : i32
        %dma_start3A_1747 = arith.constant 0 : i32
        %dma_start3A_1748 = tpu.memref_slice %arg6[%dma_start3A_1746, %dma_start3A_1747, %add3A_1745] : memref<8x8x512xf32, #tpu.memory_space<vmem>> -> memref<8x8x16xf32, #tpu.memory_space<vmem>>
        %dma_start3A_1749 = arith.constant 0 : i32
        %dma_start3A_1750 = arith.constant 0 : i32
        %dma_start3A_1751 = tpu.memref_slice %arg2[%dma_start3A_1749, %dma_start3A_1750, %mul3A_1743] : memref<8x8x1000000xf32, #tpu.memory_space<hbm>> -> memref<8x8x16xf32, #tpu.memory_space<hbm>>
        %dma_start3A_1752 = arith.constant 0 : i32
        %dma_start3A_1753 = arith.constant 0 : i32
        %dma_start3A_1754 = tpu.memref_slice %arg6[%dma_start3A_1752, %dma_start3A_1753, %add3A_1745] : memref<8x8x512xf32, #tpu.memory_space<vmem>> -> memref<8x8x16xf32, #tpu.memory_space<vmem>>
        %dma_start3A_1755 = arith.constant 0 : i32
        %dma_start3A_1756 = arith.constant 0 : i32
        %dma_start3A_1757 = tpu.memref_slice %arg2[%dma_start3A_1755, %dma_start3A_1756, %mul3A_1743] : memref<8x8x1000000xf32, #tpu.memory_space<hbm>> -> memref<8x8x16xf32, #tpu.memory_space<hbm>>
        tpu.enqueue_dma source(%dma_start3A_1757 : memref<8x8x16xf32, #tpu.memory_space<hbm>>) target(%dma_start3A_1754 : memref<8x8x16xf32, #tpu.memory_space<vmem>>) target_semaphore(%arg8 : memref<!tpu.dma_semaphore, #tpu.memory_space<semaphore_mem>>)
        %slice3A_1758 = vector.extract_strided_slice %get3A_1463 {offsets = [7], sizes = [1], strides = [1]} : vector<16xi32> to vector<1xi32>
        %squeeze3A_1759 = vector.extract %slice3A_1758[0] : i32 from vector<1xi32>
        %jit3A_1760 = arith.constant 16 : i32
        %div3A_1761 = arith.divsi %squeeze3A_1759, %jit3A_1760 : i32
        %sign3A_1762 = arith.constant 0 : i32
        %sign3A_1763 = arith.cmpi sgt, %squeeze3A_1759, %sign3A_1762 : i32
        %sign3A_1764 = arith.extui %sign3A_1763 : i1 to i32
        %sign3A_1765 = arith.constant 0 : i32
        %sign3A_1766 = arith.cmpi slt, %squeeze3A_1759, %sign3A_1765 : i32
        %sign3A_1767 = arith.extui %sign3A_1766 : i1 to i32
        %sign3A_1768 = arith.subi %sign3A_1764, %sign3A_1767 : i32
        %sign3A_1769 = arith.constant 0 : i32
        %sign3A_1770 = arith.cmpi sgt, %jit3A_1760, %sign3A_1769 : i32
        %sign3A_1771 = arith.extui %sign3A_1770 : i1 to i32
        %sign3A_1772 = arith.constant 0 : i32
        %sign3A_1773 = arith.cmpi slt, %jit3A_1760, %sign3A_1772 : i32
        %sign3A_1774 = arith.extui %sign3A_1773 : i1 to i32
        %sign3A_1775 = arith.subi %sign3A_1771, %sign3A_1774 : i32
        %ne3A_1776 = arith.cmpi ne, %sign3A_1768, %sign3A_1775 : i32
        %rem3A_1777 = arith.remsi %squeeze3A_1759, %jit3A_1760 : i32
        %ne3A_1778 = arith.constant 0 : i32
        %ne3A_1779 = arith.cmpi ne, %rem3A_1777, %ne3A_1778 : i32
        %and3A_1780 = arith.andi %ne3A_1776, %ne3A_1779 : i1
        %sub3A_1781 = arith.constant 1 : i32
        %sub3A_1782 = arith.subi %div3A_1761, %sub3A_1781 : i32
        %select_n3A_1783 = arith.select %and3A_1780, %sub3A_1782, %div3A_1761 : i32
        %mul3A_1784 = arith.constant 16 : i32
        %mul3A_1785 = arith.muli %select_n3A_1783, %mul3A_1784 : i32
        %add3A_1786 = arith.constant 112 : i32
        %add3A_1787 = arith.addi %mul3A_1459, %add3A_1786 : i32
        %dma_start3A_1788 = arith.constant 0 : i32
        %dma_start3A_1789 = arith.constant 0 : i32
        %dma_start3A_1790 = tpu.memref_slice %arg6[%dma_start3A_1788, %dma_start3A_1789, %add3A_1787] : memref<8x8x512xf32, #tpu.memory_space<vmem>> -> memref<8x8x16xf32, #tpu.memory_space<vmem>>
        %dma_start3A_1791 = arith.constant 0 : i32
        %dma_start3A_1792 = arith.constant 0 : i32
        %dma_start3A_1793 = tpu.memref_slice %arg2[%dma_start3A_1791, %dma_start3A_1792, %mul3A_1785] : memref<8x8x1000000xf32, #tpu.memory_space<hbm>> -> memref<8x8x16xf32, #tpu.memory_space<hbm>>
        %dma_start3A_1794 = arith.constant 0 : i32
        %dma_start3A_1795 = arith.constant 0 : i32
        %dma_start3A_1796 = tpu.memref_slice %arg6[%dma_start3A_1794, %dma_start3A_1795, %add3A_1787] : memref<8x8x512xf32, #tpu.memory_space<vmem>> -> memref<8x8x16xf32, #tpu.memory_space<vmem>>
        %dma_start3A_1797 = arith.constant 0 : i32
        %dma_start3A_1798 = arith.constant 0 : i32
        %dma_start3A_1799 = tpu.memref_slice %arg2[%dma_start3A_1797, %dma_start3A_1798, %mul3A_1785] : memref<8x8x1000000xf32, #tpu.memory_space<hbm>> -> memref<8x8x16xf32, #tpu.memory_space<hbm>>
        tpu.enqueue_dma source(%dma_start3A_1799 : memref<8x8x16xf32, #tpu.memory_space<hbm>>) target(%dma_start3A_1796 : memref<8x8x16xf32, #tpu.memory_space<vmem>>) target_semaphore(%arg8 : memref<!tpu.dma_semaphore, #tpu.memory_space<semaphore_mem>>)
        %slice3A_1800 = vector.extract_strided_slice %get3A_1463 {offsets = [8], sizes = [1], strides = [1]} : vector<16xi32> to vector<1xi32>
        %squeeze3A_1801 = vector.extract %slice3A_1800[0] : i32 from vector<1xi32>
        %jit3A_1802 = arith.constant 16 : i32
        %div3A_1803 = arith.divsi %squeeze3A_1801, %jit3A_1802 : i32
        %sign3A_1804 = arith.constant 0 : i32
        %sign3A_1805 = arith.cmpi sgt, %squeeze3A_1801, %sign3A_1804 : i32
        %sign3A_1806 = arith.extui %sign3A_1805 : i1 to i32
        %sign3A_1807 = arith.constant 0 : i32
        %sign3A_1808 = arith.cmpi slt, %squeeze3A_1801, %sign3A_1807 : i32
        %sign3A_1809 = arith.extui %sign3A_1808 : i1 to i32
        %sign3A_1810 = arith.subi %sign3A_1806, %sign3A_1809 : i32
        %sign3A_1811 = arith.constant 0 : i32
        %sign3A_1812 = arith.cmpi sgt, %jit3A_1802, %sign3A_1811 : i32
        %sign3A_1813 = arith.extui %sign3A_1812 : i1 to i32
        %sign3A_1814 = arith.constant 0 : i32
        %sign3A_1815 = arith.cmpi slt, %jit3A_1802, %sign3A_1814 : i32
        %sign3A_1816 = arith.extui %sign3A_1815 : i1 to i32
        %sign3A_1817 = arith.subi %sign3A_1813, %sign3A_1816 : i32
        %ne3A_1818 = arith.cmpi ne, %sign3A_1810, %sign3A_1817 : i32
        %rem3A_1819 = arith.remsi %squeeze3A_1801, %jit3A_1802 : i32
        %ne3A_1820 = arith.constant 0 : i32
        %ne3A_1821 = arith.cmpi ne, %rem3A_1819, %ne3A_1820 : i32
        %and3A_1822 = arith.andi %ne3A_1818, %ne3A_1821 : i1
        %sub3A_1823 = arith.constant 1 : i32
        %sub3A_1824 = arith.subi %div3A_1803, %sub3A_1823 : i32
        %select_n3A_1825 = arith.select %and3A_1822, %sub3A_1824, %div3A_1803 : i32
        %mul3A_1826 = arith.constant 16 : i32
        %mul3A_1827 = arith.muli %select_n3A_1825, %mul3A_1826 : i32
        %add3A_1828 = arith.constant 128 : i32
        %add3A_1829 = arith.addi %mul3A_1459, %add3A_1828 : i32
        %dma_start3A_1830 = arith.constant 0 : i32
        %dma_start3A_1831 = arith.constant 0 : i32
        %dma_start3A_1832 = tpu.memref_slice %arg6[%dma_start3A_1830, %dma_start3A_1831, %add3A_1829] : memref<8x8x512xf32, #tpu.memory_space<vmem>> -> memref<8x8x16xf32, #tpu.memory_space<vmem>>
        %dma_start3A_1833 = arith.constant 0 : i32
        %dma_start3A_1834 = arith.constant 0 : i32
        %dma_start3A_1835 = tpu.memref_slice %arg2[%dma_start3A_1833, %dma_start3A_1834, %mul3A_1827] : memref<8x8x1000000xf32, #tpu.memory_space<hbm>> -> memref<8x8x16xf32, #tpu.memory_space<hbm>>
        %dma_start3A_1836 = arith.constant 0 : i32
        %dma_start3A_1837 = arith.constant 0 : i32
        %dma_start3A_1838 = tpu.memref_slice %arg6[%dma_start3A_1836, %dma_start3A_1837, %add3A_1829] : memref<8x8x512xf32, #tpu.memory_space<vmem>> -> memref<8x8x16xf32, #tpu.memory_space<vmem>>
        %dma_start3A_1839 = arith.constant 0 : i32
        %dma_start3A_1840 = arith.constant 0 : i32
        %dma_start3A_1841 = tpu.memref_slice %arg2[%dma_start3A_1839, %dma_start3A_1840, %mul3A_1827] : memref<8x8x1000000xf32, #tpu.memory_space<hbm>> -> memref<8x8x16xf32, #tpu.memory_space<hbm>>
        tpu.enqueue_dma source(%dma_start3A_1841 : memref<8x8x16xf32, #tpu.memory_space<hbm>>) target(%dma_start3A_1838 : memref<8x8x16xf32, #tpu.memory_space<vmem>>) target_semaphore(%arg8 : memref<!tpu.dma_semaphore, #tpu.memory_space<semaphore_mem>>)
        %slice3A_1842 = vector.extract_strided_slice %get3A_1463 {offsets = [9], sizes = [1], strides = [1]} : vector<16xi32> to vector<1xi32>
        %squeeze3A_1843 = vector.extract %slice3A_1842[0] : i32 from vector<1xi32>
        %jit3A_1844 = arith.constant 16 : i32
        %div3A_1845 = arith.divsi %squeeze3A_1843, %jit3A_1844 : i32
        %sign3A_1846 = arith.constant 0 : i32
        %sign3A_1847 = arith.cmpi sgt, %squeeze3A_1843, %sign3A_1846 : i32
        %sign3A_1848 = arith.extui %sign3A_1847 : i1 to i32
        %sign3A_1849 = arith.constant 0 : i32
        %sign3A_1850 = arith.cmpi slt, %squeeze3A_1843, %sign3A_1849 : i32
        %sign3A_1851 = arith.extui %sign3A_1850 : i1 to i32
        %sign3A_1852 = arith.subi %sign3A_1848, %sign3A_1851 : i32
        %sign3A_1853 = arith.constant 0 : i32
        %sign3A_1854 = arith.cmpi sgt, %jit3A_1844, %sign3A_1853 : i32
        %sign3A_1855 = arith.extui %sign3A_1854 : i1 to i32
        %sign3A_1856 = arith.constant 0 : i32
        %sign3A_1857 = arith.cmpi slt, %jit3A_1844, %sign3A_1856 : i32
        %sign3A_1858 = arith.extui %sign3A_1857 : i1 to i32
        %sign3A_1859 = arith.subi %sign3A_1855, %sign3A_1858 : i32
        %ne3A_1860 = arith.cmpi ne, %sign3A_1852, %sign3A_1859 : i32
        %rem3A_1861 = arith.remsi %squeeze3A_1843, %jit3A_1844 : i32
        %ne3A_1862 = arith.constant 0 : i32
        %ne3A_1863 = arith.cmpi ne, %rem3A_1861, %ne3A_1862 : i32
        %and3A_1864 = arith.andi %ne3A_1860, %ne3A_1863 : i1
        %sub3A_1865 = arith.constant 1 : i32
        %sub3A_1866 = arith.subi %div3A_1845, %sub3A_1865 : i32
        %select_n3A_1867 = arith.select %and3A_1864, %sub3A_1866, %div3A_1845 : i32
        %mul3A_1868 = arith.constant 16 : i32
        %mul3A_1869 = arith.muli %select_n3A_1867, %mul3A_1868 : i32
        %add3A_1870 = arith.constant 144 : i32
        %add3A_1871 = arith.addi %mul3A_1459, %add3A_1870 : i32
        %dma_start3A_1872 = arith.constant 0 : i32
        %dma_start3A_1873 = arith.constant 0 : i32
        %dma_start3A_1874 = tpu.memref_slice %arg6[%dma_start3A_1872, %dma_start3A_1873, %add3A_1871] : memref<8x8x512xf32, #tpu.memory_space<vmem>> -> memref<8x8x16xf32, #tpu.memory_space<vmem>>
        %dma_start3A_1875 = arith.constant 0 : i32
        %dma_start3A_1876 = arith.constant 0 : i32
        %dma_start3A_1877 = tpu.memref_slice %arg2[%dma_start3A_1875, %dma_start3A_1876, %mul3A_1869] : memref<8x8x1000000xf32, #tpu.memory_space<hbm>> -> memref<8x8x16xf32, #tpu.memory_space<hbm>>
        %dma_start3A_1878 = arith.constant 0 : i32
        %dma_start3A_1879 = arith.constant 0 : i32
        %dma_start3A_1880 = tpu.memref_slice %arg6[%dma_start3A_1878, %dma_start3A_1879, %add3A_1871] : memref<8x8x512xf32, #tpu.memory_space<vmem>> -> memref<8x8x16xf32, #tpu.memory_space<vmem>>
        %dma_start3A_1881 = arith.constant 0 : i32
        %dma_start3A_1882 = arith.constant 0 : i32
        %dma_start3A_1883 = tpu.memref_slice %arg2[%dma_start3A_1881, %dma_start3A_1882, %mul3A_1869] : memref<8x8x1000000xf32, #tpu.memory_space<hbm>> -> memref<8x8x16xf32, #tpu.memory_space<hbm>>
        tpu.enqueue_dma source(%dma_start3A_1883 : memref<8x8x16xf32, #tpu.memory_space<hbm>>) target(%dma_start3A_1880 : memref<8x8x16xf32, #tpu.memory_space<vmem>>) target_semaphore(%arg8 : memref<!tpu.dma_semaphore, #tpu.memory_space<semaphore_mem>>)
        %slice3A_1884 = vector.extract_strided_slice %get3A_1463 {offsets = [10], sizes = [1], strides = [1]} : vector<16xi32> to vector<1xi32>
        %squeeze3A_1885 = vector.extract %slice3A_1884[0] : i32 from vector<1xi32>
        %jit3A_1886 = arith.constant 16 : i32
        %div3A_1887 = arith.divsi %squeeze3A_1885, %jit3A_1886 : i32
        %sign3A_1888 = arith.constant 0 : i32
        %sign3A_1889 = arith.cmpi sgt, %squeeze3A_1885, %sign3A_1888 : i32
        %sign3A_1890 = arith.extui %sign3A_1889 : i1 to i32
        %sign3A_1891 = arith.constant 0 : i32
        %sign3A_1892 = arith.cmpi slt, %squeeze3A_1885, %sign3A_1891 : i32
        %sign3A_1893 = arith.extui %sign3A_1892 : i1 to i32
        %sign3A_1894 = arith.subi %sign3A_1890, %sign3A_1893 : i32
        %sign3A_1895 = arith.constant 0 : i32
        %sign3A_1896 = arith.cmpi sgt, %jit3A_1886, %sign3A_1895 : i32
        %sign3A_1897 = arith.extui %sign3A_1896 : i1 to i32
        %sign3A_1898 = arith.constant 0 : i32
        %sign3A_1899 = arith.cmpi slt, %jit3A_1886, %sign3A_1898 : i32
        %sign3A_1900 = arith.extui %sign3A_1899 : i1 to i32
        %sign3A_1901 = arith.subi %sign3A_1897, %sign3A_1900 : i32
        %ne3A_1902 = arith.cmpi ne, %sign3A_1894, %sign3A_1901 : i32
        %rem3A_1903 = arith.remsi %squeeze3A_1885, %jit3A_1886 : i32
        %ne3A_1904 = arith.constant 0 : i32
        %ne3A_1905 = arith.cmpi ne, %rem3A_1903, %ne3A_1904 : i32
        %and3A_1906 = arith.andi %ne3A_1902, %ne3A_1905 : i1
        %sub3A_1907 = arith.constant 1 : i32
        %sub3A_1908 = arith.subi %div3A_1887, %sub3A_1907 : i32
        %select_n3A_1909 = arith.select %and3A_1906, %sub3A_1908, %div3A_1887 : i32
        %mul3A_1910 = arith.constant 16 : i32
        %mul3A_1911 = arith.muli %select_n3A_1909, %mul3A_1910 : i32
        %add3A_1912 = arith.constant 160 : i32
        %add3A_1913 = arith.addi %mul3A_1459, %add3A_1912 : i32
        %dma_start3A_1914 = arith.constant 0 : i32
        %dma_start3A_1915 = arith.constant 0 : i32
        %dma_start3A_1916 = tpu.memref_slice %arg6[%dma_start3A_1914, %dma_start3A_1915, %add3A_1913] : memref<8x8x512xf32, #tpu.memory_space<vmem>> -> memref<8x8x16xf32, #tpu.memory_space<vmem>>
        %dma_start3A_1917 = arith.constant 0 : i32
        %dma_start3A_1918 = arith.constant 0 : i32
        %dma_start3A_1919 = tpu.memref_slice %arg2[%dma_start3A_1917, %dma_start3A_1918, %mul3A_1911] : memref<8x8x1000000xf32, #tpu.memory_space<hbm>> -> memref<8x8x16xf32, #tpu.memory_space<hbm>>
        %dma_start3A_1920 = arith.constant 0 : i32
        %dma_start3A_1921 = arith.constant 0 : i32
        %dma_start3A_1922 = tpu.memref_slice %arg6[%dma_start3A_1920, %dma_start3A_1921, %add3A_1913] : memref<8x8x512xf32, #tpu.memory_space<vmem>> -> memref<8x8x16xf32, #tpu.memory_space<vmem>>
        %dma_start3A_1923 = arith.constant 0 : i32
        %dma_start3A_1924 = arith.constant 0 : i32
        %dma_start3A_1925 = tpu.memref_slice %arg2[%dma_start3A_1923, %dma_start3A_1924, %mul3A_1911] : memref<8x8x1000000xf32, #tpu.memory_space<hbm>> -> memref<8x8x16xf32, #tpu.memory_space<hbm>>
        tpu.enqueue_dma source(%dma_start3A_1925 : memref<8x8x16xf32, #tpu.memory_space<hbm>>) target(%dma_start3A_1922 : memref<8x8x16xf32, #tpu.memory_space<vmem>>) target_semaphore(%arg8 : memref<!tpu.dma_semaphore, #tpu.memory_space<semaphore_mem>>)
        %slice3A_1926 = vector.extract_strided_slice %get3A_1463 {offsets = [11], sizes = [1], strides = [1]} : vector<16xi32> to vector<1xi32>
        %squeeze3A_1927 = vector.extract %slice3A_1926[0] : i32 from vector<1xi32>
        %jit3A_1928 = arith.constant 16 : i32
        %div3A_1929 = arith.divsi %squeeze3A_1927, %jit3A_1928 : i32
        %sign3A_1930 = arith.constant 0 : i32
        %sign3A_1931 = arith.cmpi sgt, %squeeze3A_1927, %sign3A_1930 : i32
        %sign3A_1932 = arith.extui %sign3A_1931 : i1 to i32
        %sign3A_1933 = arith.constant 0 : i32
        %sign3A_1934 = arith.cmpi slt, %squeeze3A_1927, %sign3A_1933 : i32
        %sign3A_1935 = arith.extui %sign3A_1934 : i1 to i32
        %sign3A_1936 = arith.subi %sign3A_1932, %sign3A_1935 : i32
        %sign3A_1937 = arith.constant 0 : i32
        %sign3A_1938 = arith.cmpi sgt, %jit3A_1928, %sign3A_1937 : i32
        %sign3A_1939 = arith.extui %sign3A_1938 : i1 to i32
        %sign3A_1940 = arith.constant 0 : i32
        %sign3A_1941 = arith.cmpi slt, %jit3A_1928, %sign3A_1940 : i32
        %sign3A_1942 = arith.extui %sign3A_1941 : i1 to i32
        %sign3A_1943 = arith.subi %sign3A_1939, %sign3A_1942 : i32
        %ne3A_1944 = arith.cmpi ne, %sign3A_1936, %sign3A_1943 : i32
        %rem3A_1945 = arith.remsi %squeeze3A_1927, %jit3A_1928 : i32
        %ne3A_1946 = arith.constant 0 : i32
        %ne3A_1947 = arith.cmpi ne, %rem3A_1945, %ne3A_1946 : i32
        %and3A_1948 = arith.andi %ne3A_1944, %ne3A_1947 : i1
        %sub3A_1949 = arith.constant 1 : i32
        %sub3A_1950 = arith.subi %div3A_1929, %sub3A_1949 : i32
        %select_n3A_1951 = arith.select %and3A_1948, %sub3A_1950, %div3A_1929 : i32
        %mul3A_1952 = arith.constant 16 : i32
        %mul3A_1953 = arith.muli %select_n3A_1951, %mul3A_1952 : i32
        %add3A_1954 = arith.constant 176 : i32
        %add3A_1955 = arith.addi %mul3A_1459, %add3A_1954 : i32
        %dma_start3A_1956 = arith.constant 0 : i32
        %dma_start3A_1957 = arith.constant 0 : i32
        %dma_start3A_1958 = tpu.memref_slice %arg6[%dma_start3A_1956, %dma_start3A_1957, %add3A_1955] : memref<8x8x512xf32, #tpu.memory_space<vmem>> -> memref<8x8x16xf32, #tpu.memory_space<vmem>>
        %dma_start3A_1959 = arith.constant 0 : i32
        %dma_start3A_1960 = arith.constant 0 : i32
        %dma_start3A_1961 = tpu.memref_slice %arg2[%dma_start3A_1959, %dma_start3A_1960, %mul3A_1953] : memref<8x8x1000000xf32, #tpu.memory_space<hbm>> -> memref<8x8x16xf32, #tpu.memory_space<hbm>>
        %dma_start3A_1962 = arith.constant 0 : i32
        %dma_start3A_1963 = arith.constant 0 : i32
        %dma_start3A_1964 = tpu.memref_slice %arg6[%dma_start3A_1962, %dma_start3A_1963, %add3A_1955] : memref<8x8x512xf32, #tpu.memory_space<vmem>> -> memref<8x8x16xf32, #tpu.memory_space<vmem>>
        %dma_start3A_1965 = arith.constant 0 : i32
        %dma_start3A_1966 = arith.constant 0 : i32
        %dma_start3A_1967 = tpu.memref_slice %arg2[%dma_start3A_1965, %dma_start3A_1966, %mul3A_1953] : memref<8x8x1000000xf32, #tpu.memory_space<hbm>> -> memref<8x8x16xf32, #tpu.memory_space<hbm>>
        tpu.enqueue_dma source(%dma_start3A_1967 : memref<8x8x16xf32, #tpu.memory_space<hbm>>) target(%dma_start3A_1964 : memref<8x8x16xf32, #tpu.memory_space<vmem>>) target_semaphore(%arg8 : memref<!tpu.dma_semaphore, #tpu.memory_space<semaphore_mem>>)
        %slice3A_1968 = vector.extract_strided_slice %get3A_1463 {offsets = [12], sizes = [1], strides = [1]} : vector<16xi32> to vector<1xi32>
        %squeeze3A_1969 = vector.extract %slice3A_1968[0] : i32 from vector<1xi32>
        %jit3A_1970 = arith.constant 16 : i32
        %div3A_1971 = arith.divsi %squeeze3A_1969, %jit3A_1970 : i32
        %sign3A_1972 = arith.constant 0 : i32
        %sign3A_1973 = arith.cmpi sgt, %squeeze3A_1969, %sign3A_1972 : i32
        %sign3A_1974 = arith.extui %sign3A_1973 : i1 to i32
        %sign3A_1975 = arith.constant 0 : i32
        %sign3A_1976 = arith.cmpi slt, %squeeze3A_1969, %sign3A_1975 : i32
        %sign3A_1977 = arith.extui %sign3A_1976 : i1 to i32
        %sign3A_1978 = arith.subi %sign3A_1974, %sign3A_1977 : i32
        %sign3A_1979 = arith.constant 0 : i32
        %sign3A_1980 = arith.cmpi sgt, %jit3A_1970, %sign3A_1979 : i32
        %sign3A_1981 = arith.extui %sign3A_1980 : i1 to i32
        %sign3A_1982 = arith.constant 0 : i32
        %sign3A_1983 = arith.cmpi slt, %jit3A_1970, %sign3A_1982 : i32
        %sign3A_1984 = arith.extui %sign3A_1983 : i1 to i32
        %sign3A_1985 = arith.subi %sign3A_1981, %sign3A_1984 : i32
        %ne3A_1986 = arith.cmpi ne, %sign3A_1978, %sign3A_1985 : i32
        %rem3A_1987 = arith.remsi %squeeze3A_1969, %jit3A_1970 : i32
        %ne3A_1988 = arith.constant 0 : i32
        %ne3A_1989 = arith.cmpi ne, %rem3A_1987, %ne3A_1988 : i32
        %and3A_1990 = arith.andi %ne3A_1986, %ne3A_1989 : i1
        %sub3A_1991 = arith.constant 1 : i32
        %sub3A_1992 = arith.subi %div3A_1971, %sub3A_1991 : i32
        %select_n3A_1993 = arith.select %and3A_1990, %sub3A_1992, %div3A_1971 : i32
        %mul3A_1994 = arith.constant 16 : i32
        %mul3A_1995 = arith.muli %select_n3A_1993, %mul3A_1994 : i32
        %add3A_1996 = arith.constant 192 : i32
        %add3A_1997 = arith.addi %mul3A_1459, %add3A_1996 : i32
        %dma_start3A_1998 = arith.constant 0 : i32
        %dma_start3A_1999 = arith.constant 0 : i32
        %dma_start3A_2000 = tpu.memref_slice %arg6[%dma_start3A_1998, %dma_start3A_1999, %add3A_1997] : memref<8x8x512xf32, #tpu.memory_space<vmem>> -> memref<8x8x16xf32, #tpu.memory_space<vmem>>
        %dma_start3A_2001 = arith.constant 0 : i32
        %dma_start3A_2002 = arith.constant 0 : i32
        %dma_start3A_2003 = tpu.memref_slice %arg2[%dma_start3A_2001, %dma_start3A_2002, %mul3A_1995] : memref<8x8x1000000xf32, #tpu.memory_space<hbm>> -> memref<8x8x16xf32, #tpu.memory_space<hbm>>
        %dma_start3A_2004 = arith.constant 0 : i32
        %dma_start3A_2005 = arith.constant 0 : i32
        %dma_start3A_2006 = tpu.memref_slice %arg6[%dma_start3A_2004, %dma_start3A_2005, %add3A_1997] : memref<8x8x512xf32, #tpu.memory_space<vmem>> -> memref<8x8x16xf32, #tpu.memory_space<vmem>>
        %dma_start3A_2007 = arith.constant 0 : i32
        %dma_start3A_2008 = arith.constant 0 : i32
        %dma_start3A_2009 = tpu.memref_slice %arg2[%dma_start3A_2007, %dma_start3A_2008, %mul3A_1995] : memref<8x8x1000000xf32, #tpu.memory_space<hbm>> -> memref<8x8x16xf32, #tpu.memory_space<hbm>>
        tpu.enqueue_dma source(%dma_start3A_2009 : memref<8x8x16xf32, #tpu.memory_space<hbm>>) target(%dma_start3A_2006 : memref<8x8x16xf32, #tpu.memory_space<vmem>>) target_semaphore(%arg8 : memref<!tpu.dma_semaphore, #tpu.memory_space<semaphore_mem>>)
        %slice3A_2010 = vector.extract_strided_slice %get3A_1463 {offsets = [13], sizes = [1], strides = [1]} : vector<16xi32> to vector<1xi32>
        %squeeze3A_2011 = vector.extract %slice3A_2010[0] : i32 from vector<1xi32>
        %jit3A_2012 = arith.constant 16 : i32
        %div3A_2013 = arith.divsi %squeeze3A_2011, %jit3A_2012 : i32
        %sign3A_2014 = arith.constant 0 : i32
        %sign3A_2015 = arith.cmpi sgt, %squeeze3A_2011, %sign3A_2014 : i32
        %sign3A_2016 = arith.extui %sign3A_2015 : i1 to i32
        %sign3A_2017 = arith.constant 0 : i32
        %sign3A_2018 = arith.cmpi slt, %squeeze3A_2011, %sign3A_2017 : i32
        %sign3A_2019 = arith.extui %sign3A_2018 : i1 to i32
        %sign3A_2020 = arith.subi %sign3A_2016, %sign3A_2019 : i32
        %sign3A_2021 = arith.constant 0 : i32
        %sign3A_2022 = arith.cmpi sgt, %jit3A_2012, %sign3A_2021 : i32
        %sign3A_2023 = arith.extui %sign3A_2022 : i1 to i32
        %sign3A_2024 = arith.constant 0 : i32
        %sign3A_2025 = arith.cmpi slt, %jit3A_2012, %sign3A_2024 : i32
        %sign3A_2026 = arith.extui %sign3A_2025 : i1 to i32
        %sign3A_2027 = arith.subi %sign3A_2023, %sign3A_2026 : i32
        %ne3A_2028 = arith.cmpi ne, %sign3A_2020, %sign3A_2027 : i32
        %rem3A_2029 = arith.remsi %squeeze3A_2011, %jit3A_2012 : i32
        %ne3A_2030 = arith.constant 0 : i32
        %ne3A_2031 = arith.cmpi ne, %rem3A_2029, %ne3A_2030 : i32
        %and3A_2032 = arith.andi %ne3A_2028, %ne3A_2031 : i1
        %sub3A_2033 = arith.constant 1 : i32
        %sub3A_2034 = arith.subi %div3A_2013, %sub3A_2033 : i32
        %select_n3A_2035 = arith.select %and3A_2032, %sub3A_2034, %div3A_2013 : i32
        %mul3A_2036 = arith.constant 16 : i32
        %mul3A_2037 = arith.muli %select_n3A_2035, %mul3A_2036 : i32
        %add3A_2038 = arith.constant 208 : i32
        %add3A_2039 = arith.addi %mul3A_1459, %add3A_2038 : i32
        %dma_start3A_2040 = arith.constant 0 : i32
        %dma_start3A_2041 = arith.constant 0 : i32
        %dma_start3A_2042 = tpu.memref_slice %arg6[%dma_start3A_2040, %dma_start3A_2041, %add3A_2039] : memref<8x8x512xf32, #tpu.memory_space<vmem>> -> memref<8x8x16xf32, #tpu.memory_space<vmem>>
        %dma_start3A_2043 = arith.constant 0 : i32
        %dma_start3A_2044 = arith.constant 0 : i32
        %dma_start3A_2045 = tpu.memref_slice %arg2[%dma_start3A_2043, %dma_start3A_2044, %mul3A_2037] : memref<8x8x1000000xf32, #tpu.memory_space<hbm>> -> memref<8x8x16xf32, #tpu.memory_space<hbm>>
        %dma_start3A_2046 = arith.constant 0 : i32
        %dma_start3A_2047 = arith.constant 0 : i32
        %dma_start3A_2048 = tpu.memref_slice %arg6[%dma_start3A_2046, %dma_start3A_2047, %add3A_2039] : memref<8x8x512xf32, #tpu.memory_space<vmem>> -> memref<8x8x16xf32, #tpu.memory_space<vmem>>
        %dma_start3A_2049 = arith.constant 0 : i32
        %dma_start3A_2050 = arith.constant 0 : i32
        %dma_start3A_2051 = tpu.memref_slice %arg2[%dma_start3A_2049, %dma_start3A_2050, %mul3A_2037] : memref<8x8x1000000xf32, #tpu.memory_space<hbm>> -> memref<8x8x16xf32, #tpu.memory_space<hbm>>
        tpu.enqueue_dma source(%dma_start3A_2051 : memref<8x8x16xf32, #tpu.memory_space<hbm>>) target(%dma_start3A_2048 : memref<8x8x16xf32, #tpu.memory_space<vmem>>) target_semaphore(%arg8 : memref<!tpu.dma_semaphore, #tpu.memory_space<semaphore_mem>>)
        %slice3A_2052 = vector.extract_strided_slice %get3A_1463 {offsets = [14], sizes = [1], strides = [1]} : vector<16xi32> to vector<1xi32>
        %squeeze3A_2053 = vector.extract %slice3A_2052[0] : i32 from vector<1xi32>
        %jit3A_2054 = arith.constant 16 : i32
        %div3A_2055 = arith.divsi %squeeze3A_2053, %jit3A_2054 : i32
        %sign3A_2056 = arith.constant 0 : i32
        %sign3A_2057 = arith.cmpi sgt, %squeeze3A_2053, %sign3A_2056 : i32
        %sign3A_2058 = arith.extui %sign3A_2057 : i1 to i32
        %sign3A_2059 = arith.constant 0 : i32
        %sign3A_2060 = arith.cmpi slt, %squeeze3A_2053, %sign3A_2059 : i32
        %sign3A_2061 = arith.extui %sign3A_2060 : i1 to i32
        %sign3A_2062 = arith.subi %sign3A_2058, %sign3A_2061 : i32
        %sign3A_2063 = arith.constant 0 : i32
        %sign3A_2064 = arith.cmpi sgt, %jit3A_2054, %sign3A_2063 : i32
        %sign3A_2065 = arith.extui %sign3A_2064 : i1 to i32
        %sign3A_2066 = arith.constant 0 : i32
        %sign3A_2067 = arith.cmpi slt, %jit3A_2054, %sign3A_2066 : i32
        %sign3A_2068 = arith.extui %sign3A_2067 : i1 to i32
        %sign3A_2069 = arith.subi %sign3A_2065, %sign3A_2068 : i32
        %ne3A_2070 = arith.cmpi ne, %sign3A_2062, %sign3A_2069 : i32
        %rem3A_2071 = arith.remsi %squeeze3A_2053, %jit3A_2054 : i32
        %ne3A_2072 = arith.constant 0 : i32
        %ne3A_2073 = arith.cmpi ne, %rem3A_2071, %ne3A_2072 : i32
        %and3A_2074 = arith.andi %ne3A_2070, %ne3A_2073 : i1
        %sub3A_2075 = arith.constant 1 : i32
        %sub3A_2076 = arith.subi %div3A_2055, %sub3A_2075 : i32
        %select_n3A_2077 = arith.select %and3A_2074, %sub3A_2076, %div3A_2055 : i32
        %mul3A_2078 = arith.constant 16 : i32
        %mul3A_2079 = arith.muli %select_n3A_2077, %mul3A_2078 : i32
        %add3A_2080 = arith.constant 224 : i32
        %add3A_2081 = arith.addi %mul3A_1459, %add3A_2080 : i32
        %dma_start3A_2082 = arith.constant 0 : i32
        %dma_start3A_2083 = arith.constant 0 : i32
        %dma_start3A_2084 = tpu.memref_slice %arg6[%dma_start3A_2082, %dma_start3A_2083, %add3A_2081] : memref<8x8x512xf32, #tpu.memory_space<vmem>> -> memref<8x8x16xf32, #tpu.memory_space<vmem>>
        %dma_start3A_2085 = arith.constant 0 : i32
        %dma_start3A_2086 = arith.constant 0 : i32
        %dma_start3A_2087 = tpu.memref_slice %arg2[%dma_start3A_2085, %dma_start3A_2086, %mul3A_2079] : memref<8x8x1000000xf32, #tpu.memory_space<hbm>> -> memref<8x8x16xf32, #tpu.memory_space<hbm>>
        %dma_start3A_2088 = arith.constant 0 : i32
        %dma_start3A_2089 = arith.constant 0 : i32
        %dma_start3A_2090 = tpu.memref_slice %arg6[%dma_start3A_2088, %dma_start3A_2089, %add3A_2081] : memref<8x8x512xf32, #tpu.memory_space<vmem>> -> memref<8x8x16xf32, #tpu.memory_space<vmem>>
        %dma_start3A_2091 = arith.constant 0 : i32
        %dma_start3A_2092 = arith.constant 0 : i32
        %dma_start3A_2093 = tpu.memref_slice %arg2[%dma_start3A_2091, %dma_start3A_2092, %mul3A_2079] : memref<8x8x1000000xf32, #tpu.memory_space<hbm>> -> memref<8x8x16xf32, #tpu.memory_space<hbm>>
        tpu.enqueue_dma source(%dma_start3A_2093 : memref<8x8x16xf32, #tpu.memory_space<hbm>>) target(%dma_start3A_2090 : memref<8x8x16xf32, #tpu.memory_space<vmem>>) target_semaphore(%arg8 : memref<!tpu.dma_semaphore, #tpu.memory_space<semaphore_mem>>)
        %slice3A_2094 = vector.extract_strided_slice %get3A_1463 {offsets = [15], sizes = [1], strides = [1]} : vector<16xi32> to vector<1xi32>
        %squeeze3A_2095 = vector.extract %slice3A_2094[0] : i32 from vector<1xi32>
        %jit3A_2096 = arith.constant 16 : i32
        %div3A_2097 = arith.divsi %squeeze3A_2095, %jit3A_2096 : i32
        %sign3A_2098 = arith.constant 0 : i32
        %sign3A_2099 = arith.cmpi sgt, %squeeze3A_2095, %sign3A_2098 : i32
        %sign3A_2100 = arith.extui %sign3A_2099 : i1 to i32
        %sign3A_2101 = arith.constant 0 : i32
        %sign3A_2102 = arith.cmpi slt, %squeeze3A_2095, %sign3A_2101 : i32
        %sign3A_2103 = arith.extui %sign3A_2102 : i1 to i32
        %sign3A_2104 = arith.subi %sign3A_2100, %sign3A_2103 : i32
        %sign3A_2105 = arith.constant 0 : i32
        %sign3A_2106 = arith.cmpi sgt, %jit3A_2096, %sign3A_2105 : i32
        %sign3A_2107 = arith.extui %sign3A_2106 : i1 to i32
        %sign3A_2108 = arith.constant 0 : i32
        %sign3A_2109 = arith.cmpi slt, %jit3A_2096, %sign3A_2108 : i32
        %sign3A_2110 = arith.extui %sign3A_2109 : i1 to i32
        %sign3A_2111 = arith.subi %sign3A_2107, %sign3A_2110 : i32
        %ne3A_2112 = arith.cmpi ne, %sign3A_2104, %sign3A_2111 : i32
        %rem3A_2113 = arith.remsi %squeeze3A_2095, %jit3A_2096 : i32
        %ne3A_2114 = arith.constant 0 : i32
        %ne3A_2115 = arith.cmpi ne, %rem3A_2113, %ne3A_2114 : i32
        %and3A_2116 = arith.andi %ne3A_2112, %ne3A_2115 : i1
        %sub3A_2117 = arith.constant 1 : i32
        %sub3A_2118 = arith.subi %div3A_2097, %sub3A_2117 : i32
        %select_n3A_2119 = arith.select %and3A_2116, %sub3A_2118, %div3A_2097 : i32
        %mul3A_2120 = arith.constant 16 : i32
        %mul3A_2121 = arith.muli %select_n3A_2119, %mul3A_2120 : i32
        %add3A_2122 = arith.constant 240 : i32
        %add3A_2123 = arith.addi %mul3A_1459, %add3A_2122 : i32
        %dma_start3A_2124 = arith.constant 0 : i32
        %dma_start3A_2125 = arith.constant 0 : i32
        %dma_start3A_2126 = tpu.memref_slice %arg6[%dma_start3A_2124, %dma_start3A_2125, %add3A_2123] : memref<8x8x512xf32, #tpu.memory_space<vmem>> -> memref<8x8x16xf32, #tpu.memory_space<vmem>>
        %dma_start3A_2127 = arith.constant 0 : i32
        %dma_start3A_2128 = arith.constant 0 : i32
        %dma_start3A_2129 = tpu.memref_slice %arg2[%dma_start3A_2127, %dma_start3A_2128, %mul3A_2121] : memref<8x8x1000000xf32, #tpu.memory_space<hbm>> -> memref<8x8x16xf32, #tpu.memory_space<hbm>>
        %dma_start3A_2130 = arith.constant 0 : i32
        %dma_start3A_2131 = arith.constant 0 : i32
        %dma_start3A_2132 = tpu.memref_slice %arg6[%dma_start3A_2130, %dma_start3A_2131, %add3A_2123] : memref<8x8x512xf32, #tpu.memory_space<vmem>> -> memref<8x8x16xf32, #tpu.memory_space<vmem>>
        %dma_start3A_2133 = arith.constant 0 : i32
        %dma_start3A_2134 = arith.constant 0 : i32
        %dma_start3A_2135 = tpu.memref_slice %arg2[%dma_start3A_2133, %dma_start3A_2134, %mul3A_2121] : memref<8x8x1000000xf32, #tpu.memory_space<hbm>> -> memref<8x8x16xf32, #tpu.memory_space<hbm>>
        tpu.enqueue_dma source(%dma_start3A_2135 : memref<8x8x16xf32, #tpu.memory_space<hbm>>) target(%dma_start3A_2132 : memref<8x8x16xf32, #tpu.memory_space<vmem>>) target_semaphore(%arg8 : memref<!tpu.dma_semaphore, #tpu.memory_space<semaphore_mem>>)
      } else {
      }
      %dma_wait3A = arith.constant 0 : i32
      %dma_wait3A_675 = arith.constant 0 : i32
      %dma_wait3A_676 = arith.constant 0 : i32
      %dma_wait3A_677 = tpu.memref_slice %arg6[%dma_wait3A, %dma_wait3A_675, %dma_wait3A_676] : memref<8x8x512xf32, #tpu.memory_space<vmem>> -> memref<8x8x256xf32, #tpu.memory_space<vmem>>
      %dma_wait3A_678 = arith.constant 0 : i32
      %dma_wait3A_679 = arith.constant 0 : i32
      %dma_wait3A_680 = arith.constant 0 : i32
      %dma_wait3A_681 = tpu.memref_slice %arg2[%dma_wait3A_678, %dma_wait3A_679, %dma_wait3A_680] : memref<8x8x1000000xf32, #tpu.memory_space<hbm>> -> memref<8x8x256xf32, #tpu.memory_space<hbm>>
      %dma_wait3A_682 = arith.constant 0 : i32
      %dma_wait3A_683 = arith.constant 0 : i32
      %dma_wait3A_684 = arith.constant 0 : i32
      %dma_wait3A_685 = tpu.memref_slice %arg6[%dma_wait3A_682, %dma_wait3A_683, %dma_wait3A_684] : memref<8x8x512xf32, #tpu.memory_space<vmem>> -> memref<8x8x256xf32, #tpu.memory_space<vmem>>
      %dma_wait3A_686 = arith.constant 0 : i32
      %dma_wait3A_687 = arith.constant 0 : i32
      %dma_wait3A_688 = arith.constant 0 : i32
      %dma_wait3A_689 = tpu.memref_slice %arg2[%dma_wait3A_686, %dma_wait3A_687, %dma_wait3A_688] : memref<8x8x1000000xf32, #tpu.memory_space<hbm>> -> memref<8x8x256xf32, #tpu.memory_space<hbm>>
      tpu.wait_dma2 semaphore(%arg8 : memref<!tpu.dma_semaphore, #tpu.memory_space<semaphore_mem>>) src(%dma_wait3A_689 : memref<8x8x256xf32, #tpu.memory_space<hbm>>) dst(%dma_wait3A_685 : memref<8x8x256xf32, #tpu.memory_space<vmem>>)
      %jit3A_690 = arith.constant 2 : i32
      %eq3A = arith.constant 0 : i32
      %eq3A_691 = arith.cmpi eq, %jit3A_690, %eq3A : i32
      %jit3A_692 = arith.constant 1 : i32
      %select_n3A_693 = arith.select %eq3A_691, %jit3A_692, %jit3A_690 : i32
      %rem3A_694 = arith.remsi %scan3A_670, %select_n3A_693 : i32
      %ne3A_695 = arith.constant 0 : i32
      %ne3A_696 = arith.cmpi ne, %rem3A_694, %ne3A_695 : i32
      %lt3A_697 = arith.constant 0 : i32
      %lt3A_698 = arith.cmpi slt, %rem3A_694, %lt3A_697 : i32
      %lt3A_699 = arith.constant 0 : i32
      %lt3A_700 = arith.cmpi slt, %select_n3A_693, %lt3A_699 : i32
      %ne3A_701 = arith.xori %lt3A_698, %lt3A_700 : i1
      %and3A_702 = arith.andi %ne3A_701, %ne3A_696 : i1
      %add3A_703 = arith.addi %rem3A_694, %select_n3A_693 : i32
      %select_n3A_704 = arith.select %and3A_702, %add3A_703, %rem3A_694 : i32
      %mul3A_705 = arith.constant 256 : i32
      %mul3A_706 = arith.muli %select_n3A_704, %mul3A_705 : i32
      %mul3A_707 = arith.constant 16 : i32
      %mul3A_708 = arith.muli %scan3A_670, %mul3A_707 : i32
      %get3A_709 = arith.index_cast %mul3A_708 : i32 to index
      %get3A_710 = tpu.vector_load %arg5[%get3A_709] {strides = array<i32>} : memref<512xi32, #tpu.memory_space<vmem>>, vector<16xi32>,
      %mul3A_711 = arith.constant 16 : i32
      %mul3A_712 = vector.broadcast %mul3A_711 : i32 to vector<16xi32>
      %mul3A_713 = arith.muli %iota3A, %mul3A_712 : vector<16xi32>
      %add3A_714 = vector.broadcast %mul3A_706 : i32 to vector<16xi32>
      %add3A_715 = arith.addi %add3A_714, %mul3A_713 : vector<16xi32>
      %jit3A_716 = arith.constant 16 : i32
      %eq3A_717 = arith.constant 0 : i32
      %eq3A_718 = arith.cmpi eq, %jit3A_716, %eq3A_717 : i32
      %jit3A_719 = arith.constant 1 : i32
      %select_n3A_720 = arith.select %eq3A_718, %jit3A_719, %jit3A_716 : i32
      %rem3A_721 = vector.broadcast %select_n3A_720 : i32 to vector<16xi32>
      %rem3A_722 = arith.remsi %get3A_710, %rem3A_721 : vector<16xi32>
      %ne3A_723 = arith.constant 0 : i32
      %ne3A_724 = vector.broadcast %ne3A_723 : i32 to vector<16xi32>
      %ne3A_725 = arith.cmpi ne, %rem3A_722, %ne3A_724 : vector<16xi32>
      %lt3A_726 = arith.constant 0 : i32
      %lt3A_727 = vector.broadcast %lt3A_726 : i32 to vector<16xi32>
      %lt3A_728 = arith.cmpi slt, %rem3A_722, %lt3A_727 : vector<16xi32>
      %lt3A_729 = arith.constant 0 : i32
      %lt3A_730 = arith.cmpi slt, %select_n3A_720, %lt3A_729 : i32
      %ne3A_731 = vector.broadcast %lt3A_730 : i1 to vector<16xi1>
      %ne3A_732 = vector.broadcast %ne3A_731 : vector<16xi1> to vector<16xi1>
      %ne3A_733 = arith.xori %lt3A_728, %ne3A_732 : vector<16xi1>
      %and3A_734 = arith.andi %ne3A_733, %ne3A_725 : vector<16xi1>
      %add3A_735 = vector.broadcast %select_n3A_720 : i32 to vector<16xi32>
      %add3A_736 = arith.addi %rem3A_722, %add3A_735 : vector<16xi32>
      %select_n3A_737 = arith.select %and3A_734, %add3A_736, %rem3A_722 : vector<16xi1>, vector<16xi32>
      %add3A_738 = arith.addi %add3A_715, %select_n3A_737 : vector<16xi32>
      %broadcast_in_dim3A = arith.constant 0 : i32
      %broadcast_in_dim3A_739 = vector.broadcast %broadcast_in_dim3A : i32 to vector<16xi32>
      %broadcast_in_dim3A_740 = arith.constant 0 : i32
      %broadcast_in_dim3A_741 = vector.broadcast %broadcast_in_dim3A_740 : i32 to vector<16xi32>
      %gather3A = tpu.vector_load_idx %arg6[%broadcast_in_dim3A_739, %broadcast_in_dim3A_741, %add3A_738] : memref<8x8x512xf32, #tpu.memory_space<vmem>>[vector<16xi32>, vector<16xi32>, vector<16xi32>], vector<16xf32>,
      %mul3A_742 = arith.constant 16 : i32
      %mul3A_743 = arith.muli %scan3A_670, %mul3A_742 : i32
      %swap3A = arith.constant 0 : i32
      %swap3A_744 = arith.index_cast %swap3A : i32 to index
      %swap3A_745 = arith.index_cast %mul3A_743 : i32 to index
      %swap3A_746 = tpu.vector_load %arg7[%swap3A_744, %swap3A_745] {strides = array<i32>} : memref<64x512xf32, #tpu.memory_space<vmem>>, vector<16xf32>,
      tpu.vector_store %arg7[%swap3A_744, %swap3A_745], %gather3A {strides = array<i32>} : memref<64x512xf32, #tpu.memory_space<vmem>>, vector<16xf32>,
      %broadcast_in_dim3A_747 = arith.constant 0 : i32
      %broadcast_in_dim3A_748 = vector.broadcast %broadcast_in_dim3A_747 : i32 to vector<16xi32>
      %broadcast_in_dim3A_749 = arith.constant 1 : i32
      %broadcast_in_dim3A_750 = vector.broadcast %broadcast_in_dim3A_749 : i32 to vector<16xi32>
      %gather3A_751 = tpu.vector_load_idx %arg6[%broadcast_in_dim3A_748, %broadcast_in_dim3A_750, %add3A_738] : memref<8x8x512xf32, #tpu.memory_space<vmem>>[vector<16xi32>, vector<16xi32>, vector<16xi32>], vector<16xf32>,
      %mul3A_752 = arith.constant 16 : i32
      %mul3A_753 = arith.muli %scan3A_670, %mul3A_752 : i32
      %swap3A_754 = arith.constant 1 : i32
      %swap3A_755 = arith.index_cast %swap3A_754 : i32 to index
      %swap3A_756 = arith.index_cast %mul3A_753 : i32 to index
      %swap3A_757 = tpu.vector_load %arg7[%swap3A_755, %swap3A_756] {strides = array<i32>} : memref<64x512xf32, #tpu.memory_space<vmem>>, vector<16xf32>,
      tpu.vector_store %arg7[%swap3A_755, %swap3A_756], %gather3A_751 {strides = array<i32>} : memref<64x512xf32, #tpu.memory_space<vmem>>, vector<16xf32>,
      %broadcast_in_dim3A_758 = arith.constant 0 : i32
      %broadcast_in_dim3A_759 = vector.broadcast %broadcast_in_dim3A_758 : i32 to vector<16xi32>
      %broadcast_in_dim3A_760 = arith.constant 2 : i32
      %broadcast_in_dim3A_761 = vector.broadcast %broadcast_in_dim3A_760 : i32 to vector<16xi32>
      %gather3A_762 = tpu.vector_load_idx %arg6[%broadcast_in_dim3A_759, %broadcast_in_dim3A_761, %add3A_738] : memref<8x8x512xf32, #tpu.memory_space<vmem>>[vector<16xi32>, vector<16xi32>, vector<16xi32>], vector<16xf32>,
      %mul3A_763 = arith.constant 16 : i32
      %mul3A_764 = arith.muli %scan3A_670, %mul3A_763 : i32
      %swap3A_765 = arith.constant 2 : i32
      %swap3A_766 = arith.index_cast %swap3A_765 : i32 to index
      %swap3A_767 = arith.index_cast %mul3A_764 : i32 to index
      %swap3A_768 = tpu.vector_load %arg7[%swap3A_766, %swap3A_767] {strides = array<i32>} : memref<64x512xf32, #tpu.memory_space<vmem>>, vector<16xf32>,
      tpu.vector_store %arg7[%swap3A_766, %swap3A_767], %gather3A_762 {strides = array<i32>} : memref<64x512xf32, #tpu.memory_space<vmem>>, vector<16xf32>,
      %broadcast_in_dim3A_769 = arith.constant 0 : i32
      %broadcast_in_dim3A_770 = vector.broadcast %broadcast_in_dim3A_769 : i32 to vector<16xi32>
      %broadcast_in_dim3A_771 = arith.constant 3 : i32
      %broadcast_in_dim3A_772 = vector.broadcast %broadcast_in_dim3A_771 : i32 to vector<16xi32>
      %gather3A_773 = tpu.vector_load_idx %arg6[%broadcast_in_dim3A_770, %broadcast_in_dim3A_772, %add3A_738] : memref<8x8x512xf32, #tpu.memory_space<vmem>>[vector<16xi32>, vector<16xi32>, vector<16xi32>], vector<16xf32>,
      %mul3A_774 = arith.constant 16 : i32
      %mul3A_775 = arith.muli %scan3A_670, %mul3A_774 : i32
      %swap3A_776 = arith.constant 3 : i32
      %swap3A_777 = arith.index_cast %swap3A_776 : i32 to index
      %swap3A_778 = arith.index_cast %mul3A_775 : i32 to index
      %swap3A_779 = tpu.vector_load %arg7[%swap3A_777, %swap3A_778] {strides = array<i32>} : memref<64x512xf32, #tpu.memory_space<vmem>>, vector<16xf32>,
      tpu.vector_store %arg7[%swap3A_777, %swap3A_778], %gather3A_773 {strides = array<i32>} : memref<64x512xf32, #tpu.memory_space<vmem>>, vector<16xf32>,
      %broadcast_in_dim3A_780 = arith.constant 0 : i32
      %broadcast_in_dim3A_781 = vector.broadcast %broadcast_in_dim3A_780 : i32 to vector<16xi32>
      %broadcast_in_dim3A_782 = arith.constant 4 : i32
      %broadcast_in_dim3A_783 = vector.broadcast %broadcast_in_dim3A_782 : i32 to vector<16xi32>
      %gather3A_784 = tpu.vector_load_idx %arg6[%broadcast_in_dim3A_781, %broadcast_in_dim3A_783, %add3A_738] : memref<8x8x512xf32, #tpu.memory_space<vmem>>[vector<16xi32>, vector<16xi32>, vector<16xi32>], vector<16xf32>,
      %mul3A_785 = arith.constant 16 : i32
      %mul3A_786 = arith.muli %scan3A_670, %mul3A_785 : i32
      %swap3A_787 = arith.constant 4 : i32
      %swap3A_788 = arith.index_cast %swap3A_787 : i32 to index
      %swap3A_789 = arith.index_cast %mul3A_786 : i32 to index
      %swap3A_790 = tpu.vector_load %arg7[%swap3A_788, %swap3A_789] {strides = array<i32>} : memref<64x512xf32, #tpu.memory_space<vmem>>, vector<16xf32>,
      tpu.vector_store %arg7[%swap3A_788, %swap3A_789], %gather3A_784 {strides = array<i32>} : memref<64x512xf32, #tpu.memory_space<vmem>>, vector<16xf32>,
      %broadcast_in_dim3A_791 = arith.constant 0 : i32
      %broadcast_in_dim3A_792 = vector.broadcast %broadcast_in_dim3A_791 : i32 to vector<16xi32>
      %broadcast_in_dim3A_793 = arith.constant 5 : i32
      %broadcast_in_dim3A_794 = vector.broadcast %broadcast_in_dim3A_793 : i32 to vector<16xi32>
      %gather3A_795 = tpu.vector_load_idx %arg6[%broadcast_in_dim3A_792, %broadcast_in_dim3A_794, %add3A_738] : memref<8x8x512xf32, #tpu.memory_space<vmem>>[vector<16xi32>, vector<16xi32>, vector<16xi32>], vector<16xf32>,
      %mul3A_796 = arith.constant 16 : i32
      %mul3A_797 = arith.muli %scan3A_670, %mul3A_796 : i32
      %swap3A_798 = arith.constant 5 : i32
      %swap3A_799 = arith.index_cast %swap3A_798 : i32 to index
      %swap3A_800 = arith.index_cast %mul3A_797 : i32 to index
      %swap3A_801 = tpu.vector_load %arg7[%swap3A_799, %swap3A_800] {strides = array<i32>} : memref<64x512xf32, #tpu.memory_space<vmem>>, vector<16xf32>,
      tpu.vector_store %arg7[%swap3A_799, %swap3A_800], %gather3A_795 {strides = array<i32>} : memref<64x512xf32, #tpu.memory_space<vmem>>, vector<16xf32>,
      %broadcast_in_dim3A_802 = arith.constant 0 : i32
      %broadcast_in_dim3A_803 = vector.broadcast %broadcast_in_dim3A_802 : i32 to vector<16xi32>
      %broadcast_in_dim3A_804 = arith.constant 6 : i32
      %broadcast_in_dim3A_805 = vector.broadcast %broadcast_in_dim3A_804 : i32 to vector<16xi32>
      %gather3A_806 = tpu.vector_load_idx %arg6[%broadcast_in_dim3A_803, %broadcast_in_dim3A_805, %add3A_738] : memref<8x8x512xf32, #tpu.memory_space<vmem>>[vector<16xi32>, vector<16xi32>, vector<16xi32>], vector<16xf32>,
      %mul3A_807 = arith.constant 16 : i32
      %mul3A_808 = arith.muli %scan3A_670, %mul3A_807 : i32
      %swap3A_809 = arith.constant 6 : i32
      %swap3A_810 = arith.index_cast %swap3A_809 : i32 to index
      %swap3A_811 = arith.index_cast %mul3A_808 : i32 to index
      %swap3A_812 = tpu.vector_load %arg7[%swap3A_810, %swap3A_811] {strides = array<i32>} : memref<64x512xf32, #tpu.memory_space<vmem>>, vector<16xf32>,
      tpu.vector_store %arg7[%swap3A_810, %swap3A_811], %gather3A_806 {strides = array<i32>} : memref<64x512xf32, #tpu.memory_space<vmem>>, vector<16xf32>,
      %broadcast_in_dim3A_813 = arith.constant 0 : i32
      %broadcast_in_dim3A_814 = vector.broadcast %broadcast_in_dim3A_813 : i32 to vector<16xi32>
      %broadcast_in_dim3A_815 = arith.constant 7 : i32
      %broadcast_in_dim3A_816 = vector.broadcast %broadcast_in_dim3A_815 : i32 to vector<16xi32>
      %gather3A_817 = tpu.vector_load_idx %arg6[%broadcast_in_dim3A_814, %broadcast_in_dim3A_816, %add3A_738] : memref<8x8x512xf32, #tpu.memory_space<vmem>>[vector<16xi32>, vector<16xi32>, vector<16xi32>], vector<16xf32>,
      %mul3A_818 = arith.constant 16 : i32
      %mul3A_819 = arith.muli %scan3A_670, %mul3A_818 : i32
      %swap3A_820 = arith.constant 7 : i32
      %swap3A_821 = arith.index_cast %swap3A_820 : i32 to index
      %swap3A_822 = arith.index_cast %mul3A_819 : i32 to index
      %swap3A_823 = tpu.vector_load %arg7[%swap3A_821, %swap3A_822] {strides = array<i32>} : memref<64x512xf32, #tpu.memory_space<vmem>>, vector<16xf32>,
      tpu.vector_store %arg7[%swap3A_821, %swap3A_822], %gather3A_817 {strides = array<i32>} : memref<64x512xf32, #tpu.memory_space<vmem>>, vector<16xf32>,
      %broadcast_in_dim3A_824 = arith.constant 1 : i32
      %broadcast_in_dim3A_825 = vector.broadcast %broadcast_in_dim3A_824 : i32 to vector<16xi32>
      %broadcast_in_dim3A_826 = arith.constant 0 : i32
      %broadcast_in_dim3A_827 = vector.broadcast %broadcast_in_dim3A_826 : i32 to vector<16xi32>
      %gather3A_828 = tpu.vector_load_idx %arg6[%broadcast_in_dim3A_825, %broadcast_in_dim3A_827, %add3A_738] : memref<8x8x512xf32, #tpu.memory_space<vmem>>[vector<16xi32>, vector<16xi32>, vector<16xi32>], vector<16xf32>,
      %mul3A_829 = arith.constant 16 : i32
      %mul3A_830 = arith.muli %scan3A_670, %mul3A_829 : i32
      %swap3A_831 = arith.constant 8 : i32
      %swap3A_832 = arith.index_cast %swap3A_831 : i32 to index
      %swap3A_833 = arith.index_cast %mul3A_830 : i32 to index
      %swap3A_834 = tpu.vector_load %arg7[%swap3A_832, %swap3A_833] {strides = array<i32>} : memref<64x512xf32, #tpu.memory_space<vmem>>, vector<16xf32>,
      tpu.vector_store %arg7[%swap3A_832, %swap3A_833], %gather3A_828 {strides = array<i32>} : memref<64x512xf32, #tpu.memory_space<vmem>>, vector<16xf32>,
      %broadcast_in_dim3A_835 = arith.constant 1 : i32
      %broadcast_in_dim3A_836 = vector.broadcast %broadcast_in_dim3A_835 : i32 to vector<16xi32>
      %broadcast_in_dim3A_837 = arith.constant 1 : i32
      %broadcast_in_dim3A_838 = vector.broadcast %broadcast_in_dim3A_837 : i32 to vector<16xi32>
      %gather3A_839 = tpu.vector_load_idx %arg6[%broadcast_in_dim3A_836, %broadcast_in_dim3A_838, %add3A_738] : memref<8x8x512xf32, #tpu.memory_space<vmem>>[vector<16xi32>, vector<16xi32>, vector<16xi32>], vector<16xf32>,
      %mul3A_840 = arith.constant 16 : i32
      %mul3A_841 = arith.muli %scan3A_670, %mul3A_840 : i32
      %swap3A_842 = arith.constant 9 : i32
      %swap3A_843 = arith.index_cast %swap3A_842 : i32 to index
      %swap3A_844 = arith.index_cast %mul3A_841 : i32 to index
      %swap3A_845 = tpu.vector_load %arg7[%swap3A_843, %swap3A_844] {strides = array<i32>} : memref<64x512xf32, #tpu.memory_space<vmem>>, vector<16xf32>,
      tpu.vector_store %arg7[%swap3A_843, %swap3A_844], %gather3A_839 {strides = array<i32>} : memref<64x512xf32, #tpu.memory_space<vmem>>, vector<16xf32>,
      %broadcast_in_dim3A_846 = arith.constant 1 : i32
      %broadcast_in_dim3A_847 = vector.broadcast %broadcast_in_dim3A_846 : i32 to vector<16xi32>
      %broadcast_in_dim3A_848 = arith.constant 2 : i32
      %broadcast_in_dim3A_849 = vector.broadcast %broadcast_in_dim3A_848 : i32 to vector<16xi32>
      %gather3A_850 = tpu.vector_load_idx %arg6[%broadcast_in_dim3A_847, %broadcast_in_dim3A_849, %add3A_738] : memref<8x8x512xf32, #tpu.memory_space<vmem>>[vector<16xi32>, vector<16xi32>, vector<16xi32>], vector<16xf32>,
      %mul3A_851 = arith.constant 16 : i32
      %mul3A_852 = arith.muli %scan3A_670, %mul3A_851 : i32
      %swap3A_853 = arith.constant 10 : i32
      %swap3A_854 = arith.index_cast %swap3A_853 : i32 to index
      %swap3A_855 = arith.index_cast %mul3A_852 : i32 to index
      %swap3A_856 = tpu.vector_load %arg7[%swap3A_854, %swap3A_855] {strides = array<i32>} : memref<64x512xf32, #tpu.memory_space<vmem>>, vector<16xf32>,
      tpu.vector_store %arg7[%swap3A_854, %swap3A_855], %gather3A_850 {strides = array<i32>} : memref<64x512xf32, #tpu.memory_space<vmem>>, vector<16xf32>,
      %broadcast_in_dim3A_857 = arith.constant 1 : i32
      %broadcast_in_dim3A_858 = vector.broadcast %broadcast_in_dim3A_857 : i32 to vector<16xi32>
      %broadcast_in_dim3A_859 = arith.constant 3 : i32
      %broadcast_in_dim3A_860 = vector.broadcast %broadcast_in_dim3A_859 : i32 to vector<16xi32>
      %gather3A_861 = tpu.vector_load_idx %arg6[%broadcast_in_dim3A_858, %broadcast_in_dim3A_860, %add3A_738] : memref<8x8x512xf32, #tpu.memory_space<vmem>>[vector<16xi32>, vector<16xi32>, vector<16xi32>], vector<16xf32>,
      %mul3A_862 = arith.constant 16 : i32
      %mul3A_863 = arith.muli %scan3A_670, %mul3A_862 : i32
      %swap3A_864 = arith.constant 11 : i32
      %swap3A_865 = arith.index_cast %swap3A_864 : i32 to index
      %swap3A_866 = arith.index_cast %mul3A_863 : i32 to index
      %swap3A_867 = tpu.vector_load %arg7[%swap3A_865, %swap3A_866] {strides = array<i32>} : memref<64x512xf32, #tpu.memory_space<vmem>>, vector<16xf32>,
      tpu.vector_store %arg7[%swap3A_865, %swap3A_866], %gather3A_861 {strides = array<i32>} : memref<64x512xf32, #tpu.memory_space<vmem>>, vector<16xf32>,
      %broadcast_in_dim3A_868 = arith.constant 1 : i32
      %broadcast_in_dim3A_869 = vector.broadcast %broadcast_in_dim3A_868 : i32 to vector<16xi32>
      %broadcast_in_dim3A_870 = arith.constant 4 : i32
      %broadcast_in_dim3A_871 = vector.broadcast %broadcast_in_dim3A_870 : i32 to vector<16xi32>
      %gather3A_872 = tpu.vector_load_idx %arg6[%broadcast_in_dim3A_869, %broadcast_in_dim3A_871, %add3A_738] : memref<8x8x512xf32, #tpu.memory_space<vmem>>[vector<16xi32>, vector<16xi32>, vector<16xi32>], vector<16xf32>,
      %mul3A_873 = arith.constant 16 : i32
      %mul3A_874 = arith.muli %scan3A_670, %mul3A_873 : i32
      %swap3A_875 = arith.constant 12 : i32
      %swap3A_876 = arith.index_cast %swap3A_875 : i32 to index
      %swap3A_877 = arith.index_cast %mul3A_874 : i32 to index
      %swap3A_878 = tpu.vector_load %arg7[%swap3A_876, %swap3A_877] {strides = array<i32>} : memref<64x512xf32, #tpu.memory_space<vmem>>, vector<16xf32>,
      tpu.vector_store %arg7[%swap3A_876, %swap3A_877], %gather3A_872 {strides = array<i32>} : memref<64x512xf32, #tpu.memory_space<vmem>>, vector<16xf32>,
      %broadcast_in_dim3A_879 = arith.constant 1 : i32
      %broadcast_in_dim3A_880 = vector.broadcast %broadcast_in_dim3A_879 : i32 to vector<16xi32>
      %broadcast_in_dim3A_881 = arith.constant 5 : i32
      %broadcast_in_dim3A_882 = vector.broadcast %broadcast_in_dim3A_881 : i32 to vector<16xi32>
      %gather3A_883 = tpu.vector_load_idx %arg6[%broadcast_in_dim3A_880, %broadcast_in_dim3A_882, %add3A_738] : memref<8x8x512xf32, #tpu.memory_space<vmem>>[vector<16xi32>, vector<16xi32>, vector<16xi32>], vector<16xf32>,
      %mul3A_884 = arith.constant 16 : i32
      %mul3A_885 = arith.muli %scan3A_670, %mul3A_884 : i32
      %swap3A_886 = arith.constant 13 : i32
      %swap3A_887 = arith.index_cast %swap3A_886 : i32 to index
      %swap3A_888 = arith.index_cast %mul3A_885 : i32 to index
      %swap3A_889 = tpu.vector_load %arg7[%swap3A_887, %swap3A_888] {strides = array<i32>} : memref<64x512xf32, #tpu.memory_space<vmem>>, vector<16xf32>,
      tpu.vector_store %arg7[%swap3A_887, %swap3A_888], %gather3A_883 {strides = array<i32>} : memref<64x512xf32, #tpu.memory_space<vmem>>, vector<16xf32>,
      %broadcast_in_dim3A_890 = arith.constant 1 : i32
      %broadcast_in_dim3A_891 = vector.broadcast %broadcast_in_dim3A_890 : i32 to vector<16xi32>
      %broadcast_in_dim3A_892 = arith.constant 6 : i32
      %broadcast_in_dim3A_893 = vector.broadcast %broadcast_in_dim3A_892 : i32 to vector<16xi32>
      %gather3A_894 = tpu.vector_load_idx %arg6[%broadcast_in_dim3A_891, %broadcast_in_dim3A_893, %add3A_738] : memref<8x8x512xf32, #tpu.memory_space<vmem>>[vector<16xi32>, vector<16xi32>, vector<16xi32>], vector<16xf32>,
      %mul3A_895 = arith.constant 16 : i32
      %mul3A_896 = arith.muli %scan3A_670, %mul3A_895 : i32
      %swap3A_897 = arith.constant 14 : i32
      %swap3A_898 = arith.index_cast %swap3A_897 : i32 to index
      %swap3A_899 = arith.index_cast %mul3A_896 : i32 to index
      %swap3A_900 = tpu.vector_load %arg7[%swap3A_898, %swap3A_899] {strides = array<i32>} : memref<64x512xf32, #tpu.memory_space<vmem>>, vector<16xf32>,
      tpu.vector_store %arg7[%swap3A_898, %swap3A_899], %gather3A_894 {strides = array<i32>} : memref<64x512xf32, #tpu.memory_space<vmem>>, vector<16xf32>,
      %broadcast_in_dim3A_901 = arith.constant 1 : i32
      %broadcast_in_dim3A_902 = vector.broadcast %broadcast_in_dim3A_901 : i32 to vector<16xi32>
      %broadcast_in_dim3A_903 = arith.constant 7 : i32
      %broadcast_in_dim3A_904 = vector.broadcast %broadcast_in_dim3A_903 : i32 to vector<16xi32>
      %gather3A_905 = tpu.vector_load_idx %arg6[%broadcast_in_dim3A_902, %broadcast_in_dim3A_904, %add3A_738] : memref<8x8x512xf32, #tpu.memory_space<vmem>>[vector<16xi32>, vector<16xi32>, vector<16xi32>], vector<16xf32>,
      %mul3A_906 = arith.constant 16 : i32
      %mul3A_907 = arith.muli %scan3A_670, %mul3A_906 : i32
      %swap3A_908 = arith.constant 15 : i32
      %swap3A_909 = arith.index_cast %swap3A_908 : i32 to index
      %swap3A_910 = arith.index_cast %mul3A_907 : i32 to index
      %swap3A_911 = tpu.vector_load %arg7[%swap3A_909, %swap3A_910] {strides = array<i32>} : memref<64x512xf32, #tpu.memory_space<vmem>>, vector<16xf32>,
      tpu.vector_store %arg7[%swap3A_909, %swap3A_910], %gather3A_905 {strides = array<i32>} : memref<64x512xf32, #tpu.memory_space<vmem>>, vector<16xf32>,
      %broadcast_in_dim3A_912 = arith.constant 2 : i32
      %broadcast_in_dim3A_913 = vector.broadcast %broadcast_in_dim3A_912 : i32 to vector<16xi32>
      %broadcast_in_dim3A_914 = arith.constant 0 : i32
      %broadcast_in_dim3A_915 = vector.broadcast %broadcast_in_dim3A_914 : i32 to vector<16xi32>
      %gather3A_916 = tpu.vector_load_idx %arg6[%broadcast_in_dim3A_913, %broadcast_in_dim3A_915, %add3A_738] : memref<8x8x512xf32, #tpu.memory_space<vmem>>[vector<16xi32>, vector<16xi32>, vector<16xi32>], vector<16xf32>,
      %mul3A_917 = arith.constant 16 : i32
      %mul3A_918 = arith.muli %scan3A_670, %mul3A_917 : i32
      %swap3A_919 = arith.constant 16 : i32
      %swap3A_920 = arith.index_cast %swap3A_919 : i32 to index
      %swap3A_921 = arith.index_cast %mul3A_918 : i32 to index
      %swap3A_922 = tpu.vector_load %arg7[%swap3A_920, %swap3A_921] {strides = array<i32>} : memref<64x512xf32, #tpu.memory_space<vmem>>, vector<16xf32>,
      tpu.vector_store %arg7[%swap3A_920, %swap3A_921], %gather3A_916 {strides = array<i32>} : memref<64x512xf32, #tpu.memory_space<vmem>>, vector<16xf32>,
      %broadcast_in_dim3A_923 = arith.constant 2 : i32
      %broadcast_in_dim3A_924 = vector.broadcast %broadcast_in_dim3A_923 : i32 to vector<16xi32>
      %broadcast_in_dim3A_925 = arith.constant 1 : i32
      %broadcast_in_dim3A_926 = vector.broadcast %broadcast_in_dim3A_925 : i32 to vector<16xi32>
      %gather3A_927 = tpu.vector_load_idx %arg6[%broadcast_in_dim3A_924, %broadcast_in_dim3A_926, %add3A_738] : memref<8x8x512xf32, #tpu.memory_space<vmem>>[vector<16xi32>, vector<16xi32>, vector<16xi32>], vector<16xf32>,
      %mul3A_928 = arith.constant 16 : i32
      %mul3A_929 = arith.muli %scan3A_670, %mul3A_928 : i32
      %swap3A_930 = arith.constant 17 : i32
      %swap3A_931 = arith.index_cast %swap3A_930 : i32 to index
      %swap3A_932 = arith.index_cast %mul3A_929 : i32 to index
      %swap3A_933 = tpu.vector_load %arg7[%swap3A_931, %swap3A_932] {strides = array<i32>} : memref<64x512xf32, #tpu.memory_space<vmem>>, vector<16xf32>,
      tpu.vector_store %arg7[%swap3A_931, %swap3A_932], %gather3A_927 {strides = array<i32>} : memref<64x512xf32, #tpu.memory_space<vmem>>, vector<16xf32>,
      %broadcast_in_dim3A_934 = arith.constant 2 : i32
      %broadcast_in_dim3A_935 = vector.broadcast %broadcast_in_dim3A_934 : i32 to vector<16xi32>
      %broadcast_in_dim3A_936 = arith.constant 2 : i32
      %broadcast_in_dim3A_937 = vector.broadcast %broadcast_in_dim3A_936 : i32 to vector<16xi32>
      %gather3A_938 = tpu.vector_load_idx %arg6[%broadcast_in_dim3A_935, %broadcast_in_dim3A_937, %add3A_738] : memref<8x8x512xf32, #tpu.memory_space<vmem>>[vector<16xi32>, vector<16xi32>, vector<16xi32>], vector<16xf32>,
      %mul3A_939 = arith.constant 16 : i32
      %mul3A_940 = arith.muli %scan3A_670, %mul3A_939 : i32
      %swap3A_941 = arith.constant 18 : i32
      %swap3A_942 = arith.index_cast %swap3A_941 : i32 to index
      %swap3A_943 = arith.index_cast %mul3A_940 : i32 to index
      %swap3A_944 = tpu.vector_load %arg7[%swap3A_942, %swap3A_943] {strides = array<i32>} : memref<64x512xf32, #tpu.memory_space<vmem>>, vector<16xf32>,
      tpu.vector_store %arg7[%swap3A_942, %swap3A_943], %gather3A_938 {strides = array<i32>} : memref<64x512xf32, #tpu.memory_space<vmem>>, vector<16xf32>,
      %broadcast_in_dim3A_945 = arith.constant 2 : i32
      %broadcast_in_dim3A_946 = vector.broadcast %broadcast_in_dim3A_945 : i32 to vector<16xi32>
      %broadcast_in_dim3A_947 = arith.constant 3 : i32
      %broadcast_in_dim3A_948 = vector.broadcast %broadcast_in_dim3A_947 : i32 to vector<16xi32>
      %gather3A_949 = tpu.vector_load_idx %arg6[%broadcast_in_dim3A_946, %broadcast_in_dim3A_948, %add3A_738] : memref<8x8x512xf32, #tpu.memory_space<vmem>>[vector<16xi32>, vector<16xi32>, vector<16xi32>], vector<16xf32>,
      %mul3A_950 = arith.constant 16 : i32
      %mul3A_951 = arith.muli %scan3A_670, %mul3A_950 : i32
      %swap3A_952 = arith.constant 19 : i32
      %swap3A_953 = arith.index_cast %swap3A_952 : i32 to index
      %swap3A_954 = arith.index_cast %mul3A_951 : i32 to index
      %swap3A_955 = tpu.vector_load %arg7[%swap3A_953, %swap3A_954] {strides = array<i32>} : memref<64x512xf32, #tpu.memory_space<vmem>>, vector<16xf32>,
      tpu.vector_store %arg7[%swap3A_953, %swap3A_954], %gather3A_949 {strides = array<i32>} : memref<64x512xf32, #tpu.memory_space<vmem>>, vector<16xf32>,
      %broadcast_in_dim3A_956 = arith.constant 2 : i32
      %broadcast_in_dim3A_957 = vector.broadcast %broadcast_in_dim3A_956 : i32 to vector<16xi32>
      %broadcast_in_dim3A_958 = arith.constant 4 : i32
      %broadcast_in_dim3A_959 = vector.broadcast %broadcast_in_dim3A_958 : i32 to vector<16xi32>
      %gather3A_960 = tpu.vector_load_idx %arg6[%broadcast_in_dim3A_957, %broadcast_in_dim3A_959, %add3A_738] : memref<8x8x512xf32, #tpu.memory_space<vmem>>[vector<16xi32>, vector<16xi32>, vector<16xi32>], vector<16xf32>,
      %mul3A_961 = arith.constant 16 : i32
      %mul3A_962 = arith.muli %scan3A_670, %mul3A_961 : i32
      %swap3A_963 = arith.constant 20 : i32
      %swap3A_964 = arith.index_cast %swap3A_963 : i32 to index
      %swap3A_965 = arith.index_cast %mul3A_962 : i32 to index
      %swap3A_966 = tpu.vector_load %arg7[%swap3A_964, %swap3A_965] {strides = array<i32>} : memref<64x512xf32, #tpu.memory_space<vmem>>, vector<16xf32>,
      tpu.vector_store %arg7[%swap3A_964, %swap3A_965], %gather3A_960 {strides = array<i32>} : memref<64x512xf32, #tpu.memory_space<vmem>>, vector<16xf32>,
      %broadcast_in_dim3A_967 = arith.constant 2 : i32
      %broadcast_in_dim3A_968 = vector.broadcast %broadcast_in_dim3A_967 : i32 to vector<16xi32>
      %broadcast_in_dim3A_969 = arith.constant 5 : i32
      %broadcast_in_dim3A_970 = vector.broadcast %broadcast_in_dim3A_969 : i32 to vector<16xi32>
      %gather3A_971 = tpu.vector_load_idx %arg6[%broadcast_in_dim3A_968, %broadcast_in_dim3A_970, %add3A_738] : memref<8x8x512xf32, #tpu.memory_space<vmem>>[vector<16xi32>, vector<16xi32>, vector<16xi32>], vector<16xf32>,
      %mul3A_972 = arith.constant 16 : i32
      %mul3A_973 = arith.muli %scan3A_670, %mul3A_972 : i32
      %swap3A_974 = arith.constant 21 : i32
      %swap3A_975 = arith.index_cast %swap3A_974 : i32 to index
      %swap3A_976 = arith.index_cast %mul3A_973 : i32 to index
      %swap3A_977 = tpu.vector_load %arg7[%swap3A_975, %swap3A_976] {strides = array<i32>} : memref<64x512xf32, #tpu.memory_space<vmem>>, vector<16xf32>,
      tpu.vector_store %arg7[%swap3A_975, %swap3A_976], %gather3A_971 {strides = array<i32>} : memref<64x512xf32, #tpu.memory_space<vmem>>, vector<16xf32>,
      %broadcast_in_dim3A_978 = arith.constant 2 : i32
      %broadcast_in_dim3A_979 = vector.broadcast %broadcast_in_dim3A_978 : i32 to vector<16xi32>
      %broadcast_in_dim3A_980 = arith.constant 6 : i32
      %broadcast_in_dim3A_981 = vector.broadcast %broadcast_in_dim3A_980 : i32 to vector<16xi32>
      %gather3A_982 = tpu.vector_load_idx %arg6[%broadcast_in_dim3A_979, %broadcast_in_dim3A_981, %add3A_738] : memref<8x8x512xf32, #tpu.memory_space<vmem>>[vector<16xi32>, vector<16xi32>, vector<16xi32>], vector<16xf32>,
      %mul3A_983 = arith.constant 16 : i32
      %mul3A_984 = arith.muli %scan3A_670, %mul3A_983 : i32
      %swap3A_985 = arith.constant 22 : i32
      %swap3A_986 = arith.index_cast %swap3A_985 : i32 to index
      %swap3A_987 = arith.index_cast %mul3A_984 : i32 to index
      %swap3A_988 = tpu.vector_load %arg7[%swap3A_986, %swap3A_987] {strides = array<i32>} : memref<64x512xf32, #tpu.memory_space<vmem>>, vector<16xf32>,
      tpu.vector_store %arg7[%swap3A_986, %swap3A_987], %gather3A_982 {strides = array<i32>} : memref<64x512xf32, #tpu.memory_space<vmem>>, vector<16xf32>,
      %broadcast_in_dim3A_989 = arith.constant 2 : i32
      %broadcast_in_dim3A_990 = vector.broadcast %broadcast_in_dim3A_989 : i32 to vector<16xi32>
      %broadcast_in_dim3A_991 = arith.constant 7 : i32
      %broadcast_in_dim3A_992 = vector.broadcast %broadcast_in_dim3A_991 : i32 to vector<16xi32>
      %gather3A_993 = tpu.vector_load_idx %arg6[%broadcast_in_dim3A_990, %broadcast_in_dim3A_992, %add3A_738] : memref<8x8x512xf32, #tpu.memory_space<vmem>>[vector<16xi32>, vector<16xi32>, vector<16xi32>], vector<16xf32>,
      %mul3A_994 = arith.constant 16 : i32
      %mul3A_995 = arith.muli %scan3A_670, %mul3A_994 : i32
      %swap3A_996 = arith.constant 23 : i32
      %swap3A_997 = arith.index_cast %swap3A_996 : i32 to index
      %swap3A_998 = arith.index_cast %mul3A_995 : i32 to index
      %swap3A_999 = tpu.vector_load %arg7[%swap3A_997, %swap3A_998] {strides = array<i32>} : memref<64x512xf32, #tpu.memory_space<vmem>>, vector<16xf32>,
      tpu.vector_store %arg7[%swap3A_997, %swap3A_998], %gather3A_993 {strides = array<i32>} : memref<64x512xf32, #tpu.memory_space<vmem>>, vector<16xf32>,
      %broadcast_in_dim3A_1000 = arith.constant 3 : i32
      %broadcast_in_dim3A_1001 = vector.broadcast %broadcast_in_dim3A_1000 : i32 to vector<16xi32>
      %broadcast_in_dim3A_1002 = arith.constant 0 : i32
      %broadcast_in_dim3A_1003 = vector.broadcast %broadcast_in_dim3A_1002 : i32 to vector<16xi32>
      %gather3A_1004 = tpu.vector_load_idx %arg6[%broadcast_in_dim3A_1001, %broadcast_in_dim3A_1003, %add3A_738] : memref<8x8x512xf32, #tpu.memory_space<vmem>>[vector<16xi32>, vector<16xi32>, vector<16xi32>], vector<16xf32>,
      %mul3A_1005 = arith.constant 16 : i32
      %mul3A_1006 = arith.muli %scan3A_670, %mul3A_1005 : i32
      %swap3A_1007 = arith.constant 24 : i32
      %swap3A_1008 = arith.index_cast %swap3A_1007 : i32 to index
      %swap3A_1009 = arith.index_cast %mul3A_1006 : i32 to index
      %swap3A_1010 = tpu.vector_load %arg7[%swap3A_1008, %swap3A_1009] {strides = array<i32>} : memref<64x512xf32, #tpu.memory_space<vmem>>, vector<16xf32>,
      tpu.vector_store %arg7[%swap3A_1008, %swap3A_1009], %gather3A_1004 {strides = array<i32>} : memref<64x512xf32, #tpu.memory_space<vmem>>, vector<16xf32>,
      %broadcast_in_dim3A_1011 = arith.constant 3 : i32
      %broadcast_in_dim3A_1012 = vector.broadcast %broadcast_in_dim3A_1011 : i32 to vector<16xi32>
      %broadcast_in_dim3A_1013 = arith.constant 1 : i32
      %broadcast_in_dim3A_1014 = vector.broadcast %broadcast_in_dim3A_1013 : i32 to vector<16xi32>
      %gather3A_1015 = tpu.vector_load_idx %arg6[%broadcast_in_dim3A_1012, %broadcast_in_dim3A_1014, %add3A_738] : memref<8x8x512xf32, #tpu.memory_space<vmem>>[vector<16xi32>, vector<16xi32>, vector<16xi32>], vector<16xf32>,
      %mul3A_1016 = arith.constant 16 : i32
      %mul3A_1017 = arith.muli %scan3A_670, %mul3A_1016 : i32
      %swap3A_1018 = arith.constant 25 : i32
      %swap3A_1019 = arith.index_cast %swap3A_1018 : i32 to index
      %swap3A_1020 = arith.index_cast %mul3A_1017 : i32 to index
      %swap3A_1021 = tpu.vector_load %arg7[%swap3A_1019, %swap3A_1020] {strides = array<i32>} : memref<64x512xf32, #tpu.memory_space<vmem>>, vector<16xf32>,
      tpu.vector_store %arg7[%swap3A_1019, %swap3A_1020], %gather3A_1015 {strides = array<i32>} : memref<64x512xf32, #tpu.memory_space<vmem>>, vector<16xf32>,
      %broadcast_in_dim3A_1022 = arith.constant 3 : i32
      %broadcast_in_dim3A_1023 = vector.broadcast %broadcast_in_dim3A_1022 : i32 to vector<16xi32>
      %broadcast_in_dim3A_1024 = arith.constant 2 : i32
      %broadcast_in_dim3A_1025 = vector.broadcast %broadcast_in_dim3A_1024 : i32 to vector<16xi32>
      %gather3A_1026 = tpu.vector_load_idx %arg6[%broadcast_in_dim3A_1023, %broadcast_in_dim3A_1025, %add3A_738] : memref<8x8x512xf32, #tpu.memory_space<vmem>>[vector<16xi32>, vector<16xi32>, vector<16xi32>], vector<16xf32>,
      %mul3A_1027 = arith.constant 16 : i32
      %mul3A_1028 = arith.muli %scan3A_670, %mul3A_1027 : i32
      %swap3A_1029 = arith.constant 26 : i32
      %swap3A_1030 = arith.index_cast %swap3A_1029 : i32 to index
      %swap3A_1031 = arith.index_cast %mul3A_1028 : i32 to index
      %swap3A_1032 = tpu.vector_load %arg7[%swap3A_1030, %swap3A_1031] {strides = array<i32>} : memref<64x512xf32, #tpu.memory_space<vmem>>, vector<16xf32>,
      tpu.vector_store %arg7[%swap3A_1030, %swap3A_1031], %gather3A_1026 {strides = array<i32>} : memref<64x512xf32, #tpu.memory_space<vmem>>, vector<16xf32>,
      %broadcast_in_dim3A_1033 = arith.constant 3 : i32
      %broadcast_in_dim3A_1034 = vector.broadcast %broadcast_in_dim3A_1033 : i32 to vector<16xi32>
      %broadcast_in_dim3A_1035 = arith.constant 3 : i32
      %broadcast_in_dim3A_1036 = vector.broadcast %broadcast_in_dim3A_1035 : i32 to vector<16xi32>
      %gather3A_1037 = tpu.vector_load_idx %arg6[%broadcast_in_dim3A_1034, %broadcast_in_dim3A_1036, %add3A_738] : memref<8x8x512xf32, #tpu.memory_space<vmem>>[vector<16xi32>, vector<16xi32>, vector<16xi32>], vector<16xf32>,
      %mul3A_1038 = arith.constant 16 : i32
      %mul3A_1039 = arith.muli %scan3A_670, %mul3A_1038 : i32
      %swap3A_1040 = arith.constant 27 : i32
      %swap3A_1041 = arith.index_cast %swap3A_1040 : i32 to index
      %swap3A_1042 = arith.index_cast %mul3A_1039 : i32 to index
      %swap3A_1043 = tpu.vector_load %arg7[%swap3A_1041, %swap3A_1042] {strides = array<i32>} : memref<64x512xf32, #tpu.memory_space<vmem>>, vector<16xf32>,
      tpu.vector_store %arg7[%swap3A_1041, %swap3A_1042], %gather3A_1037 {strides = array<i32>} : memref<64x512xf32, #tpu.memory_space<vmem>>, vector<16xf32>,
      %broadcast_in_dim3A_1044 = arith.constant 3 : i32
      %broadcast_in_dim3A_1045 = vector.broadcast %broadcast_in_dim3A_1044 : i32 to vector<16xi32>
      %broadcast_in_dim3A_1046 = arith.constant 4 : i32
      %broadcast_in_dim3A_1047 = vector.broadcast %broadcast_in_dim3A_1046 : i32 to vector<16xi32>
      %gather3A_1048 = tpu.vector_load_idx %arg6[%broadcast_in_dim3A_1045, %broadcast_in_dim3A_1047, %add3A_738] : memref<8x8x512xf32, #tpu.memory_space<vmem>>[vector<16xi32>, vector<16xi32>, vector<16xi32>], vector<16xf32>,
      %mul3A_1049 = arith.constant 16 : i32
      %mul3A_1050 = arith.muli %scan3A_670, %mul3A_1049 : i32
      %swap3A_1051 = arith.constant 28 : i32
      %swap3A_1052 = arith.index_cast %swap3A_1051 : i32 to index
      %swap3A_1053 = arith.index_cast %mul3A_1050 : i32 to index
      %swap3A_1054 = tpu.vector_load %arg7[%swap3A_1052, %swap3A_1053] {strides = array<i32>} : memref<64x512xf32, #tpu.memory_space<vmem>>, vector<16xf32>,
      tpu.vector_store %arg7[%swap3A_1052, %swap3A_1053], %gather3A_1048 {strides = array<i32>} : memref<64x512xf32, #tpu.memory_space<vmem>>, vector<16xf32>,
      %broadcast_in_dim3A_1055 = arith.constant 3 : i32
      %broadcast_in_dim3A_1056 = vector.broadcast %broadcast_in_dim3A_1055 : i32 to vector<16xi32>
      %broadcast_in_dim3A_1057 = arith.constant 5 : i32
      %broadcast_in_dim3A_1058 = vector.broadcast %broadcast_in_dim3A_1057 : i32 to vector<16xi32>
      %gather3A_1059 = tpu.vector_load_idx %arg6[%broadcast_in_dim3A_1056, %broadcast_in_dim3A_1058, %add3A_738] : memref<8x8x512xf32, #tpu.memory_space<vmem>>[vector<16xi32>, vector<16xi32>, vector<16xi32>], vector<16xf32>,
      %mul3A_1060 = arith.constant 16 : i32
      %mul3A_1061 = arith.muli %scan3A_670, %mul3A_1060 : i32
      %swap3A_1062 = arith.constant 29 : i32
      %swap3A_1063 = arith.index_cast %swap3A_1062 : i32 to index
      %swap3A_1064 = arith.index_cast %mul3A_1061 : i32 to index
      %swap3A_1065 = tpu.vector_load %arg7[%swap3A_1063, %swap3A_1064] {strides = array<i32>} : memref<64x512xf32, #tpu.memory_space<vmem>>, vector<16xf32>,
      tpu.vector_store %arg7[%swap3A_1063, %swap3A_1064], %gather3A_1059 {strides = array<i32>} : memref<64x512xf32, #tpu.memory_space<vmem>>, vector<16xf32>,
      %broadcast_in_dim3A_1066 = arith.constant 3 : i32
      %broadcast_in_dim3A_1067 = vector.broadcast %broadcast_in_dim3A_1066 : i32 to vector<16xi32>
      %broadcast_in_dim3A_1068 = arith.constant 6 : i32
      %broadcast_in_dim3A_1069 = vector.broadcast %broadcast_in_dim3A_1068 : i32 to vector<16xi32>
      %gather3A_1070 = tpu.vector_load_idx %arg6[%broadcast_in_dim3A_1067, %broadcast_in_dim3A_1069, %add3A_738] : memref<8x8x512xf32, #tpu.memory_space<vmem>>[vector<16xi32>, vector<16xi32>, vector<16xi32>], vector<16xf32>,
      %mul3A_1071 = arith.constant 16 : i32
      %mul3A_1072 = arith.muli %scan3A_670, %mul3A_1071 : i32
      %swap3A_1073 = arith.constant 30 : i32
      %swap3A_1074 = arith.index_cast %swap3A_1073 : i32 to index
      %swap3A_1075 = arith.index_cast %mul3A_1072 : i32 to index
      %swap3A_1076 = tpu.vector_load %arg7[%swap3A_1074, %swap3A_1075] {strides = array<i32>} : memref<64x512xf32, #tpu.memory_space<vmem>>, vector<16xf32>,
      tpu.vector_store %arg7[%swap3A_1074, %swap3A_1075], %gather3A_1070 {strides = array<i32>} : memref<64x512xf32, #tpu.memory_space<vmem>>, vector<16xf32>,
      %broadcast_in_dim3A_1077 = arith.constant 3 : i32
      %broadcast_in_dim3A_1078 = vector.broadcast %broadcast_in_dim3A_1077 : i32 to vector<16xi32>
      %broadcast_in_dim3A_1079 = arith.constant 7 : i32
      %broadcast_in_dim3A_1080 = vector.broadcast %broadcast_in_dim3A_1079 : i32 to vector<16xi32>
      %gather3A_1081 = tpu.vector_load_idx %arg6[%broadcast_in_dim3A_1078, %broadcast_in_dim3A_1080, %add3A_738] : memref<8x8x512xf32, #tpu.memory_space<vmem>>[vector<16xi32>, vector<16xi32>, vector<16xi32>], vector<16xf32>,
      %mul3A_1082 = arith.constant 16 : i32
      %mul3A_1083 = arith.muli %scan3A_670, %mul3A_1082 : i32
      %swap3A_1084 = arith.constant 31 : i32
      %swap3A_1085 = arith.index_cast %swap3A_1084 : i32 to index
      %swap3A_1086 = arith.index_cast %mul3A_1083 : i32 to index
      %swap3A_1087 = tpu.vector_load %arg7[%swap3A_1085, %swap3A_1086] {strides = array<i32>} : memref<64x512xf32, #tpu.memory_space<vmem>>, vector<16xf32>,
      tpu.vector_store %arg7[%swap3A_1085, %swap3A_1086], %gather3A_1081 {strides = array<i32>} : memref<64x512xf32, #tpu.memory_space<vmem>>, vector<16xf32>,
      %broadcast_in_dim3A_1088 = arith.constant 4 : i32
      %broadcast_in_dim3A_1089 = vector.broadcast %broadcast_in_dim3A_1088 : i32 to vector<16xi32>
      %broadcast_in_dim3A_1090 = arith.constant 0 : i32
      %broadcast_in_dim3A_1091 = vector.broadcast %broadcast_in_dim3A_1090 : i32 to vector<16xi32>
      %gather3A_1092 = tpu.vector_load_idx %arg6[%broadcast_in_dim3A_1089, %broadcast_in_dim3A_1091, %add3A_738] : memref<8x8x512xf32, #tpu.memory_space<vmem>>[vector<16xi32>, vector<16xi32>, vector<16xi32>], vector<16xf32>,
      %mul3A_1093 = arith.constant 16 : i32
      %mul3A_1094 = arith.muli %scan3A_670, %mul3A_1093 : i32
      %swap3A_1095 = arith.constant 32 : i32
      %swap3A_1096 = arith.index_cast %swap3A_1095 : i32 to index
      %swap3A_1097 = arith.index_cast %mul3A_1094 : i32 to index
      %swap3A_1098 = tpu.vector_load %arg7[%swap3A_1096, %swap3A_1097] {strides = array<i32>} : memref<64x512xf32, #tpu.memory_space<vmem>>, vector<16xf32>,
      tpu.vector_store %arg7[%swap3A_1096, %swap3A_1097], %gather3A_1092 {strides = array<i32>} : memref<64x512xf32, #tpu.memory_space<vmem>>, vector<16xf32>,
      %broadcast_in_dim3A_1099 = arith.constant 4 : i32
      %broadcast_in_dim3A_1100 = vector.broadcast %broadcast_in_dim3A_1099 : i32 to vector<16xi32>
      %broadcast_in_dim3A_1101 = arith.constant 1 : i32
      %broadcast_in_dim3A_1102 = vector.broadcast %broadcast_in_dim3A_1101 : i32 to vector<16xi32>
      %gather3A_1103 = tpu.vector_load_idx %arg6[%broadcast_in_dim3A_1100, %broadcast_in_dim3A_1102, %add3A_738] : memref<8x8x512xf32, #tpu.memory_space<vmem>>[vector<16xi32>, vector<16xi32>, vector<16xi32>], vector<16xf32>,
      %mul3A_1104 = arith.constant 16 : i32
      %mul3A_1105 = arith.muli %scan3A_670, %mul3A_1104 : i32
      %swap3A_1106 = arith.constant 33 : i32
      %swap3A_1107 = arith.index_cast %swap3A_1106 : i32 to index
      %swap3A_1108 = arith.index_cast %mul3A_1105 : i32 to index
      %swap3A_1109 = tpu.vector_load %arg7[%swap3A_1107, %swap3A_1108] {strides = array<i32>} : memref<64x512xf32, #tpu.memory_space<vmem>>, vector<16xf32>,
      tpu.vector_store %arg7[%swap3A_1107, %swap3A_1108], %gather3A_1103 {strides = array<i32>} : memref<64x512xf32, #tpu.memory_space<vmem>>, vector<16xf32>,
      %broadcast_in_dim3A_1110 = arith.constant 4 : i32
      %broadcast_in_dim3A_1111 = vector.broadcast %broadcast_in_dim3A_1110 : i32 to vector<16xi32>
      %broadcast_in_dim3A_1112 = arith.constant 2 : i32
      %broadcast_in_dim3A_1113 = vector.broadcast %broadcast_in_dim3A_1112 : i32 to vector<16xi32>
      %gather3A_1114 = tpu.vector_load_idx %arg6[%broadcast_in_dim3A_1111, %broadcast_in_dim3A_1113, %add3A_738] : memref<8x8x512xf32, #tpu.memory_space<vmem>>[vector<16xi32>, vector<16xi32>, vector<16xi32>], vector<16xf32>,
      %mul3A_1115 = arith.constant 16 : i32
      %mul3A_1116 = arith.muli %scan3A_670, %mul3A_1115 : i32
      %swap3A_1117 = arith.constant 34 : i32
      %swap3A_1118 = arith.index_cast %swap3A_1117 : i32 to index
      %swap3A_1119 = arith.index_cast %mul3A_1116 : i32 to index
      %swap3A_1120 = tpu.vector_load %arg7[%swap3A_1118, %swap3A_1119] {strides = array<i32>} : memref<64x512xf32, #tpu.memory_space<vmem>>, vector<16xf32>,
      tpu.vector_store %arg7[%swap3A_1118, %swap3A_1119], %gather3A_1114 {strides = array<i32>} : memref<64x512xf32, #tpu.memory_space<vmem>>, vector<16xf32>,
      %broadcast_in_dim3A_1121 = arith.constant 4 : i32
      %broadcast_in_dim3A_1122 = vector.broadcast %broadcast_in_dim3A_1121 : i32 to vector<16xi32>
      %broadcast_in_dim3A_1123 = arith.constant 3 : i32
      %broadcast_in_dim3A_1124 = vector.broadcast %broadcast_in_dim3A_1123 : i32 to vector<16xi32>
      %gather3A_1125 = tpu.vector_load_idx %arg6[%broadcast_in_dim3A_1122, %broadcast_in_dim3A_1124, %add3A_738] : memref<8x8x512xf32, #tpu.memory_space<vmem>>[vector<16xi32>, vector<16xi32>, vector<16xi32>], vector<16xf32>,
      %mul3A_1126 = arith.constant 16 : i32
      %mul3A_1127 = arith.muli %scan3A_670, %mul3A_1126 : i32
      %swap3A_1128 = arith.constant 35 : i32
      %swap3A_1129 = arith.index_cast %swap3A_1128 : i32 to index
      %swap3A_1130 = arith.index_cast %mul3A_1127 : i32 to index
      %swap3A_1131 = tpu.vector_load %arg7[%swap3A_1129, %swap3A_1130] {strides = array<i32>} : memref<64x512xf32, #tpu.memory_space<vmem>>, vector<16xf32>,
      tpu.vector_store %arg7[%swap3A_1129, %swap3A_1130], %gather3A_1125 {strides = array<i32>} : memref<64x512xf32, #tpu.memory_space<vmem>>, vector<16xf32>,
      %broadcast_in_dim3A_1132 = arith.constant 4 : i32
      %broadcast_in_dim3A_1133 = vector.broadcast %broadcast_in_dim3A_1132 : i32 to vector<16xi32>
      %broadcast_in_dim3A_1134 = arith.constant 4 : i32
      %broadcast_in_dim3A_1135 = vector.broadcast %broadcast_in_dim3A_1134 : i32 to vector<16xi32>
      %gather3A_1136 = tpu.vector_load_idx %arg6[%broadcast_in_dim3A_1133, %broadcast_in_dim3A_1135, %add3A_738] : memref<8x8x512xf32, #tpu.memory_space<vmem>>[vector<16xi32>, vector<16xi32>, vector<16xi32>], vector<16xf32>,
      %mul3A_1137 = arith.constant 16 : i32
      %mul3A_1138 = arith.muli %scan3A_670, %mul3A_1137 : i32
      %swap3A_1139 = arith.constant 36 : i32
      %swap3A_1140 = arith.index_cast %swap3A_1139 : i32 to index
      %swap3A_1141 = arith.index_cast %mul3A_1138 : i32 to index
      %swap3A_1142 = tpu.vector_load %arg7[%swap3A_1140, %swap3A_1141] {strides = array<i32>} : memref<64x512xf32, #tpu.memory_space<vmem>>, vector<16xf32>,
      tpu.vector_store %arg7[%swap3A_1140, %swap3A_1141], %gather3A_1136 {strides = array<i32>} : memref<64x512xf32, #tpu.memory_space<vmem>>, vector<16xf32>,
      %broadcast_in_dim3A_1143 = arith.constant 4 : i32
      %broadcast_in_dim3A_1144 = vector.broadcast %broadcast_in_dim3A_1143 : i32 to vector<16xi32>
      %broadcast_in_dim3A_1145 = arith.constant 5 : i32
      %broadcast_in_dim3A_1146 = vector.broadcast %broadcast_in_dim3A_1145 : i32 to vector<16xi32>
      %gather3A_1147 = tpu.vector_load_idx %arg6[%broadcast_in_dim3A_1144, %broadcast_in_dim3A_1146, %add3A_738] : memref<8x8x512xf32, #tpu.memory_space<vmem>>[vector<16xi32>, vector<16xi32>, vector<16xi32>], vector<16xf32>,
      %mul3A_1148 = arith.constant 16 : i32
      %mul3A_1149 = arith.muli %scan3A_670, %mul3A_1148 : i32
      %swap3A_1150 = arith.constant 37 : i32
      %swap3A_1151 = arith.index_cast %swap3A_1150 : i32 to index
      %swap3A_1152 = arith.index_cast %mul3A_1149 : i32 to index
      %swap3A_1153 = tpu.vector_load %arg7[%swap3A_1151, %swap3A_1152] {strides = array<i32>} : memref<64x512xf32, #tpu.memory_space<vmem>>, vector<16xf32>,
      tpu.vector_store %arg7[%swap3A_1151, %swap3A_1152], %gather3A_1147 {strides = array<i32>} : memref<64x512xf32, #tpu.memory_space<vmem>>, vector<16xf32>,
      %broadcast_in_dim3A_1154 = arith.constant 4 : i32
      %broadcast_in_dim3A_1155 = vector.broadcast %broadcast_in_dim3A_1154 : i32 to vector<16xi32>
      %broadcast_in_dim3A_1156 = arith.constant 6 : i32
      %broadcast_in_dim3A_1157 = vector.broadcast %broadcast_in_dim3A_1156 : i32 to vector<16xi32>
      %gather3A_1158 = tpu.vector_load_idx %arg6[%broadcast_in_dim3A_1155, %broadcast_in_dim3A_1157, %add3A_738] : memref<8x8x512xf32, #tpu.memory_space<vmem>>[vector<16xi32>, vector<16xi32>, vector<16xi32>], vector<16xf32>,
      %mul3A_1159 = arith.constant 16 : i32
      %mul3A_1160 = arith.muli %scan3A_670, %mul3A_1159 : i32
      %swap3A_1161 = arith.constant 38 : i32
      %swap3A_1162 = arith.index_cast %swap3A_1161 : i32 to index
      %swap3A_1163 = arith.index_cast %mul3A_1160 : i32 to index
      %swap3A_1164 = tpu.vector_load %arg7[%swap3A_1162, %swap3A_1163] {strides = array<i32>} : memref<64x512xf32, #tpu.memory_space<vmem>>, vector<16xf32>,
      tpu.vector_store %arg7[%swap3A_1162, %swap3A_1163], %gather3A_1158 {strides = array<i32>} : memref<64x512xf32, #tpu.memory_space<vmem>>, vector<16xf32>,
      %broadcast_in_dim3A_1165 = arith.constant 4 : i32
      %broadcast_in_dim3A_1166 = vector.broadcast %broadcast_in_dim3A_1165 : i32 to vector<16xi32>
      %broadcast_in_dim3A_1167 = arith.constant 7 : i32
      %broadcast_in_dim3A_1168 = vector.broadcast %broadcast_in_dim3A_1167 : i32 to vector<16xi32>
      %gather3A_1169 = tpu.vector_load_idx %arg6[%broadcast_in_dim3A_1166, %broadcast_in_dim3A_1168, %add3A_738] : memref<8x8x512xf32, #tpu.memory_space<vmem>>[vector<16xi32>, vector<16xi32>, vector<16xi32>], vector<16xf32>,
      %mul3A_1170 = arith.constant 16 : i32
      %mul3A_1171 = arith.muli %scan3A_670, %mul3A_1170 : i32
      %swap3A_1172 = arith.constant 39 : i32
      %swap3A_1173 = arith.index_cast %swap3A_1172 : i32 to index
      %swap3A_1174 = arith.index_cast %mul3A_1171 : i32 to index
      %swap3A_1175 = tpu.vector_load %arg7[%swap3A_1173, %swap3A_1174] {strides = array<i32>} : memref<64x512xf32, #tpu.memory_space<vmem>>, vector<16xf32>,
      tpu.vector_store %arg7[%swap3A_1173, %swap3A_1174], %gather3A_1169 {strides = array<i32>} : memref<64x512xf32, #tpu.memory_space<vmem>>, vector<16xf32>,
      %broadcast_in_dim3A_1176 = arith.constant 5 : i32
      %broadcast_in_dim3A_1177 = vector.broadcast %broadcast_in_dim3A_1176 : i32 to vector<16xi32>
      %broadcast_in_dim3A_1178 = arith.constant 0 : i32
      %broadcast_in_dim3A_1179 = vector.broadcast %broadcast_in_dim3A_1178 : i32 to vector<16xi32>
      %gather3A_1180 = tpu.vector_load_idx %arg6[%broadcast_in_dim3A_1177, %broadcast_in_dim3A_1179, %add3A_738] : memref<8x8x512xf32, #tpu.memory_space<vmem>>[vector<16xi32>, vector<16xi32>, vector<16xi32>], vector<16xf32>,
      %mul3A_1181 = arith.constant 16 : i32
      %mul3A_1182 = arith.muli %scan3A_670, %mul3A_1181 : i32
      %swap3A_1183 = arith.constant 40 : i32
      %swap3A_1184 = arith.index_cast %swap3A_1183 : i32 to index
      %swap3A_1185 = arith.index_cast %mul3A_1182 : i32 to index
      %swap3A_1186 = tpu.vector_load %arg7[%swap3A_1184, %swap3A_1185] {strides = array<i32>} : memref<64x512xf32, #tpu.memory_space<vmem>>, vector<16xf32>,
      tpu.vector_store %arg7[%swap3A_1184, %swap3A_1185], %gather3A_1180 {strides = array<i32>} : memref<64x512xf32, #tpu.memory_space<vmem>>, vector<16xf32>,
      %broadcast_in_dim3A_1187 = arith.constant 5 : i32
      %broadcast_in_dim3A_1188 = vector.broadcast %broadcast_in_dim3A_1187 : i32 to vector<16xi32>
      %broadcast_in_dim3A_1189 = arith.constant 1 : i32
      %broadcast_in_dim3A_1190 = vector.broadcast %broadcast_in_dim3A_1189 : i32 to vector<16xi32>
      %gather3A_1191 = tpu.vector_load_idx %arg6[%broadcast_in_dim3A_1188, %broadcast_in_dim3A_1190, %add3A_738] : memref<8x8x512xf32, #tpu.memory_space<vmem>>[vector<16xi32>, vector<16xi32>, vector<16xi32>], vector<16xf32>,
      %mul3A_1192 = arith.constant 16 : i32
      %mul3A_1193 = arith.muli %scan3A_670, %mul3A_1192 : i32
      %swap3A_1194 = arith.constant 41 : i32
      %swap3A_1195 = arith.index_cast %swap3A_1194 : i32 to index
      %swap3A_1196 = arith.index_cast %mul3A_1193 : i32 to index
      %swap3A_1197 = tpu.vector_load %arg7[%swap3A_1195, %swap3A_1196] {strides = array<i32>} : memref<64x512xf32, #tpu.memory_space<vmem>>, vector<16xf32>,
      tpu.vector_store %arg7[%swap3A_1195, %swap3A_1196], %gather3A_1191 {strides = array<i32>} : memref<64x512xf32, #tpu.memory_space<vmem>>, vector<16xf32>,
      %broadcast_in_dim3A_1198 = arith.constant 5 : i32
      %broadcast_in_dim3A_1199 = vector.broadcast %broadcast_in_dim3A_1198 : i32 to vector<16xi32>
      %broadcast_in_dim3A_1200 = arith.constant 2 : i32
      %broadcast_in_dim3A_1201 = vector.broadcast %broadcast_in_dim3A_1200 : i32 to vector<16xi32>
      %gather3A_1202 = tpu.vector_load_idx %arg6[%broadcast_in_dim3A_1199, %broadcast_in_dim3A_1201, %add3A_738] : memref<8x8x512xf32, #tpu.memory_space<vmem>>[vector<16xi32>, vector<16xi32>, vector<16xi32>], vector<16xf32>,
      %mul3A_1203 = arith.constant 16 : i32
      %mul3A_1204 = arith.muli %scan3A_670, %mul3A_1203 : i32
      %swap3A_1205 = arith.constant 42 : i32
      %swap3A_1206 = arith.index_cast %swap3A_1205 : i32 to index
      %swap3A_1207 = arith.index_cast %mul3A_1204 : i32 to index
      %swap3A_1208 = tpu.vector_load %arg7[%swap3A_1206, %swap3A_1207] {strides = array<i32>} : memref<64x512xf32, #tpu.memory_space<vmem>>, vector<16xf32>,
      tpu.vector_store %arg7[%swap3A_1206, %swap3A_1207], %gather3A_1202 {strides = array<i32>} : memref<64x512xf32, #tpu.memory_space<vmem>>, vector<16xf32>,
      %broadcast_in_dim3A_1209 = arith.constant 5 : i32
      %broadcast_in_dim3A_1210 = vector.broadcast %broadcast_in_dim3A_1209 : i32 to vector<16xi32>
      %broadcast_in_dim3A_1211 = arith.constant 3 : i32
      %broadcast_in_dim3A_1212 = vector.broadcast %broadcast_in_dim3A_1211 : i32 to vector<16xi32>
      %gather3A_1213 = tpu.vector_load_idx %arg6[%broadcast_in_dim3A_1210, %broadcast_in_dim3A_1212, %add3A_738] : memref<8x8x512xf32, #tpu.memory_space<vmem>>[vector<16xi32>, vector<16xi32>, vector<16xi32>], vector<16xf32>,
      %mul3A_1214 = arith.constant 16 : i32
      %mul3A_1215 = arith.muli %scan3A_670, %mul3A_1214 : i32
      %swap3A_1216 = arith.constant 43 : i32
      %swap3A_1217 = arith.index_cast %swap3A_1216 : i32 to index
      %swap3A_1218 = arith.index_cast %mul3A_1215 : i32 to index
      %swap3A_1219 = tpu.vector_load %arg7[%swap3A_1217, %swap3A_1218] {strides = array<i32>} : memref<64x512xf32, #tpu.memory_space<vmem>>, vector<16xf32>,
      tpu.vector_store %arg7[%swap3A_1217, %swap3A_1218], %gather3A_1213 {strides = array<i32>} : memref<64x512xf32, #tpu.memory_space<vmem>>, vector<16xf32>,
      %broadcast_in_dim3A_1220 = arith.constant 5 : i32
      %broadcast_in_dim3A_1221 = vector.broadcast %broadcast_in_dim3A_1220 : i32 to vector<16xi32>
      %broadcast_in_dim3A_1222 = arith.constant 4 : i32
      %broadcast_in_dim3A_1223 = vector.broadcast %broadcast_in_dim3A_1222 : i32 to vector<16xi32>
      %gather3A_1224 = tpu.vector_load_idx %arg6[%broadcast_in_dim3A_1221, %broadcast_in_dim3A_1223, %add3A_738] : memref<8x8x512xf32, #tpu.memory_space<vmem>>[vector<16xi32>, vector<16xi32>, vector<16xi32>], vector<16xf32>,
      %mul3A_1225 = arith.constant 16 : i32
      %mul3A_1226 = arith.muli %scan3A_670, %mul3A_1225 : i32
      %swap3A_1227 = arith.constant 44 : i32
      %swap3A_1228 = arith.index_cast %swap3A_1227 : i32 to index
      %swap3A_1229 = arith.index_cast %mul3A_1226 : i32 to index
      %swap3A_1230 = tpu.vector_load %arg7[%swap3A_1228, %swap3A_1229] {strides = array<i32>} : memref<64x512xf32, #tpu.memory_space<vmem>>, vector<16xf32>,
      tpu.vector_store %arg7[%swap3A_1228, %swap3A_1229], %gather3A_1224 {strides = array<i32>} : memref<64x512xf32, #tpu.memory_space<vmem>>, vector<16xf32>,
      %broadcast_in_dim3A_1231 = arith.constant 5 : i32
      %broadcast_in_dim3A_1232 = vector.broadcast %broadcast_in_dim3A_1231 : i32 to vector<16xi32>
      %broadcast_in_dim3A_1233 = arith.constant 5 : i32
      %broadcast_in_dim3A_1234 = vector.broadcast %broadcast_in_dim3A_1233 : i32 to vector<16xi32>
      %gather3A_1235 = tpu.vector_load_idx %arg6[%broadcast_in_dim3A_1232, %broadcast_in_dim3A_1234, %add3A_738] : memref<8x8x512xf32, #tpu.memory_space<vmem>>[vector<16xi32>, vector<16xi32>, vector<16xi32>], vector<16xf32>,
      %mul3A_1236 = arith.constant 16 : i32
      %mul3A_1237 = arith.muli %scan3A_670, %mul3A_1236 : i32
      %swap3A_1238 = arith.constant 45 : i32
      %swap3A_1239 = arith.index_cast %swap3A_1238 : i32 to index
      %swap3A_1240 = arith.index_cast %mul3A_1237 : i32 to index
      %swap3A_1241 = tpu.vector_load %arg7[%swap3A_1239, %swap3A_1240] {strides = array<i32>} : memref<64x512xf32, #tpu.memory_space<vmem>>, vector<16xf32>,
      tpu.vector_store %arg7[%swap3A_1239, %swap3A_1240], %gather3A_1235 {strides = array<i32>} : memref<64x512xf32, #tpu.memory_space<vmem>>, vector<16xf32>,
      %broadcast_in_dim3A_1242 = arith.constant 5 : i32
      %broadcast_in_dim3A_1243 = vector.broadcast %broadcast_in_dim3A_1242 : i32 to vector<16xi32>
      %broadcast_in_dim3A_1244 = arith.constant 6 : i32
      %broadcast_in_dim3A_1245 = vector.broadcast %broadcast_in_dim3A_1244 : i32 to vector<16xi32>
      %gather3A_1246 = tpu.vector_load_idx %arg6[%broadcast_in_dim3A_1243, %broadcast_in_dim3A_1245, %add3A_738] : memref<8x8x512xf32, #tpu.memory_space<vmem>>[vector<16xi32>, vector<16xi32>, vector<16xi32>], vector<16xf32>,
      %mul3A_1247 = arith.constant 16 : i32
      %mul3A_1248 = arith.muli %scan3A_670, %mul3A_1247 : i32
      %swap3A_1249 = arith.constant 46 : i32
      %swap3A_1250 = arith.index_cast %swap3A_1249 : i32 to index
      %swap3A_1251 = arith.index_cast %mul3A_1248 : i32 to index
      %swap3A_1252 = tpu.vector_load %arg7[%swap3A_1250, %swap3A_1251] {strides = array<i32>} : memref<64x512xf32, #tpu.memory_space<vmem>>, vector<16xf32>,
      tpu.vector_store %arg7[%swap3A_1250, %swap3A_1251], %gather3A_1246 {strides = array<i32>} : memref<64x512xf32, #tpu.memory_space<vmem>>, vector<16xf32>,
      %broadcast_in_dim3A_1253 = arith.constant 5 : i32
      %broadcast_in_dim3A_1254 = vector.broadcast %broadcast_in_dim3A_1253 : i32 to vector<16xi32>
      %broadcast_in_dim3A_1255 = arith.constant 7 : i32
      %broadcast_in_dim3A_1256 = vector.broadcast %broadcast_in_dim3A_1255 : i32 to vector<16xi32>
      %gather3A_1257 = tpu.vector_load_idx %arg6[%broadcast_in_dim3A_1254, %broadcast_in_dim3A_1256, %add3A_738] : memref<8x8x512xf32, #tpu.memory_space<vmem>>[vector<16xi32>, vector<16xi32>, vector<16xi32>], vector<16xf32>,
      %mul3A_1258 = arith.constant 16 : i32
      %mul3A_1259 = arith.muli %scan3A_670, %mul3A_1258 : i32
      %swap3A_1260 = arith.constant 47 : i32
      %swap3A_1261 = arith.index_cast %swap3A_1260 : i32 to index
      %swap3A_1262 = arith.index_cast %mul3A_1259 : i32 to index
      %swap3A_1263 = tpu.vector_load %arg7[%swap3A_1261, %swap3A_1262] {strides = array<i32>} : memref<64x512xf32, #tpu.memory_space<vmem>>, vector<16xf32>,
      tpu.vector_store %arg7[%swap3A_1261, %swap3A_1262], %gather3A_1257 {strides = array<i32>} : memref<64x512xf32, #tpu.memory_space<vmem>>, vector<16xf32>,
      %broadcast_in_dim3A_1264 = arith.constant 6 : i32
      %broadcast_in_dim3A_1265 = vector.broadcast %broadcast_in_dim3A_1264 : i32 to vector<16xi32>
      %broadcast_in_dim3A_1266 = arith.constant 0 : i32
      %broadcast_in_dim3A_1267 = vector.broadcast %broadcast_in_dim3A_1266 : i32 to vector<16xi32>
      %gather3A_1268 = tpu.vector_load_idx %arg6[%broadcast_in_dim3A_1265, %broadcast_in_dim3A_1267, %add3A_738] : memref<8x8x512xf32, #tpu.memory_space<vmem>>[vector<16xi32>, vector<16xi32>, vector<16xi32>], vector<16xf32>,
      %mul3A_1269 = arith.constant 16 : i32
      %mul3A_1270 = arith.muli %scan3A_670, %mul3A_1269 : i32
      %swap3A_1271 = arith.constant 48 : i32
      %swap3A_1272 = arith.index_cast %swap3A_1271 : i32 to index
      %swap3A_1273 = arith.index_cast %mul3A_1270 : i32 to index
      %swap3A_1274 = tpu.vector_load %arg7[%swap3A_1272, %swap3A_1273] {strides = array<i32>} : memref<64x512xf32, #tpu.memory_space<vmem>>, vector<16xf32>,
      tpu.vector_store %arg7[%swap3A_1272, %swap3A_1273], %gather3A_1268 {strides = array<i32>} : memref<64x512xf32, #tpu.memory_space<vmem>>, vector<16xf32>,
      %broadcast_in_dim3A_1275 = arith.constant 6 : i32
      %broadcast_in_dim3A_1276 = vector.broadcast %broadcast_in_dim3A_1275 : i32 to vector<16xi32>
      %broadcast_in_dim3A_1277 = arith.constant 1 : i32
      %broadcast_in_dim3A_1278 = vector.broadcast %broadcast_in_dim3A_1277 : i32 to vector<16xi32>
      %gather3A_1279 = tpu.vector_load_idx %arg6[%broadcast_in_dim3A_1276, %broadcast_in_dim3A_1278, %add3A_738] : memref<8x8x512xf32, #tpu.memory_space<vmem>>[vector<16xi32>, vector<16xi32>, vector<16xi32>], vector<16xf32>,
      %mul3A_1280 = arith.constant 16 : i32
      %mul3A_1281 = arith.muli %scan3A_670, %mul3A_1280 : i32
      %swap3A_1282 = arith.constant 49 : i32
      %swap3A_1283 = arith.index_cast %swap3A_1282 : i32 to index
      %swap3A_1284 = arith.index_cast %mul3A_1281 : i32 to index
      %swap3A_1285 = tpu.vector_load %arg7[%swap3A_1283, %swap3A_1284] {strides = array<i32>} : memref<64x512xf32, #tpu.memory_space<vmem>>, vector<16xf32>,
      tpu.vector_store %arg7[%swap3A_1283, %swap3A_1284], %gather3A_1279 {strides = array<i32>} : memref<64x512xf32, #tpu.memory_space<vmem>>, vector<16xf32>,
      %broadcast_in_dim3A_1286 = arith.constant 6 : i32
      %broadcast_in_dim3A_1287 = vector.broadcast %broadcast_in_dim3A_1286 : i32 to vector<16xi32>
      %broadcast_in_dim3A_1288 = arith.constant 2 : i32
      %broadcast_in_dim3A_1289 = vector.broadcast %broadcast_in_dim3A_1288 : i32 to vector<16xi32>
      %gather3A_1290 = tpu.vector_load_idx %arg6[%broadcast_in_dim3A_1287, %broadcast_in_dim3A_1289, %add3A_738] : memref<8x8x512xf32, #tpu.memory_space<vmem>>[vector<16xi32>, vector<16xi32>, vector<16xi32>], vector<16xf32>,
      %mul3A_1291 = arith.constant 16 : i32
      %mul3A_1292 = arith.muli %scan3A_670, %mul3A_1291 : i32
      %swap3A_1293 = arith.constant 50 : i32
      %swap3A_1294 = arith.index_cast %swap3A_1293 : i32 to index
      %swap3A_1295 = arith.index_cast %mul3A_1292 : i32 to index
      %swap3A_1296 = tpu.vector_load %arg7[%swap3A_1294, %swap3A_1295] {strides = array<i32>} : memref<64x512xf32, #tpu.memory_space<vmem>>, vector<16xf32>,
      tpu.vector_store %arg7[%swap3A_1294, %swap3A_1295], %gather3A_1290 {strides = array<i32>} : memref<64x512xf32, #tpu.memory_space<vmem>>, vector<16xf32>,
      %broadcast_in_dim3A_1297 = arith.constant 6 : i32
      %broadcast_in_dim3A_1298 = vector.broadcast %broadcast_in_dim3A_1297 : i32 to vector<16xi32>
      %broadcast_in_dim3A_1299 = arith.constant 3 : i32
      %broadcast_in_dim3A_1300 = vector.broadcast %broadcast_in_dim3A_1299 : i32 to vector<16xi32>
      %gather3A_1301 = tpu.vector_load_idx %arg6[%broadcast_in_dim3A_1298, %broadcast_in_dim3A_1300, %add3A_738] : memref<8x8x512xf32, #tpu.memory_space<vmem>>[vector<16xi32>, vector<16xi32>, vector<16xi32>], vector<16xf32>,
      %mul3A_1302 = arith.constant 16 : i32
      %mul3A_1303 = arith.muli %scan3A_670, %mul3A_1302 : i32
      %swap3A_1304 = arith.constant 51 : i32
      %swap3A_1305 = arith.index_cast %swap3A_1304 : i32 to index
      %swap3A_1306 = arith.index_cast %mul3A_1303 : i32 to index
      %swap3A_1307 = tpu.vector_load %arg7[%swap3A_1305, %swap3A_1306] {strides = array<i32>} : memref<64x512xf32, #tpu.memory_space<vmem>>, vector<16xf32>,
      tpu.vector_store %arg7[%swap3A_1305, %swap3A_1306], %gather3A_1301 {strides = array<i32>} : memref<64x512xf32, #tpu.memory_space<vmem>>, vector<16xf32>,
      %broadcast_in_dim3A_1308 = arith.constant 6 : i32
      %broadcast_in_dim3A_1309 = vector.broadcast %broadcast_in_dim3A_1308 : i32 to vector<16xi32>
      %broadcast_in_dim3A_1310 = arith.constant 4 : i32
      %broadcast_in_dim3A_1311 = vector.broadcast %broadcast_in_dim3A_1310 : i32 to vector<16xi32>
      %gather3A_1312 = tpu.vector_load_idx %arg6[%broadcast_in_dim3A_1309, %broadcast_in_dim3A_1311, %add3A_738] : memref<8x8x512xf32, #tpu.memory_space<vmem>>[vector<16xi32>, vector<16xi32>, vector<16xi32>], vector<16xf32>,
      %mul3A_1313 = arith.constant 16 : i32
      %mul3A_1314 = arith.muli %scan3A_670, %mul3A_1313 : i32
      %swap3A_1315 = arith.constant 52 : i32
      %swap3A_1316 = arith.index_cast %swap3A_1315 : i32 to index
      %swap3A_1317 = arith.index_cast %mul3A_1314 : i32 to index
      %swap3A_1318 = tpu.vector_load %arg7[%swap3A_1316, %swap3A_1317] {strides = array<i32>} : memref<64x512xf32, #tpu.memory_space<vmem>>, vector<16xf32>,
      tpu.vector_store %arg7[%swap3A_1316, %swap3A_1317], %gather3A_1312 {strides = array<i32>} : memref<64x512xf32, #tpu.memory_space<vmem>>, vector<16xf32>,
      %broadcast_in_dim3A_1319 = arith.constant 6 : i32
      %broadcast_in_dim3A_1320 = vector.broadcast %broadcast_in_dim3A_1319 : i32 to vector<16xi32>
      %broadcast_in_dim3A_1321 = arith.constant 5 : i32
      %broadcast_in_dim3A_1322 = vector.broadcast %broadcast_in_dim3A_1321 : i32 to vector<16xi32>
      %gather3A_1323 = tpu.vector_load_idx %arg6[%broadcast_in_dim3A_1320, %broadcast_in_dim3A_1322, %add3A_738] : memref<8x8x512xf32, #tpu.memory_space<vmem>>[vector<16xi32>, vector<16xi32>, vector<16xi32>], vector<16xf32>,
      %mul3A_1324 = arith.constant 16 : i32
      %mul3A_1325 = arith.muli %scan3A_670, %mul3A_1324 : i32
      %swap3A_1326 = arith.constant 53 : i32
      %swap3A_1327 = arith.index_cast %swap3A_1326 : i32 to index
      %swap3A_1328 = arith.index_cast %mul3A_1325 : i32 to index
      %swap3A_1329 = tpu.vector_load %arg7[%swap3A_1327, %swap3A_1328] {strides = array<i32>} : memref<64x512xf32, #tpu.memory_space<vmem>>, vector<16xf32>,
      tpu.vector_store %arg7[%swap3A_1327, %swap3A_1328], %gather3A_1323 {strides = array<i32>} : memref<64x512xf32, #tpu.memory_space<vmem>>, vector<16xf32>,
      %broadcast_in_dim3A_1330 = arith.constant 6 : i32
      %broadcast_in_dim3A_1331 = vector.broadcast %broadcast_in_dim3A_1330 : i32 to vector<16xi32>
      %broadcast_in_dim3A_1332 = arith.constant 6 : i32
      %broadcast_in_dim3A_1333 = vector.broadcast %broadcast_in_dim3A_1332 : i32 to vector<16xi32>
      %gather3A_1334 = tpu.vector_load_idx %arg6[%broadcast_in_dim3A_1331, %broadcast_in_dim3A_1333, %add3A_738] : memref<8x8x512xf32, #tpu.memory_space<vmem>>[vector<16xi32>, vector<16xi32>, vector<16xi32>], vector<16xf32>,
      %mul3A_1335 = arith.constant 16 : i32
      %mul3A_1336 = arith.muli %scan3A_670, %mul3A_1335 : i32
      %swap3A_1337 = arith.constant 54 : i32
      %swap3A_1338 = arith.index_cast %swap3A_1337 : i32 to index
      %swap3A_1339 = arith.index_cast %mul3A_1336 : i32 to index
      %swap3A_1340 = tpu.vector_load %arg7[%swap3A_1338, %swap3A_1339] {strides = array<i32>} : memref<64x512xf32, #tpu.memory_space<vmem>>, vector<16xf32>,
      tpu.vector_store %arg7[%swap3A_1338, %swap3A_1339], %gather3A_1334 {strides = array<i32>} : memref<64x512xf32, #tpu.memory_space<vmem>>, vector<16xf32>,
      %broadcast_in_dim3A_1341 = arith.constant 6 : i32
      %broadcast_in_dim3A_1342 = vector.broadcast %broadcast_in_dim3A_1341 : i32 to vector<16xi32>
      %broadcast_in_dim3A_1343 = arith.constant 7 : i32
      %broadcast_in_dim3A_1344 = vector.broadcast %broadcast_in_dim3A_1343 : i32 to vector<16xi32>
      %gather3A_1345 = tpu.vector_load_idx %arg6[%broadcast_in_dim3A_1342, %broadcast_in_dim3A_1344, %add3A_738] : memref<8x8x512xf32, #tpu.memory_space<vmem>>[vector<16xi32>, vector<16xi32>, vector<16xi32>], vector<16xf32>,
      %mul3A_1346 = arith.constant 16 : i32
      %mul3A_1347 = arith.muli %scan3A_670, %mul3A_1346 : i32
      %swap3A_1348 = arith.constant 55 : i32
      %swap3A_1349 = arith.index_cast %swap3A_1348 : i32 to index
      %swap3A_1350 = arith.index_cast %mul3A_1347 : i32 to index
      %swap3A_1351 = tpu.vector_load %arg7[%swap3A_1349, %swap3A_1350] {strides = array<i32>} : memref<64x512xf32, #tpu.memory_space<vmem>>, vector<16xf32>,
      tpu.vector_store %arg7[%swap3A_1349, %swap3A_1350], %gather3A_1345 {strides = array<i32>} : memref<64x512xf32, #tpu.memory_space<vmem>>, vector<16xf32>,
      %broadcast_in_dim3A_1352 = arith.constant 7 : i32
      %broadcast_in_dim3A_1353 = vector.broadcast %broadcast_in_dim3A_1352 : i32 to vector<16xi32>
      %broadcast_in_dim3A_1354 = arith.constant 0 : i32
      %broadcast_in_dim3A_1355 = vector.broadcast %broadcast_in_dim3A_1354 : i32 to vector<16xi32>
      %gather3A_1356 = tpu.vector_load_idx %arg6[%broadcast_in_dim3A_1353, %broadcast_in_dim3A_1355, %add3A_738] : memref<8x8x512xf32, #tpu.memory_space<vmem>>[vector<16xi32>, vector<16xi32>, vector<16xi32>], vector<16xf32>,
      %mul3A_1357 = arith.constant 16 : i32
      %mul3A_1358 = arith.muli %scan3A_670, %mul3A_1357 : i32
      %swap3A_1359 = arith.constant 56 : i32
      %swap3A_1360 = arith.index_cast %swap3A_1359 : i32 to index
      %swap3A_1361 = arith.index_cast %mul3A_1358 : i32 to index
      %swap3A_1362 = tpu.vector_load %arg7[%swap3A_1360, %swap3A_1361] {strides = array<i32>} : memref<64x512xf32, #tpu.memory_space<vmem>>, vector<16xf32>,
      tpu.vector_store %arg7[%swap3A_1360, %swap3A_1361], %gather3A_1356 {strides = array<i32>} : memref<64x512xf32, #tpu.memory_space<vmem>>, vector<16xf32>,
      %broadcast_in_dim3A_1363 = arith.constant 7 : i32
      %broadcast_in_dim3A_1364 = vector.broadcast %broadcast_in_dim3A_1363 : i32 to vector<16xi32>
      %broadcast_in_dim3A_1365 = arith.constant 1 : i32
      %broadcast_in_dim3A_1366 = vector.broadcast %broadcast_in_dim3A_1365 : i32 to vector<16xi32>
      %gather3A_1367 = tpu.vector_load_idx %arg6[%broadcast_in_dim3A_1364, %broadcast_in_dim3A_1366, %add3A_738] : memref<8x8x512xf32, #tpu.memory_space<vmem>>[vector<16xi32>, vector<16xi32>, vector<16xi32>], vector<16xf32>,
      %mul3A_1368 = arith.constant 16 : i32
      %mul3A_1369 = arith.muli %scan3A_670, %mul3A_1368 : i32
      %swap3A_1370 = arith.constant 57 : i32
      %swap3A_1371 = arith.index_cast %swap3A_1370 : i32 to index
      %swap3A_1372 = arith.index_cast %mul3A_1369 : i32 to index
      %swap3A_1373 = tpu.vector_load %arg7[%swap3A_1371, %swap3A_1372] {strides = array<i32>} : memref<64x512xf32, #tpu.memory_space<vmem>>, vector<16xf32>,
      tpu.vector_store %arg7[%swap3A_1371, %swap3A_1372], %gather3A_1367 {strides = array<i32>} : memref<64x512xf32, #tpu.memory_space<vmem>>, vector<16xf32>,
      %broadcast_in_dim3A_1374 = arith.constant 7 : i32
      %broadcast_in_dim3A_1375 = vector.broadcast %broadcast_in_dim3A_1374 : i32 to vector<16xi32>
      %broadcast_in_dim3A_1376 = arith.constant 2 : i32
      %broadcast_in_dim3A_1377 = vector.broadcast %broadcast_in_dim3A_1376 : i32 to vector<16xi32>
      %gather3A_1378 = tpu.vector_load_idx %arg6[%broadcast_in_dim3A_1375, %broadcast_in_dim3A_1377, %add3A_738] : memref<8x8x512xf32, #tpu.memory_space<vmem>>[vector<16xi32>, vector<16xi32>, vector<16xi32>], vector<16xf32>,
      %mul3A_1379 = arith.constant 16 : i32
      %mul3A_1380 = arith.muli %scan3A_670, %mul3A_1379 : i32
      %swap3A_1381 = arith.constant 58 : i32
      %swap3A_1382 = arith.index_cast %swap3A_1381 : i32 to index
      %swap3A_1383 = arith.index_cast %mul3A_1380 : i32 to index
      %swap3A_1384 = tpu.vector_load %arg7[%swap3A_1382, %swap3A_1383] {strides = array<i32>} : memref<64x512xf32, #tpu.memory_space<vmem>>, vector<16xf32>,
      tpu.vector_store %arg7[%swap3A_1382, %swap3A_1383], %gather3A_1378 {strides = array<i32>} : memref<64x512xf32, #tpu.memory_space<vmem>>, vector<16xf32>,
      %broadcast_in_dim3A_1385 = arith.constant 7 : i32
      %broadcast_in_dim3A_1386 = vector.broadcast %broadcast_in_dim3A_1385 : i32 to vector<16xi32>
      %broadcast_in_dim3A_1387 = arith.constant 3 : i32
      %broadcast_in_dim3A_1388 = vector.broadcast %broadcast_in_dim3A_1387 : i32 to vector<16xi32>
      %gather3A_1389 = tpu.vector_load_idx %arg6[%broadcast_in_dim3A_1386, %broadcast_in_dim3A_1388, %add3A_738] : memref<8x8x512xf32, #tpu.memory_space<vmem>>[vector<16xi32>, vector<16xi32>, vector<16xi32>], vector<16xf32>,
      %mul3A_1390 = arith.constant 16 : i32
      %mul3A_1391 = arith.muli %scan3A_670, %mul3A_1390 : i32
      %swap3A_1392 = arith.constant 59 : i32
      %swap3A_1393 = arith.index_cast %swap3A_1392 : i32 to index
      %swap3A_1394 = arith.index_cast %mul3A_1391 : i32 to index
      %swap3A_1395 = tpu.vector_load %arg7[%swap3A_1393, %swap3A_1394] {strides = array<i32>} : memref<64x512xf32, #tpu.memory_space<vmem>>, vector<16xf32>,
      tpu.vector_store %arg7[%swap3A_1393, %swap3A_1394], %gather3A_1389 {strides = array<i32>} : memref<64x512xf32, #tpu.memory_space<vmem>>, vector<16xf32>,
      %broadcast_in_dim3A_1396 = arith.constant 7 : i32
      %broadcast_in_dim3A_1397 = vector.broadcast %broadcast_in_dim3A_1396 : i32 to vector<16xi32>
      %broadcast_in_dim3A_1398 = arith.constant 4 : i32
      %broadcast_in_dim3A_1399 = vector.broadcast %broadcast_in_dim3A_1398 : i32 to vector<16xi32>
      %gather3A_1400 = tpu.vector_load_idx %arg6[%broadcast_in_dim3A_1397, %broadcast_in_dim3A_1399, %add3A_738] : memref<8x8x512xf32, #tpu.memory_space<vmem>>[vector<16xi32>, vector<16xi32>, vector<16xi32>], vector<16xf32>,
      %mul3A_1401 = arith.constant 16 : i32
      %mul3A_1402 = arith.muli %scan3A_670, %mul3A_1401 : i32
      %swap3A_1403 = arith.constant 60 : i32
      %swap3A_1404 = arith.index_cast %swap3A_1403 : i32 to index
      %swap3A_1405 = arith.index_cast %mul3A_1402 : i32 to index
      %swap3A_1406 = tpu.vector_load %arg7[%swap3A_1404, %swap3A_1405] {strides = array<i32>} : memref<64x512xf32, #tpu.memory_space<vmem>>, vector<16xf32>,
      tpu.vector_store %arg7[%swap3A_1404, %swap3A_1405], %gather3A_1400 {strides = array<i32>} : memref<64x512xf32, #tpu.memory_space<vmem>>, vector<16xf32>,
      %broadcast_in_dim3A_1407 = arith.constant 7 : i32
      %broadcast_in_dim3A_1408 = vector.broadcast %broadcast_in_dim3A_1407 : i32 to vector<16xi32>
      %broadcast_in_dim3A_1409 = arith.constant 5 : i32
      %broadcast_in_dim3A_1410 = vector.broadcast %broadcast_in_dim3A_1409 : i32 to vector<16xi32>
      %gather3A_1411 = tpu.vector_load_idx %arg6[%broadcast_in_dim3A_1408, %broadcast_in_dim3A_1410, %add3A_738] : memref<8x8x512xf32, #tpu.memory_space<vmem>>[vector<16xi32>, vector<16xi32>, vector<16xi32>], vector<16xf32>,
      %mul3A_1412 = arith.constant 16 : i32
      %mul3A_1413 = arith.muli %scan3A_670, %mul3A_1412 : i32
      %swap3A_1414 = arith.constant 61 : i32
      %swap3A_1415 = arith.index_cast %swap3A_1414 : i32 to index
      %swap3A_1416 = arith.index_cast %mul3A_1413 : i32 to index
      %swap3A_1417 = tpu.vector_load %arg7[%swap3A_1415, %swap3A_1416] {strides = array<i32>} : memref<64x512xf32, #tpu.memory_space<vmem>>, vector<16xf32>,
      tpu.vector_store %arg7[%swap3A_1415, %swap3A_1416], %gather3A_1411 {strides = array<i32>} : memref<64x512xf32, #tpu.memory_space<vmem>>, vector<16xf32>,
      %broadcast_in_dim3A_1418 = arith.constant 7 : i32
      %broadcast_in_dim3A_1419 = vector.broadcast %broadcast_in_dim3A_1418 : i32 to vector<16xi32>
      %broadcast_in_dim3A_1420 = arith.constant 6 : i32
      %broadcast_in_dim3A_1421 = vector.broadcast %broadcast_in_dim3A_1420 : i32 to vector<16xi32>
      %gather3A_1422 = tpu.vector_load_idx %arg6[%broadcast_in_dim3A_1419, %broadcast_in_dim3A_1421, %add3A_738] : memref<8x8x512xf32, #tpu.memory_space<vmem>>[vector<16xi32>, vector<16xi32>, vector<16xi32>], vector<16xf32>,
      %mul3A_1423 = arith.constant 16 : i32
      %mul3A_1424 = arith.muli %scan3A_670, %mul3A_1423 : i32
      %swap3A_1425 = arith.constant 62 : i32
      %swap3A_1426 = arith.index_cast %swap3A_1425 : i32 to index
      %swap3A_1427 = arith.index_cast %mul3A_1424 : i32 to index
      %swap3A_1428 = tpu.vector_load %arg7[%swap3A_1426, %swap3A_1427] {strides = array<i32>} : memref<64x512xf32, #tpu.memory_space<vmem>>, vector<16xf32>,
      tpu.vector_store %arg7[%swap3A_1426, %swap3A_1427], %gather3A_1422 {strides = array<i32>} : memref<64x512xf32, #tpu.memory_space<vmem>>, vector<16xf32>,
      %broadcast_in_dim3A_1429 = arith.constant 7 : i32
      %broadcast_in_dim3A_1430 = vector.broadcast %broadcast_in_dim3A_1429 : i32 to vector<16xi32>
      %broadcast_in_dim3A_1431 = arith.constant 7 : i32
      %broadcast_in_dim3A_1432 = vector.broadcast %broadcast_in_dim3A_1431 : i32 to vector<16xi32>
      %gather3A_1433 = tpu.vector_load_idx %arg6[%broadcast_in_dim3A_1430, %broadcast_in_dim3A_1432, %add3A_738] : memref<8x8x512xf32, #tpu.memory_space<vmem>>[vector<16xi32>, vector<16xi32>, vector<16xi32>], vector<16xf32>,
      %mul3A_1434 = arith.constant 16 : i32
      %mul3A_1435 = arith.muli %scan3A_670, %mul3A_1434 : i32
      %swap3A_1436 = arith.constant 63 : i32
      %swap3A_1437 = arith.index_cast %swap3A_1436 : i32 to index
      %swap3A_1438 = arith.index_cast %mul3A_1435 : i32 to index
      %swap3A_1439 = tpu.vector_load %arg7[%swap3A_1437, %swap3A_1438] {strides = array<i32>} : memref<64x512xf32, #tpu.memory_space<vmem>>, vector<16xf32>,
      tpu.vector_store %arg7[%swap3A_1437, %swap3A_1438], %gather3A_1433 {strides = array<i32>} : memref<64x512xf32, #tpu.memory_space<vmem>>, vector<16xf32>,
    }
    %scan3A_667 = arith.constant 32 : i32
    %mul3A_668 = arith.constant 512 : i32
    %mul3A_669 = arith.muli %add3A, %mul3A_668 : i32
    "tpu.region"() ({
      %run_scoped3A = tpu.sem_alloc : memref<!tpu.dma_semaphore, #tpu.memory_space<semaphore_mem>>
      %dma_start3A_670 = arith.constant 0 : i32
      %dma_start3A_671 = tpu.memref_slice %arg4[%dma_start3A_670, %mul3A_669] : memref<64x16384xf32, #tpu.memory_space<hbm>> -> memref<64x512xf32, #tpu.memory_space<hbm>>
      %dma_start3A_672 = arith.constant 0 : i32
      %dma_start3A_673 = tpu.memref_slice %arg4[%dma_start3A_672, %mul3A_669] : memref<64x16384xf32, #tpu.memory_space<hbm>> -> memref<64x512xf32, #tpu.memory_space<hbm>>
      tpu.enqueue_dma source(%arg7 : memref<64x512xf32, #tpu.memory_space<vmem>>) target(%dma_start3A_673 : memref<64x512xf32, #tpu.memory_space<hbm>>) target_semaphore(%run_scoped3A : memref<!tpu.dma_semaphore, #tpu.memory_space<semaphore_mem>>)
      %dma_wait3A = arith.constant 0 : i32
      %dma_wait3A_674 = tpu.memref_slice %arg4[%dma_wait3A, %mul3A_669] : memref<64x16384xf32, #tpu.memory_space<hbm>> -> memref<64x512xf32, #tpu.memory_space<hbm>>
      %dma_wait3A_675 = arith.constant 0 : i32
      %dma_wait3A_676 = tpu.memref_slice %arg4[%dma_wait3A_675, %mul3A_669] : memref<64x16384xf32, #tpu.memory_space<hbm>> -> memref<64x512xf32, #tpu.memory_space<hbm>>
      tpu.wait_dma2 semaphore(%run_scoped3A : memref<!tpu.dma_semaphore, #tpu.memory_space<semaphore_mem>>) src(%arg7 : memref<64x512xf32, #tpu.memory_space<vmem>>) dst(%dma_wait3A_676 : memref<64x512xf32, #tpu.memory_space<hbm>>)
      tpu.yield
    }) : () -> ()
    return
  }
}

module attributes {stable_mosaic.version = 14 : i64} {
  func.func @_proj_body(%arg0: i32, %arg1: memref<64x2048xf32, #tpu.memory_space<vmem>>, %arg2: memref<64x64xf32, #tpu.memory_space<vmem>>, %arg3: memref<64x1xf32, #tpu.memory_space<vmem>>, %arg4: memref<64x2048xf32, #tpu.memory_space<vmem>>) attributes {dimension_semantics = [#tpu.dimension_semantics<arbitrary>], iteration_bounds = array<i64: 8>, scalar_prefetch = 0 : i64, scratch_operands = 0 : i64, tpu.core_type = #tpu.core_type<tc>, window_params = [{transform_indices = @transform_0, window_bounds = array<i64: 64, 2048>}, {pipeline_mode = #tpu.pipeline_mode<synchronous>, transform_indices = @transform_1, window_bounds = array<i64: 64, 64>}, {pipeline_mode = #tpu.pipeline_mode<synchronous>, transform_indices = @transform_2, window_bounds = array<i64: 64, 1>}, {transform_indices = @transform_3, window_bounds = array<i64: 64, 2048>}]} {
    %get3A = arith.constant 0 : index
    %get3A_0 = arith.constant 0 : index
    %get3A_1 = vector.load %arg1[%get3A, %get3A_0] : memref<64x2048xf32, #tpu.memory_space<vmem>>, vector<64x2048xf32>
    %get3A_2 = arith.constant 0 : index
    %get3A_3 = arith.constant 0 : index
    %get3A_4 = vector.load %arg2[%get3A_2, %get3A_3] : memref<64x64xf32, #tpu.memory_space<vmem>>, vector<64x64xf32>
    %dot_general3A = arith.constant dense<0.000000e+00> : vector<64x2048xf32>
    %dot_general3A_5 = tpu.matmul %get3A_4, %get3A_1, %dot_general3A {dimension_numbers = #tpu.dot_dimension_numbers<[1], [0], [0], [1], [0, 0, 1, 1], [], []>, transpose_lhs_hint = false} : vector<64x64xf32>, vector<64x2048xf32>, vector<64x2048xf32> -> vector<64x2048xf32>
    %get3A_6 = arith.constant 0 : index
    %get3A_7 = arith.constant 0 : index
    %get3A_8 = vector.load %arg3[%get3A_6, %get3A_7] : memref<64x1xf32, #tpu.memory_space<vmem>>, vector<64x1xf32>
    %add3A = vector.broadcast %get3A_8 : vector<64x1xf32> to vector<64x2048xf32>
    %add3A_9 = arith.addf %dot_general3A_5, %add3A : vector<64x2048xf32>
    %mul3A = arith.mulf %add3A_9, %add3A_9 : vector<64x2048xf32>
    %reduce_sum3A = arith.constant dense<0.000000e+00> : vector<2048xf32>
    %reduce_sum3A_10 = vector.multi_reduction <add>, %mul3A, %reduce_sum3A [0] : vector<64x2048xf32> to vector<2048xf32>
    %broadcast_in_dim3A = vector.shape_cast %reduce_sum3A_10 : vector<2048xf32> to vector<1x2048xf32>
    %sqrt3A = math.sqrt %broadcast_in_dim3A : vector<1x2048xf32>
    %max3A = arith.constant 9.99999996E-13 : f32
    %max3A_11 = vector.broadcast %max3A : f32 to vector<1x2048xf32>
    %max3A_12 = arith.maximumf %sqrt3A, %max3A_11 : vector<1x2048xf32>
    %div3A = vector.broadcast %max3A_12 : vector<1x2048xf32> to vector<64x2048xf32>
    %div3A_13 = arith.divf %add3A_9, %div3A : vector<64x2048xf32>
    %swap3A = arith.constant 0 : index
    %swap3A_14 = arith.constant 0 : index
    %swap3A_15 = vector.load %arg4[%swap3A, %swap3A_14] : memref<64x2048xf32, #tpu.memory_space<vmem>>, vector<64x2048xf32>
    tpu.vector_store %arg4[%swap3A, %swap3A_14], %div3A_13 {strides = array<i32>} : memref<64x2048xf32, #tpu.memory_space<vmem>>, vector<64x2048xf32>,
    return
  }
  func.func @transform_0(%arg0: i32) -> (i32, i32) {
    %c0_i32 = arith.constant 0 : i32
    %c0_i32_0 = arith.constant 0 : i32
    return %c0_i32, %arg0 : i32, i32
  }
  func.func @transform_1(%arg0: i32) -> (i32, i32) {
    %c0_i32 = arith.constant 0 : i32
    %c0_i32_0 = arith.constant 0 : i32
    %c0_i32_1 = arith.constant 0 : i32
    return %c0_i32, %c0_i32_0 : i32, i32
  }
  func.func @transform_2(%arg0: i32) -> (i32, i32) {
    %c0_i32 = arith.constant 0 : i32
    %c0_i32_0 = arith.constant 0 : i32
    %c0_i32_1 = arith.constant 0 : i32
    return %c0_i32, %c0_i32_0 : i32, i32
  }
  func.func @transform_3(%arg0: i32) -> (i32, i32) {
    %c0_i32 = arith.constant 0 : i32
    %c0_i32_0 = arith.constant 0 : i32
    return %c0_i32, %arg0 : i32, i32
  }
}

</mosaic_0001>

<sc_bundles>
// kernel: kernel.4.cloned.1.call-start
scs
__scs_entry_jumppad:
0x0: {  	(pc) =	sbr.rel $0x88, $3  }
0x1: {  	(tag) =	ssettag $0x0;
	lr =	simm.s32 $0x1  }
0x2: {  	[smem:$0x3F9D] =	sst lr;
	_ =	strace $0xD0000000  }
0x3: {  	_ = 	snop  }
0x4: {  	_ = 	snop  }
0x5: {  	_ = 	snop  }
0x6: {  	_ = 	snop  }
0x7: {  	_ = 	snop  }
__scs_overlays_trampoline_lowered:
0x8: {  	[smem:$0x3FAC] =	sst s0  }
0x9: {  	[smem:$0x3FAD] =	sst s1  }
0xa: {  	[smem:$0x3FAE] =	sst s2  }
0xb: {  	[smem:$0x3FAF] =	sst s3  }
0xc: {  	[smem:$0x3FB0] =	sst s4  }
0xd: {  	[smem:$0x3FB1] =	sst s5  }
0xe: {  	[smem:$0x3FB2] =	sst s6  }
0xf: {  	[smem:$0x3FB3] =	sst s7  }
0x10: {  	[smem:$0x3FB4] =	sst s8  }
0x11: {  	[smem:$0x3FB5] =	sst s9;
	s0 =	simm.s32 @!p0 $0x0  }
0x12: {  	s1 =	sld [smem:$0x3F9B];
	s0 =	simm.s32 @p0 $0x1  }
0x13: {  	[smem:$0x3FB6] =	sst s0;
	s0 =	simm.s32 @!p1 $0x0  }
0x14: {  	s2 =	sld [smem:$0x3F9A];
	s0 =	simm.s32 @p1 $0x1  }
0x15: {  	[smem:$0x3FB7] =	sst s0;
	s0 =	simm.s32 @!p2 $0x0  }
0x16: {  	s3 =	sld [smem:$0x3FDB];
	s0 =	simm.s32 @p2 $0x1  }
0x17: {  	s4 =	simm.s32 $0x1BF5;
	[smem:$0x3FB9] =	sst s0  }
0x18: {  	s0 =	sld [smem:$0x3F9C];
	_ =	swait.ge [sflag:s4], $0x0  }
0x19: {  	s7 =	sld [smem:$0x3F9D]  }
0x1a: {  	s8 =	sadd.s32 $0xFFFFE003, lr  }
0x1b: {  	s9 =	sadd.s32 $0xFFFFFEF7, lr;
	s5 =	simm.s32 $0xFFFFFFFF;
	p2 =	slt.u32 s8, $0xFFFFF086  }
0x1c: {  	p1 =	slt.u32 s9, $0xF7A;
	s5 =	simm.s32 @!p2 $0x0  }
0x1d: {  	s5 =	simm.s32 @p1 $0x1;
	p0 =	seq.s32 s7, s2  }
0x1e: {  	s7 =	smul.u32 @!p0 $0xF7A, s2;
	p2 =	seq.s32 @!p0 s5, $0x0  }
0x1f: {  	s9 =	smul.u32 $0xF7A, s1;
	s8 =	simm.s32 @!p0 $0x1BF5;
	p2 =	por !p2, p0  }
0x20: {  	[sflag:s8] =	ssyncset.s32 @!p0 $0xFFFFF086;
	s6 =	sadd.s32 @!p0 s3, s7;
	s7 =	simm.s32 @!p0 $0x108  }
0x21: {  	s3 =	sadd.s32 s3, s9;
	s6 =	sadd.s32 @!p0 $0x88, s6;
	s7 =	simm.s32 @p2 $0x1082  }
0x22: {  	[simem:s7], [sflag:s8] =	dma.local @!p0 [hbm:s6], $0xF7A  }
0x23: {  	s9 =	sor.u32 $0xD0000000, s2;
	s6 =	simm.s32 $0x108;
	_ =	swait.ge @!p0 [sflag:s8], $0x0  }
0x24: {  	s3 =	sadd.s32 $0x88, s3;
	s6 =	simm.s32 @!p1 $0x1082;
	[sflag:s4] =	ssyncset.s32 $0xFFFFF086  }
0x25: {  	[simem:s6], [sflag:s4] =	dma.local [hbm:s3], $0xF7A  }
0x26: {  	[smem:$0x3F9D] =	sst s1;
	(tag) =	ssettag s2;
	_ =	strace s9  }
0x27: {  	s1 =	sld [smem:$0x3FAD]  }
0x28: {  	s2 =	sld [smem:$0x3FAE]  }
0x29: {  	s4 =	sld [smem:$0x3FB0]  }
0x2a: {  	p0 =	seq.s32 s5, $0x0;
	s5 =	sld [smem:$0x3FB1]  }
0x2b: {  	s6 =	sld [smem:$0x3FB2]  }
0x2c: {  	s7 =	sld [smem:$0x3FB3]  }
0x2d: {  	s3 =	simm.s32 $0x108;
	s8 =	sld [smem:$0x3FB4]  }
0x2e: {  	s3 =	simm.s32 @!p0 $0x1082;
	s9 =	sld [smem:$0x3FB5]  }
0x2f: {  	lr =	sadd.s32 s0, s3;
	s0 =	sld [smem:$0x3FAC]  }
0x30: {  	s3 =	sld [smem:$0x3FAF]  }
0x31: {  	[smem:$0x3FB8] =	sst s10  }
0x32: {  	s10 =	sld [smem:$0x3FB6];
	_ =	sdelay $0x3  }
0x33: {  	p0 =	seq.s32 s10, $0x1;
	s10 =	sld [smem:$0x3FB8];
	_ =	sdelay $0x3  }
0x34: {  	[smem:$0x3FB8] =	sst s10  }
0x35: {  	s10 =	sld [smem:$0x3FB7];
	_ =	sdelay $0x3  }
0x36: {  	p1 =	seq.s32 s10, $0x1;
	s10 =	sld [smem:$0x3FB8];
	_ =	sdelay $0x3  }
0x37: {  	[smem:$0x3FB8] =	sst s10  }
0x38: {  	s10 =	sld [smem:$0x3FB9]  }
0x39: {  	_ = 	snop;
	(pc) =	sbr.ind lr, $3  }
0x3a: {  	_ = 	snop  }
0x3b: {  	_ = 	snop  }
0x3c: {  	p2 =	seq.s32 s10, $0x1;
	s10 =	sld [smem:$0x3FB8]  }
0x3d: {  	_ =	shalt  }
0x3e: {  	_ =	shalt  }
0x3f: {  	_ =	shalt  }
0x40: {  	_ =	shalt  }
0x41: {  	_ =	shalt  }
0x42: {  	_ =	shalt  }
0x43: {  	_ =	shalt  }
0x44: {  	_ =	shalt  }
0x45: {  	_ =	shalt  }
0x46: {  	_ =	shalt  }
0x47: {  	_ =	shalt  }
0x48: {  	_ =	shalt  }
0x49: {  	_ =	shalt  }
0x4a: {  	_ =	shalt  }
0x4b: {  	_ =	shalt  }
0x4c: {  	_ =	shalt  }
0x4d: {  	_ =	shalt  }
0x4e: {  	_ =	shalt  }
0x4f: {  	_ =	shalt  }
0x50: {  	_ =	shalt  }
0x51: {  	_ =	shalt  }
0x52: {  	_ =	shalt  }
0x53: {  	_ =	shalt  }
0x54: {  	_ =	shalt  }
0x55: {  	_ =	shalt  }
0x56: {  	_ =	shalt  }
0x57: {  	_ =	shalt  }
0x58: {  	_ =	shalt  }
0x59: {  	_ =	shalt  }
0x5a: {  	_ =	shalt  }
0x5b: {  	_ =	shalt  }
0x5c: {  	_ =	shalt  }
0x5d: {  	_ =	shalt  }
0x5e: {  	_ =	shalt  }
0x5f: {  	_ =	shalt  }
0x60: {  	_ =	shalt  }
0x61: {  	_ =	shalt  }
0x62: {  	_ =	shalt  }
0x63: {  	_ =	shalt  }
0x64: {  	_ =	shalt  }
0x65: {  	_ =	shalt  }
0x66: {  	_ =	shalt  }
0x67: {  	_ =	shalt  }
0x68: {  	_ =	shalt  }
0x69: {  	_ =	shalt  }
0x6a: {  	_ =	shalt  }
0x6b: {  	_ =	shalt  }
0x6c: {  	_ =	shalt  }
0x6d: {  	_ =	shalt  }
0x6e: {  	_ =	shalt  }
0x6f: {  	_ =	shalt  }
0x70: {  	_ =	shalt  }
0x71: {  	_ =	shalt  }
0x72: {  	_ =	shalt  }
0x73: {  	_ =	shalt  }
0x74: {  	_ =	shalt  }
0x75: {  	_ =	shalt  }
0x76: {  	_ =	shalt  }
0x77: {  	_ =	shalt  }
0x78: {  	_ =	shalt  }
0x79: {  	_ =	shalt  }
0x7a: {  	_ =	shalt  }
0x7b: {  	_ =	shalt  }
0x7c: {  	_ =	shalt  }
0x7d: {  	_ =	shalt  }
0x7e: {  	_ =	shalt  }
0x7f: {  	_ =	shalt  }
0x80: {  	_ =	shalt  }
0x81: {  	_ =	shalt  }
0x82: {  	_ =	shalt  }
0x83: {  	_ =	shalt  }
0x84: {  	_ =	shalt  }
0x85: {  	_ =	shalt  }
0x86: {  	_ =	shalt  }
0x87: {  	_ =	shalt  }
.Lfunc_end0:
.L_simem_size_0:
called_computation_lowered:
.L_overlay_start_0:
0x88: {  	s2 =	sld [smem:$0x3FD9]  }
0x89: {  	s3 =	sld [smem:$0x3FFE];
	_ =	sdelay $0x1  }
0x8a: {  	s1 =	srdreg.scid  }
0x8b: {  	s0 =	sand.u32 $0x1, s1  }
0x8c: {  	s17 =	sshll.u32 s0, $0xA;
	s2 =	sadd.s32 s3, s2  }
0x8d: {  	s2 =	sadd.s32 s2, s17  }
0x8e: {  	[smem:$0x3FC4] =	sst s2  }
0x8f: {  	_ = 	snop  }
0x90: {  	s2 =	sld [smem:$0x3FC8]  }
0x91: {  	s18 =	sld [smem:$0x3FD0];
	(tm) =	ssettm $0x1  }
0x92: {  	s4 =	sld [smem:$0x3FFB];
	_ =	sdelay $0x3  }
0x93: {  	_ =	strace s4  }
0x94: {  	s4 =	sld [smem:$0x3FFC];
	_ =	sdelay $0x3  }
0x95: {  	_ =	strace s4  }
0x96: {  	s4 =	sld [smem:$0x3FFD];
	_ =	sdelay $0x3  }
0x97: {  	_ =	strace s4  }
0x98: {  	_ =	strace $0x8FFFFFFF  }
0x99: {  	s19 =	sld [smem:$0x3FDB];
	_ =	sdelay $0x1  }
0x9a: {  	s5 =	simm.s32 $_scs_section_size  }
0x9b: {  	s6 =	simm.s32 $_size__tile_overlayer_lowered;
	s7 =	simm.s32 $_tile_overlayer_lowered  }
0x9c: {  	s22 =	simm.s32 $0x1BFF;
	s21 =	sshll.u32 s7, $0x1;
	s4 =	sadd.s32 s5, s19  }
0x9d: {  	s8 =	simm.s32 $0x0;
	s20 =	sshll.u32 s6, $0x1;
	s6 =	sadd.s32 s21, s4  }
0x9e: {  	[timem:s8], [sflag:s22] =	dma.local [hbm:s6], s20  }
0x9f: {  	_ =	swait.ge [sflag:s22], s20  }
0xa0: {  	s5 =	ssub.s32 $0x0, s20;
	[sflag:s22] =	ssyncset.done $0x0  }
0xa1: {  	[sflag:s22] =	ssyncadd.s32 s5;
	_ =	sdelay $0x1  }
0xa2: {  	s23 =	simm.s32 $0x1B8B  }
0xa3: {  	_ =	swait.ge [sflag:s23], $0x1  }
0xa4: {  	[sflag:s23] =	ssyncset.done $0x0  }
0xa5: {  	s25 =	simm.s32 $0x1B8E;
	s24 =	sld [smem:$0x3FFE];
	[sflag:s23] =	ssyncadd.s32 $0xFFFFFFFF  }
0xa6: {  	s26 =	simm.s32 $execute0_lowered;
	[smem:$0x3FD2] =	sst s25  }
0xa7: {  	s6 =	sshll.u32 s26, $0x1;
	_ =	strace $0x80000046;
	[dreg:$0x1] =	wrdreg $0xFFFFFFFF  }
0xa8: {  	s28 =	simm.s32 $_size_execute0_lowered;
	s4 =	sadd.s32 s4, s6;
	[dreg:$0x0] =	wrdreg $0x0  }
0xa9: {  	s6 =	sshll.u32 s28, $0x1;
	[dreg:$0x2] =	wrdreg s4  }
0xaa: {  	[dreg:$0x3] =	wrdreg s6  }
0xab: {  	[dreg:$0x4] =	wrdreg $0xC0  }
0xac: {  	_ =	task [dreg:s8], $0x5FFFF  }
0xad: {  	[dreg:$0x1] =	wrdreg $0xFFFFFFFF  }
0xae: {  	[dreg:$0x0] =	wrdreg $0x60  }
0xaf: {  	[dreg:$0x2] =	wrdreg s2  }
0xb0: {  	[dreg:$0x3] =	wrdreg s24  }
0xb1: {  	[dreg:$0x4] =	wrdreg s18  }
0xb2: {  	[dreg:$0x5] =	wrdreg $0x9  }
0xb3: {  	_ =	task.clear_ibuf [dreg:s8], $0x6FFFF;
	_ =	strace $0x90000046  }
0xb4: {  	s29 =	simm.s32 $0x9;
	_ =	strace $0x80000048  }
0xb5: {  	_ =	swait.ge [sflag:s29], $0x1  }
0xb6: {  	[sflag:s29] =	ssyncadd.s32 $0xFFFFFFFF  }
0xb7: {  	_ =	strace $0x90000048  }
0xb8: {  	_ =	sfence  }
0xb9: {  	s30 =	sld [smem:$0x0];
	_ =	sdelay $0x2  }
0xba: {  	s31 =	sshll.u32 s1, $0xD;
	s1 =	sshrl.u32 s1, $0x2  }
0xbb: {  	s3 =	sand.u32 $0x4000, s31;
	s1 =	sadd.s32 s1, s30  }
0xbc: {  	s0 =	sor.u32 s3, s0;
	s1 =	sshll.u32 s1, $0x11  }
0xbd: {  	s0 =	sor.u32 s1, s0  }
0xbe: {  	s0 =	sadd.s32 $0x8F2B, s0  }
0xbf: {  	[sflag:s0] =	ssyncadd.remote.s32 $0x1  }
0xc0: {  	_ =	sfence.sel $0xFFFF  }
0xc1: {  	[dreg:$0x0] =	wrdreg $0xFFFFFFFF;
	(pc) =	sbr.abs _section_cstart, $3  }
0xc2: {  	[dreg:$0x1] =	wrdreg $0xFFFFFFFF  }
0xc3: {  	_ =	task.clear_ibuf [dreg:s8], $0x2FFFF;
	_ =	strace $0x9FFFFFFF  }
0xc4: {  	(tm) =	ssettm $0x7FFFFFFF  }
0xc5: {  	_ =	shalt  }
tec
execute0_lowered:
.L_overlay_start_1:
0x0: {  	(tag) =	ssettag $0x1  }
0x1: {  	s1 =	rddreg [dreg:$0x0]  }
0x2: {  	s2 =	srdreg.scid;
	s5 =	rddreg [dreg:$0x1]  }
0x3: {  	s0 =	stileid.u32;
	s6 =	rddreg [dreg:$0x2]  }
0x4: {  	s10 =	simm.s32 $0x1;
	s11 =	simm.s32 $0x200;
	s12 =	simm.s32 $0x1000  }
0x5: {  	s13 =	simm.s32 $0x20000;
	s4 =	sand.u32 $0x1, s2;
	s29 =	sshll.u32 s0, $0x1  }
0x6: {  	s14 =	simm.s32 $0x8200;
	s15 =	simm.s32 $0x0;
	s2 =	sor.u32 s4, s29  }
0x7: {  	s4 =	ssub.s32 $0x2, s4;
	s7 =	sshll.u32 s2, $0x9;
	s3 =	sshll.u32 s2, $0x7  }
0x8: {  	s2 =	rddreg [dreg:$0x3];
	s8 =	sand.u32 $0x3000, s7;
	s9 =	sand.u32 $0x380, s3  }
.Ltmp0:
0x9: {  	s30 =	sshrl.u32 s4, $0x1;
	s8 =	sor.u32 s9, s8;
	(pc) =	sbr.rel .LBB2_1-.Ltmp0, $4  }
0xa: {  	s3 =	simm.s32 $0x0;
	s31 =	ssub.s32 s4, s30;
	s8 =	sshrl.u32 s8, $0x3  }
0xb: {  	v1 =	vlaneseq.u32;
	[smem:$0x7FF] =	sst s3;
	s9 =	simm.s32 $0x2;
	s5 =	sadd.s32 s8, s5  }
0xc: {  	v0 =	vand.u32 $0x7, v1;
	_ =	strace $0x80000047;
	s8 =	simm.s32 $0x400;
	s4 =	sadd.s32 $0xA00, s5  }
0xd: {  	v1 =	vmul.u32 $0x80, v1;
	v0 =	vmul.u32 $0x10, v0;
	s5 =	sadd.s32 s6, s7;
	s6 =	smax.u32 s31, $0x1;
	s7 =	simm.s32 $0x80  }
.LBB2_69:
0xe: {  	s15 =	sadd.s32 $0x1, s15  }
0xf: {  	p0 =	sne.s32 s15, s6  }
.Ltmp1:
0x10: {  	_ = 	snop;
	(pc) =	sbr.rel @!p0 .LBB2_70-.Ltmp1, $4  }
0x11: {  	[hbm4b:s5+s12] =	stream.strided.scatter [tilespmem:s14], [sflag:$0x2], $0x8000, s13, s12, $0x38;
	[tilespmem:$0x10200] =	vst v63  }
0x12: {  	_ =	swait.ge [sflag:s9], $0x8000  }
0x13: {  	[sflag:s9] =	ssyncset.done $0x0  }
0x14: {  	[sflag:s9] =	ssyncadd.s32 $0xFFFF8000  }
.LBB2_1:
0x15: {  	[tilespmem:s3], [sflag:$0x2] =	stream.strided.gather [hbm4b:s4+s7], $0x200, s8, s7, $0x38;
	[tilespmem:$0x10200] =	vst v63  }
0x16: {  	_ =	swait.ge [sflag:s9], $0x200  }
0x17: {  	[sflag:s9] =	ssyncset.done $0x0  }
0x18: {  	[sflag:s9] =	ssyncadd.s32 $0xFFFFFE00  }
0x19: {  	v2 =	vld [tilespmem:$0x0];
	_ =	sdelay $0x4  }
0x1a: {  	(v2sf) =	vpush v2, $0x0;
	_ =	sdelay $0xe  }
0x1b: {  	s16 =	spop (v2sf)  }
0x1c: {  	s17 =	sand.u32 $0xF, s16  }
0x1d: {  	s18 =	sshra.s32 s16, $0x1F;
	p0 =	slt.s32 s16, $0x1;
	p1 =	sne.s32 s17, $0x0  }
0x1e: {  	s31 =	sshrl.u32 s18, $0x1C;
	p0 =	por !p0, !p1  }
0x1f: {  	s17 =	simm.s32 $0x1;
	s16 =	sadd.s32 s31, s16;
	p0 =	por !p0, !p0  }
0x20: {  	s16 =	sshra.s32 s16, $0x4;
	s17 =	simm.s32 @!p0 $0x0  }
0x21: {  	s16 =	ssub.s32 s16, s17  }
0x22: {  	s17 =	sshll.u32 s16, $0x7;
	s16 =	sshll.u32 s16, $0x4  }
0x23: {  	s17 =	sand.u32 $0xFFFFFC00, s17;
	s16 =	sand.u32 $0x70, s16  }
0x24: {  	s16 =	sor.u32 s16, s17  }
0x25: {  	s16 =	sshrl.u32 s16, $0x3  }
0x26: {  	s18 =	simm.s32 $0x200;
	s17 =	sadd.s32 s1, s16  }
0x27: {  	[tilespmem:s18], [sflag:$0x1] =	stream.linear.gather [hbm4b:s17+s3], $0x10, $0x38;
	[tilespmem:$0x10200] =	vst v63  }
0x28: {  	s20 =	simm.s32 $0x280;
	s19 =	sadd.s32 $0x10, s17  }
0x29: {  	[tilespmem:s20], [sflag:$0x1] =	stream.linear.gather [hbm4b:s19+s3], $0x10, $0x38;
	[tilespmem:$0x10200] =	vst v63  }
0x2a: {  	s22 =	simm.s32 $0x300;
	s24 =	simm.s32 $0x380;
	s21 =	sadd.s32 $0x20, s17  }
0x2b: {  	[tilespmem:s22], [sflag:$0x1] =	stream.linear.gather [hbm4b:s21+s3], $0x10, $0x38;
	[tilespmem:$0x10200] =	vst v63  }
0x2c: {  	s26 =	simm.s32 $0x400;
	s29 =	simm.s32 $0x480;
	s23 =	sadd.s32 $0x30, s17  }
0x2d: {  	[tilespmem:s24], [sflag:$0x1] =	stream.linear.gather [hbm4b:s23+s3], $0x10, $0x38;
	[tilespmem:$0x10200] =	vst v63  }
0x2e: {  	s31 =	simm.s32 $0x500;
	s16 =	simm.s32 $0x1000;
	s25 =	sadd.s32 $0x40, s17  }
0x2f: {  	[tilespmem:s26], [sflag:$0x1] =	stream.linear.gather [hbm4b:s25+s3], $0x10, $0x38;
	[tilespmem:$0x10200] =	vst v63  }
0x30: {  	s28 =	sadd.s32 $0x50, s17;
	s30 =	sadd.s32 $0x60, s17;
	s18 =	simm.s32 $0x8000  }
0x31: {  	[tilespmem:s29], [sflag:$0x1] =	stream.linear.gather [hbm4b:s28+s3], $0x10, $0x38;
	[tilespmem:$0x10200] =	vst v63  }
0x32: {  	s19 =	sadd.s32 $0x70, s17;
	s20 =	simm.s32 $0x580;
	s17 =	sadd.s32 $0xF4280, s17  }
0x33: {  	[tilespmem:s31], [sflag:$0x1] =	stream.linear.gather [hbm4b:s30+s3], $0x10, $0x38;
	[tilespmem:$0x10200] =	vst v63  }
.LBB2_2:
0x34: {  	[tilespmem:s20], [sflag:$0x1] =	stream.linear.gather [hbm4b:s19+s3], $0x10, $0x38;
	[tilespmem:$0x10200] =	vst v63  }
0x35: {  	s20 =	smov.u32 s16;
	s16 =	smov.u32 s18  }
0x36: {  	s21 =	sadd.s32 $0x4000, s18;
	s16 =	sshra.s32 s16, $0x2;
	s19 =	sadd.s32 $0x200, s20  }
0x37: {  	[tilespmem:s19], [sflag:$0x1] =	stream.linear.gather [hbm4b:s17+s3], $0x10, $0x38;
	[tilespmem:$0x10200] =	vst v63  }
0x38: {  	p0 =	sne.s32 s18, $0x1C000;
	s18 =	sadd.s32 $0x10, s17;
	s19 =	sadd.s32 $0x280, s20  }
0x39: {  	[tilespmem:s19], [sflag:$0x1] =	stream.linear.gather [hbm4b:s18+s3], $0x10, $0x38;
	[tilespmem:$0x10200] =	vst v63  }
0x3a: {  	s18 =	sadd.s32 $0x20, s17;
	s19 =	sadd.s32 $0x300, s20  }
0x3b: {  	[tilespmem:s19], [sflag:$0x1] =	stream.linear.gather [hbm4b:s18+s3], $0x10, $0x38;
	[tilespmem:$0x10200] =	vst v63  }
0x3c: {  	s18 =	sadd.s32 $0x30, s17;
	s19 =	sadd.s32 $0x380, s20  }
0x3d: {  	[tilespmem:s19], [sflag:$0x1] =	stream.linear.gather [hbm4b:s18+s3], $0x10, $0x38;
	[tilespmem:$0x10200] =	vst v63  }
0x3e: {  	s18 =	sadd.s32 $0x40, s17;
	s19 =	sadd.s32 $0x400, s20  }
0x3f: {  	[tilespmem:s19], [sflag:$0x1] =	stream.linear.gather [hbm4b:s18+s3], $0x10, $0x38;
	[tilespmem:$0x10200] =	vst v63  }
.Ltmp2:
0x40: {  	s18 =	sadd.s32 $0x50, s17;
	s19 =	sadd.s32 $0x480, s20;
	(pc) =	sbr.rel @p0 .LBB2_2-.Ltmp2, $4  }
0x41: {  	[tilespmem:s19], [sflag:$0x1] =	stream.linear.gather [hbm4b:s18+s3], $0x10, $0x38;
	[tilespmem:$0x10200] =	vst v63  }
0x42: {  	s18 =	sadd.s32 $0x60, s17;
	s19 =	sadd.s32 $0x500, s20;
	s20 =	sadd.s32 $0x580, s20  }
0x43: {  	[tilespmem:s19], [sflag:$0x1] =	stream.linear.gather [hbm4b:s18+s3], $0x10, $0x38;
	[tilespmem:$0x10200] =	vst v63  }
0x44: {  	s19 =	sadd.s32 $0x70, s17;
	s17 =	sadd.s32 $0xF4280, s17;
	s18 =	smov.u32 s21  }
0x45: {  	[tilespmem:s20], [sflag:$0x1] =	stream.linear.gather [hbm4b:s19+s3], $0x10, $0x38;
	(v2sf) =	vpush v2, $0x1;
	[tilespmem:$0x10200] =	vst v63  }
0x46: {  	s18 =	sadd.s32 $0x200, s16  }
0x47: {  	[tilespmem:s18], [sflag:$0x1] =	stream.linear.gather [hbm4b:s17+s3], $0x10, $0x38;
	[tilespmem:$0x10200] =	vst v63  }
0x48: {  	s25 =	sadd.s32 $0x10, s17;
	s26 =	sadd.s32 $0x280, s16  }
0x49: {  	[tilespmem:s26], [sflag:$0x1] =	stream.linear.gather [hbm4b:s25+s3], $0x10, $0x38;
	[tilespmem:$0x10200] =	vst v63  }
0x4a: {  	s28 =	sadd.s32 $0x20, s17;
	s29 =	sadd.s32 $0x300, s16  }
0x4b: {  	[tilespmem:s29], [sflag:$0x1] =	stream.linear.gather [hbm4b:s28+s3], $0x10, $0x38;
	[tilespmem:$0x10200] =	vst v63  }
0x4c: {  	s30 =	sadd.s32 $0x30, s17;
	s31 =	sadd.s32 $0x380, s16  }
0x4d: {  	[tilespmem:s31], [sflag:$0x1] =	stream.linear.gather [hbm4b:s30+s3], $0x10, $0x38;
	[tilespmem:$0x10200] =	vst v63  }
0x4e: {  	s19 =	sadd.s32 $0x40, s17;
	s20 =	sadd.s32 $0x400, s16  }
0x4f: {  	[tilespmem:s20], [sflag:$0x1] =	stream.linear.gather [hbm4b:s19+s3], $0x10, $0x38;
	[tilespmem:$0x10200] =	vst v63  }
0x50: {  	s21 =	sadd.s32 $0x50, s17;
	s22 =	sadd.s32 $0x480, s16  }
0x51: {  	[tilespmem:s22], [sflag:$0x1] =	stream.linear.gather [hbm4b:s21+s3], $0x10, $0x38;
	[tilespmem:$0x10200] =	vst v63  }
0x52: {  	s23 =	sadd.s32 $0x60, s17;
	s24 =	sadd.s32 $0x500, s16  }
0x53: {  	[tilespmem:s24], [sflag:$0x1] =	stream.linear.gather [hbm4b:s23+s3], $0x10, $0x38;
	[tilespmem:$0x10200] =	vst v63  }
0x54: {  	s25 =	sadd.s32 $0x70, s17;
	s26 =	sadd.s32 $0x580, s16;
	s28 =	spop (v2sf)  }
0x55: {  	[tilespmem:s26], [sflag:$0x1] =	stream.linear.gather [hbm4b:s25+s3], $0x10, $0x38;
	[tilespmem:$0x10200] =	vst v63  }
0x56: {  	s29 =	sand.u32 $0xF, s28  }
0x57: {  	s30 =	sshra.s32 s28, $0x1F;
	p0 =	slt.s32 s28, $0x1;
	p1 =	sne.s32 s29, $0x0  }
0x58: {  	s31 =	sshrl.u32 s30, $0x1C;
	p0 =	por !p0, !p1  }
0x59: {  	s17 =	simm.s32 $0x1;
	s16 =	sadd.s32 s31, s28;
	p0 =	por !p0, !p0  }
0x5a: {  	s16 =	sshra.s32 s16, $0x4;
	s17 =	simm.s32 @!p0 $0x0  }
0x5b: {  	s16 =	ssub.s32 s16, s17  }
0x5c: {  	s17 =	sshll.u32 s16, $0x7;
	s16 =	sshll.u32 s16, $0x4  }
0x5d: {  	s17 =	sand.u32 $0xFFFFFC00, s17;
	s16 =	sand.u32 $0x70, s16  }
0x5e: {  	s16 =	sor.u32 s16, s17  }
0x5f: {  	s16 =	sshrl.u32 s16, $0x3  }
0x60: {  	s18 =	simm.s32 $0x210;
	s17 =	sadd.s32 s1, s16  }
0x61: {  	[tilespmem:s18], [sflag:$0x1] =	stream.linear.gather [hbm4b:s17+s3], $0x10, $0x38;
	[tilespmem:$0x10200] =	vst v63  }
0x62: {  	s20 =	simm.s32 $0x290;
	s19 =	sadd.s32 $0x10, s17  }
0x63: {  	[tilespmem:s20], [sflag:$0x1] =	stream.linear.gather [hbm4b:s19+s3], $0x10, $0x38;
	[tilespmem:$0x10200] =	vst v63  }
0x64: {  	s22 =	simm.s32 $0x310;
	s24 =	simm.s32 $0x390;
	s21 =	sadd.s32 $0x20, s17  }
0x65: {  	[tilespmem:s22], [sflag:$0x1] =	stream.linear.gather [hbm4b:s21+s3], $0x10, $0x38;
	[tilespmem:$0x10200] =	vst v63  }
0x66: {  	s26 =	simm.s32 $0x410;
	s29 =	simm.s32 $0x490;
	s23 =	sadd.s32 $0x30, s17  }
0x67: {  	[tilespmem:s24], [sflag:$0x1] =	stream.linear.gather [hbm4b:s23+s3], $0x10, $0x38;
	[tilespmem:$0x10200] =	vst v63  }
0x68: {  	s31 =	simm.s32 $0x510;
	s16 =	simm.s32 $0x1000;
	s25 =	sadd.s32 $0x40, s17  }
0x69: {  	[tilespmem:s26], [sflag:$0x1] =	stream.linear.gather [hbm4b:s25+s3], $0x10, $0x38;
	[tilespmem:$0x10200] =	vst v63  }
0x6a: {  	s28 =	sadd.s32 $0x50, s17;
	s30 =	sadd.s32 $0x60, s17;
	s18 =	simm.s32 $0x8000  }
0x6b: {  	[tilespmem:s29], [sflag:$0x1] =	stream.linear.gather [hbm4b:s28+s3], $0x10, $0x38;
	[tilespmem:$0x10200] =	vst v63  }
0x6c: {  	s19 =	sadd.s32 $0x70, s17;
	s20 =	simm.s32 $0x590;
	s17 =	sadd.s32 $0xF4280, s17  }
0x6d: {  	[tilespmem:s31], [sflag:$0x1] =	stream.linear.gather [hbm4b:s30+s3], $0x10, $0x38;
	[tilespmem:$0x10200] =	vst v63  }
.LBB2_4:
0x6e: {  	[tilespmem:s20], [sflag:$0x1] =	stream.linear.gather [hbm4b:s19+s3], $0x10, $0x38;
	[tilespmem:$0x10200] =	vst v63  }
0x6f: {  	s20 =	smov.u32 s16;
	s16 =	smov.u32 s18  }
0x70: {  	s21 =	sadd.s32 $0x4000, s18;
	s16 =	sshra.s32 s16, $0x2;
	s19 =	sadd.s32 $0x210, s20  }
0x71: {  	[tilespmem:s19], [sflag:$0x1] =	stream.linear.gather [hbm4b:s17+s3], $0x10, $0x38;
	[tilespmem:$0x10200] =	vst v63  }
0x72: {  	p0 =	sne.s32 s18, $0x1C000;
	s18 =	sadd.s32 $0x10, s17;
	s19 =	sadd.s32 $0x290, s20  }
0x73: {  	[tilespmem:s19], [sflag:$0x1] =	stream.linear.gather [hbm4b:s18+s3], $0x10, $0x38;
	[tilespmem:$0x10200] =	vst v63  }
0x74: {  	s18 =	sadd.s32 $0x20, s17;
	s19 =	sadd.s32 $0x310, s20  }
0x75: {  	[tilespmem:s19], [sflag:$0x1] =	stream.linear.gather [hbm4b:s18+s3], $0x10, $0x38;
	[tilespmem:$0x10200] =	vst v63  }
0x76: {  	s18 =	sadd.s32 $0x30, s17;
	s19 =	sadd.s32 $0x390, s20  }
0x77: {  	[tilespmem:s19], [sflag:$0x1] =	stream.linear.gather [hbm4b:s18+s3], $0x10, $0x38;
	[tilespmem:$0x10200] =	vst v63  }
0x78: {  	s18 =	sadd.s32 $0x40, s17;
	s19 =	sadd.s32 $0x410, s20  }
0x79: {  	[tilespmem:s19], [sflag:$0x1] =	stream.linear.gather [hbm4b:s18+s3], $0x10, $0x38;
	[tilespmem:$0x10200] =	vst v63  }
.Ltmp3:
0x7a: {  	s18 =	sadd.s32 $0x50, s17;
	s19 =	sadd.s32 $0x490, s20;
	(pc) =	sbr.rel @p0 .LBB2_4-.Ltmp3, $4  }
0x7b: {  	[tilespmem:s19], [sflag:$0x1] =	stream.linear.gather [hbm4b:s18+s3], $0x10, $0x38;
	[tilespmem:$0x10200] =	vst v63  }
0x7c: {  	s18 =	sadd.s32 $0x60, s17;
	s19 =	sadd.s32 $0x510, s20;
	s20 =	sadd.s32 $0x590, s20  }
0x7d: {  	[tilespmem:s19], [sflag:$0x1] =	stream.linear.gather [hbm4b:s18+s3], $0x10, $0x38;
	[tilespmem:$0x10200] =	vst v63  }
0x7e: {  	s19 =	sadd.s32 $0x70, s17;
	s17 =	sadd.s32 $0xF4280, s17;
	s18 =	smov.u32 s21  }
0x7f: {  	[tilespmem:s20], [sflag:$0x1] =	stream.linear.gather [hbm4b:s19+s3], $0x10, $0x38;
	(v2sf) =	vpush v2, $0x2;
	[tilespmem:$0x10200] =	vst v63  }
0x80: {  	s18 =	sadd.s32 $0x210, s16  }
0x81: {  	[tilespmem:s18], [sflag:$0x1] =	stream.linear.gather [hbm4b:s17+s3], $0x10, $0x38;
	[tilespmem:$0x10200] =	vst v63  }
0x82: {  	s25 =	sadd.s32 $0x10, s17;
	s26 =	sadd.s32 $0x290, s16  }
0x83: {  	[tilespmem:s26], [sflag:$0x1] =	stream.linear.gather [hbm4b:s25+s3], $0x10, $0x38;
	[tilespmem:$0x10200] =	vst v63  }
0x84: {  	s28 =	sadd.s32 $0x20, s17;
	s29 =	sadd.s32 $0x310, s16  }
0x85: {  	[tilespmem:s29], [sflag:$0x1] =	stream.linear.gather [hbm4b:s28+s3], $0x10, $0x38;
	[tilespmem:$0x10200] =	vst v63  }
0x86: {  	s30 =	sadd.s32 $0x30, s17;
	s31 =	sadd.s32 $0x390, s16  }
0x87: {  	[tilespmem:s31], [sflag:$0x1] =	stream.linear.gather [hbm4b:s30+s3], $0x10, $0x38;
	[tilespmem:$0x10200] =	vst v63  }
0x88: {  	s19 =	sadd.s32 $0x40, s17;
	s20 =	sadd.s32 $0x410, s16  }
0x89: {  	[tilespmem:s20], [sflag:$0x1] =	stream.linear.gather [hbm4b:s19+s3], $0x10, $0x38;
	[tilespmem:$0x10200] =	vst v63  }
0x8a: {  	s21 =	sadd.s32 $0x50, s17;
	s22 =	sadd.s32 $0x490, s16  }
0x8b: {  	[tilespmem:s22], [sflag:$0x1] =	stream.linear.gather [hbm4b:s21+s3], $0x10, $0x38;
	[tilespmem:$0x10200] =	vst v63  }
0x8c: {  	s23 =	sadd.s32 $0x60, s17;
	s24 =	sadd.s32 $0x510, s16  }
0x8d: {  	[tilespmem:s24], [sflag:$0x1] =	stream.linear.gather [hbm4b:s23+s3], $0x10, $0x38;
	[tilespmem:$0x10200] =	vst v63  }
0x8e: {  	s25 =	sadd.s32 $0x70, s17;
	s26 =	sadd.s32 $0x590, s16;
	s28 =	spop (v2sf)  }
0x8f: {  	[tilespmem:s26], [sflag:$0x1] =	stream.linear.gather [hbm4b:s25+s3], $0x10, $0x38;
	[tilespmem:$0x10200] =	vst v63  }
0x90: {  	s29 =	sand.u32 $0xF, s28  }
0x91: {  	s30 =	sshra.s32 s28, $0x1F;
	p0 =	slt.s32 s28, $0x1;
	p1 =	sne.s32 s29, $0x0  }
0x92: {  	s31 =	sshrl.u32 s30, $0x1C;
	p0 =	por !p0, !p1  }
0x93: {  	s17 =	simm.s32 $0x1;
	s16 =	sadd.s32 s31, s28;
	p0 =	por !p0, !p0  }
0x94: {  	s16 =	sshra.s32 s16, $0x4;
	s17 =	simm.s32 @!p0 $0x0  }
0x95: {  	s16 =	ssub.s32 s16, s17  }
0x96: {  	s17 =	sshll.u32 s16, $0x7;
	s16 =	sshll.u32 s16, $0x4  }
0x97: {  	s17 =	sand.u32 $0xFFFFFC00, s17;
	s16 =	sand.u32 $0x70, s16  }
0x98: {  	s16 =	sor.u32 s16, s17  }
0x99: {  	s16 =	sshrl.u32 s16, $0x3  }
0x9a: {  	s18 =	simm.s32 $0x220;
	s17 =	sadd.s32 s1, s16  }
0x9b: {  	[tilespmem:s18], [sflag:$0x1] =	stream.linear.gather [hbm4b:s17+s3], $0x10, $0x38;
	[tilespmem:$0x10200] =	vst v63  }
0x9c: {  	s20 =	simm.s32 $0x2A0;
	s19 =	sadd.s32 $0x10, s17  }
0x9d: {  	[tilespmem:s20], [sflag:$0x1] =	stream.linear.gather [hbm4b:s19+s3], $0x10, $0x38;
	[tilespmem:$0x10200] =	vst v63  }
0x9e: {  	s22 =	simm.s32 $0x320;
	s24 =	simm.s32 $0x3A0;
	s21 =	sadd.s32 $0x20, s17  }
0x9f: {  	[tilespmem:s22], [sflag:$0x1] =	stream.linear.gather [hbm4b:s21+s3], $0x10, $0x38;
	[tilespmem:$0x10200] =	vst v63  }
0xa0: {  	s26 =	simm.s32 $0x420;
	s29 =	simm.s32 $0x4A0;
	s23 =	sadd.s32 $0x30, s17  }
0xa1: {  	[tilespmem:s24], [sflag:$0x1] =	stream.linear.gather [hbm4b:s23+s3], $0x10, $0x38;
	[tilespmem:$0x10200] =	vst v63  }
0xa2: {  	s31 =	simm.s32 $0x520;
	s16 =	simm.s32 $0x1000;
	s25 =	sadd.s32 $0x40, s17  }
0xa3: {  	[tilespmem:s26], [sflag:$0x1] =	stream.linear.gather [hbm4b:s25+s3], $0x10, $0x38;
	[tilespmem:$0x10200] =	vst v63  }
0xa4: {  	s28 =	sadd.s32 $0x50, s17;
	s30 =	sadd.s32 $0x60, s17;
	s18 =	simm.s32 $0x8000  }
0xa5: {  	[tilespmem:s29], [sflag:$0x1] =	stream.linear.gather [hbm4b:s28+s3], $0x10, $0x38;
	[tilespmem:$0x10200] =	vst v63  }
0xa6: {  	s19 =	sadd.s32 $0x70, s17;
	s20 =	simm.s32 $0x5A0;
	s17 =	sadd.s32 $0xF4280, s17  }
0xa7: {  	[tilespmem:s31], [sflag:$0x1] =	stream.linear.gather [hbm4b:s30+s3], $0x10, $0x38;
	[tilespmem:$0x10200] =	vst v63  }
.LBB2_6:
0xa8: {  	[tilespmem:s20], [sflag:$0x1] =	stream.linear.gather [hbm4b:s19+s3], $0x10, $0x38;
	[tilespmem:$0x10200] =	vst v63  }
0xa9: {  	s20 =	smov.u32 s16;
	s16 =	smov.u32 s18  }
0xaa: {  	s21 =	sadd.s32 $0x4000, s18;
	s16 =	sshra.s32 s16, $0x2;
	s19 =	sadd.s32 $0x220, s20  }
0xab: {  	[tilespmem:s19], [sflag:$0x1] =	stream.linear.gather [hbm4b:s17+s3], $0x10, $0x38;
	[tilespmem:$0x10200] =	vst v63  }
0xac: {  	p0 =	sne.s32 s18, $0x1C000;
	s18 =	sadd.s32 $0x10, s17;
	s19 =	sadd.s32 $0x2A0, s20  }
0xad: {  	[tilespmem:s19], [sflag:$0x1] =	stream.linear.gather [hbm4b:s18+s3], $0x10, $0x38;
	[tilespmem:$0x10200] =	vst v63  }
0xae: {  	s18 =	sadd.s32 $0x20, s17;
	s19 =	sadd.s32 $0x320, s20  }
0xaf: {  	[tilespmem:s19], [sflag:$0x1] =	stream.linear.gather [hbm4b:s18+s3], $0x10, $0x38;
	[tilespmem:$0x10200] =	vst v63  }
0xb0: {  	s18 =	sadd.s32 $0x30, s17;
	s19 =	sadd.s32 $0x3A0, s20  }
0xb1: {  	[tilespmem:s19], [sflag:$0x1] =	stream.linear.gather [hbm4b:s18+s3], $0x10, $0x38;
	[tilespmem:$0x10200] =	vst v63  }
0xb2: {  	s18 =	sadd.s32 $0x40, s17;
	s19 =	sadd.s32 $0x420, s20  }
0xb3: {  	[tilespmem:s19], [sflag:$0x1] =	stream.linear.gather [hbm4b:s18+s3], $0x10, $0x38;
	[tilespmem:$0x10200] =	vst v63  }
.Ltmp4:
0xb4: {  	s18 =	sadd.s32 $0x50, s17;
	s19 =	sadd.s32 $0x4A0, s20;
	(pc) =	sbr.rel @p0 .LBB2_6-.Ltmp4, $4  }
0xb5: {  	[tilespmem:s19], [sflag:$0x1] =	stream.linear.gather [hbm4b:s18+s3], $0x10, $0x38;
	[tilespmem:$0x10200] =	vst v63  }
0xb6: {  	s18 =	sadd.s32 $0x60, s17;
	s19 =	sadd.s32 $0x520, s20;
	s20 =	sadd.s32 $0x5A0, s20  }
0xb7: {  	[tilespmem:s19], [sflag:$0x1] =	stream.linear.gather [hbm4b:s18+s3], $0x10, $0x38;
	[tilespmem:$0x10200] =	vst v63  }
0xb8: {  	s19 =	sadd.s32 $0x70, s17;
	s17 =	sadd.s32 $0xF4280, s17;
	s18 =	smov.u32 s21  }
0xb9: {  	[tilespmem:s20], [sflag:$0x1] =	stream.linear.gather [hbm4b:s19+s3], $0x10, $0x38;
	(v2sf) =	vpush v2, $0x3;
	[tilespmem:$0x10200] =	vst v63  }
0xba: {  	s18 =	sadd.s32 $0x220, s16  }
0xbb: {  	[tilespmem:s18], [sflag:$0x1] =	stream.linear.gather [hbm4b:s17+s3], $0x10, $0x38;
	[tilespmem:$0x10200] =	vst v63  }
0xbc: {  	s25 =	sadd.s32 $0x10, s17;
	s26 =	sadd.s32 $0x2A0, s16  }
0xbd: {  	[tilespmem:s26], [sflag:$0x1] =	stream.linear.gather [hbm4b:s25+s3], $0x10, $0x38;
	[tilespmem:$0x10200] =	vst v63  }
0xbe: {  	s28 =	sadd.s32 $0x20, s17;
	s29 =	sadd.s32 $0x320, s16  }
0xbf: {  	[tilespmem:s29], [sflag:$0x1] =	stream.linear.gather [hbm4b:s28+s3], $0x10, $0x38;
	[tilespmem:$0x10200] =	vst v63  }
0xc0: {  	s30 =	sadd.s32 $0x30, s17;
	s31 =	sadd.s32 $0x3A0, s16  }
0xc1: {  	[tilespmem:s31], [sflag:$0x1] =	stream.linear.gather [hbm4b:s30+s3], $0x10, $0x38;
	[tilespmem:$0x10200] =	vst v63  }
0xc2: {  	s19 =	sadd.s32 $0x40, s17;
	s20 =	sadd.s32 $0x420, s16  }
0xc3: {  	[tilespmem:s20], [sflag:$0x1] =	stream.linear.gather [hbm4b:s19+s3], $0x10, $0x38;
	[tilespmem:$0x10200] =	vst v63  }
0xc4: {  	s21 =	sadd.s32 $0x50, s17;
	s22 =	sadd.s32 $0x4A0, s16  }
0xc5: {  	[tilespmem:s22], [sflag:$0x1] =	stream.linear.gather [hbm4b:s21+s3], $0x10, $0x38;
	[tilespmem:$0x10200] =	vst v63  }
0xc6: {  	s23 =	sadd.s32 $0x60, s17;
	s24 =	sadd.s32 $0x520, s16  }
0xc7: {  	[tilespmem:s24], [sflag:$0x1] =	stream.linear.gather [hbm4b:s23+s3], $0x10, $0x38;
	[tilespmem:$0x10200] =	vst v63  }
0xc8: {  	s25 =	sadd.s32 $0x70, s17;
	s26 =	sadd.s32 $0x5A0, s16;
	s28 =	spop (v2sf)  }
0xc9: {  	[tilespmem:s26], [sflag:$0x1] =	stream.linear.gather [hbm4b:s25+s3], $0x10, $0x38;
	[tilespmem:$0x10200] =	vst v63  }
0xca: {  	s29 =	sand.u32 $0xF, s28  }
0xcb: {  	s30 =	sshra.s32 s28, $0x1F;
	p0 =	slt.s32 s28, $0x1;
	p1 =	sne.s32 s29, $0x0  }
0xcc: {  	s31 =	sshrl.u32 s30, $0x1C;
	p0 =	por !p0, !p1  }
0xcd: {  	s17 =	simm.s32 $0x1;
	s16 =	sadd.s32 s31, s28;
	p0 =	por !p0, !p0  }
0xce: {  	s16 =	sshra.s32 s16, $0x4;
	s17 =	simm.s32 @!p0 $0x0  }
0xcf: {  	s16 =	ssub.s32 s16, s17  }
0xd0: {  	s17 =	sshll.u32 s16, $0x7;
	s16 =	sshll.u32 s16, $0x4  }
0xd1: {  	s17 =	sand.u32 $0xFFFFFC00, s17;
	s16 =	sand.u32 $0x70, s16  }
0xd2: {  	s16 =	sor.u32 s16, s17  }
0xd3: {  	s16 =	sshrl.u32 s16, $0x3  }
0xd4: {  	s18 =	simm.s32 $0x230;
	s17 =	sadd.s32 s1, s16  }
0xd5: {  	[tilespmem:s18], [sflag:$0x1] =	stream.linear.gather [hbm4b:s17+s3], $0x10, $0x38;
	[tilespmem:$0x10200] =	vst v63  }
0xd6: {  	s20 =	simm.s32 $0x2B0;
	s19 =	sadd.s32 $0x10, s17  }
0xd7: {  	[tilespmem:s20], [sflag:$0x1] =	stream.linear.gather [hbm4b:s19+s3], $0x10, $0x38;
	[tilespmem:$0x10200] =	vst v63  }
0xd8: {  	s22 =	simm.s32 $0x330;
	s24 =	simm.s32 $0x3B0;
	s21 =	sadd.s32 $0x20, s17  }
0xd9: {  	[tilespmem:s22], [sflag:$0x1] =	stream.linear.gather [hbm4b:s21+s3], $0x10, $0x38;
	[tilespmem:$0x10200] =	vst v63  }
0xda: {  	s26 =	simm.s32 $0x430;
	s29 =	simm.s32 $0x4B0;
	s23 =	sadd.s32 $0x30, s17  }
0xdb: {  	[tilespmem:s24], [sflag:$0x1] =	stream.linear.gather [hbm4b:s23+s3], $0x10, $0x38;
	[tilespmem:$0x10200] =	vst v63  }
0xdc: {  	s31 =	simm.s32 $0x530;
	s16 =	simm.s32 $0x1000;
	s25 =	sadd.s32 $0x40, s17  }
0xdd: {  	[tilespmem:s26], [sflag:$0x1] =	stream.linear.gather [hbm4b:s25+s3], $0x10, $0x38;
	[tilespmem:$0x10200] =	vst v63  }
0xde: {  	s28 =	sadd.s32 $0x50, s17;
	s30 =	sadd.s32 $0x60, s17;
	s18 =	simm.s32 $0x8000  }
0xdf: {  	[tilespmem:s29], [sflag:$0x1] =	stream.linear.gather [hbm4b:s28+s3], $0x10, $0x38;
	[tilespmem:$0x10200] =	vst v63  }
0xe0: {  	s19 =	sadd.s32 $0x70, s17;
	s20 =	simm.s32 $0x5B0;
	s17 =	sadd.s32 $0xF4280, s17  }
0xe1: {  	[tilespmem:s31], [sflag:$0x1] =	stream.linear.gather [hbm4b:s30+s3], $0x10, $0x38;
	[tilespmem:$0x10200] =	vst v63  }
.LBB2_8:
0xe2: {  	[tilespmem:s20], [sflag:$0x1] =	stream.linear.gather [hbm4b:s19+s3], $0x10, $0x38;
	[tilespmem:$0x10200] =	vst v63  }
0xe3: {  	s20 =	smov.u32 s16;
	s16 =	smov.u32 s18  }
0xe4: {  	s21 =	sadd.s32 $0x4000, s18;
	s16 =	sshra.s32 s16, $0x2;
	s19 =	sadd.s32 $0x230, s20  }
0xe5: {  	[tilespmem:s19], [sflag:$0x1] =	stream.linear.gather [hbm4b:s17+s3], $0x10, $0x38;
	[tilespmem:$0x10200] =	vst v63  }
0xe6: {  	p0 =	sne.s32 s18, $0x1C000;
	s18 =	sadd.s32 $0x10, s17;
	s19 =	sadd.s32 $0x2B0, s20  }
0xe7: {  	[tilespmem:s19], [sflag:$0x1] =	stream.linear.gather [hbm4b:s18+s3], $0x10, $0x38;
	[tilespmem:$0x10200] =	vst v63  }
0xe8: {  	s18 =	sadd.s32 $0x20, s17;
	s19 =	sadd.s32 $0x330, s20  }
0xe9: {  	[tilespmem:s19], [sflag:$0x1] =	stream.linear.gather [hbm4b:s18+s3], $0x10, $0x38;
	[tilespmem:$0x10200] =	vst v63  }
0xea: {  	s18 =	sadd.s32 $0x30, s17;
	s19 =	sadd.s32 $0x3B0, s20  }
0xeb: {  	[tilespmem:s19], [sflag:$0x1] =	stream.linear.gather [hbm4b:s18+s3], $0x10, $0x38;
	[tilespmem:$0x10200] =	vst v63  }
0xec: {  	s18 =	sadd.s32 $0x40, s17;
	s19 =	sadd.s32 $0x430, s20  }
0xed: {  	[tilespmem:s19], [sflag:$0x1] =	stream.linear.gather [hbm4b:s18+s3], $0x10, $0x38;
	[tilespmem:$0x10200] =	vst v63  }
.Ltmp5:
0xee: {  	s18 =	sadd.s32 $0x50, s17;
	s19 =	sadd.s32 $0x4B0, s20;
	(pc) =	sbr.rel @p0 .LBB2_8-.Ltmp5, $4  }
0xef: {  	[tilespmem:s19], [sflag:$0x1] =	stream.linear.gather [hbm4b:s18+s3], $0x10, $0x38;
	[tilespmem:$0x10200] =	vst v63  }
0xf0: {  	s18 =	sadd.s32 $0x60, s17;
	s19 =	sadd.s32 $0x530, s20;
	s20 =	sadd.s32 $0x5B0, s20  }
0xf1: {  	[tilespmem:s19], [sflag:$0x1] =	stream.linear.gather [hbm4b:s18+s3], $0x10, $0x38;
	[tilespmem:$0x10200] =	vst v63  }
0xf2: {  	s19 =	sadd.s32 $0x70, s17;
	s17 =	sadd.s32 $0xF4280, s17;
	s18 =	smov.u32 s21  }
0xf3: {  	[tilespmem:s20], [sflag:$0x1] =	stream.linear.gather [hbm4b:s19+s3], $0x10, $0x38;
	(v2sf) =	vpush v2, $0x4;
	[tilespmem:$0x10200] =	vst v63  }
0xf4: {  	s18 =	sadd.s32 $0x230, s16  }
0xf5: {  	[tilespmem:s18], [sflag:$0x1] =	stream.linear.gather [hbm4b:s17+s3], $0x10, $0x38;
	[tilespmem:$0x10200] =	vst v63  }
0xf6: {  	s25 =	sadd.s32 $0x10, s17;
	s26 =	sadd.s32 $0x2B0, s16  }
0xf7: {  	[tilespmem:s26], [sflag:$0x1] =	stream.linear.gather [hbm4b:s25+s3], $0x10, $0x38;
	[tilespmem:$0x10200] =	vst v63  }
0xf8: {  	s28 =	sadd.s32 $0x20, s17;
	s29 =	sadd.s32 $0x330, s16  }
0xf9: {  	[tilespmem:s29], [sflag:$0x1] =	stream.linear.gather [hbm4b:s28+s3], $0x10, $0x38;
	[tilespmem:$0x10200] =	vst v63  }
0xfa: {  	s30 =	sadd.s32 $0x30, s17;
	s31 =	sadd.s32 $0x3B0, s16  }
0xfb: {  	[tilespmem:s31], [sflag:$0x1] =	stream.linear.gather [hbm4b:s30+s3], $0x10, $0x38;
	[tilespmem:$0x10200] =	vst v63  }
0xfc: {  	s19 =	sadd.s32 $0x40, s17;
	s20 =	sadd.s32 $0x430, s16  }
0xfd: {  	[tilespmem:s20], [sflag:$0x1] =	stream.linear.gather [hbm4b:s19+s3], $0x10, $0x38;
	[tilespmem:$0x10200] =	vst v63  }
0xfe: {  	s21 =	sadd.s32 $0x50, s17;
	s22 =	sadd.s32 $0x4B0, s16  }
0xff: {  	[tilespmem:s22], [sflag:$0x1] =	stream.linear.gather [hbm4b:s21+s3], $0x10, $0x38;
	[tilespmem:$0x10200] =	vst v63  }
0x100: {  	s23 =	sadd.s32 $0x60, s17;
	s24 =	sadd.s32 $0x530, s16  }
0x101: {  	[tilespmem:s24], [sflag:$0x1] =	stream.linear.gather [hbm4b:s23+s3], $0x10, $0x38;
	[tilespmem:$0x10200] =	vst v63  }
0x102: {  	s25 =	sadd.s32 $0x70, s17;
	s26 =	sadd.s32 $0x5B0, s16;
	s28 =	spop (v2sf)  }
0x103: {  	[tilespmem:s26], [sflag:$0x1] =	stream.linear.gather [hbm4b:s25+s3], $0x10, $0x38;
	[tilespmem:$0x10200] =	vst v63  }
0x104: {  	s29 =	sand.u32 $0xF, s28  }
0x105: {  	s30 =	sshra.s32 s28, $0x1F;
	p0 =	slt.s32 s28, $0x1;
	p1 =	sne.s32 s29, $0x0  }
0x106: {  	s31 =	sshrl.u32 s30, $0x1C;
	p0 =	por !p0, !p1  }
0x107: {  	s17 =	simm.s32 $0x1;
	s16 =	sadd.s32 s31, s28;
	p0 =	por !p0, !p0  }
0x108: {  	s16 =	sshra.s32 s16, $0x4;
	s17 =	simm.s32 @!p0 $0x0  }
0x109: {  	s16 =	ssub.s32 s16, s17  }
0x10a: {  	s17 =	sshll.u32 s16, $0x7;
	s16 =	sshll.u32 s16, $0x4  }
0x10b: {  	s17 =	sand.u32 $0xFFFFFC00, s17;
	s16 =	sand.u32 $0x70, s16  }
0x10c: {  	s16 =	sor.u32 s16, s17  }
0x10d: {  	s16 =	sshrl.u32 s16, $0x3  }
0x10e: {  	s18 =	simm.s32 $0x240;
	s17 =	sadd.s32 s1, s16  }
0x10f: {  	[tilespmem:s18], [sflag:$0x1] =	stream.linear.gather [hbm4b:s17+s3], $0x10, $0x38;
	[tilespmem:$0x10200] =	vst v63  }
0x110: {  	s20 =	simm.s32 $0x2C0;
	s19 =	sadd.s32 $0x10, s17  }
0x111: {  	[tilespmem:s20], [sflag:$0x1] =	stream.linear.gather [hbm4b:s19+s3], $0x10, $0x38;
	[tilespmem:$0x10200] =	vst v63  }
0x112: {  	s22 =	simm.s32 $0x340;
	s24 =	simm.s32 $0x3C0;
	s21 =	sadd.s32 $0x20, s17  }
0x113: {  	[tilespmem:s22], [sflag:$0x1] =	stream.linear.gather [hbm4b:s21+s3], $0x10, $0x38;
	[tilespmem:$0x10200] =	vst v63  }
0x114: {  	s26 =	simm.s32 $0x440;
	s29 =	simm.s32 $0x4C0;
	s23 =	sadd.s32 $0x30, s17  }
0x115: {  	[tilespmem:s24], [sflag:$0x1] =	stream.linear.gather [hbm4b:s23+s3], $0x10, $0x38;
	[tilespmem:$0x10200] =	vst v63  }
0x116: {  	s31 =	simm.s32 $0x540;
	s16 =	simm.s32 $0x1000;
	s25 =	sadd.s32 $0x40, s17  }
0x117: {  	[tilespmem:s26], [sflag:$0x1] =	stream.linear.gather [hbm4b:s25+s3], $0x10, $0x38;
	[tilespmem:$0x10200] =	vst v63  }
0x118: {  	s28 =	sadd.s32 $0x50, s17;
	s30 =	sadd.s32 $0x60, s17;
	s18 =	simm.s32 $0x8000  }
0x119: {  	[tilespmem:s29], [sflag:$0x1] =	stream.linear.gather [hbm4b:s28+s3], $0x10, $0x38;
	[tilespmem:$0x10200] =	vst v63  }
0x11a: {  	s19 =	sadd.s32 $0x70, s17;
	s20 =	simm.s32 $0x5C0;
	s17 =	sadd.s32 $0xF4280, s17  }
0x11b: {  	[tilespmem:s31], [sflag:$0x1] =	stream.linear.gather [hbm4b:s30+s3], $0x10, $0x38;
	[tilespmem:$0x10200] =	vst v63  }
.LBB2_10:
0x11c: {  	[tilespmem:s20], [sflag:$0x1] =	stream.linear.gather [hbm4b:s19+s3], $0x10, $0x38;
	[tilespmem:$0x10200] =	vst v63  }
0x11d: {  	s20 =	smov.u32 s16;
	s16 =	smov.u32 s18  }
0x11e: {  	s21 =	sadd.s32 $0x4000, s18;
	s16 =	sshra.s32 s16, $0x2;
	s19 =	sadd.s32 $0x240, s20  }
0x11f: {  	[tilespmem:s19], [sflag:$0x1] =	stream.linear.gather [hbm4b:s17+s3], $0x10, $0x38;
	[tilespmem:$0x10200] =	vst v63  }
0x120: {  	p0 =	sne.s32 s18, $0x1C000;
	s18 =	sadd.s32 $0x10, s17;
	s19 =	sadd.s32 $0x2C0, s20  }
0x121: {  	[tilespmem:s19], [sflag:$0x1] =	stream.linear.gather [hbm4b:s18+s3], $0x10, $0x38;
	[tilespmem:$0x10200] =	vst v63  }
0x122: {  	s18 =	sadd.s32 $0x20, s17;
	s19 =	sadd.s32 $0x340, s20  }
0x123: {  	[tilespmem:s19], [sflag:$0x1] =	stream.linear.gather [hbm4b:s18+s3], $0x10, $0x38;
	[tilespmem:$0x10200] =	vst v63  }
0x124: {  	s18 =	sadd.s32 $0x30, s17;
	s19 =	sadd.s32 $0x3C0, s20  }
0x125: {  	[tilespmem:s19], [sflag:$0x1] =	stream.linear.gather [hbm4b:s18+s3], $0x10, $0x38;
	[tilespmem:$0x10200] =	vst v63  }
0x126: {  	s18 =	sadd.s32 $0x40, s17;
	s19 =	sadd.s32 $0x440, s20  }
0x127: {  	[tilespmem:s19], [sflag:$0x1] =	stream.linear.gather [hbm4b:s18+s3], $0x10, $0x38;
	[tilespmem:$0x10200] =	vst v63  }
.Ltmp6:
0x128: {  	s18 =	sadd.s32 $0x50, s17;
	s19 =	sadd.s32 $0x4C0, s20;
	(pc) =	sbr.rel @p0 .LBB2_10-.Ltmp6, $4  }
0x129: {  	[tilespmem:s19], [sflag:$0x1] =	stream.linear.gather [hbm4b:s18+s3], $0x10, $0x38;
	[tilespmem:$0x10200] =	vst v63  }
0x12a: {  	s18 =	sadd.s32 $0x60, s17;
	s19 =	sadd.s32 $0x540, s20;
	s20 =	sadd.s32 $0x5C0, s20  }
0x12b: {  	[tilespmem:s19], [sflag:$0x1] =	stream.linear.gather [hbm4b:s18+s3], $0x10, $0x38;
	[tilespmem:$0x10200] =	vst v63  }
0x12c: {  	s19 =	sadd.s32 $0x70, s17;
	s17 =	sadd.s32 $0xF4280, s17;
	s18 =	smov.u32 s21  }
0x12d: {  	[tilespmem:s20], [sflag:$0x1] =	stream.linear.gather [hbm4b:s19+s3], $0x10, $0x38;
	(v2sf) =	vpush v2, $0x5;
	[tilespmem:$0x10200] =	vst v63  }
0x12e: {  	s18 =	sadd.s32 $0x240, s16  }
0x12f: {  	[tilespmem:s18], [sflag:$0x1] =	stream.linear.gather [hbm4b:s17+s3], $0x10, $0x38;
	[tilespmem:$0x10200] =	vst v63  }
0x130: {  	s25 =	sadd.s32 $0x10, s17;
	s26 =	sadd.s32 $0x2C0, s16  }
0x131: {  	[tilespmem:s26], [sflag:$0x1] =	stream.linear.gather [hbm4b:s25+s3], $0x10, $0x38;
	[tilespmem:$0x10200] =	vst v63  }
0x132: {  	s28 =	sadd.s32 $0x20, s17;
	s29 =	sadd.s32 $0x340, s16  }
0x133: {  	[tilespmem:s29], [sflag:$0x1] =	stream.linear.gather [hbm4b:s28+s3], $0x10, $0x38;
	[tilespmem:$0x10200] =	vst v63  }
0x134: {  	s30 =	sadd.s32 $0x30, s17;
	s31 =	sadd.s32 $0x3C0, s16  }
0x135: {  	[tilespmem:s31], [sflag:$0x1] =	stream.linear.gather [hbm4b:s30+s3], $0x10, $0x38;
	[tilespmem:$0x10200] =	vst v63  }
0x136: {  	s19 =	sadd.s32 $0x40, s17;
	s20 =	sadd.s32 $0x440, s16  }
0x137: {  	[tilespmem:s20], [sflag:$0x1] =	stream.linear.gather [hbm4b:s19+s3], $0x10, $0x38;
	[tilespmem:$0x10200] =	vst v63  }
0x138: {  	s21 =	sadd.s32 $0x50, s17;
	s22 =	sadd.s32 $0x4C0, s16  }
0x139: {  	[tilespmem:s22], [sflag:$0x1] =	stream.linear.gather [hbm4b:s21+s3], $0x10, $0x38;
	[tilespmem:$0x10200] =	vst v63  }
0x13a: {  	s23 =	sadd.s32 $0x60, s17;
	s24 =	sadd.s32 $0x540, s16  }
0x13b: {  	[tilespmem:s24], [sflag:$0x1] =	stream.linear.gather [hbm4b:s23+s3], $0x10, $0x38;
	[tilespmem:$0x10200] =	vst v63  }
0x13c: {  	s25 =	sadd.s32 $0x70, s17;
	s26 =	sadd.s32 $0x5C0, s16;
	s28 =	spop (v2sf)  }
0x13d: {  	[tilespmem:s26], [sflag:$0x1] =	stream.linear.gather [hbm4b:s25+s3], $0x10, $0x38;
	[tilespmem:$0x10200] =	vst v63  }
0x13e: {  	s29 =	sand.u32 $0xF, s28  }
0x13f: {  	s30 =	sshra.s32 s28, $0x1F;
	p0 =	slt.s32 s28, $0x1;
	p1 =	sne.s32 s29, $0x0  }
0x140: {  	s31 =	sshrl.u32 s30, $0x1C;
	p0 =	por !p0, !p1  }
0x141: {  	s17 =	simm.s32 $0x1;
	s16 =	sadd.s32 s31, s28;
	p0 =	por !p0, !p0  }
0x142: {  	s16 =	sshra.s32 s16, $0x4;
	s17 =	simm.s32 @!p0 $0x0  }
0x143: {  	s16 =	ssub.s32 s16, s17  }
0x144: {  	s17 =	sshll.u32 s16, $0x7;
	s16 =	sshll.u32 s16, $0x4  }
0x145: {  	s17 =	sand.u32 $0xFFFFFC00, s17;
	s16 =	sand.u32 $0x70, s16  }
0x146: {  	s16 =	sor.u32 s16, s17  }
0x147: {  	s16 =	sshrl.u32 s16, $0x3  }
0x148: {  	s18 =	simm.s32 $0x250;
	s17 =	sadd.s32 s1, s16  }
0x149: {  	[tilespmem:s18], [sflag:$0x1] =	stream.linear.gather [hbm4b:s17+s3], $0x10, $0x38;
	[tilespmem:$0x10200] =	vst v63  }
0x14a: {  	s20 =	simm.s32 $0x2D0;
	s19 =	sadd.s32 $0x10, s17  }
0x14b: {  	[tilespmem:s20], [sflag:$0x1] =	stream.linear.gather [hbm4b:s19+s3], $0x10, $0x38;
	[tilespmem:$0x10200] =	vst v63  }
0x14c: {  	s22 =	simm.s32 $0x350;
	s24 =	simm.s32 $0x3D0;
	s21 =	sadd.s32 $0x20, s17  }
0x14d: {  	[tilespmem:s22], [sflag:$0x1] =	stream.linear.gather [hbm4b:s21+s3], $0x10, $0x38;
	[tilespmem:$0x10200] =	vst v63  }
0x14e: {  	s26 =	simm.s32 $0x450;
	s29 =	simm.s32 $0x4D0;
	s23 =	sadd.s32 $0x30, s17  }
0x14f: {  	[tilespmem:s24], [sflag:$0x1] =	stream.linear.gather [hbm4b:s23+s3], $0x10, $0x38;
	[tilespmem:$0x10200] =	vst v63  }
0x150: {  	s31 =	simm.s32 $0x550;
	s16 =	simm.s32 $0x1000;
	s25 =	sadd.s32 $0x40, s17  }
0x151: {  	[tilespmem:s26], [sflag:$0x1] =	stream.linear.gather [hbm4b:s25+s3], $0x10, $0x38;
	[tilespmem:$0x10200] =	vst v63  }
0x152: {  	s28 =	sadd.s32 $0x50, s17;
	s30 =	sadd.s32 $0x60, s17;
	s18 =	simm.s32 $0x8000  }
0x153: {  	[tilespmem:s29], [sflag:$0x1] =	stream.linear.gather [hbm4b:s28+s3], $0x10, $0x38;
	[tilespmem:$0x10200] =	vst v63  }
0x154: {  	s19 =	sadd.s32 $0x70, s17;
	s20 =	simm.s32 $0x5D0;
	s17 =	sadd.s32 $0xF4280, s17  }
0x155: {  	[tilespmem:s31], [sflag:$0x1] =	stream.linear.gather [hbm4b:s30+s3], $0x10, $0x38;
	[tilespmem:$0x10200] =	vst v63  }
.LBB2_12:
0x156: {  	[tilespmem:s20], [sflag:$0x1] =	stream.linear.gather [hbm4b:s19+s3], $0x10, $0x38;
	[tilespmem:$0x10200] =	vst v63  }
0x157: {  	s20 =	smov.u32 s16;
	s16 =	smov.u32 s18  }
0x158: {  	s21 =	sadd.s32 $0x4000, s18;
	s16 =	sshra.s32 s16, $0x2;
	s19 =	sadd.s32 $0x250, s20  }
0x159: {  	[tilespmem:s19], [sflag:$0x1] =	stream.linear.gather [hbm4b:s17+s3], $0x10, $0x38;
	[tilespmem:$0x10200] =	vst v63  }
0x15a: {  	p0 =	sne.s32 s18, $0x1C000;
	s18 =	sadd.s32 $0x10, s17;
	s19 =	sadd.s32 $0x2D0, s20  }
0x15b: {  	[tilespmem:s19], [sflag:$0x1] =	stream.linear.gather [hbm4b:s18+s3], $0x10, $0x38;
	[tilespmem:$0x10200] =	vst v63  }
0x15c: {  	s18 =	sadd.s32 $0x20, s17;
	s19 =	sadd.s32 $0x350, s20  }
0x15d: {  	[tilespmem:s19], [sflag:$0x1] =	stream.linear.gather [hbm4b:s18+s3], $0x10, $0x38;
	[tilespmem:$0x10200] =	vst v63  }
0x15e: {  	s18 =	sadd.s32 $0x30, s17;
	s19 =	sadd.s32 $0x3D0, s20  }
0x15f: {  	[tilespmem:s19], [sflag:$0x1] =	stream.linear.gather [hbm4b:s18+s3], $0x10, $0x38;
	[tilespmem:$0x10200] =	vst v63  }
0x160: {  	s18 =	sadd.s32 $0x40, s17;
	s19 =	sadd.s32 $0x450, s20  }
0x161: {  	[tilespmem:s19], [sflag:$0x1] =	stream.linear.gather [hbm4b:s18+s3], $0x10, $0x38;
	[tilespmem:$0x10200] =	vst v63  }
.Ltmp7:
0x162: {  	s18 =	sadd.s32 $0x50, s17;
	s19 =	sadd.s32 $0x4D0, s20;
	(pc) =	sbr.rel @p0 .LBB2_12-.Ltmp7, $4  }
0x163: {  	[tilespmem:s19], [sflag:$0x1] =	stream.linear.gather [hbm4b:s18+s3], $0x10, $0x38;
	[tilespmem:$0x10200] =	vst v63  }
0x164: {  	s18 =	sadd.s32 $0x60, s17;
	s19 =	sadd.s32 $0x550, s20;
	s20 =	sadd.s32 $0x5D0, s20  }
0x165: {  	[tilespmem:s19], [sflag:$0x1] =	stream.linear.gather [hbm4b:s18+s3], $0x10, $0x38;
	[tilespmem:$0x10200] =	vst v63  }
0x166: {  	s19 =	sadd.s32 $0x70, s17;
	s17 =	sadd.s32 $0xF4280, s17;
	s18 =	smov.u32 s21  }
0x167: {  	[tilespmem:s20], [sflag:$0x1] =	stream.linear.gather [hbm4b:s19+s3], $0x10, $0x38;
	(v2sf) =	vpush v2, $0x6;
	[tilespmem:$0x10200] =	vst v63  }
0x168: {  	s18 =	sadd.s32 $0x250, s16  }
0x169: {  	[tilespmem:s18], [sflag:$0x1] =	stream.linear.gather [hbm4b:s17+s3], $0x10, $0x38;
	[tilespmem:$0x10200] =	vst v63  }
0x16a: {  	s25 =	sadd.s32 $0x10, s17;
	s26 =	sadd.s32 $0x2D0, s16  }
0x16b: {  	[tilespmem:s26], [sflag:$0x1] =	stream.linear.gather [hbm4b:s25+s3], $0x10, $0x38;
	[tilespmem:$0x10200] =	vst v63  }
0x16c: {  	s28 =	sadd.s32 $0x20, s17;
	s29 =	sadd.s32 $0x350, s16  }
0x16d: {  	[tilespmem:s29], [sflag:$0x1] =	stream.linear.gather [hbm4b:s28+s3], $0x10, $0x38;
	[tilespmem:$0x10200] =	vst v63  }
0x16e: {  	s30 =	sadd.s32 $0x30, s17;
	s31 =	sadd.s32 $0x3D0, s16  }
0x16f: {  	[tilespmem:s31], [sflag:$0x1] =	stream.linear.gather [hbm4b:s30+s3], $0x10, $0x38;
	[tilespmem:$0x10200] =	vst v63  }
0x170: {  	s19 =	sadd.s32 $0x40, s17;
	s20 =	sadd.s32 $0x450, s16  }
0x171: {  	[tilespmem:s20], [sflag:$0x1] =	stream.linear.gather [hbm4b:s19+s3], $0x10, $0x38;
	[tilespmem:$0x10200] =	vst v63  }
0x172: {  	s21 =	sadd.s32 $0x50, s17;
	s22 =	sadd.s32 $0x4D0, s16  }
0x173: {  	[tilespmem:s22], [sflag:$0x1] =	stream.linear.gather [hbm4b:s21+s3], $0x10, $0x38;
	[tilespmem:$0x10200] =	vst v63  }
0x174: {  	s23 =	sadd.s32 $0x60, s17;
	s24 =	sadd.s32 $0x550, s16  }
0x175: {  	[tilespmem:s24], [sflag:$0x1] =	stream.linear.gather [hbm4b:s23+s3], $0x10, $0x38;
	[tilespmem:$0x10200] =	vst v63  }
0x176: {  	s25 =	sadd.s32 $0x70, s17;
	s26 =	sadd.s32 $0x5D0, s16;
	s28 =	spop (v2sf)  }
0x177: {  	[tilespmem:s26], [sflag:$0x1] =	stream.linear.gather [hbm4b:s25+s3], $0x10, $0x38;
	[tilespmem:$0x10200] =	vst v63  }
0x178: {  	s29 =	sand.u32 $0xF, s28  }
0x179: {  	s30 =	sshra.s32 s28, $0x1F;
	p0 =	slt.s32 s28, $0x1;
	p1 =	sne.s32 s29, $0x0  }
0x17a: {  	s31 =	sshrl.u32 s30, $0x1C;
	p0 =	por !p0, !p1  }
0x17b: {  	s17 =	simm.s32 $0x1;
	s16 =	sadd.s32 s31, s28;
	p0 =	por !p0, !p0  }
0x17c: {  	s16 =	sshra.s32 s16, $0x4;
	s17 =	simm.s32 @!p0 $0x0  }
0x17d: {  	s16 =	ssub.s32 s16, s17  }
0x17e: {  	s17 =	sshll.u32 s16, $0x7;
	s16 =	sshll.u32 s16, $0x4  }
0x17f: {  	s17 =	sand.u32 $0xFFFFFC00, s17;
	s16 =	sand.u32 $0x70, s16  }
0x180: {  	s16 =	sor.u32 s16, s17  }
0x181: {  	s16 =	sshrl.u32 s16, $0x3  }
0x182: {  	s18 =	simm.s32 $0x260;
	s17 =	sadd.s32 s1, s16  }
0x183: {  	[tilespmem:s18], [sflag:$0x1] =	stream.linear.gather [hbm4b:s17+s3], $0x10, $0x38;
	[tilespmem:$0x10200] =	vst v63  }
0x184: {  	s20 =	simm.s32 $0x2E0;
	s19 =	sadd.s32 $0x10, s17  }
0x185: {  	[tilespmem:s20], [sflag:$0x1] =	stream.linear.gather [hbm4b:s19+s3], $0x10, $0x38;
	[tilespmem:$0x10200] =	vst v63  }
0x186: {  	s22 =	simm.s32 $0x360;
	s24 =	simm.s32 $0x3E0;
	s21 =	sadd.s32 $0x20, s17  }
0x187: {  	[tilespmem:s22], [sflag:$0x1] =	stream.linear.gather [hbm4b:s21+s3], $0x10, $0x38;
	[tilespmem:$0x10200] =	vst v63  }
0x188: {  	s26 =	simm.s32 $0x460;
	s29 =	simm.s32 $0x4E0;
	s23 =	sadd.s32 $0x30, s17  }
0x189: {  	[tilespmem:s24], [sflag:$0x1] =	stream.linear.gather [hbm4b:s23+s3], $0x10, $0x38;
	[tilespmem:$0x10200] =	vst v63  }
0x18a: {  	s31 =	simm.s32 $0x560;
	s16 =	simm.s32 $0x1000;
	s25 =	sadd.s32 $0x40, s17  }
0x18b: {  	[tilespmem:s26], [sflag:$0x1] =	stream.linear.gather [hbm4b:s25+s3], $0x10, $0x38;
	[tilespmem:$0x10200] =	vst v63  }
0x18c: {  	s28 =	sadd.s32 $0x50, s17;
	s30 =	sadd.s32 $0x60, s17;
	s18 =	simm.s32 $0x8000  }
0x18d: {  	[tilespmem:s29], [sflag:$0x1] =	stream.linear.gather [hbm4b:s28+s3], $0x10, $0x38;
	[tilespmem:$0x10200] =	vst v63  }
0x18e: {  	s19 =	sadd.s32 $0x70, s17;
	s20 =	simm.s32 $0x5E0;
	s17 =	sadd.s32 $0xF4280, s17  }
0x18f: {  	[tilespmem:s31], [sflag:$0x1] =	stream.linear.gather [hbm4b:s30+s3], $0x10, $0x38;
	[tilespmem:$0x10200] =	vst v63  }
.LBB2_14:
0x190: {  	[tilespmem:s20], [sflag:$0x1] =	stream.linear.gather [hbm4b:s19+s3], $0x10, $0x38;
	[tilespmem:$0x10200] =	vst v63  }
0x191: {  	s20 =	smov.u32 s16;
	s16 =	smov.u32 s18  }
0x192: {  	s21 =	sadd.s32 $0x4000, s18;
	s16 =	sshra.s32 s16, $0x2;
	s19 =	sadd.s32 $0x260, s20  }
0x193: {  	[tilespmem:s19], [sflag:$0x1] =	stream.linear.gather [hbm4b:s17+s3], $0x10, $0x38;
	[tilespmem:$0x10200] =	vst v63  }
0x194: {  	p0 =	sne.s32 s18, $0x1C000;
	s18 =	sadd.s32 $0x10, s17;
	s19 =	sadd.s32 $0x2E0, s20  }
0x195: {  	[tilespmem:s19], [sflag:$0x1] =	stream.linear.gather [hbm4b:s18+s3], $0x10, $0x38;
	[tilespmem:$0x10200] =	vst v63  }
0x196: {  	s18 =	sadd.s32 $0x20, s17;
	s19 =	sadd.s32 $0x360, s20  }
0x197: {  	[tilespmem:s19], [sflag:$0x1] =	stream.linear.gather [hbm4b:s18+s3], $0x10, $0x38;
	[tilespmem:$0x10200] =	vst v63  }
0x198: {  	s18 =	sadd.s32 $0x30, s17;
	s19 =	sadd.s32 $0x3E0, s20  }
0x199: {  	[tilespmem:s19], [sflag:$0x1] =	stream.linear.gather [hbm4b:s18+s3], $0x10, $0x38;
	[tilespmem:$0x10200] =	vst v63  }
0x19a: {  	s18 =	sadd.s32 $0x40, s17;
	s19 =	sadd.s32 $0x460, s20  }
0x19b: {  	[tilespmem:s19], [sflag:$0x1] =	stream.linear.gather [hbm4b:s18+s3], $0x10, $0x38;
	[tilespmem:$0x10200] =	vst v63  }
.Ltmp8:
0x19c: {  	s18 =	sadd.s32 $0x50, s17;
	s19 =	sadd.s32 $0x4E0, s20;
	(pc) =	sbr.rel @p0 .LBB2_14-.Ltmp8, $4  }
0x19d: {  	[tilespmem:s19], [sflag:$0x1] =	stream.linear.gather [hbm4b:s18+s3], $0x10, $0x38;
	[tilespmem:$0x10200] =	vst v63  }
0x19e: {  	s18 =	sadd.s32 $0x60, s17;
	s19 =	sadd.s32 $0x560, s20;
	s20 =	sadd.s32 $0x5E0, s20  }
0x19f: {  	[tilespmem:s19], [sflag:$0x1] =	stream.linear.gather [hbm4b:s18+s3], $0x10, $0x38;
	[tilespmem:$0x10200] =	vst v63  }
0x1a0: {  	s19 =	sadd.s32 $0x70, s17;
	s17 =	sadd.s32 $0xF4280, s17;
	s18 =	smov.u32 s21  }
0x1a1: {  	[tilespmem:s20], [sflag:$0x1] =	stream.linear.gather [hbm4b:s19+s3], $0x10, $0x38;
	(v2sf) =	vpush v2, $0x7;
	[tilespmem:$0x10200] =	vst v63  }
0x1a2: {  	s18 =	sadd.s32 $0x260, s16  }
0x1a3: {  	[tilespmem:s18], [sflag:$0x1] =	stream.linear.gather [hbm4b:s17+s3], $0x10, $0x38;
	[tilespmem:$0x10200] =	vst v63  }
0x1a4: {  	s25 =	sadd.s32 $0x10, s17;
	s26 =	sadd.s32 $0x2E0, s16  }
0x1a5: {  	[tilespmem:s26], [sflag:$0x1] =	stream.linear.gather [hbm4b:s25+s3], $0x10, $0x38;
	[tilespmem:$0x10200] =	vst v63  }
0x1a6: {  	s28 =	sadd.s32 $0x20, s17;
	s29 =	sadd.s32 $0x360, s16  }
0x1a7: {  	[tilespmem:s29], [sflag:$0x1] =	stream.linear.gather [hbm4b:s28+s3], $0x10, $0x38;
	[tilespmem:$0x10200] =	vst v63  }
0x1a8: {  	s30 =	sadd.s32 $0x30, s17;
	s31 =	sadd.s32 $0x3E0, s16  }
0x1a9: {  	[tilespmem:s31], [sflag:$0x1] =	stream.linear.gather [hbm4b:s30+s3], $0x10, $0x38;
	[tilespmem:$0x10200] =	vst v63  }
0x1aa: {  	s19 =	sadd.s32 $0x40, s17;
	s20 =	sadd.s32 $0x460, s16  }
0x1ab: {  	[tilespmem:s20], [sflag:$0x1] =	stream.linear.gather [hbm4b:s19+s3], $0x10, $0x38;
	[tilespmem:$0x10200] =	vst v63  }
0x1ac: {  	s21 =	sadd.s32 $0x50, s17;
	s22 =	sadd.s32 $0x4E0, s16  }
0x1ad: {  	[tilespmem:s22], [sflag:$0x1] =	stream.linear.gather [hbm4b:s21+s3], $0x10, $0x38;
	[tilespmem:$0x10200] =	vst v63  }
0x1ae: {  	s23 =	sadd.s32 $0x60, s17;
	s24 =	sadd.s32 $0x560, s16  }
0x1af: {  	[tilespmem:s24], [sflag:$0x1] =	stream.linear.gather [hbm4b:s23+s3], $0x10, $0x38;
	[tilespmem:$0x10200] =	vst v63  }
0x1b0: {  	s25 =	sadd.s32 $0x70, s17;
	s26 =	sadd.s32 $0x5E0, s16;
	s28 =	spop (v2sf)  }
0x1b1: {  	[tilespmem:s26], [sflag:$0x1] =	stream.linear.gather [hbm4b:s25+s3], $0x10, $0x38;
	[tilespmem:$0x10200] =	vst v63  }
0x1b2: {  	s29 =	sand.u32 $0xF, s28  }
0x1b3: {  	s30 =	sshra.s32 s28, $0x1F;
	p0 =	slt.s32 s28, $0x1;
	p1 =	sne.s32 s29, $0x0  }
0x1b4: {  	s31 =	sshrl.u32 s30, $0x1C;
	p0 =	por !p0, !p1  }
0x1b5: {  	s17 =	simm.s32 $0x1;
	s16 =	sadd.s32 s31, s28;
	p0 =	por !p0, !p0  }
0x1b6: {  	s16 =	sshra.s32 s16, $0x4;
	s17 =	simm.s32 @!p0 $0x0  }
0x1b7: {  	s16 =	ssub.s32 s16, s17  }
0x1b8: {  	s17 =	sshll.u32 s16, $0x7;
	s16 =	sshll.u32 s16, $0x4  }
0x1b9: {  	s17 =	sand.u32 $0xFFFFFC00, s17;
	s16 =	sand.u32 $0x70, s16  }
0x1ba: {  	s16 =	sor.u32 s16, s17  }
0x1bb: {  	s16 =	sshrl.u32 s16, $0x3  }
0x1bc: {  	s18 =	simm.s32 $0x270;
	s17 =	sadd.s32 s1, s16  }
0x1bd: {  	[tilespmem:s18], [sflag:$0x1] =	stream.linear.gather [hbm4b:s17+s3], $0x10, $0x38;
	[tilespmem:$0x10200] =	vst v63  }
0x1be: {  	s20 =	simm.s32 $0x2F0;
	s19 =	sadd.s32 $0x10, s17  }
0x1bf: {  	[tilespmem:s20], [sflag:$0x1] =	stream.linear.gather [hbm4b:s19+s3], $0x10, $0x38;
	[tilespmem:$0x10200] =	vst v63  }
0x1c0: {  	s22 =	simm.s32 $0x370;
	s24 =	simm.s32 $0x3F0;
	s21 =	sadd.s32 $0x20, s17  }
0x1c1: {  	[tilespmem:s22], [sflag:$0x1] =	stream.linear.gather [hbm4b:s21+s3], $0x10, $0x38;
	[tilespmem:$0x10200] =	vst v63  }
0x1c2: {  	s26 =	simm.s32 $0x470;
	s29 =	simm.s32 $0x4F0;
	s23 =	sadd.s32 $0x30, s17  }
0x1c3: {  	[tilespmem:s24], [sflag:$0x1] =	stream.linear.gather [hbm4b:s23+s3], $0x10, $0x38;
	[tilespmem:$0x10200] =	vst v63  }
0x1c4: {  	s31 =	simm.s32 $0x570;
	s16 =	simm.s32 $0x1000;
	s25 =	sadd.s32 $0x40, s17  }
0x1c5: {  	[tilespmem:s26], [sflag:$0x1] =	stream.linear.gather [hbm4b:s25+s3], $0x10, $0x38;
	[tilespmem:$0x10200] =	vst v63  }
0x1c6: {  	s28 =	sadd.s32 $0x50, s17;
	s30 =	sadd.s32 $0x60, s17;
	s18 =	simm.s32 $0x8000  }
0x1c7: {  	[tilespmem:s29], [sflag:$0x1] =	stream.linear.gather [hbm4b:s28+s3], $0x10, $0x38;
	[tilespmem:$0x10200] =	vst v63  }
0x1c8: {  	s19 =	sadd.s32 $0x70, s17;
	s20 =	simm.s32 $0x5F0;
	s17 =	sadd.s32 $0xF4280, s17  }
0x1c9: {  	[tilespmem:s31], [sflag:$0x1] =	stream.linear.gather [hbm4b:s30+s3], $0x10, $0x38;
	[tilespmem:$0x10200] =	vst v63  }
.LBB2_16:
0x1ca: {  	[tilespmem:s20], [sflag:$0x1] =	stream.linear.gather [hbm4b:s19+s3], $0x10, $0x38;
	[tilespmem:$0x10200] =	vst v63  }
0x1cb: {  	s20 =	smov.u32 s16;
	s16 =	smov.u32 s18  }
0x1cc: {  	s21 =	sadd.s32 $0x4000, s18;
	s16 =	sshra.s32 s16, $0x2;
	s19 =	sadd.s32 $0x270, s20  }
0x1cd: {  	[tilespmem:s19], [sflag:$0x1] =	stream.linear.gather [hbm4b:s17+s3], $0x10, $0x38;
	[tilespmem:$0x10200] =	vst v63  }
0x1ce: {  	p0 =	sne.s32 s18, $0x1C000;
	s18 =	sadd.s32 $0x10, s17;
	s19 =	sadd.s32 $0x2F0, s20  }
0x1cf: {  	[tilespmem:s19], [sflag:$0x1] =	stream.linear.gather [hbm4b:s18+s3], $0x10, $0x38;
	[tilespmem:$0x10200] =	vst v63  }
0x1d0: {  	s18 =	sadd.s32 $0x20, s17;
	s19 =	sadd.s32 $0x370, s20  }
0x1d1: {  	[tilespmem:s19], [sflag:$0x1] =	stream.linear.gather [hbm4b:s18+s3], $0x10, $0x38;
	[tilespmem:$0x10200] =	vst v63  }
0x1d2: {  	s18 =	sadd.s32 $0x30, s17;
	s19 =	sadd.s32 $0x3F0, s20  }
0x1d3: {  	[tilespmem:s19], [sflag:$0x1] =	stream.linear.gather [hbm4b:s18+s3], $0x10, $0x38;
	[tilespmem:$0x10200] =	vst v63  }
0x1d4: {  	s18 =	sadd.s32 $0x40, s17;
	s19 =	sadd.s32 $0x470, s20  }
0x1d5: {  	[tilespmem:s19], [sflag:$0x1] =	stream.linear.gather [hbm4b:s18+s3], $0x10, $0x38;
	[tilespmem:$0x10200] =	vst v63  }
.Ltmp9:
0x1d6: {  	s18 =	sadd.s32 $0x50, s17;
	s19 =	sadd.s32 $0x4F0, s20;
	(pc) =	sbr.rel @p0 .LBB2_16-.Ltmp9, $4  }
0x1d7: {  	[tilespmem:s19], [sflag:$0x1] =	stream.linear.gather [hbm4b:s18+s3], $0x10, $0x38;
	[tilespmem:$0x10200] =	vst v63  }
0x1d8: {  	s18 =	sadd.s32 $0x60, s17;
	s19 =	sadd.s32 $0x570, s20;
	s20 =	sadd.s32 $0x5F0, s20  }
0x1d9: {  	[tilespmem:s19], [sflag:$0x1] =	stream.linear.gather [hbm4b:s18+s3], $0x10, $0x38;
	[tilespmem:$0x10200] =	vst v63  }
0x1da: {  	s19 =	sadd.s32 $0x70, s17;
	s17 =	sadd.s32 $0xF4280, s17;
	s18 =	smov.u32 s21  }
0x1db: {  	[tilespmem:s20], [sflag:$0x1] =	stream.linear.gather [hbm4b:s19+s3], $0x10, $0x38;
	(v2sf) =	vpush v2, $0x8;
	[tilespmem:$0x10200] =	vst v63  }
0x1dc: {  	s18 =	sadd.s32 $0x270, s16  }
0x1dd: {  	[tilespmem:s18], [sflag:$0x1] =	stream.linear.gather [hbm4b:s17+s3], $0x10, $0x38;
	[tilespmem:$0x10200] =	vst v63  }
0x1de: {  	s25 =	sadd.s32 $0x10, s17;
	s26 =	sadd.s32 $0x2F0, s16  }
0x1df: {  	[tilespmem:s26], [sflag:$0x1] =	stream.linear.gather [hbm4b:s25+s3], $0x10, $0x38;
	[tilespmem:$0x10200] =	vst v63  }
0x1e0: {  	s28 =	sadd.s32 $0x20, s17;
	s29 =	sadd.s32 $0x370, s16  }
0x1e1: {  	[tilespmem:s29], [sflag:$0x1] =	stream.linear.gather [hbm4b:s28+s3], $0x10, $0x38;
	[tilespmem:$0x10200] =	vst v63  }
0x1e2: {  	s30 =	sadd.s32 $0x30, s17;
	s31 =	sadd.s32 $0x3F0, s16  }
0x1e3: {  	[tilespmem:s31], [sflag:$0x1] =	stream.linear.gather [hbm4b:s30+s3], $0x10, $0x38;
	[tilespmem:$0x10200] =	vst v63  }
0x1e4: {  	s19 =	sadd.s32 $0x40, s17;
	s20 =	sadd.s32 $0x470, s16  }
0x1e5: {  	[tilespmem:s20], [sflag:$0x1] =	stream.linear.gather [hbm4b:s19+s3], $0x10, $0x38;
	[tilespmem:$0x10200] =	vst v63  }
0x1e6: {  	s21 =	sadd.s32 $0x50, s17;
	s22 =	sadd.s32 $0x4F0, s16  }
0x1e7: {  	[tilespmem:s22], [sflag:$0x1] =	stream.linear.gather [hbm4b:s21+s3], $0x10, $0x38;
	[tilespmem:$0x10200] =	vst v63  }
0x1e8: {  	s23 =	sadd.s32 $0x60, s17;
	s24 =	sadd.s32 $0x570, s16  }
0x1e9: {  	[tilespmem:s24], [sflag:$0x1] =	stream.linear.gather [hbm4b:s23+s3], $0x10, $0x38;
	[tilespmem:$0x10200] =	vst v63  }
0x1ea: {  	s25 =	sadd.s32 $0x70, s17;
	s26 =	sadd.s32 $0x5F0, s16;
	s28 =	spop (v2sf)  }
0x1eb: {  	[tilespmem:s26], [sflag:$0x1] =	stream.linear.gather [hbm4b:s25+s3], $0x10, $0x38;
	[tilespmem:$0x10200] =	vst v63  }
0x1ec: {  	s29 =	sand.u32 $0xF, s28  }
0x1ed: {  	s30 =	sshra.s32 s28, $0x1F;
	p0 =	slt.s32 s28, $0x1;
	p1 =	sne.s32 s29, $0x0  }
0x1ee: {  	s31 =	sshrl.u32 s30, $0x1C;
	p0 =	por !p0, !p1  }
0x1ef: {  	s17 =	simm.s32 $0x1;
	s16 =	sadd.s32 s31, s28;
	p0 =	por !p0, !p0  }
0x1f0: {  	s16 =	sshra.s32 s16, $0x4;
	s17 =	simm.s32 @!p0 $0x0  }
0x1f1: {  	s16 =	ssub.s32 s16, s17  }
0x1f2: {  	s17 =	sshll.u32 s16, $0x7;
	s16 =	sshll.u32 s16, $0x4  }
0x1f3: {  	s17 =	sand.u32 $0xFFFFFC00, s17;
	s16 =	sand.u32 $0x70, s16  }
0x1f4: {  	s16 =	sor.u32 s16, s17  }
0x1f5: {  	s16 =	sshrl.u32 s16, $0x3  }
0x1f6: {  	s18 =	simm.s32 $0x600;
	s17 =	sadd.s32 s1, s16  }
0x1f7: {  	[tilespmem:s18], [sflag:$0x1] =	stream.linear.gather [hbm4b:s17+s3], $0x10, $0x38;
	[tilespmem:$0x10200] =	vst v63  }
0x1f8: {  	s20 =	simm.s32 $0x680;
	s19 =	sadd.s32 $0x10, s17  }
0x1f9: {  	[tilespmem:s20], [sflag:$0x1] =	stream.linear.gather [hbm4b:s19+s3], $0x10, $0x38;
	[tilespmem:$0x10200] =	vst v63  }
0x1fa: {  	s22 =	simm.s32 $0x700;
	s24 =	simm.s32 $0x780;
	s21 =	sadd.s32 $0x20, s17  }
0x1fb: {  	[tilespmem:s22], [sflag:$0x1] =	stream.linear.gather [hbm4b:s21+s3], $0x10, $0x38;
	[tilespmem:$0x10200] =	vst v63  }
0x1fc: {  	s26 =	simm.s32 $0x800;
	s29 =	simm.s32 $0x880;
	s23 =	sadd.s32 $0x30, s17  }
0x1fd: {  	[tilespmem:s24], [sflag:$0x1] =	stream.linear.gather [hbm4b:s23+s3], $0x10, $0x38;
	[tilespmem:$0x10200] =	vst v63  }
0x1fe: {  	s31 =	simm.s32 $0x900;
	s16 =	simm.s32 $0x1000;
	s25 =	sadd.s32 $0x40, s17  }
0x1ff: {  	[tilespmem:s26], [sflag:$0x1] =	stream.linear.gather [hbm4b:s25+s3], $0x10, $0x38;
	[tilespmem:$0x10200] =	vst v63  }
0x200: {  	s28 =	sadd.s32 $0x50, s17;
	s30 =	sadd.s32 $0x60, s17;
	s18 =	simm.s32 $0x8000  }
0x201: {  	[tilespmem:s29], [sflag:$0x1] =	stream.linear.gather [hbm4b:s28+s3], $0x10, $0x38;
	[tilespmem:$0x10200] =	vst v63  }
0x202: {  	s19 =	sadd.s32 $0x70, s17;
	s20 =	simm.s32 $0x980;
	s17 =	sadd.s32 $0xF4280, s17  }
0x203: {  	[tilespmem:s31], [sflag:$0x1] =	stream.linear.gather [hbm4b:s30+s3], $0x10, $0x38;
	[tilespmem:$0x10200] =	vst v63  }
.LBB2_18:
0x204: {  	[tilespmem:s20], [sflag:$0x1] =	stream.linear.gather [hbm4b:s19+s3], $0x10, $0x38;
	[tilespmem:$0x10200] =	vst v63  }
0x205: {  	s20 =	smov.u32 s16;
	s16 =	smov.u32 s18  }
0x206: {  	s21 =	sadd.s32 $0x4000, s18;
	s16 =	sshra.s32 s16, $0x2;
	s19 =	sadd.s32 $0x600, s20  }
0x207: {  	[tilespmem:s19], [sflag:$0x1] =	stream.linear.gather [hbm4b:s17+s3], $0x10, $0x38;
	[tilespmem:$0x10200] =	vst v63  }
0x208: {  	p0 =	sne.s32 s18, $0x1C000;
	s18 =	sadd.s32 $0x10, s17;
	s19 =	sadd.s32 $0x680, s20  }
0x209: {  	[tilespmem:s19], [sflag:$0x1] =	stream.linear.gather [hbm4b:s18+s3], $0x10, $0x38;
	[tilespmem:$0x10200] =	vst v63  }
0x20a: {  	s18 =	sadd.s32 $0x20, s17;
	s19 =	sadd.s32 $0x700, s20  }
0x20b: {  	[tilespmem:s19], [sflag:$0x1] =	stream.linear.gather [hbm4b:s18+s3], $0x10, $0x38;
	[tilespmem:$0x10200] =	vst v63  }
0x20c: {  	s18 =	sadd.s32 $0x30, s17;
	s19 =	sadd.s32 $0x780, s20  }
0x20d: {  	[tilespmem:s19], [sflag:$0x1] =	stream.linear.gather [hbm4b:s18+s3], $0x10, $0x38;
	[tilespmem:$0x10200] =	vst v63  }
0x20e: {  	s18 =	sadd.s32 $0x40, s17;
	s19 =	sadd.s32 $0x800, s20  }
0x20f: {  	[tilespmem:s19], [sflag:$0x1] =	stream.linear.gather [hbm4b:s18+s3], $0x10, $0x38;
	[tilespmem:$0x10200] =	vst v63  }
.Ltmp10:
0x210: {  	s18 =	sadd.s32 $0x50, s17;
	s19 =	sadd.s32 $0x880, s20;
	(pc) =	sbr.rel @p0 .LBB2_18-.Ltmp10, $4  }
0x211: {  	[tilespmem:s19], [sflag:$0x1] =	stream.linear.gather [hbm4b:s18+s3], $0x10, $0x38;
	[tilespmem:$0x10200] =	vst v63  }
0x212: {  	s18 =	sadd.s32 $0x60, s17;
	s19 =	sadd.s32 $0x900, s20;
	s20 =	sadd.s32 $0x980, s20  }
0x213: {  	[tilespmem:s19], [sflag:$0x1] =	stream.linear.gather [hbm4b:s18+s3], $0x10, $0x38;
	[tilespmem:$0x10200] =	vst v63  }
0x214: {  	s19 =	sadd.s32 $0x70, s17;
	s17 =	sadd.s32 $0xF4280, s17;
	s18 =	smov.u32 s21  }
0x215: {  	[tilespmem:s20], [sflag:$0x1] =	stream.linear.gather [hbm4b:s19+s3], $0x10, $0x38;
	(v2sf) =	vpush v2, $0x9;
	[tilespmem:$0x10200] =	vst v63  }
0x216: {  	s18 =	sadd.s32 $0x600, s16  }
0x217: {  	[tilespmem:s18], [sflag:$0x1] =	stream.linear.gather [hbm4b:s17+s3], $0x10, $0x38;
	[tilespmem:$0x10200] =	vst v63  }
0x218: {  	s25 =	sadd.s32 $0x10, s17;
	s26 =	sadd.s32 $0x680, s16  }
0x219: {  	[tilespmem:s26], [sflag:$0x1] =	stream.linear.gather [hbm4b:s25+s3], $0x10, $0x38;
	[tilespmem:$0x10200] =	vst v63  }
0x21a: {  	s28 =	sadd.s32 $0x20, s17;
	s29 =	sadd.s32 $0x700, s16  }
0x21b: {  	[tilespmem:s29], [sflag:$0x1] =	stream.linear.gather [hbm4b:s28+s3], $0x10, $0x38;
	[tilespmem:$0x10200] =	vst v63  }
0x21c: {  	s30 =	sadd.s32 $0x30, s17;
	s31 =	sadd.s32 $0x780, s16  }
0x21d: {  	[tilespmem:s31], [sflag:$0x1] =	stream.linear.gather [hbm4b:s30+s3], $0x10, $0x38;
	[tilespmem:$0x10200] =	vst v63  }
0x21e: {  	s19 =	sadd.s32 $0x40, s17;
	s20 =	sadd.s32 $0x800, s16  }
0x21f: {  	[tilespmem:s20], [sflag:$0x1] =	stream.linear.gather [hbm4b:s19+s3], $0x10, $0x38;
	[tilespmem:$0x10200] =	vst v63  }
0x220: {  	s21 =	sadd.s32 $0x50, s17;
	s22 =	sadd.s32 $0x880, s16  }
0x221: {  	[tilespmem:s22], [sflag:$0x1] =	stream.linear.gather [hbm4b:s21+s3], $0x10, $0x38;
	[tilespmem:$0x10200] =	vst v63  }
0x222: {  	s23 =	sadd.s32 $0x60, s17;
	s24 =	sadd.s32 $0x900, s16  }
0x223: {  	[tilespmem:s24], [sflag:$0x1] =	stream.linear.gather [hbm4b:s23+s3], $0x10, $0x38;
	[tilespmem:$0x10200] =	vst v63  }
0x224: {  	s25 =	sadd.s32 $0x70, s17;
	s26 =	sadd.s32 $0x980, s16;
	s28 =	spop (v2sf)  }
0x225: {  	[tilespmem:s26], [sflag:$0x1] =	stream.linear.gather [hbm4b:s25+s3], $0x10, $0x38;
	[tilespmem:$0x10200] =	vst v63  }
0x226: {  	s29 =	sand.u32 $0xF, s28  }
0x227: {  	s30 =	sshra.s32 s28, $0x1F;
	p0 =	slt.s32 s28, $0x1;
	p1 =	sne.s32 s29, $0x0  }
0x228: {  	s31 =	sshrl.u32 s30, $0x1C;
	p0 =	por !p0, !p1  }
0x229: {  	s17 =	simm.s32 $0x1;
	s16 =	sadd.s32 s31, s28;
	p0 =	por !p0, !p0  }
0x22a: {  	s16 =	sshra.s32 s16, $0x4;
	s17 =	simm.s32 @!p0 $0x0  }
0x22b: {  	s16 =	ssub.s32 s16, s17  }
0x22c: {  	s17 =	sshll.u32 s16, $0x7;
	s16 =	sshll.u32 s16, $0x4  }
0x22d: {  	s17 =	sand.u32 $0xFFFFFC00, s17;
	s16 =	sand.u32 $0x70, s16  }
0x22e: {  	s16 =	sor.u32 s16, s17  }
0x22f: {  	s16 =	sshrl.u32 s16, $0x3  }
0x230: {  	s18 =	simm.s32 $0x610;
	s17 =	sadd.s32 s1, s16  }
0x231: {  	[tilespmem:s18], [sflag:$0x1] =	stream.linear.gather [hbm4b:s17+s3], $0x10, $0x38;
	[tilespmem:$0x10200] =	vst v63  }
0x232: {  	s20 =	simm.s32 $0x690;
	s19 =	sadd.s32 $0x10, s17  }
0x233: {  	[tilespmem:s20], [sflag:$0x1] =	stream.linear.gather [hbm4b:s19+s3], $0x10, $0x38;
	[tilespmem:$0x10200] =	vst v63  }
0x234: {  	s22 =	simm.s32 $0x710;
	s24 =	simm.s32 $0x790;
	s21 =	sadd.s32 $0x20, s17  }
0x235: {  	[tilespmem:s22], [sflag:$0x1] =	stream.linear.gather [hbm4b:s21+s3], $0x10, $0x38;
	[tilespmem:$0x10200] =	vst v63  }
0x236: {  	s26 =	simm.s32 $0x810;
	s29 =	simm.s32 $0x890;
	s23 =	sadd.s32 $0x30, s17  }
0x237: {  	[tilespmem:s24], [sflag:$0x1] =	stream.linear.gather [hbm4b:s23+s3], $0x10, $0x38;
	[tilespmem:$0x10200] =	vst v63  }
0x238: {  	s31 =	simm.s32 $0x910;
	s16 =	simm.s32 $0x1000;
	s25 =	sadd.s32 $0x40, s17  }
0x239: {  	[tilespmem:s26], [sflag:$0x1] =	stream.linear.gather [hbm4b:s25+s3], $0x10, $0x38;
	[tilespmem:$0x10200] =	vst v63  }
0x23a: {  	s28 =	sadd.s32 $0x50, s17;
	s30 =	sadd.s32 $0x60, s17;
	s18 =	simm.s32 $0x8000  }
0x23b: {  	[tilespmem:s29], [sflag:$0x1] =	stream.linear.gather [hbm4b:s28+s3], $0x10, $0x38;
	[tilespmem:$0x10200] =	vst v63  }
0x23c: {  	s19 =	sadd.s32 $0x70, s17;
	s20 =	simm.s32 $0x990;
	s17 =	sadd.s32 $0xF4280, s17  }
0x23d: {  	[tilespmem:s31], [sflag:$0x1] =	stream.linear.gather [hbm4b:s30+s3], $0x10, $0x38;
	[tilespmem:$0x10200] =	vst v63  }
.LBB2_20:
0x23e: {  	[tilespmem:s20], [sflag:$0x1] =	stream.linear.gather [hbm4b:s19+s3], $0x10, $0x38;
	[tilespmem:$0x10200] =	vst v63  }
0x23f: {  	s20 =	smov.u32 s16;
	s16 =	smov.u32 s18  }
0x240: {  	s21 =	sadd.s32 $0x4000, s18;
	s16 =	sshra.s32 s16, $0x2;
	s19 =	sadd.s32 $0x610, s20  }
0x241: {  	[tilespmem:s19], [sflag:$0x1] =	stream.linear.gather [hbm4b:s17+s3], $0x10, $0x38;
	[tilespmem:$0x10200] =	vst v63  }
0x242: {  	p0 =	sne.s32 s18, $0x1C000;
	s18 =	sadd.s32 $0x10, s17;
	s19 =	sadd.s32 $0x690, s20  }
0x243: {  	[tilespmem:s19], [sflag:$0x1] =	stream.linear.gather [hbm4b:s18+s3], $0x10, $0x38;
	[tilespmem:$0x10200] =	vst v63  }
0x244: {  	s18 =	sadd.s32 $0x20, s17;
	s19 =	sadd.s32 $0x710, s20  }
0x245: {  	[tilespmem:s19], [sflag:$0x1] =	stream.linear.gather [hbm4b:s18+s3], $0x10, $0x38;
	[tilespmem:$0x10200] =	vst v63  }
0x246: {  	s18 =	sadd.s32 $0x30, s17;
	s19 =	sadd.s32 $0x790, s20  }
0x247: {  	[tilespmem:s19], [sflag:$0x1] =	stream.linear.gather [hbm4b:s18+s3], $0x10, $0x38;
	[tilespmem:$0x10200] =	vst v63  }
0x248: {  	s18 =	sadd.s32 $0x40, s17;
	s19 =	sadd.s32 $0x810, s20  }
0x249: {  	[tilespmem:s19], [sflag:$0x1] =	stream.linear.gather [hbm4b:s18+s3], $0x10, $0x38;
	[tilespmem:$0x10200] =	vst v63  }
.Ltmp11:
0x24a: {  	s18 =	sadd.s32 $0x50, s17;
	s19 =	sadd.s32 $0x890, s20;
	(pc) =	sbr.rel @p0 .LBB2_20-.Ltmp11, $4  }
0x24b: {  	[tilespmem:s19], [sflag:$0x1] =	stream.linear.gather [hbm4b:s18+s3], $0x10, $0x38;
	[tilespmem:$0x10200] =	vst v63  }
0x24c: {  	s18 =	sadd.s32 $0x60, s17;
	s19 =	sadd.s32 $0x910, s20;
	s20 =	sadd.s32 $0x990, s20  }
0x24d: {  	[tilespmem:s19], [sflag:$0x1] =	stream.linear.gather [hbm4b:s18+s3], $0x10, $0x38;
	[tilespmem:$0x10200] =	vst v63  }
0x24e: {  	s19 =	sadd.s32 $0x70, s17;
	s17 =	sadd.s32 $0xF4280, s17;
	s18 =	smov.u32 s21  }
0x24f: {  	[tilespmem:s20], [sflag:$0x1] =	stream.linear.gather [hbm4b:s19+s3], $0x10, $0x38;
	(v2sf) =	vpush v2, $0xA;
	[tilespmem:$0x10200] =	vst v63  }
0x250: {  	s18 =	sadd.s32 $0x610, s16  }
0x251: {  	[tilespmem:s18], [sflag:$0x1] =	stream.linear.gather [hbm4b:s17+s3], $0x10, $0x38;
	[tilespmem:$0x10200] =	vst v63  }
0x252: {  	s25 =	sadd.s32 $0x10, s17;
	s26 =	sadd.s32 $0x690, s16  }
0x253: {  	[tilespmem:s26], [sflag:$0x1] =	stream.linear.gather [hbm4b:s25+s3], $0x10, $0x38;
	[tilespmem:$0x10200] =	vst v63  }
0x254: {  	s28 =	sadd.s32 $0x20, s17;
	s29 =	sadd.s32 $0x710, s16  }
0x255: {  	[tilespmem:s29], [sflag:$0x1] =	stream.linear.gather [hbm4b:s28+s3], $0x10, $0x38;
	[tilespmem:$0x10200] =	vst v63  }
0x256: {  	s30 =	sadd.s32 $0x30, s17;
	s31 =	sadd.s32 $0x790, s16  }
0x257: {  	[tilespmem:s31], [sflag:$0x1] =	stream.linear.gather [hbm4b:s30+s3], $0x10, $0x38;
	[tilespmem:$0x10200] =	vst v63  }
0x258: {  	s19 =	sadd.s32 $0x40, s17;
	s20 =	sadd.s32 $0x810, s16  }
0x259: {  	[tilespmem:s20], [sflag:$0x1] =	stream.linear.gather [hbm4b:s19+s3], $0x10, $0x38;
	[tilespmem:$0x10200] =	vst v63  }
0x25a: {  	s21 =	sadd.s32 $0x50, s17;
	s22 =	sadd.s32 $0x890, s16  }
0x25b: {  	[tilespmem:s22], [sflag:$0x1] =	stream.linear.gather [hbm4b:s21+s3], $0x10, $0x38;
	[tilespmem:$0x10200] =	vst v63  }
0x25c: {  	s23 =	sadd.s32 $0x60, s17;
	s24 =	sadd.s32 $0x910, s16  }
0x25d: {  	[tilespmem:s24], [sflag:$0x1] =	stream.linear.gather [hbm4b:s23+s3], $0x10, $0x38;
	[tilespmem:$0x10200] =	vst v63  }
0x25e: {  	s25 =	sadd.s32 $0x70, s17;
	s26 =	sadd.s32 $0x990, s16;
	s28 =	spop (v2sf)  }
0x25f: {  	[tilespmem:s26], [sflag:$0x1] =	stream.linear.gather [hbm4b:s25+s3], $0x10, $0x38;
	[tilespmem:$0x10200] =	vst v63  }
0x260: {  	s29 =	sand.u32 $0xF, s28  }
0x261: {  	s30 =	sshra.s32 s28, $0x1F;
	p0 =	slt.s32 s28, $0x1;
	p1 =	sne.s32 s29, $0x0  }
0x262: {  	s31 =	sshrl.u32 s30, $0x1C;
	p0 =	por !p0, !p1  }
0x263: {  	s17 =	simm.s32 $0x1;
	s16 =	sadd.s32 s31, s28;
	p0 =	por !p0, !p0  }
0x264: {  	s16 =	sshra.s32 s16, $0x4;
	s17 =	simm.s32 @!p0 $0x0  }
0x265: {  	s16 =	ssub.s32 s16, s17  }
0x266: {  	s17 =	sshll.u32 s16, $0x7;
	s16 =	sshll.u32 s16, $0x4  }
0x267: {  	s17 =	sand.u32 $0xFFFFFC00, s17;
	s16 =	sand.u32 $0x70, s16  }
0x268: {  	s16 =	sor.u32 s16, s17  }
0x269: {  	s16 =	sshrl.u32 s16, $0x3  }
0x26a: {  	s18 =	simm.s32 $0x620;
	s17 =	sadd.s32 s1, s16  }
0x26b: {  	[tilespmem:s18], [sflag:$0x1] =	stream.linear.gather [hbm4b:s17+s3], $0x10, $0x38;
	[tilespmem:$0x10200] =	vst v63  }
0x26c: {  	s20 =	simm.s32 $0x6A0;
	s19 =	sadd.s32 $0x10, s17  }
0x26d: {  	[tilespmem:s20], [sflag:$0x1] =	stream.linear.gather [hbm4b:s19+s3], $0x10, $0x38;
	[tilespmem:$0x10200] =	vst v63  }
0x26e: {  	s22 =	simm.s32 $0x720;
	s24 =	simm.s32 $0x7A0;
	s21 =	sadd.s32 $0x20, s17  }
0x26f: {  	[tilespmem:s22], [sflag:$0x1] =	stream.linear.gather [hbm4b:s21+s3], $0x10, $0x38;
	[tilespmem:$0x10200] =	vst v63  }
0x270: {  	s26 =	simm.s32 $0x820;
	s29 =	simm.s32 $0x8A0;
	s23 =	sadd.s32 $0x30, s17  }
0x271: {  	[tilespmem:s24], [sflag:$0x1] =	stream.linear.gather [hbm4b:s23+s3], $0x10, $0x38;
	[tilespmem:$0x10200] =	vst v63  }
0x272: {  	s31 =	simm.s32 $0x920;
	s16 =	simm.s32 $0x1000;
	s25 =	sadd.s32 $0x40, s17  }
0x273: {  	[tilespmem:s26], [sflag:$0x1] =	stream.linear.gather [hbm4b:s25+s3], $0x10, $0x38;
	[tilespmem:$0x10200] =	vst v63  }
0x274: {  	s28 =	sadd.s32 $0x50, s17;
	s30 =	sadd.s32 $0x60, s17;
	s18 =	simm.s32 $0x8000  }
0x275: {  	[tilespmem:s29], [sflag:$0x1] =	stream.linear.gather [hbm4b:s28+s3], $0x10, $0x38;
	[tilespmem:$0x10200] =	vst v63  }
0x276: {  	s19 =	sadd.s32 $0x70, s17;
	s20 =	simm.s32 $0x9A0;
	s17 =	sadd.s32 $0xF4280, s17  }
0x277: {  	[tilespmem:s31], [sflag:$0x1] =	stream.linear.gather [hbm4b:s30+s3], $0x10, $0x38;
	[tilespmem:$0x10200] =	vst v63  }
.LBB2_22:
0x278: {  	[tilespmem:s20], [sflag:$0x1] =	stream.linear.gather [hbm4b:s19+s3], $0x10, $0x38;
	[tilespmem:$0x10200] =	vst v63  }
0x279: {  	s20 =	smov.u32 s16;
	s16 =	smov.u32 s18  }
0x27a: {  	s21 =	sadd.s32 $0x4000, s18;
	s16 =	sshra.s32 s16, $0x2;
	s19 =	sadd.s32 $0x620, s20  }
0x27b: {  	[tilespmem:s19], [sflag:$0x1] =	stream.linear.gather [hbm4b:s17+s3], $0x10, $0x38;
	[tilespmem:$0x10200] =	vst v63  }
0x27c: {  	p0 =	sne.s32 s18, $0x1C000;
	s18 =	sadd.s32 $0x10, s17;
	s19 =	sadd.s32 $0x6A0, s20  }
0x27d: {  	[tilespmem:s19], [sflag:$0x1] =	stream.linear.gather [hbm4b:s18+s3], $0x10, $0x38;
	[tilespmem:$0x10200] =	vst v63  }
0x27e: {  	s18 =	sadd.s32 $0x20, s17;
	s19 =	sadd.s32 $0x720, s20  }
0x27f: {  	[tilespmem:s19], [sflag:$0x1] =	stream.linear.gather [hbm4b:s18+s3], $0x10, $0x38;
	[tilespmem:$0x10200] =	vst v63  }
0x280: {  	s18 =	sadd.s32 $0x30, s17;
	s19 =	sadd.s32 $0x7A0, s20  }
0x281: {  	[tilespmem:s19], [sflag:$0x1] =	stream.linear.gather [hbm4b:s18+s3], $0x10, $0x38;
	[tilespmem:$0x10200] =	vst v63  }
0x282: {  	s18 =	sadd.s32 $0x40, s17;
	s19 =	sadd.s32 $0x820, s20  }
0x283: {  	[tilespmem:s19], [sflag:$0x1] =	stream.linear.gather [hbm4b:s18+s3], $0x10, $0x38;
	[tilespmem:$0x10200] =	vst v63  }
.Ltmp12:
0x284: {  	s18 =	sadd.s32 $0x50, s17;
	s19 =	sadd.s32 $0x8A0, s20;
	(pc) =	sbr.rel @p0 .LBB2_22-.Ltmp12, $4  }
0x285: {  	[tilespmem:s19], [sflag:$0x1] =	stream.linear.gather [hbm4b:s18+s3], $0x10, $0x38;
	[tilespmem:$0x10200] =	vst v63  }
0x286: {  	s18 =	sadd.s32 $0x60, s17;
	s19 =	sadd.s32 $0x920, s20;
	s20 =	sadd.s32 $0x9A0, s20  }
0x287: {  	[tilespmem:s19], [sflag:$0x1] =	stream.linear.gather [hbm4b:s18+s3], $0x10, $0x38;
	[tilespmem:$0x10200] =	vst v63  }
0x288: {  	s19 =	sadd.s32 $0x70, s17;
	s17 =	sadd.s32 $0xF4280, s17;
	s18 =	smov.u32 s21  }
0x289: {  	[tilespmem:s20], [sflag:$0x1] =	stream.linear.gather [hbm4b:s19+s3], $0x10, $0x38;
	(v2sf) =	vpush v2, $0xB;
	[tilespmem:$0x10200] =	vst v63  }
0x28a: {  	s18 =	sadd.s32 $0x620, s16  }
0x28b: {  	[tilespmem:s18], [sflag:$0x1] =	stream.linear.gather [hbm4b:s17+s3], $0x10, $0x38;
	[tilespmem:$0x10200] =	vst v63  }
0x28c: {  	s25 =	sadd.s32 $0x10, s17;
	s26 =	sadd.s32 $0x6A0, s16  }
0x28d: {  	[tilespmem:s26], [sflag:$0x1] =	stream.linear.gather [hbm4b:s25+s3], $0x10, $0x38;
	[tilespmem:$0x10200] =	vst v63  }
0x28e: {  	s28 =	sadd.s32 $0x20, s17;
	s29 =	sadd.s32 $0x720, s16  }
0x28f: {  	[tilespmem:s29], [sflag:$0x1] =	stream.linear.gather [hbm4b:s28+s3], $0x10, $0x38;
	[tilespmem:$0x10200] =	vst v63  }
0x290: {  	s30 =	sadd.s32 $0x30, s17;
	s31 =	sadd.s32 $0x7A0, s16  }
0x291: {  	[tilespmem:s31], [sflag:$0x1] =	stream.linear.gather [hbm4b:s30+s3], $0x10, $0x38;
	[tilespmem:$0x10200] =	vst v63  }
0x292: {  	s19 =	sadd.s32 $0x40, s17;
	s20 =	sadd.s32 $0x820, s16  }
0x293: {  	[tilespmem:s20], [sflag:$0x1] =	stream.linear.gather [hbm4b:s19+s3], $0x10, $0x38;
	[tilespmem:$0x10200] =	vst v63  }
0x294: {  	s21 =	sadd.s32 $0x50, s17;
	s22 =	sadd.s32 $0x8A0, s16  }
0x295: {  	[tilespmem:s22], [sflag:$0x1] =	stream.linear.gather [hbm4b:s21+s3], $0x10, $0x38;
	[tilespmem:$0x10200] =	vst v63  }
0x296: {  	s23 =	sadd.s32 $0x60, s17;
	s24 =	sadd.s32 $0x920, s16  }
0x297: {  	[tilespmem:s24], [sflag:$0x1] =	stream.linear.gather [hbm4b:s23+s3], $0x10, $0x38;
	[tilespmem:$0x10200] =	vst v63  }
0x298: {  	s25 =	sadd.s32 $0x70, s17;
	s26 =	sadd.s32 $0x9A0, s16;
	s28 =	spop (v2sf)  }
0x299: {  	[tilespmem:s26], [sflag:$0x1] =	stream.linear.gather [hbm4b:s25+s3], $0x10, $0x38;
	[tilespmem:$0x10200] =	vst v63  }
0x29a: {  	s29 =	sand.u32 $0xF, s28  }
0x29b: {  	s30 =	sshra.s32 s28, $0x1F;
	p0 =	slt.s32 s28, $0x1;
	p1 =	sne.s32 s29, $0x0  }
0x29c: {  	s31 =	sshrl.u32 s30, $0x1C;
	p0 =	por !p0, !p1  }
0x29d: {  	s17 =	simm.s32 $0x1;
	s16 =	sadd.s32 s31, s28;
	p0 =	por !p0, !p0  }
0x29e: {  	s16 =	sshra.s32 s16, $0x4;
	s17 =	simm.s32 @!p0 $0x0  }
0x29f: {  	s16 =	ssub.s32 s16, s17  }
0x2a0: {  	s17 =	sshll.u32 s16, $0x7;
	s16 =	sshll.u32 s16, $0x4  }
0x2a1: {  	s17 =	sand.u32 $0xFFFFFC00, s17;
	s16 =	sand.u32 $0x70, s16  }
0x2a2: {  	s16 =	sor.u32 s16, s17  }
0x2a3: {  	s16 =	sshrl.u32 s16, $0x3  }
0x2a4: {  	s18 =	simm.s32 $0x630;
	s17 =	sadd.s32 s1, s16  }
0x2a5: {  	[tilespmem:s18], [sflag:$0x1] =	stream.linear.gather [hbm4b:s17+s3], $0x10, $0x38;
	[tilespmem:$0x10200] =	vst v63  }
0x2a6: {  	s20 =	simm.s32 $0x6B0;
	s19 =	sadd.s32 $0x10, s17  }
0x2a7: {  	[tilespmem:s20], [sflag:$0x1] =	stream.linear.gather [hbm4b:s19+s3], $0x10, $0x38;
	[tilespmem:$0x10200] =	vst v63  }
0x2a8: {  	s22 =	simm.s32 $0x730;
	s24 =	simm.s32 $0x7B0;
	s21 =	sadd.s32 $0x20, s17  }
0x2a9: {  	[tilespmem:s22], [sflag:$0x1] =	stream.linear.gather [hbm4b:s21+s3], $0x10, $0x38;
	[tilespmem:$0x10200] =	vst v63  }
0x2aa: {  	s26 =	simm.s32 $0x830;
	s29 =	simm.s32 $0x8B0;
	s23 =	sadd.s32 $0x30, s17  }
0x2ab: {  	[tilespmem:s24], [sflag:$0x1] =	stream.linear.gather [hbm4b:s23+s3], $0x10, $0x38;
	[tilespmem:$0x10200] =	vst v63  }
0x2ac: {  	s31 =	simm.s32 $0x930;
	s16 =	simm.s32 $0x1000;
	s25 =	sadd.s32 $0x40, s17  }
0x2ad: {  	[tilespmem:s26], [sflag:$0x1] =	stream.linear.gather [hbm4b:s25+s3], $0x10, $0x38;
	[tilespmem:$0x10200] =	vst v63  }
0x2ae: {  	s28 =	sadd.s32 $0x50, s17;
	s30 =	sadd.s32 $0x60, s17;
	s18 =	simm.s32 $0x8000  }
0x2af: {  	[tilespmem:s29], [sflag:$0x1] =	stream.linear.gather [hbm4b:s28+s3], $0x10, $0x38;
	[tilespmem:$0x10200] =	vst v63  }
0x2b0: {  	s19 =	sadd.s32 $0x70, s17;
	s20 =	simm.s32 $0x9B0;
	s17 =	sadd.s32 $0xF4280, s17  }
0x2b1: {  	[tilespmem:s31], [sflag:$0x1] =	stream.linear.gather [hbm4b:s30+s3], $0x10, $0x38;
	[tilespmem:$0x10200] =	vst v63  }
.LBB2_24:
0x2b2: {  	[tilespmem:s20], [sflag:$0x1] =	stream.linear.gather [hbm4b:s19+s3], $0x10, $0x38;
	[tilespmem:$0x10200] =	vst v63  }
0x2b3: {  	s20 =	smov.u32 s16;
	s16 =	smov.u32 s18  }
0x2b4: {  	s21 =	sadd.s32 $0x4000, s18;
	s16 =	sshra.s32 s16, $0x2;
	s19 =	sadd.s32 $0x630, s20  }
0x2b5: {  	[tilespmem:s19], [sflag:$0x1] =	stream.linear.gather [hbm4b:s17+s3], $0x10, $0x38;
	[tilespmem:$0x10200] =	vst v63  }
0x2b6: {  	p0 =	sne.s32 s18, $0x1C000;
	s18 =	sadd.s32 $0x10, s17;
	s19 =	sadd.s32 $0x6B0, s20  }
0x2b7: {  	[tilespmem:s19], [sflag:$0x1] =	stream.linear.gather [hbm4b:s18+s3], $0x10, $0x38;
	[tilespmem:$0x10200] =	vst v63  }
0x2b8: {  	s18 =	sadd.s32 $0x20, s17;
	s19 =	sadd.s32 $0x730, s20  }
0x2b9: {  	[tilespmem:s19], [sflag:$0x1] =	stream.linear.gather [hbm4b:s18+s3], $0x10, $0x38;
	[tilespmem:$0x10200] =	vst v63  }
0x2ba: {  	s18 =	sadd.s32 $0x30, s17;
	s19 =	sadd.s32 $0x7B0, s20  }
0x2bb: {  	[tilespmem:s19], [sflag:$0x1] =	stream.linear.gather [hbm4b:s18+s3], $0x10, $0x38;
	[tilespmem:$0x10200] =	vst v63  }
0x2bc: {  	s18 =	sadd.s32 $0x40, s17;
	s19 =	sadd.s32 $0x830, s20  }
0x2bd: {  	[tilespmem:s19], [sflag:$0x1] =	stream.linear.gather [hbm4b:s18+s3], $0x10, $0x38;
	[tilespmem:$0x10200] =	vst v63  }
.Ltmp13:
0x2be: {  	s18 =	sadd.s32 $0x50, s17;
	s19 =	sadd.s32 $0x8B0, s20;
	(pc) =	sbr.rel @p0 .LBB2_24-.Ltmp13, $4  }
0x2bf: {  	[tilespmem:s19], [sflag:$0x1] =	stream.linear.gather [hbm4b:s18+s3], $0x10, $0x38;
	[tilespmem:$0x10200] =	vst v63  }
0x2c0: {  	s18 =	sadd.s32 $0x60, s17;
	s19 =	sadd.s32 $0x930, s20;
	s20 =	sadd.s32 $0x9B0, s20  }
0x2c1: {  	[tilespmem:s19], [sflag:$0x1] =	stream.linear.gather [hbm4b:s18+s3], $0x10, $0x38;
	[tilespmem:$0x10200] =	vst v63  }
0x2c2: {  	s19 =	sadd.s32 $0x70, s17;
	s17 =	sadd.s32 $0xF4280, s17;
	s18 =	smov.u32 s21  }
0x2c3: {  	[tilespmem:s20], [sflag:$0x1] =	stream.linear.gather [hbm4b:s19+s3], $0x10, $0x38;
	(v2sf) =	vpush v2, $0xC;
	[tilespmem:$0x10200] =	vst v63  }
0x2c4: {  	s18 =	sadd.s32 $0x630, s16  }
0x2c5: {  	[tilespmem:s18], [sflag:$0x1] =	stream.linear.gather [hbm4b:s17+s3], $0x10, $0x38;
	[tilespmem:$0x10200] =	vst v63  }
0x2c6: {  	s25 =	sadd.s32 $0x10, s17;
	s26 =	sadd.s32 $0x6B0, s16  }
0x2c7: {  	[tilespmem:s26], [sflag:$0x1] =	stream.linear.gather [hbm4b:s25+s3], $0x10, $0x38;
	[tilespmem:$0x10200] =	vst v63  }
0x2c8: {  	s28 =	sadd.s32 $0x20, s17;
	s29 =	sadd.s32 $0x730, s16  }
0x2c9: {  	[tilespmem:s29], [sflag:$0x1] =	stream.linear.gather [hbm4b:s28+s3], $0x10, $0x38;
	[tilespmem:$0x10200] =	vst v63  }
0x2ca: {  	s30 =	sadd.s32 $0x30, s17;
	s31 =	sadd.s32 $0x7B0, s16  }
0x2cb: {  	[tilespmem:s31], [sflag:$0x1] =	stream.linear.gather [hbm4b:s30+s3], $0x10, $0x38;
	[tilespmem:$0x10200] =	vst v63  }
0x2cc: {  	s19 =	sadd.s32 $0x40, s17;
	s20 =	sadd.s32 $0x830, s16  }
0x2cd: {  	[tilespmem:s20], [sflag:$0x1] =	stream.linear.gather [hbm4b:s19+s3], $0x10, $0x38;
	[tilespmem:$0x10200] =	vst v63  }
0x2ce: {  	s21 =	sadd.s32 $0x50, s17;
	s22 =	sadd.s32 $0x8B0, s16  }
0x2cf: {  	[tilespmem:s22], [sflag:$0x1] =	stream.linear.gather [hbm4b:s21+s3], $0x10, $0x38;
	[tilespmem:$0x10200] =	vst v63  }
0x2d0: {  	s23 =	sadd.s32 $0x60, s17;
	s24 =	sadd.s32 $0x930, s16  }
0x2d1: {  	[tilespmem:s24], [sflag:$0x1] =	stream.linear.gather [hbm4b:s23+s3], $0x10, $0x38;
	[tilespmem:$0x10200] =	vst v63  }
0x2d2: {  	s25 =	sadd.s32 $0x70, s17;
	s26 =	sadd.s32 $0x9B0, s16;
	s28 =	spop (v2sf)  }
0x2d3: {  	[tilespmem:s26], [sflag:$0x1] =	stream.linear.gather [hbm4b:s25+s3], $0x10, $0x38;
	[tilespmem:$0x10200] =	vst v63  }
0x2d4: {  	s29 =	sand.u32 $0xF, s28  }
0x2d5: {  	s30 =	sshra.s32 s28, $0x1F;
	p0 =	slt.s32 s28, $0x1;
	p1 =	sne.s32 s29, $0x0  }
0x2d6: {  	s31 =	sshrl.u32 s30, $0x1C;
	p0 =	por !p0, !p1  }
0x2d7: {  	s17 =	simm.s32 $0x1;
	s16 =	sadd.s32 s31, s28;
	p0 =	por !p0, !p0  }
0x2d8: {  	s16 =	sshra.s32 s16, $0x4;
	s17 =	simm.s32 @!p0 $0x0  }
0x2d9: {  	s16 =	ssub.s32 s16, s17  }
0x2da: {  	s17 =	sshll.u32 s16, $0x7;
	s16 =	sshll.u32 s16, $0x4  }
0x2db: {  	s17 =	sand.u32 $0xFFFFFC00, s17;
	s16 =	sand.u32 $0x70, s16  }
0x2dc: {  	s16 =	sor.u32 s16, s17  }
0x2dd: {  	s16 =	sshrl.u32 s16, $0x3  }
0x2de: {  	s18 =	simm.s32 $0x640;
	s17 =	sadd.s32 s1, s16  }
0x2df: {  	[tilespmem:s18], [sflag:$0x1] =	stream.linear.gather [hbm4b:s17+s3], $0x10, $0x38;
	[tilespmem:$0x10200] =	vst v63  }
0x2e0: {  	s20 =	simm.s32 $0x6C0;
	s19 =	sadd.s32 $0x10, s17  }
0x2e1: {  	[tilespmem:s20], [sflag:$0x1] =	stream.linear.gather [hbm4b:s19+s3], $0x10, $0x38;
	[tilespmem:$0x10200] =	vst v63  }
0x2e2: {  	s22 =	simm.s32 $0x740;
	s24 =	simm.s32 $0x7C0;
	s21 =	sadd.s32 $0x20, s17  }
0x2e3: {  	[tilespmem:s22], [sflag:$0x1] =	stream.linear.gather [hbm4b:s21+s3], $0x10, $0x38;
	[tilespmem:$0x10200] =	vst v63  }
0x2e4: {  	s26 =	simm.s32 $0x840;
	s29 =	simm.s32 $0x8C0;
	s23 =	sadd.s32 $0x30, s17  }
0x2e5: {  	[tilespmem:s24], [sflag:$0x1] =	stream.linear.gather [hbm4b:s23+s3], $0x10, $0x38;
	[tilespmem:$0x10200] =	vst v63  }
0x2e6: {  	s31 =	simm.s32 $0x940;
	s16 =	simm.s32 $0x1000;
	s25 =	sadd.s32 $0x40, s17  }
0x2e7: {  	[tilespmem:s26], [sflag:$0x1] =	stream.linear.gather [hbm4b:s25+s3], $0x10, $0x38;
	[tilespmem:$0x10200] =	vst v63  }
0x2e8: {  	s28 =	sadd.s32 $0x50, s17;
	s30 =	sadd.s32 $0x60, s17;
	s18 =	simm.s32 $0x8000  }
0x2e9: {  	[tilespmem:s29], [sflag:$0x1] =	stream.linear.gather [hbm4b:s28+s3], $0x10, $0x38;
	[tilespmem:$0x10200] =	vst v63  }
0x2ea: {  	s19 =	sadd.s32 $0x70, s17;
	s20 =	simm.s32 $0x9C0;
	s17 =	sadd.s32 $0xF4280, s17  }
0x2eb: {  	[tilespmem:s31], [sflag:$0x1] =	stream.linear.gather [hbm4b:s30+s3], $0x10, $0x38;
	[tilespmem:$0x10200] =	vst v63  }
.LBB2_26:
0x2ec: {  	[tilespmem:s20], [sflag:$0x1] =	stream.linear.gather [hbm4b:s19+s3], $0x10, $0x38;
	[tilespmem:$0x10200] =	vst v63  }
0x2ed: {  	s20 =	smov.u32 s16;
	s16 =	smov.u32 s18  }
0x2ee: {  	s21 =	sadd.s32 $0x4000, s18;
	s16 =	sshra.s32 s16, $0x2;
	s19 =	sadd.s32 $0x640, s20  }
0x2ef: {  	[tilespmem:s19], [sflag:$0x1] =	stream.linear.gather [hbm4b:s17+s3], $0x10, $0x38;
	[tilespmem:$0x10200] =	vst v63  }
0x2f0: {  	p0 =	sne.s32 s18, $0x1C000;
	s18 =	sadd.s32 $0x10, s17;
	s19 =	sadd.s32 $0x6C0, s20  }
0x2f1: {  	[tilespmem:s19], [sflag:$0x1] =	stream.linear.gather [hbm4b:s18+s3], $0x10, $0x38;
	[tilespmem:$0x10200] =	vst v63  }
0x2f2: {  	s18 =	sadd.s32 $0x20, s17;
	s19 =	sadd.s32 $0x740, s20  }
0x2f3: {  	[tilespmem:s19], [sflag:$0x1] =	stream.linear.gather [hbm4b:s18+s3], $0x10, $0x38;
	[tilespmem:$0x10200] =	vst v63  }
0x2f4: {  	s18 =	sadd.s32 $0x30, s17;
	s19 =	sadd.s32 $0x7C0, s20  }
0x2f5: {  	[tilespmem:s19], [sflag:$0x1] =	stream.linear.gather [hbm4b:s18+s3], $0x10, $0x38;
	[tilespmem:$0x10200] =	vst v63  }
0x2f6: {  	s18 =	sadd.s32 $0x40, s17;
	s19 =	sadd.s32 $0x840, s20  }
0x2f7: {  	[tilespmem:s19], [sflag:$0x1] =	stream.linear.gather [hbm4b:s18+s3], $0x10, $0x38;
	[tilespmem:$0x10200] =	vst v63  }
.Ltmp14:
0x2f8: {  	s18 =	sadd.s32 $0x50, s17;
	s19 =	sadd.s32 $0x8C0, s20;
	(pc) =	sbr.rel @p0 .LBB2_26-.Ltmp14, $4  }
0x2f9: {  	[tilespmem:s19], [sflag:$0x1] =	stream.linear.gather [hbm4b:s18+s3], $0x10, $0x38;
	[tilespmem:$0x10200] =	vst v63  }
0x2fa: {  	s18 =	sadd.s32 $0x60, s17;
	s19 =	sadd.s32 $0x940, s20;
	s20 =	sadd.s32 $0x9C0, s20  }
0x2fb: {  	[tilespmem:s19], [sflag:$0x1] =	stream.linear.gather [hbm4b:s18+s3], $0x10, $0x38;
	[tilespmem:$0x10200] =	vst v63  }
0x2fc: {  	s19 =	sadd.s32 $0x70, s17;
	s17 =	sadd.s32 $0xF4280, s17;
	s18 =	smov.u32 s21  }
0x2fd: {  	[tilespmem:s20], [sflag:$0x1] =	stream.linear.gather [hbm4b:s19+s3], $0x10, $0x38;
	(v2sf) =	vpush v2, $0xD;
	[tilespmem:$0x10200] =	vst v63  }
0x2fe: {  	s18 =	sadd.s32 $0x640, s16  }
0x2ff: {  	[tilespmem:s18], [sflag:$0x1] =	stream.linear.gather [hbm4b:s17+s3], $0x10, $0x38;
	[tilespmem:$0x10200] =	vst v63  }
0x300: {  	s25 =	sadd.s32 $0x10, s17;
	s26 =	sadd.s32 $0x6C0, s16  }
0x301: {  	[tilespmem:s26], [sflag:$0x1] =	stream.linear.gather [hbm4b:s25+s3], $0x10, $0x38;
	[tilespmem:$0x10200] =	vst v63  }
0x302: {  	s28 =	sadd.s32 $0x20, s17;
	s29 =	sadd.s32 $0x740, s16  }
0x303: {  	[tilespmem:s29], [sflag:$0x1] =	stream.linear.gather [hbm4b:s28+s3], $0x10, $0x38;
	[tilespmem:$0x10200] =	vst v63  }
0x304: {  	s30 =	sadd.s32 $0x30, s17;
	s31 =	sadd.s32 $0x7C0, s16  }
0x305: {  	[tilespmem:s31], [sflag:$0x1] =	stream.linear.gather [hbm4b:s30+s3], $0x10, $0x38;
	[tilespmem:$0x10200] =	vst v63  }
0x306: {  	s19 =	sadd.s32 $0x40, s17;
	s20 =	sadd.s32 $0x840, s16  }
0x307: {  	[tilespmem:s20], [sflag:$0x1] =	stream.linear.gather [hbm4b:s19+s3], $0x10, $0x38;
	[tilespmem:$0x10200] =	vst v63  }
0x308: {  	s21 =	sadd.s32 $0x50, s17;
	s22 =	sadd.s32 $0x8C0, s16  }
0x309: {  	[tilespmem:s22], [sflag:$0x1] =	stream.linear.gather [hbm4b:s21+s3], $0x10, $0x38;
	[tilespmem:$0x10200] =	vst v63  }
0x30a: {  	s23 =	sadd.s32 $0x60, s17;
	s24 =	sadd.s32 $0x940, s16  }
0x30b: {  	[tilespmem:s24], [sflag:$0x1] =	stream.linear.gather [hbm4b:s23+s3], $0x10, $0x38;
	[tilespmem:$0x10200] =	vst v63  }
0x30c: {  	s25 =	sadd.s32 $0x70, s17;
	s26 =	sadd.s32 $0x9C0, s16;
	s28 =	spop (v2sf)  }
0x30d: {  	[tilespmem:s26], [sflag:$0x1] =	stream.linear.gather [hbm4b:s25+s3], $0x10, $0x38;
	[tilespmem:$0x10200] =	vst v63  }
0x30e: {  	s29 =	sand.u32 $0xF, s28  }
0x30f: {  	s30 =	sshra.s32 s28, $0x1F;
	p0 =	slt.s32 s28, $0x1;
	p1 =	sne.s32 s29, $0x0  }
0x310: {  	s31 =	sshrl.u32 s30, $0x1C;
	p0 =	por !p0, !p1  }
0x311: {  	s17 =	simm.s32 $0x1;
	s16 =	sadd.s32 s31, s28;
	p0 =	por !p0, !p0  }
0x312: {  	s16 =	sshra.s32 s16, $0x4;
	s17 =	simm.s32 @!p0 $0x0  }
0x313: {  	s16 =	ssub.s32 s16, s17  }
0x314: {  	s17 =	sshll.u32 s16, $0x7;
	s16 =	sshll.u32 s16, $0x4  }
0x315: {  	s17 =	sand.u32 $0xFFFFFC00, s17;
	s16 =	sand.u32 $0x70, s16  }
0x316: {  	s16 =	sor.u32 s16, s17  }
0x317: {  	s16 =	sshrl.u32 s16, $0x3  }
0x318: {  	s18 =	simm.s32 $0x650;
	s17 =	sadd.s32 s1, s16  }
0x319: {  	[tilespmem:s18], [sflag:$0x1] =	stream.linear.gather [hbm4b:s17+s3], $0x10, $0x38;
	[tilespmem:$0x10200] =	vst v63  }
0x31a: {  	s20 =	simm.s32 $0x6D0;
	s19 =	sadd.s32 $0x10, s17  }
0x31b: {  	[tilespmem:s20], [sflag:$0x1] =	stream.linear.gather [hbm4b:s19+s3], $0x10, $0x38;
	[tilespmem:$0x10200] =	vst v63  }
0x31c: {  	s22 =	simm.s32 $0x750;
	s24 =	simm.s32 $0x7D0;
	s21 =	sadd.s32 $0x20, s17  }
0x31d: {  	[tilespmem:s22], [sflag:$0x1] =	stream.linear.gather [hbm4b:s21+s3], $0x10, $0x38;
	[tilespmem:$0x10200] =	vst v63  }
0x31e: {  	s26 =	simm.s32 $0x850;
	s29 =	simm.s32 $0x8D0;
	s23 =	sadd.s32 $0x30, s17  }
0x31f: {  	[tilespmem:s24], [sflag:$0x1] =	stream.linear.gather [hbm4b:s23+s3], $0x10, $0x38;
	[tilespmem:$0x10200] =	vst v63  }
0x320: {  	s31 =	simm.s32 $0x950;
	s16 =	simm.s32 $0x1000;
	s25 =	sadd.s32 $0x40, s17  }
0x321: {  	[tilespmem:s26], [sflag:$0x1] =	stream.linear.gather [hbm4b:s25+s3], $0x10, $0x38;
	[tilespmem:$0x10200] =	vst v63  }
0x322: {  	s28 =	sadd.s32 $0x50, s17;
	s30 =	sadd.s32 $0x60, s17;
	s18 =	simm.s32 $0x8000  }
0x323: {  	[tilespmem:s29], [sflag:$0x1] =	stream.linear.gather [hbm4b:s28+s3], $0x10, $0x38;
	[tilespmem:$0x10200] =	vst v63  }
0x324: {  	s19 =	sadd.s32 $0x70, s17;
	s20 =	simm.s32 $0x9D0;
	s17 =	sadd.s32 $0xF4280, s17  }
0x325: {  	[tilespmem:s31], [sflag:$0x1] =	stream.linear.gather [hbm4b:s30+s3], $0x10, $0x38;
	[tilespmem:$0x10200] =	vst v63  }
.LBB2_28:
0x326: {  	[tilespmem:s20], [sflag:$0x1] =	stream.linear.gather [hbm4b:s19+s3], $0x10, $0x38;
	[tilespmem:$0x10200] =	vst v63  }
0x327: {  	s20 =	smov.u32 s16;
	s16 =	smov.u32 s18  }
0x328: {  	s21 =	sadd.s32 $0x4000, s18;
	s16 =	sshra.s32 s16, $0x2;
	s19 =	sadd.s32 $0x650, s20  }
0x329: {  	[tilespmem:s19], [sflag:$0x1] =	stream.linear.gather [hbm4b:s17+s3], $0x10, $0x38;
	[tilespmem:$0x10200] =	vst v63  }
0x32a: {  	p0 =	sne.s32 s18, $0x1C000;
	s18 =	sadd.s32 $0x10, s17;
	s19 =	sadd.s32 $0x6D0, s20  }
0x32b: {  	[tilespmem:s19], [sflag:$0x1] =	stream.linear.gather [hbm4b:s18+s3], $0x10, $0x38;
	[tilespmem:$0x10200] =	vst v63  }
0x32c: {  	s18 =	sadd.s32 $0x20, s17;
	s19 =	sadd.s32 $0x750, s20  }
0x32d: {  	[tilespmem:s19], [sflag:$0x1] =	stream.linear.gather [hbm4b:s18+s3], $0x10, $0x38;
	[tilespmem:$0x10200] =	vst v63  }
0x32e: {  	s18 =	sadd.s32 $0x30, s17;
	s19 =	sadd.s32 $0x7D0, s20  }
0x32f: {  	[tilespmem:s19], [sflag:$0x1] =	stream.linear.gather [hbm4b:s18+s3], $0x10, $0x38;
	[tilespmem:$0x10200] =	vst v63  }
0x330: {  	s18 =	sadd.s32 $0x40, s17;
	s19 =	sadd.s32 $0x850, s20  }
0x331: {  	[tilespmem:s19], [sflag:$0x1] =	stream.linear.gather [hbm4b:s18+s3], $0x10, $0x38;
	[tilespmem:$0x10200] =	vst v63  }
.Ltmp15:
0x332: {  	s18 =	sadd.s32 $0x50, s17;
	s19 =	sadd.s32 $0x8D0, s20;
	(pc) =	sbr.rel @p0 .LBB2_28-.Ltmp15, $4  }
0x333: {  	[tilespmem:s19], [sflag:$0x1] =	stream.linear.gather [hbm4b:s18+s3], $0x10, $0x38;
	[tilespmem:$0x10200] =	vst v63  }
0x334: {  	s18 =	sadd.s32 $0x60, s17;
	s19 =	sadd.s32 $0x950, s20;
	s20 =	sadd.s32 $0x9D0, s20  }
0x335: {  	[tilespmem:s19], [sflag:$0x1] =	stream.linear.gather [hbm4b:s18+s3], $0x10, $0x38;
	[tilespmem:$0x10200] =	vst v63  }
0x336: {  	s19 =	sadd.s32 $0x70, s17;
	s17 =	sadd.s32 $0xF4280, s17;
	s18 =	smov.u32 s21  }
0x337: {  	[tilespmem:s20], [sflag:$0x1] =	stream.linear.gather [hbm4b:s19+s3], $0x10, $0x38;
	(v2sf) =	vpush v2, $0xE;
	[tilespmem:$0x10200] =	vst v63  }
0x338: {  	s18 =	sadd.s32 $0x650, s16  }
0x339: {  	[tilespmem:s18], [sflag:$0x1] =	stream.linear.gather [hbm4b:s17+s3], $0x10, $0x38;
	[tilespmem:$0x10200] =	vst v63  }
0x33a: {  	s25 =	sadd.s32 $0x10, s17;
	s26 =	sadd.s32 $0x6D0, s16  }
0x33b: {  	[tilespmem:s26], [sflag:$0x1] =	stream.linear.gather [hbm4b:s25+s3], $0x10, $0x38;
	[tilespmem:$0x10200] =	vst v63  }
0x33c: {  	s28 =	sadd.s32 $0x20, s17;
	s29 =	sadd.s32 $0x750, s16  }
0x33d: {  	[tilespmem:s29], [sflag:$0x1] =	stream.linear.gather [hbm4b:s28+s3], $0x10, $0x38;
	[tilespmem:$0x10200] =	vst v63  }
0x33e: {  	s30 =	sadd.s32 $0x30, s17;
	s31 =	sadd.s32 $0x7D0, s16  }
0x33f: {  	[tilespmem:s31], [sflag:$0x1] =	stream.linear.gather [hbm4b:s30+s3], $0x10, $0x38;
	[tilespmem:$0x10200] =	vst v63  }
0x340: {  	s19 =	sadd.s32 $0x40, s17;
	s20 =	sadd.s32 $0x850, s16  }
0x341: {  	[tilespmem:s20], [sflag:$0x1] =	stream.linear.gather [hbm4b:s19+s3], $0x10, $0x38;
	[tilespmem:$0x10200] =	vst v63  }
0x342: {  	s21 =	sadd.s32 $0x50, s17;
	s22 =	sadd.s32 $0x8D0, s16  }
0x343: {  	[tilespmem:s22], [sflag:$0x1] =	stream.linear.gather [hbm4b:s21+s3], $0x10, $0x38;
	[tilespmem:$0x10200] =	vst v63  }
0x344: {  	s23 =	sadd.s32 $0x60, s17;
	s24 =	sadd.s32 $0x950, s16  }
0x345: {  	[tilespmem:s24], [sflag:$0x1] =	stream.linear.gather [hbm4b:s23+s3], $0x10, $0x38;
	[tilespmem:$0x10200] =	vst v63  }
0x346: {  	s25 =	sadd.s32 $0x70, s17;
	s26 =	sadd.s32 $0x9D0, s16;
	s28 =	spop (v2sf)  }
0x347: {  	[tilespmem:s26], [sflag:$0x1] =	stream.linear.gather [hbm4b:s25+s3], $0x10, $0x38;
	[tilespmem:$0x10200] =	vst v63  }
0x348: {  	s29 =	sand.u32 $0xF, s28  }
0x349: {  	s30 =	sshra.s32 s28, $0x1F;
	p0 =	slt.s32 s28, $0x1;
	p1 =	sne.s32 s29, $0x0  }
0x34a: {  	s31 =	sshrl.u32 s30, $0x1C;
	p0 =	por !p0, !p1  }
0x34b: {  	s17 =	simm.s32 $0x1;
	s16 =	sadd.s32 s31, s28;
	p0 =	por !p0, !p0  }
0x34c: {  	s16 =	sshra.s32 s16, $0x4;
	s17 =	simm.s32 @!p0 $0x0  }
0x34d: {  	s16 =	ssub.s32 s16, s17  }
0x34e: {  	s17 =	sshll.u32 s16, $0x7;
	s16 =	sshll.u32 s16, $0x4  }
0x34f: {  	s17 =	sand.u32 $0xFFFFFC00, s17;
	s16 =	sand.u32 $0x70, s16  }
0x350: {  	s16 =	sor.u32 s16, s17  }
0x351: {  	s16 =	sshrl.u32 s16, $0x3  }
0x352: {  	s18 =	simm.s32 $0x660;
	s17 =	sadd.s32 s1, s16  }
0x353: {  	[tilespmem:s18], [sflag:$0x1] =	stream.linear.gather [hbm4b:s17+s3], $0x10, $0x38;
	[tilespmem:$0x10200] =	vst v63  }
0x354: {  	s20 =	simm.s32 $0x6E0;
	s19 =	sadd.s32 $0x10, s17  }
0x355: {  	[tilespmem:s20], [sflag:$0x1] =	stream.linear.gather [hbm4b:s19+s3], $0x10, $0x38;
	[tilespmem:$0x10200] =	vst v63  }
0x356: {  	s22 =	simm.s32 $0x760;
	s24 =	simm.s32 $0x7E0;
	s21 =	sadd.s32 $0x20, s17  }
0x357: {  	[tilespmem:s22], [sflag:$0x1] =	stream.linear.gather [hbm4b:s21+s3], $0x10, $0x38;
	[tilespmem:$0x10200] =	vst v63  }
0x358: {  	s26 =	simm.s32 $0x860;
	s29 =	simm.s32 $0x8E0;
	s23 =	sadd.s32 $0x30, s17  }
0x359: {  	[tilespmem:s24], [sflag:$0x1] =	stream.linear.gather [hbm4b:s23+s3], $0x10, $0x38;
	[tilespmem:$0x10200] =	vst v63  }
0x35a: {  	s31 =	simm.s32 $0x960;
	s16 =	simm.s32 $0x1000;
	s25 =	sadd.s32 $0x40, s17  }
0x35b: {  	[tilespmem:s26], [sflag:$0x1] =	stream.linear.gather [hbm4b:s25+s3], $0x10, $0x38;
	[tilespmem:$0x10200] =	vst v63  }
0x35c: {  	s28 =	sadd.s32 $0x50, s17;
	s30 =	sadd.s32 $0x60, s17;
	s18 =	simm.s32 $0x8000  }
0x35d: {  	[tilespmem:s29], [sflag:$0x1] =	stream.linear.gather [hbm4b:s28+s3], $0x10, $0x38;
	[tilespmem:$0x10200] =	vst v63  }
0x35e: {  	s19 =	sadd.s32 $0x70, s17;
	s20 =	simm.s32 $0x9E0;
	s17 =	sadd.s32 $0xF4280, s17  }
0x35f: {  	[tilespmem:s31], [sflag:$0x1] =	stream.linear.gather [hbm4b:s30+s3], $0x10, $0x38;
	[tilespmem:$0x10200] =	vst v63  }
.LBB2_30:
0x360: {  	[tilespmem:s20], [sflag:$0x1] =	stream.linear.gather [hbm4b:s19+s3], $0x10, $0x38;
	[tilespmem:$0x10200] =	vst v63  }
0x361: {  	s20 =	smov.u32 s16;
	s16 =	smov.u32 s18  }
0x362: {  	s21 =	sadd.s32 $0x4000, s18;
	s16 =	sshra.s32 s16, $0x2;
	s19 =	sadd.s32 $0x660, s20  }
0x363: {  	[tilespmem:s19], [sflag:$0x1] =	stream.linear.gather [hbm4b:s17+s3], $0x10, $0x38;
	[tilespmem:$0x10200] =	vst v63  }
0x364: {  	p0 =	sne.s32 s18, $0x1C000;
	s18 =	sadd.s32 $0x10, s17;
	s19 =	sadd.s32 $0x6E0, s20  }
0x365: {  	[tilespmem:s19], [sflag:$0x1] =	stream.linear.gather [hbm4b:s18+s3], $0x10, $0x38;
	[tilespmem:$0x10200] =	vst v63  }
0x366: {  	s18 =	sadd.s32 $0x20, s17;
	s19 =	sadd.s32 $0x760, s20  }
0x367: {  	[tilespmem:s19], [sflag:$0x1] =	stream.linear.gather [hbm4b:s18+s3], $0x10, $0x38;
	[tilespmem:$0x10200] =	vst v63  }
0x368: {  	s18 =	sadd.s32 $0x30, s17;
	s19 =	sadd.s32 $0x7E0, s20  }
0x369: {  	[tilespmem:s19], [sflag:$0x1] =	stream.linear.gather [hbm4b:s18+s3], $0x10, $0x38;
	[tilespmem:$0x10200] =	vst v63  }
0x36a: {  	s18 =	sadd.s32 $0x40, s17;
	s19 =	sadd.s32 $0x860, s20  }
0x36b: {  	[tilespmem:s19], [sflag:$0x1] =	stream.linear.gather [hbm4b:s18+s3], $0x10, $0x38;
	[tilespmem:$0x10200] =	vst v63  }
.Ltmp16:
0x36c: {  	s18 =	sadd.s32 $0x50, s17;
	s19 =	sadd.s32 $0x8E0, s20;
	(pc) =	sbr.rel @p0 .LBB2_30-.Ltmp16, $4  }
0x36d: {  	[tilespmem:s19], [sflag:$0x1] =	stream.linear.gather [hbm4b:s18+s3], $0x10, $0x38;
	[tilespmem:$0x10200] =	vst v63  }
0x36e: {  	s18 =	sadd.s32 $0x60, s17;
	s19 =	sadd.s32 $0x960, s20;
	s20 =	sadd.s32 $0x9E0, s20  }
0x36f: {  	[tilespmem:s19], [sflag:$0x1] =	stream.linear.gather [hbm4b:s18+s3], $0x10, $0x38;
	[tilespmem:$0x10200] =	vst v63  }
0x370: {  	s19 =	sadd.s32 $0x70, s17;
	s17 =	sadd.s32 $0xF4280, s17;
	s18 =	smov.u32 s21  }
0x371: {  	[tilespmem:s20], [sflag:$0x1] =	stream.linear.gather [hbm4b:s19+s3], $0x10, $0x38;
	(v2sf) =	vpush v2, $0xF;
	[tilespmem:$0x10200] =	vst v63  }
0x372: {  	s18 =	sadd.s32 $0x660, s16  }
0x373: {  	[tilespmem:s18], [sflag:$0x1] =	stream.linear.gather [hbm4b:s17+s3], $0x10, $0x38;
	[tilespmem:$0x10200] =	vst v63  }
0x374: {  	s23 =	sadd.s32 $0x10, s17;
	s24 =	sadd.s32 $0x6E0, s16  }
0x375: {  	[tilespmem:s24], [sflag:$0x1] =	stream.linear.gather [hbm4b:s23+s3], $0x10, $0x38;
	[tilespmem:$0x10200] =	vst v63  }
0x376: {  	s25 =	sadd.s32 $0x20, s17;
	s26 =	sadd.s32 $0x760, s16  }
0x377: {  	[tilespmem:s26], [sflag:$0x1] =	stream.linear.gather [hbm4b:s25+s3], $0x10, $0x38;
	[tilespmem:$0x10200] =	vst v63  }
0x378: {  	s28 =	sadd.s32 $0x30, s17;
	s29 =	sadd.s32 $0x7E0, s16  }
0x379: {  	[tilespmem:s29], [sflag:$0x1] =	stream.linear.gather [hbm4b:s28+s3], $0x10, $0x38;
	[tilespmem:$0x10200] =	vst v63  }
0x37a: {  	s30 =	sadd.s32 $0x40, s17;
	s31 =	sadd.s32 $0x860, s16  }
0x37b: {  	[tilespmem:s31], [sflag:$0x1] =	stream.linear.gather [hbm4b:s30+s3], $0x10, $0x38;
	[tilespmem:$0x10200] =	vst v63  }
0x37c: {  	s20 =	sadd.s32 $0x50, s17;
	s21 =	sadd.s32 $0x8E0, s16  }
0x37d: {  	[tilespmem:s21], [sflag:$0x1] =	stream.linear.gather [hbm4b:s20+s3], $0x10, $0x38;
	[tilespmem:$0x10200] =	vst v63  }
0x37e: {  	s22 =	sadd.s32 $0x60, s17;
	s23 =	sadd.s32 $0x960, s16  }
0x37f: {  	[tilespmem:s23], [sflag:$0x1] =	stream.linear.gather [hbm4b:s22+s3], $0x10, $0x38;
	[tilespmem:$0x10200] =	vst v63  }
0x380: {  	s24 =	sadd.s32 $0x70, s17;
	s25 =	sadd.s32 $0x9E0, s16;
	s26 =	spop (v2sf)  }
0x381: {  	[tilespmem:s25], [sflag:$0x1] =	stream.linear.gather [hbm4b:s24+s3], $0x10, $0x38;
	[tilespmem:$0x10200] =	vst v63  }
0x382: {  	s28 =	sand.u32 $0xF, s26  }
0x383: {  	s29 =	sshra.s32 s26, $0x1F;
	p0 =	slt.s32 s26, $0x1;
	p1 =	sne.s32 s28, $0x0  }
0x384: {  	s30 =	sshrl.u32 s29, $0x1C;
	p0 =	por !p0, !p1  }
0x385: {  	s17 =	simm.s32 $0x1;
	s16 =	sadd.s32 s30, s26;
	p0 =	por !p0, !p0  }
0x386: {  	s16 =	sshra.s32 s16, $0x4;
	s17 =	simm.s32 @!p0 $0x0  }
0x387: {  	s16 =	ssub.s32 s16, s17  }
0x388: {  	s17 =	sshll.u32 s16, $0x7;
	s16 =	sshll.u32 s16, $0x4  }
0x389: {  	s17 =	sand.u32 $0xFFFFFC00, s17;
	s16 =	sand.u32 $0x70, s16  }
0x38a: {  	s16 =	sor.u32 s16, s17  }
0x38b: {  	s16 =	sshrl.u32 s16, $0x3  }
0x38c: {  	s31 =	simm.s32 $0x670;
	s17 =	simm.s32 $0x0;
	s18 =	sadd.s32 s1, s16  }
0x38d: {  	[tilespmem:s31], [sflag:$0x1] =	stream.linear.gather [hbm4b:s18+s17], $0x10, $0x38;
	[tilespmem:$0x10200] =	vst v63  }
0x38e: {  	s20 =	simm.s32 $0x6F0;
	s19 =	sadd.s32 $0x10, s18  }
0x38f: {  	[tilespmem:s20], [sflag:$0x1] =	stream.linear.gather [hbm4b:s19+s17], $0x10, $0x38;
	[tilespmem:$0x10200] =	vst v63  }
0x390: {  	s22 =	simm.s32 $0x770;
	s24 =	simm.s32 $0x7F0;
	s21 =	sadd.s32 $0x20, s18  }
0x391: {  	[tilespmem:s22], [sflag:$0x1] =	stream.linear.gather [hbm4b:s21+s17], $0x10, $0x38;
	[tilespmem:$0x10200] =	vst v63  }
0x392: {  	s29 =	simm.s32 $0x8F0;
	s26 =	simm.s32 $0x870;
	s23 =	sadd.s32 $0x30, s18  }
0x393: {  	[tilespmem:s24], [sflag:$0x1] =	stream.linear.gather [hbm4b:s23+s17], $0x10, $0x38;
	[tilespmem:$0x10200] =	vst v63  }
0x394: {  	s16 =	simm.s32 $0x1000;
	s25 =	sadd.s32 $0x40, s18;
	s28 =	sadd.s32 $0x50, s18  }
0x395: {  	[tilespmem:s26], [sflag:$0x1] =	stream.linear.gather [hbm4b:s25+s17], $0x10, $0x38;
	[tilespmem:$0x10200] =	vst v63  }
0x396: {  	s30 =	sadd.s32 $0x60, s18;
	s31 =	simm.s32 $0x970;
	s19 =	simm.s32 $0x8000  }
0x397: {  	[tilespmem:s29], [sflag:$0x1] =	stream.linear.gather [hbm4b:s28+s17], $0x10, $0x38;
	[tilespmem:$0x10200] =	vst v63  }
0x398: {  	s20 =	sadd.s32 $0x70, s18;
	s18 =	sadd.s32 $0xF4280, s18;
	s21 =	simm.s32 $0x9F0  }
0x399: {  	[tilespmem:s31], [sflag:$0x1] =	stream.linear.gather [hbm4b:s30+s17], $0x10, $0x38;
	[tilespmem:$0x10200] =	vst v63  }
.LBB2_32:
0x39a: {  	[tilespmem:s21], [sflag:$0x1] =	stream.linear.gather [hbm4b:s20+s17], $0x10, $0x38;
	[tilespmem:$0x10200] =	vst v63  }
0x39b: {  	s21 =	smov.u32 s16;
	s16 =	smov.u32 s19  }
0x39c: {  	s22 =	sadd.s32 $0x4000, s19;
	s16 =	sshra.s32 s16, $0x2;
	s20 =	sadd.s32 $0x670, s21  }
0x39d: {  	[tilespmem:s20], [sflag:$0x1] =	stream.linear.gather [hbm4b:s18+s17], $0x10, $0x38;
	[tilespmem:$0x10200] =	vst v63  }
0x39e: {  	p0 =	sne.s32 s19, $0x1C000;
	s19 =	sadd.s32 $0x10, s18;
	s20 =	sadd.s32 $0x6F0, s21  }
0x39f: {  	[tilespmem:s20], [sflag:$0x1] =	stream.linear.gather [hbm4b:s19+s17], $0x10, $0x38;
	[tilespmem:$0x10200] =	vst v63  }
0x3a0: {  	s19 =	sadd.s32 $0x20, s18;
	s20 =	sadd.s32 $0x770, s21  }
0x3a1: {  	[tilespmem:s20], [sflag:$0x1] =	stream.linear.gather [hbm4b:s19+s17], $0x10, $0x38;
	[tilespmem:$0x10200] =	vst v63  }
0x3a2: {  	s19 =	sadd.s32 $0x30, s18;
	s20 =	sadd.s32 $0x7F0, s21  }
0x3a3: {  	[tilespmem:s20], [sflag:$0x1] =	stream.linear.gather [hbm4b:s19+s17], $0x10, $0x38;
	[tilespmem:$0x10200] =	vst v63  }
0x3a4: {  	s19 =	sadd.s32 $0x40, s18;
	s20 =	sadd.s32 $0x870, s21  }
0x3a5: {  	[tilespmem:s20], [sflag:$0x1] =	stream.linear.gather [hbm4b:s19+s17], $0x10, $0x38;
	[tilespmem:$0x10200] =	vst v63  }
.Ltmp17:
0x3a6: {  	s19 =	sadd.s32 $0x50, s18;
	s20 =	sadd.s32 $0x8F0, s21;
	(pc) =	sbr.rel @p0 .LBB2_32-.Ltmp17, $4  }
0x3a7: {  	[tilespmem:s20], [sflag:$0x1] =	stream.linear.gather [hbm4b:s19+s17], $0x10, $0x38;
	[tilespmem:$0x10200] =	vst v63  }
0x3a8: {  	s19 =	sadd.s32 $0x60, s18;
	s20 =	sadd.s32 $0x970, s21;
	s21 =	sadd.s32 $0x9F0, s21  }
0x3a9: {  	[tilespmem:s20], [sflag:$0x1] =	stream.linear.gather [hbm4b:s19+s17], $0x10, $0x38;
	[tilespmem:$0x10200] =	vst v63  }
0x3aa: {  	s20 =	sadd.s32 $0x70, s18;
	s18 =	sadd.s32 $0xF4280, s18;
	s19 =	smov.u32 s22  }
0x3ab: {  	[tilespmem:s21], [sflag:$0x1] =	stream.linear.gather [hbm4b:s20+s17], $0x10, $0x38;
	[tilespmem:$0x10200] =	vst v63  }
0x3ac: {  	s19 =	sadd.s32 $0x670, s16  }
0x3ad: {  	[tilespmem:s19], [sflag:$0x1] =	stream.linear.gather [hbm4b:s18+s17], $0x10, $0x38;
	[tilespmem:$0x10200] =	vst v63  }
0x3ae: {  	s28 =	sadd.s32 $0x10, s18;
	s29 =	sadd.s32 $0x6F0, s16  }
0x3af: {  	[tilespmem:s29], [sflag:$0x1] =	stream.linear.gather [hbm4b:s28+s17], $0x10, $0x38;
	[tilespmem:$0x10200] =	vst v63  }
0x3b0: {  	s30 =	sadd.s32 $0x20, s18;
	s31 =	sadd.s32 $0x770, s16  }
0x3b1: {  	[tilespmem:s31], [sflag:$0x1] =	stream.linear.gather [hbm4b:s30+s17], $0x10, $0x38;
	[tilespmem:$0x10200] =	vst v63  }
0x3b2: {  	s21 =	sadd.s32 $0x30, s18;
	s22 =	sadd.s32 $0x7F0, s16  }
0x3b3: {  	[tilespmem:s22], [sflag:$0x1] =	stream.linear.gather [hbm4b:s21+s17], $0x10, $0x38;
	[tilespmem:$0x10200] =	vst v63  }
0x3b4: {  	s23 =	sadd.s32 $0x40, s18;
	s24 =	sadd.s32 $0x870, s16  }
0x3b5: {  	[tilespmem:s24], [sflag:$0x1] =	stream.linear.gather [hbm4b:s23+s17], $0x10, $0x38;
	[tilespmem:$0x10200] =	vst v63  }
0x3b6: {  	s25 =	sadd.s32 $0x50, s18;
	s26 =	sadd.s32 $0x8F0, s16  }
0x3b7: {  	[tilespmem:s26], [sflag:$0x1] =	stream.linear.gather [hbm4b:s25+s17], $0x10, $0x38;
	[tilespmem:$0x10200] =	vst v63  }
.Ltmp18:
0x3b8: {  	_ = 	snop;
	(pc) =	sbr.rel .LBB2_34-.Ltmp18, $4  }
0x3b9: {  	s28 =	sadd.s32 $0x60, s18;
	s29 =	sadd.s32 $0x970, s16  }
0x3ba: {  	[tilespmem:s29], [sflag:$0x1] =	stream.linear.gather [hbm4b:s28+s17], $0x10, $0x38;
	[tilespmem:$0x10200] =	vst v63  }
0x3bb: {  	p0 =	por $0x1, $0x1;
	s30 =	sadd.s32 $0x70, s18;
	s31 =	sadd.s32 $0x9F0, s16  }
0x3bc: {  	[tilespmem:s31], [sflag:$0x1] =	stream.linear.gather [hbm4b:s30+s17], $0x10, $0x38;
	[tilespmem:$0x10200] =	vst v63  }
.LBB2_68:
0x3bd: {  	_ =	swait.ge [sflag:s10], $0x4000  }
0x3be: {  	[sflag:s10] =	ssyncset.done $0x0  }
0x3bf: {  	s18 =	sshll.u32 s17, $0x4;
	[sflag:s10] =	ssyncadd.s32 $0xFFFFC000  }
0x3c0: {  	v2 =	vld [tilespmem:s18+$0x0]  }
0x3c1: {  	s19 =	sshll.u32 s17, $0x8  }
0x3c2: {  	s19 =	sand.u32 $0x100, s19  }
0x3c3: {  	v3 =	vmov s19  }
0x3c4: {  	v3 =	vshll.u32 v3, $0x3  }
0x3c5: {  	v3 =	vor.u32 v1, v3;
	v2 =	vand.u32 $0xF, v2  }
0x3c6: {  	v4 =	vor.u32 v0, v2;
	v2 =	vand.u32 $0xC00, v3  }
0x3c7: {  	v2 =	vor.u32 v2, v4;
	_ =	sdelay $0x4  }
0x3c8: {  	v5 =	vld.idx.msk [tilespmem:v2+s11+$0x0], $0xffff  }
0x3c9: {  	v6 =	vor.u32 $0x80, v2  }
0x3ca: {  	s30 =	sshll.u32 s17, $0x7  }
0x3cb: {  	s31 =	sand.u32 $0x70, s18;
	s20 =	sand.u32 $0xC00, s30  }
0x3cc: {  	s17 =	sor.u32 s31, s20  }
0x3cd: {  	[tilespmem:s17+$0x8200] =	vst v5  }
0x3ce: {  	v5 =	vld.idx.msk [tilespmem:v6+s11+$0x0], $0xffff  }
0x3cf: {  	v60 =	vor.u32 $0x100, v2;
	_ =	sdelay $0x3  }
0x3d0: {  	[tilespmem:s17+$0x8280] =	vst v5  }
0x3d1: {  	v5 =	vld.idx.msk [tilespmem:v60+s11+$0x0], $0xffff  }
0x3d2: {  	v61 =	vor.u32 $0x180, v2;
	_ =	sdelay $0x3  }
0x3d3: {  	[tilespmem:s17+$0x8300] =	vst v5  }
0x3d4: {  	v5 =	vld.idx.msk [tilespmem:v61+s11+$0x0], $0xffff  }
0x3d5: {  	v62 =	vor.u32 $0x200, v2;
	_ =	sdelay $0x3  }
0x3d6: {  	[tilespmem:s17+$0x8380] =	vst v5  }
0x3d7: {  	v5 =	vld.idx.msk [tilespmem:v62+s11+$0x0], $0xffff  }
0x3d8: {  	v63 =	vor.u32 $0x280, v2;
	_ =	sdelay $0x3  }
0x3d9: {  	[tilespmem:s17+$0x8400] =	vst v5  }
0x3da: {  	v5 =	vld.idx.msk [tilespmem:v63+s11+$0x0], $0xffff  }
0x3db: {  	v9 =	vor.u32 $0x300, v2;
	_ =	sdelay $0x3  }
0x3dc: {  	[tilespmem:s17+$0x8480] =	vst v5  }
0x3dd: {  	v3 =	vor.u32 v3, v4;
	v5 =	vld.idx.msk [tilespmem:v9+s11+$0x0], $0xffff  }
0x3de: {  	v4 =	vor.u32 $0x380, v3;
	_ =	sdelay $0x3  }
0x3df: {  	[tilespmem:s17+$0x8500] =	vst v5  }
0x3e0: {  	v4 =	vld.idx.msk [tilespmem:v4+s11+$0x0], $0xffff  }
0x3e1: {  	v10 =	vor.u32 $0x1000, v2;
	_ =	sdelay $0x1  }
0x3e2: {  	s18 =	sor.u32 s30, s18  }
0x3e3: {  	s18 =	sor.u32 $0x380, s18  }
0x3e4: {  	[tilespmem:s18+$0x8200] =	vst v4  }
0x3e5: {  	v4 =	vld.idx.msk [tilespmem:v10+s11+$0x0], $0xffff  }
0x3e6: {  	v11 =	vor.u32 $0x1080, v2;
	_ =	sdelay $0x3  }
0x3e7: {  	[tilespmem:s17+$0x9200] =	vst v4  }
0x3e8: {  	v4 =	vld.idx.msk [tilespmem:v11+s11+$0x0], $0xffff  }
0x3e9: {  	v12 =	vor.u32 $0x1100, v2;
	_ =	sdelay $0x3  }
0x3ea: {  	[tilespmem:s17+$0x9280] =	vst v4  }
0x3eb: {  	v4 =	vld.idx.msk [tilespmem:v12+s11+$0x0], $0xffff  }
0x3ec: {  	v13 =	vor.u32 $0x1180, v2;
	_ =	sdelay $0x3  }
0x3ed: {  	[tilespmem:s17+$0x9300] =	vst v4  }
0x3ee: {  	v4 =	vld.idx.msk [tilespmem:v13+s11+$0x0], $0xffff  }
0x3ef: {  	v14 =	vor.u32 $0x1200, v2;
	_ =	sdelay $0x3  }
0x3f0: {  	[tilespmem:s17+$0x9380] =	vst v4  }
0x3f1: {  	v4 =	vld.idx.msk [tilespmem:v14+s11+$0x0], $0xffff  }
0x3f2: {  	v15 =	vor.u32 $0x1280, v2;
	_ =	sdelay $0x3  }
0x3f3: {  	[tilespmem:s17+$0x9400] =	vst v4  }
0x3f4: {  	v4 =	vld.idx.msk [tilespmem:v15+s11+$0x0], $0xffff  }
0x3f5: {  	v16 =	vor.u32 $0x1300, v2;
	_ =	sdelay $0x3  }
0x3f6: {  	[tilespmem:s17+$0x9480] =	vst v4  }
0x3f7: {  	v4 =	vld.idx.msk [tilespmem:v16+s11+$0x0], $0xffff  }
0x3f8: {  	v17 =	vor.u32 $0x1380, v3;
	_ =	sdelay $0x3  }
0x3f9: {  	[tilespmem:s17+$0x9500] =	vst v4  }
0x3fa: {  	v4 =	vld.idx.msk [tilespmem:v17+s11+$0x0], $0xffff  }
0x3fb: {  	v18 =	vor.u32 $0x2000, v2;
	_ =	sdelay $0x3  }
0x3fc: {  	[tilespmem:s17+$0x9580] =	vst v4  }
0x3fd: {  	v4 =	vld.idx.msk [tilespmem:v18+s11+$0x0], $0xffff  }
0x3fe: {  	v19 =	vor.u32 $0x2080, v2;
	_ =	sdelay $0x3  }
0x3ff: {  	[tilespmem:s17+$0xA200] =	vst v4  }
0x400: {  	v4 =	vld.idx.msk [tilespmem:v19+s11+$0x0], $0xffff  }
0x401: {  	v20 =	vor.u32 $0x2100, v2;
	_ =	sdelay $0x3  }
0x402: {  	[tilespmem:s17+$0xA280] =	vst v4  }
0x403: {  	v4 =	vld.idx.msk [tilespmem:v20+s11+$0x0], $0xffff  }
0x404: {  	v21 =	vor.u32 $0x2180, v2;
	_ =	sdelay $0x3  }
0x405: {  	[tilespmem:s17+$0xA300] =	vst v4  }
0x406: {  	v4 =	vld.idx.msk [tilespmem:v21+s11+$0x0], $0xffff  }
0x407: {  	v22 =	vor.u32 $0x2200, v2;
	_ =	sdelay $0x3  }
0x408: {  	[tilespmem:s17+$0xA380] =	vst v4  }
0x409: {  	v4 =	vld.idx.msk [tilespmem:v22+s11+$0x0], $0xffff  }
0x40a: {  	v23 =	vor.u32 $0x2280, v2;
	_ =	sdelay $0x3  }
0x40b: {  	[tilespmem:s17+$0xA400] =	vst v4  }
0x40c: {  	v4 =	vld.idx.msk [tilespmem:v23+s11+$0x0], $0xffff  }
0x40d: {  	v24 =	vor.u32 $0x2300, v2;
	_ =	sdelay $0x3  }
0x40e: {  	[tilespmem:s17+$0xA480] =	vst v4  }
0x40f: {  	v4 =	vld.idx.msk [tilespmem:v24+s11+$0x0], $0xffff  }
0x410: {  	v25 =	vor.u32 $0x2380, v3;
	_ =	sdelay $0x3  }
0x411: {  	[tilespmem:s17+$0xA500] =	vst v4  }
0x412: {  	v4 =	vld.idx.msk [tilespmem:v25+s11+$0x0], $0xffff  }
0x413: {  	v26 =	vor.u32 $0x3000, v2;
	_ =	sdelay $0x3  }
0x414: {  	[tilespmem:s17+$0xA580] =	vst v4  }
0x415: {  	v4 =	vld.idx.msk [tilespmem:v26+s11+$0x0], $0xffff  }
0x416: {  	v27 =	vor.u32 $0x3080, v2;
	_ =	sdelay $0x3  }
0x417: {  	[tilespmem:s17+$0xB200] =	vst v4  }
0x418: {  	v4 =	vld.idx.msk [tilespmem:v27+s11+$0x0], $0xffff  }
0x419: {  	v28 =	vor.u32 $0x3100, v2;
	_ =	sdelay $0x3  }
0x41a: {  	[tilespmem:s17+$0xB280] =	vst v4  }
0x41b: {  	v4 =	vld.idx.msk [tilespmem:v28+s11+$0x0], $0xffff  }
0x41c: {  	v29 =	vor.u32 $0x3180, v2;
	_ =	sdelay $0x3  }
0x41d: {  	[tilespmem:s17+$0xB300] =	vst v4  }
0x41e: {  	v4 =	vld.idx.msk [tilespmem:v29+s11+$0x0], $0xffff  }
0x41f: {  	v30 =	vor.u32 $0x3200, v2;
	_ =	sdelay $0x3  }
0x420: {  	[tilespmem:s17+$0xB380] =	vst v4  }
0x421: {  	v4 =	vld.idx.msk [tilespmem:v30+s11+$0x0], $0xffff  }
0x422: {  	v31 =	vor.u32 $0x3280, v2;
	_ =	sdelay $0x3  }
0x423: {  	[tilespmem:s17+$0xB400] =	vst v4  }
0x424: {  	v4 =	vld.idx.msk [tilespmem:v31+s11+$0x0], $0xffff  }
0x425: {  	v32 =	vor.u32 $0x3300, v2;
	_ =	sdelay $0x3  }
0x426: {  	[tilespmem:s17+$0xB480] =	vst v4  }
0x427: {  	v4 =	vld.idx.msk [tilespmem:v32+s11+$0x0], $0xffff  }
0x428: {  	v33 =	vor.u32 $0x3380, v3;
	_ =	sdelay $0x3  }
0x429: {  	[tilespmem:s17+$0xB500] =	vst v4  }
0x42a: {  	v4 =	vld.idx.msk [tilespmem:v33+s11+$0x0], $0xffff  }
0x42b: {  	v34 =	vor.u32 $0x4000, v2;
	_ =	sdelay $0x3  }
0x42c: {  	[tilespmem:s17+$0xB580] =	vst v4  }
0x42d: {  	v4 =	vld.idx.msk [tilespmem:v34+s11+$0x0], $0xffff  }
0x42e: {  	v35 =	vor.u32 $0x4080, v2;
	_ =	sdelay $0x3  }
0x42f: {  	[tilespmem:s17+$0xC200] =	vst v4  }
0x430: {  	v4 =	vld.idx.msk [tilespmem:v35+s11+$0x0], $0xffff  }
0x431: {  	v36 =	vor.u32 $0x4100, v2;
	_ =	sdelay $0x3  }
0x432: {  	[tilespmem:s17+$0xC280] =	vst v4  }
0x433: {  	v4 =	vld.idx.msk [tilespmem:v36+s11+$0x0], $0xffff  }
0x434: {  	v37 =	vor.u32 $0x4180, v2;
	_ =	sdelay $0x3  }
0x435: {  	[tilespmem:s17+$0xC300] =	vst v4  }
0x436: {  	v4 =	vld.idx.msk [tilespmem:v37+s11+$0x0], $0xffff  }
0x437: {  	v38 =	vor.u32 $0x4200, v2;
	_ =	sdelay $0x3  }
0x438: {  	[tilespmem:s17+$0xC380] =	vst v4  }
0x439: {  	v4 =	vld.idx.msk [tilespmem:v38+s11+$0x0], $0xffff  }
0x43a: {  	v39 =	vor.u32 $0x4280, v2;
	_ =	sdelay $0x3  }
0x43b: {  	[tilespmem:s17+$0xC400] =	vst v4  }
0x43c: {  	v4 =	vld.idx.msk [tilespmem:v39+s11+$0x0], $0xffff  }
0x43d: {  	v40 =	vor.u32 $0x4300, v2;
	_ =	sdelay $0x3  }
0x43e: {  	[tilespmem:s17+$0xC480] =	vst v4  }
0x43f: {  	v4 =	vld.idx.msk [tilespmem:v40+s11+$0x0], $0xffff  }
0x440: {  	v41 =	vor.u32 $0x4380, v3;
	_ =	sdelay $0x3  }
0x441: {  	[tilespmem:s17+$0xC500] =	vst v4  }
0x442: {  	v4 =	vld.idx.msk [tilespmem:v41+s11+$0x0], $0xffff  }
0x443: {  	v42 =	vor.u32 $0x5000, v2;
	_ =	sdelay $0x3  }
0x444: {  	[tilespmem:s17+$0xC580] =	vst v4  }
0x445: {  	v4 =	vld.idx.msk [tilespmem:v42+s11+$0x0], $0xffff  }
0x446: {  	v43 =	vor.u32 $0x5080, v2;
	_ =	sdelay $0x3  }
0x447: {  	[tilespmem:s17+$0xD200] =	vst v4  }
0x448: {  	v4 =	vld.idx.msk [tilespmem:v43+s11+$0x0], $0xffff  }
0x449: {  	v44 =	vor.u32 $0x5100, v2;
	_ =	sdelay $0x3  }
0x44a: {  	[tilespmem:s17+$0xD280] =	vst v4  }
0x44b: {  	v4 =	vld.idx.msk [tilespmem:v44+s11+$0x0], $0xffff  }
0x44c: {  	v45 =	vor.u32 $0x5180, v2;
	_ =	sdelay $0x3  }
0x44d: {  	[tilespmem:s17+$0xD300] =	vst v4  }
0x44e: {  	v4 =	vld.idx.msk [tilespmem:v45+s11+$0x0], $0xffff  }
0x44f: {  	v46 =	vor.u32 $0x5200, v2;
	_ =	sdelay $0x3  }
0x450: {  	[tilespmem:s17+$0xD380] =	vst v4  }
0x451: {  	v4 =	vld.idx.msk [tilespmem:v46+s11+$0x0], $0xffff  }
0x452: {  	v47 =	vor.u32 $0x5280, v2;
	_ =	sdelay $0x3  }
0x453: {  	[tilespmem:s17+$0xD400] =	vst v4  }
0x454: {  	v4 =	vld.idx.msk [tilespmem:v47+s11+$0x0], $0xffff  }
0x455: {  	v48 =	vor.u32 $0x5300, v2;
	_ =	sdelay $0x3  }
0x456: {  	[tilespmem:s17+$0xD480] =	vst v4  }
0x457: {  	v4 =	vld.idx.msk [tilespmem:v48+s11+$0x0], $0xffff  }
0x458: {  	v49 =	vor.u32 $0x5380, v3;
	_ =	sdelay $0x3  }
0x459: {  	[tilespmem:s17+$0xD500] =	vst v4  }
0x45a: {  	v4 =	vld.idx.msk [tilespmem:v49+s11+$0x0], $0xffff  }
0x45b: {  	v50 =	vor.u32 $0x6000, v2;
	_ =	sdelay $0x3  }
0x45c: {  	[tilespmem:s17+$0xD580] =	vst v4  }
0x45d: {  	v4 =	vld.idx.msk [tilespmem:v50+s11+$0x0], $0xffff  }
0x45e: {  	v51 =	vor.u32 $0x6080, v2;
	_ =	sdelay $0x3  }
0x45f: {  	[tilespmem:s17+$0xE200] =	vst v4  }
0x460: {  	v4 =	vld.idx.msk [tilespmem:v51+s11+$0x0], $0xffff  }
0x461: {  	v52 =	vor.u32 $0x6100, v2;
	_ =	sdelay $0x3  }
0x462: {  	[tilespmem:s17+$0xE280] =	vst v4  }
0x463: {  	v4 =	vld.idx.msk [tilespmem:v52+s11+$0x0], $0xffff  }
0x464: {  	v53 =	vor.u32 $0x6180, v2;
	_ =	sdelay $0x3  }
0x465: {  	[tilespmem:s17+$0xE300] =	vst v4  }
0x466: {  	v4 =	vld.idx.msk [tilespmem:v53+s11+$0x0], $0xffff  }
0x467: {  	v54 =	vor.u32 $0x6200, v2;
	_ =	sdelay $0x3  }
0x468: {  	[tilespmem:s17+$0xE380] =	vst v4  }
0x469: {  	v4 =	vld.idx.msk [tilespmem:v54+s11+$0x0], $0xffff  }
0x46a: {  	v55 =	vor.u32 $0x6280, v2;
	_ =	sdelay $0x3  }
0x46b: {  	[tilespmem:s17+$0xE400] =	vst v4  }
0x46c: {  	v4 =	vld.idx.msk [tilespmem:v55+s11+$0x0], $0xffff  }
0x46d: {  	v56 =	vor.u32 $0x6300, v2;
	_ =	sdelay $0x3  }
0x46e: {  	[tilespmem:s17+$0xE480] =	vst v4  }
0x46f: {  	v4 =	vld.idx.msk [tilespmem:v56+s11+$0x0], $0xffff  }
0x470: {  	v57 =	vor.u32 $0x6380, v3;
	_ =	sdelay $0x3  }
0x471: {  	[tilespmem:s17+$0xE500] =	vst v4  }
0x472: {  	v4 =	vld.idx.msk [tilespmem:v57+s11+$0x0], $0xffff  }
0x473: {  	v58 =	vor.u32 $0x7000, v2;
	_ =	sdelay $0x3  }
0x474: {  	[tilespmem:s17+$0xE580] =	vst v4  }
0x475: {  	v4 =	vld.idx.msk [tilespmem:v58+s11+$0x0], $0xffff  }
0x476: {  	v59 =	vor.u32 $0x7080, v2;
	_ =	sdelay $0x3  }
0x477: {  	[tilespmem:s17+$0xF200] =	vst v4  }
0x478: {  	v4 =	vld.idx.msk [tilespmem:v59+s11+$0x0], $0xffff  }
0x479: {  	v60 =	vor.u32 $0x7100, v2;
	_ =	sdelay $0x3  }
0x47a: {  	[tilespmem:s17+$0xF280] =	vst v4  }
0x47b: {  	v4 =	vld.idx.msk [tilespmem:v60+s11+$0x0], $0xffff  }
0x47c: {  	v61 =	vor.u32 $0x7180, v2;
	_ =	sdelay $0x3  }
0x47d: {  	[tilespmem:s17+$0xF300] =	vst v4  }
0x47e: {  	v4 =	vld.idx.msk [tilespmem:v61+s11+$0x0], $0xffff  }
0x47f: {  	v62 =	vor.u32 $0x7200, v2;
	_ =	sdelay $0x3  }
0x480: {  	[tilespmem:s17+$0xF380] =	vst v4  }
0x481: {  	v4 =	vld.idx.msk [tilespmem:v62+s11+$0x0], $0xffff  }
0x482: {  	v63 =	vor.u32 $0x7280, v2;
	_ =	sdelay $0x3  }
0x483: {  	[tilespmem:s17+$0xF400] =	vst v4  }
0x484: {  	v4 =	vld.idx.msk [tilespmem:v63+s11+$0x0], $0xffff  }
0x485: {  	v2 =	vor.u32 $0x7300, v2;
	_ =	sdelay $0x3  }
0x486: {  	[tilespmem:s17+$0xF480] =	vst v4  }
0x487: {  	v2 =	vld.idx.msk [tilespmem:v2+s11+$0x0], $0xffff  }
0x488: {  	v3 =	vor.u32 $0x7380, v3;
	_ =	sdelay $0x3  }
0x489: {  	[tilespmem:s17+$0xF500] =	vst v2  }
0x48a: {  	p1 =	sne.s32 s16, $0x20;
	v2 =	vld.idx.msk [tilespmem:v3+s11+$0x0], $0xffff  }
.Ltmp19:
0x48b: {  	_ = 	snop;
	(pc) =	sbr.rel @!p1 .LBB2_69-.Ltmp19, $2  }
0x48c: {  	_ =	sdelay $0x2  }
0x48d: {  	p0 =	por !p0, !p0;
	[tilespmem:s17+$0xF580] =	vst v2;
	s17 =	smov.u32 s16  }
.LBB2_34:
0x48e: {  	p1 =	seq.s32 s17, $0x1F  }
.Ltmp20:
0x48f: {  	_ = 	snop;
	(pc) =	sbr.rel @p1 .LBB2_68-.Ltmp20, $2  }
0x490: {  	_ =	sdelay $0x2  }
0x491: {  	s16 =	sadd.s32 $0x1, s17  }
0x492: {  	s18 =	sshll.u32 s16, $0x4  }
0x493: {  	s18 =	sand.u32 $0x3FFFFFF0, s18  }
0x494: {  	v2 =	vld [tilespmem:s18+$0x0];
	_ =	sdelay $0x4  }
0x495: {  	(v2sf) =	vpush v2, $0x0;
	_ =	sdelay $0xe  }
0x496: {  	s24 =	spop (v2sf)  }
0x497: {  	s19 =	sand.u32 $0xF, s24  }
0x498: {  	s20 =	sshra.s32 s24, $0x1F;
	p1 =	slt.s32 s24, $0x1;
	p2 =	sne.s32 s19, $0x0  }
0x499: {  	s25 =	sshrl.u32 s20, $0x1C;
	p1 =	por !p1, !p2  }
0x49a: {  	s19 =	simm.s32 $0x1;
	s18 =	sadd.s32 s25, s24;
	p1 =	por !p1, !p1  }
0x49b: {  	s18 =	sshra.s32 s18, $0x4;
	s19 =	simm.s32 @!p1 $0x0  }
0x49c: {  	s18 =	ssub.s32 s18, s19  }
0x49d: {  	s19 =	simm.s32 $0x1;
	s26 =	sshll.u32 s18, $0x7;
	s18 =	sshll.u32 s18, $0x4  }
0x49e: {  	s19 =	simm.s32 @!p0 $0x0;
	s20 =	sand.u32 $0xFFFFFC00, s26;
	s18 =	sand.u32 $0x70, s18  }
0x49f: {  	s19 =	sshll.u32 s19, $0xB;
	s20 =	sor.u32 s18, s20  }
0x4a0: {  	s18 =	sor.u32 $0x200, s19;
	s28 =	sshrl.u32 s20, $0x3  }
0x4a1: {  	s23 =	sadd.s32 $0x0, s18;
	s19 =	sadd.s32 s1, s28  }
0x4a2: {  	[tilespmem:s23], [sflag:$0x1] =	stream.linear.gather [hbm4b:s19+s3], $0x10, $0x38;
	[tilespmem:$0x10200] =	vst v63  }
0x4a3: {  	s21 =	sadd.s32 $0x80, s23;
	s29 =	sadd.s32 $0x10, s19  }
0x4a4: {  	[tilespmem:s21], [sflag:$0x1] =	stream.linear.gather [hbm4b:s29+s3], $0x10, $0x38;
	[tilespmem:$0x10200] =	vst v63  }
0x4a5: {  	s20 =	simm.s32 $0x1000;
	s31 =	sadd.s32 $0x100, s23;
	s30 =	sadd.s32 $0x20, s19  }
0x4a6: {  	[tilespmem:s31], [sflag:$0x1] =	stream.linear.gather [hbm4b:s30+s3], $0x10, $0x38;
	[tilespmem:$0x10200] =	vst v63  }
0x4a7: {  	s24 =	sadd.s32 $0x180, s23;
	s26 =	sadd.s32 $0x200, s23;
	s22 =	sadd.s32 $0x30, s19  }
0x4a8: {  	[tilespmem:s24], [sflag:$0x1] =	stream.linear.gather [hbm4b:s22+s3], $0x10, $0x38;
	[tilespmem:$0x10200] =	vst v63  }
0x4a9: {  	s25 =	sadd.s32 $0x40, s19;
	s28 =	sadd.s32 $0x50, s19;
	s29 =	sadd.s32 $0x280, s23  }
0x4aa: {  	[tilespmem:s26], [sflag:$0x1] =	stream.linear.gather [hbm4b:s25+s3], $0x10, $0x38;
	[tilespmem:$0x10200] =	vst v63  }
0x4ab: {  	s21 =	simm.s32 $0x8000;
	s30 =	sadd.s32 $0x60, s19;
	s31 =	sadd.s32 $0x300, s23  }
0x4ac: {  	[tilespmem:s29], [sflag:$0x1] =	stream.linear.gather [hbm4b:s28+s3], $0x10, $0x38;
	[tilespmem:$0x10200] =	vst v63  }
0x4ad: {  	s23 =	sadd.s32 $0x380, s23;
	s22 =	sadd.s32 $0x70, s19;
	s19 =	sadd.s32 $0xF4280, s19  }
0x4ae: {  	[tilespmem:s31], [sflag:$0x1] =	stream.linear.gather [hbm4b:s30+s3], $0x10, $0x38;
	[tilespmem:$0x10200] =	vst v63  }
.LBB2_36:
0x4af: {  	[tilespmem:s23], [sflag:$0x1] =	stream.linear.gather [hbm4b:s22+s3], $0x10, $0x38;
	[tilespmem:$0x10200] =	vst v63  }
0x4b0: {  	s22 =	smov.u32 s21  }
0x4b1: {  	s24 =	sadd.s32 $0x4000, s21;
	s23 =	sadd.s32 s20, s18;
	s20 =	sshra.s32 s22, $0x2  }
0x4b2: {  	[tilespmem:s23], [sflag:$0x1] =	stream.linear.gather [hbm4b:s19+s3], $0x10, $0x38;
	[tilespmem:$0x10200] =	vst v63  }
0x4b3: {  	p1 =	sne.s32 s21, $0x1C000;
	s21 =	sadd.s32 $0x10, s19;
	s22 =	sadd.s32 $0x80, s23  }
0x4b4: {  	[tilespmem:s22], [sflag:$0x1] =	stream.linear.gather [hbm4b:s21+s3], $0x10, $0x38;
	[tilespmem:$0x10200] =	vst v63  }
0x4b5: {  	s21 =	sadd.s32 $0x20, s19;
	s22 =	sadd.s32 $0x100, s23  }
0x4b6: {  	[tilespmem:s22], [sflag:$0x1] =	stream.linear.gather [hbm4b:s21+s3], $0x10, $0x38;
	[tilespmem:$0x10200] =	vst v63  }
0x4b7: {  	s21 =	sadd.s32 $0x30, s19;
	s22 =	sadd.s32 $0x180, s23  }
0x4b8: {  	[tilespmem:s22], [sflag:$0x1] =	stream.linear.gather [hbm4b:s21+s3], $0x10, $0x38;
	[tilespmem:$0x10200] =	vst v63  }
0x4b9: {  	s21 =	sadd.s32 $0x40, s19;
	s22 =	sadd.s32 $0x200, s23  }
0x4ba: {  	[tilespmem:s22], [sflag:$0x1] =	stream.linear.gather [hbm4b:s21+s3], $0x10, $0x38;
	[tilespmem:$0x10200] =	vst v63  }
.Ltmp21:
0x4bb: {  	s21 =	sadd.s32 $0x50, s19;
	s22 =	sadd.s32 $0x280, s23;
	(pc) =	sbr.rel @p1 .LBB2_36-.Ltmp21, $4  }
0x4bc: {  	[tilespmem:s22], [sflag:$0x1] =	stream.linear.gather [hbm4b:s21+s3], $0x10, $0x38;
	[tilespmem:$0x10200] =	vst v63  }
0x4bd: {  	s21 =	sadd.s32 $0x60, s19;
	s22 =	sadd.s32 $0x300, s23;
	s23 =	sadd.s32 $0x380, s23  }
0x4be: {  	[tilespmem:s22], [sflag:$0x1] =	stream.linear.gather [hbm4b:s21+s3], $0x10, $0x38;
	[tilespmem:$0x10200] =	vst v63  }
0x4bf: {  	s22 =	sadd.s32 $0x70, s19;
	s19 =	sadd.s32 $0xF4280, s19;
	s21 =	smov.u32 s24  }
0x4c0: {  	[tilespmem:s23], [sflag:$0x1] =	stream.linear.gather [hbm4b:s22+s3], $0x10, $0x38;
	(v2sf) =	vpush v2, $0x1;
	[tilespmem:$0x10200] =	vst v63  }
0x4c1: {  	s20 =	sadd.s32 s20, s18  }
0x4c2: {  	[tilespmem:s20], [sflag:$0x1] =	stream.linear.gather [hbm4b:s19+s3], $0x10, $0x38;
	[tilespmem:$0x10200] =	vst v63  }
0x4c3: {  	s21 =	sadd.s32 $0x10, s19;
	s29 =	sadd.s32 $0x80, s20  }
0x4c4: {  	[tilespmem:s29], [sflag:$0x1] =	stream.linear.gather [hbm4b:s21+s3], $0x10, $0x38;
	[tilespmem:$0x10200] =	vst v63  }
0x4c5: {  	s30 =	sadd.s32 $0x20, s19;
	s31 =	sadd.s32 $0x100, s20  }
0x4c6: {  	[tilespmem:s31], [sflag:$0x1] =	stream.linear.gather [hbm4b:s30+s3], $0x10, $0x38;
	[tilespmem:$0x10200] =	vst v63  }
0x4c7: {  	s23 =	sadd.s32 $0x30, s19;
	s24 =	sadd.s32 $0x180, s20  }
0x4c8: {  	[tilespmem:s24], [sflag:$0x1] =	stream.linear.gather [hbm4b:s23+s3], $0x10, $0x38;
	[tilespmem:$0x10200] =	vst v63  }
0x4c9: {  	s25 =	sadd.s32 $0x40, s19;
	s26 =	sadd.s32 $0x200, s20  }
0x4ca: {  	[tilespmem:s26], [sflag:$0x1] =	stream.linear.gather [hbm4b:s25+s3], $0x10, $0x38;
	[tilespmem:$0x10200] =	vst v63  }
0x4cb: {  	s28 =	sadd.s32 $0x50, s19;
	s29 =	sadd.s32 $0x280, s20  }
0x4cc: {  	[tilespmem:s29], [sflag:$0x1] =	stream.linear.gather [hbm4b:s28+s3], $0x10, $0x38;
	[tilespmem:$0x10200] =	vst v63  }
0x4cd: {  	s30 =	sadd.s32 $0x60, s19;
	s31 =	sadd.s32 $0x300, s20  }
0x4ce: {  	[tilespmem:s31], [sflag:$0x1] =	stream.linear.gather [hbm4b:s30+s3], $0x10, $0x38;
	[tilespmem:$0x10200] =	vst v63  }
0x4cf: {  	s21 =	sadd.s32 $0x70, s19;
	s20 =	sadd.s32 $0x380, s20;
	s22 =	spop (v2sf)  }
0x4d0: {  	[tilespmem:s20], [sflag:$0x1] =	stream.linear.gather [hbm4b:s21+s3], $0x10, $0x38;
	[tilespmem:$0x10200] =	vst v63  }
0x4d1: {  	s23 =	sand.u32 $0xF, s22  }
0x4d2: {  	s24 =	sshra.s32 s22, $0x1F;
	p1 =	slt.s32 s22, $0x1;
	p2 =	sne.s32 s23, $0x0  }
0x4d3: {  	s25 =	sshrl.u32 s24, $0x1C;
	p1 =	por !p1, !p2  }
0x4d4: {  	s20 =	simm.s32 $0x1;
	s19 =	sadd.s32 s25, s22;
	p1 =	por !p1, !p1  }
0x4d5: {  	s19 =	sshra.s32 s19, $0x4;
	s20 =	simm.s32 @!p1 $0x0  }
0x4d6: {  	s19 =	ssub.s32 s19, s20  }
0x4d7: {  	s20 =	sshll.u32 s19, $0x7;
	s19 =	sshll.u32 s19, $0x4  }
0x4d8: {  	s20 =	sand.u32 $0xFFFFFC00, s20;
	s19 =	sand.u32 $0x70, s19  }
0x4d9: {  	s19 =	sor.u32 s19, s20  }
0x4da: {  	s23 =	sadd.s32 $0x0, s18;
	s19 =	sshrl.u32 s19, $0x3  }
0x4db: {  	s26 =	sadd.s32 $0x10, s23;
	s19 =	sadd.s32 s1, s19  }
0x4dc: {  	[tilespmem:s26], [sflag:$0x1] =	stream.linear.gather [hbm4b:s19+s3], $0x10, $0x38;
	[tilespmem:$0x10200] =	vst v63  }
0x4dd: {  	s29 =	sadd.s32 $0x90, s23;
	s28 =	sadd.s32 $0x10, s19  }
0x4de: {  	[tilespmem:s29], [sflag:$0x1] =	stream.linear.gather [hbm4b:s28+s3], $0x10, $0x38;
	[tilespmem:$0x10200] =	vst v63  }
0x4df: {  	s21 =	simm.s32 $0x8000;
	s31 =	sadd.s32 $0x110, s23;
	s30 =	sadd.s32 $0x20, s19  }
0x4e0: {  	[tilespmem:s31], [sflag:$0x1] =	stream.linear.gather [hbm4b:s30+s3], $0x10, $0x38;
	[tilespmem:$0x10200] =	vst v63  }
0x4e1: {  	s24 =	sadd.s32 $0x190, s23;
	s20 =	simm.s32 $0x1000;
	s22 =	sadd.s32 $0x30, s19  }
0x4e2: {  	[tilespmem:s24], [sflag:$0x1] =	stream.linear.gather [hbm4b:s22+s3], $0x10, $0x38;
	[tilespmem:$0x10200] =	vst v63  }
0x4e3: {  	s25 =	sadd.s32 $0x40, s19;
	s26 =	sadd.s32 $0x210, s23;
	s28 =	sadd.s32 $0x50, s19  }
0x4e4: {  	[tilespmem:s26], [sflag:$0x1] =	stream.linear.gather [hbm4b:s25+s3], $0x10, $0x38;
	[tilespmem:$0x10200] =	vst v63  }
0x4e5: {  	s29 =	sadd.s32 $0x290, s23;
	s30 =	sadd.s32 $0x60, s19;
	s31 =	sadd.s32 $0x310, s23  }
0x4e6: {  	[tilespmem:s29], [sflag:$0x1] =	stream.linear.gather [hbm4b:s28+s3], $0x10, $0x38;
	[tilespmem:$0x10200] =	vst v63  }
0x4e7: {  	s23 =	sadd.s32 $0x390, s23;
	s22 =	sadd.s32 $0x70, s19;
	s19 =	sadd.s32 $0xF4280, s19  }
0x4e8: {  	[tilespmem:s31], [sflag:$0x1] =	stream.linear.gather [hbm4b:s30+s3], $0x10, $0x38;
	[tilespmem:$0x10200] =	vst v63  }
.LBB2_38:
0x4e9: {  	[tilespmem:s23], [sflag:$0x1] =	stream.linear.gather [hbm4b:s22+s3], $0x10, $0x38;
	[tilespmem:$0x10200] =	vst v63  }
0x4ea: {  	s22 =	smov.u32 s21  }
0x4eb: {  	s24 =	sadd.s32 $0x4000, s21;
	s23 =	sadd.s32 s20, s18;
	s20 =	sshra.s32 s22, $0x2  }
0x4ec: {  	p1 =	sne.s32 s21, $0x1C000;
	s21 =	sadd.s32 $0x10, s23  }
0x4ed: {  	[tilespmem:s21], [sflag:$0x1] =	stream.linear.gather [hbm4b:s19+s3], $0x10, $0x38;
	[tilespmem:$0x10200] =	vst v63  }
0x4ee: {  	s22 =	sadd.s32 $0x90, s23;
	s21 =	sadd.s32 $0x10, s19  }
0x4ef: {  	[tilespmem:s22], [sflag:$0x1] =	stream.linear.gather [hbm4b:s21+s3], $0x10, $0x38;
	[tilespmem:$0x10200] =	vst v63  }
0x4f0: {  	s21 =	sadd.s32 $0x20, s19;
	s22 =	sadd.s32 $0x110, s23  }
0x4f1: {  	[tilespmem:s22], [sflag:$0x1] =	stream.linear.gather [hbm4b:s21+s3], $0x10, $0x38;
	[tilespmem:$0x10200] =	vst v63  }
0x4f2: {  	s21 =	sadd.s32 $0x30, s19;
	s22 =	sadd.s32 $0x190, s23  }
0x4f3: {  	[tilespmem:s22], [sflag:$0x1] =	stream.linear.gather [hbm4b:s21+s3], $0x10, $0x38;
	[tilespmem:$0x10200] =	vst v63  }
0x4f4: {  	s21 =	sadd.s32 $0x40, s19;
	s22 =	sadd.s32 $0x210, s23  }
0x4f5: {  	[tilespmem:s22], [sflag:$0x1] =	stream.linear.gather [hbm4b:s21+s3], $0x10, $0x38;
	[tilespmem:$0x10200] =	vst v63  }
.Ltmp22:
0x4f6: {  	s21 =	sadd.s32 $0x50, s19;
	s22 =	sadd.s32 $0x290, s23;
	(pc) =	sbr.rel @p1 .LBB2_38-.Ltmp22, $4  }
0x4f7: {  	[tilespmem:s22], [sflag:$0x1] =	stream.linear.gather [hbm4b:s21+s3], $0x10, $0x38;
	[tilespmem:$0x10200] =	vst v63  }
0x4f8: {  	s21 =	sadd.s32 $0x60, s19;
	s22 =	sadd.s32 $0x310, s23;
	s23 =	sadd.s32 $0x390, s23  }
0x4f9: {  	[tilespmem:s22], [sflag:$0x1] =	stream.linear.gather [hbm4b:s21+s3], $0x10, $0x38;
	[tilespmem:$0x10200] =	vst v63  }
0x4fa: {  	s22 =	sadd.s32 $0x70, s19;
	s19 =	sadd.s32 $0xF4280, s19;
	s21 =	smov.u32 s24  }
0x4fb: {  	[tilespmem:s23], [sflag:$0x1] =	stream.linear.gather [hbm4b:s22+s3], $0x10, $0x38;
	[tilespmem:$0x10200] =	vst v63  }
0x4fc: {  	s20 =	sadd.s32 s20, s18;
	(v2sf) =	vpush v2, $0x2  }
0x4fd: {  	s21 =	sadd.s32 $0x10, s20  }
0x4fe: {  	[tilespmem:s21], [sflag:$0x1] =	stream.linear.gather [hbm4b:s19+s3], $0x10, $0x38;
	[tilespmem:$0x10200] =	vst v63  }
0x4ff: {  	s28 =	sadd.s32 $0x10, s19;
	s29 =	sadd.s32 $0x90, s20  }
0x500: {  	[tilespmem:s29], [sflag:$0x1] =	stream.linear.gather [hbm4b:s28+s3], $0x10, $0x38;
	[tilespmem:$0x10200] =	vst v63  }
0x501: {  	s30 =	sadd.s32 $0x20, s19;
	s31 =	sadd.s32 $0x110, s20  }
0x502: {  	[tilespmem:s31], [sflag:$0x1] =	stream.linear.gather [hbm4b:s30+s3], $0x10, $0x38;
	[tilespmem:$0x10200] =	vst v63  }
0x503: {  	s23 =	sadd.s32 $0x30, s19;
	s24 =	sadd.s32 $0x190, s20  }
0x504: {  	[tilespmem:s24], [sflag:$0x1] =	stream.linear.gather [hbm4b:s23+s3], $0x10, $0x38;
	[tilespmem:$0x10200] =	vst v63  }
0x505: {  	s25 =	sadd.s32 $0x40, s19;
	s26 =	sadd.s32 $0x210, s20  }
0x506: {  	[tilespmem:s26], [sflag:$0x1] =	stream.linear.gather [hbm4b:s25+s3], $0x10, $0x38;
	[tilespmem:$0x10200] =	vst v63  }
0x507: {  	s28 =	sadd.s32 $0x50, s19;
	s29 =	sadd.s32 $0x290, s20  }
0x508: {  	[tilespmem:s29], [sflag:$0x1] =	stream.linear.gather [hbm4b:s28+s3], $0x10, $0x38;
	[tilespmem:$0x10200] =	vst v63  }
0x509: {  	s30 =	sadd.s32 $0x60, s19;
	s31 =	sadd.s32 $0x310, s20  }
0x50a: {  	[tilespmem:s31], [sflag:$0x1] =	stream.linear.gather [hbm4b:s30+s3], $0x10, $0x38;
	[tilespmem:$0x10200] =	vst v63  }
0x50b: {  	s21 =	sadd.s32 $0x70, s19;
	s20 =	sadd.s32 $0x390, s20;
	s22 =	spop (v2sf)  }
0x50c: {  	[tilespmem:s20], [sflag:$0x1] =	stream.linear.gather [hbm4b:s21+s3], $0x10, $0x38;
	[tilespmem:$0x10200] =	vst v63  }
0x50d: {  	s23 =	sand.u32 $0xF, s22  }
0x50e: {  	s24 =	sshra.s32 s22, $0x1F;
	p1 =	slt.s32 s22, $0x1;
	p2 =	sne.s32 s23, $0x0  }
0x50f: {  	s25 =	sshrl.u32 s24, $0x1C;
	p1 =	por !p1, !p2  }
0x510: {  	s20 =	simm.s32 $0x1;
	s19 =	sadd.s32 s25, s22;
	p1 =	por !p1, !p1  }
0x511: {  	s19 =	sshra.s32 s19, $0x4;
	s20 =	simm.s32 @!p1 $0x0  }
0x512: {  	s19 =	ssub.s32 s19, s20  }
0x513: {  	s20 =	sshll.u32 s19, $0x7;
	s19 =	sshll.u32 s19, $0x4  }
0x514: {  	s20 =	sand.u32 $0xFFFFFC00, s20;
	s19 =	sand.u32 $0x70, s19  }
0x515: {  	s19 =	sor.u32 s19, s20  }
0x516: {  	s23 =	sadd.s32 $0x0, s18;
	s19 =	sshrl.u32 s19, $0x3  }
0x517: {  	s26 =	sadd.s32 $0x20, s23;
	s19 =	sadd.s32 s1, s19  }
0x518: {  	[tilespmem:s26], [sflag:$0x1] =	stream.linear.gather [hbm4b:s19+s3], $0x10, $0x38;
	[tilespmem:$0x10200] =	vst v63  }
0x519: {  	s29 =	sadd.s32 $0xA0, s23;
	s28 =	sadd.s32 $0x10, s19  }
0x51a: {  	[tilespmem:s29], [sflag:$0x1] =	stream.linear.gather [hbm4b:s28+s3], $0x10, $0x38;
	[tilespmem:$0x10200] =	vst v63  }
0x51b: {  	s21 =	simm.s32 $0x8000;
	s31 =	sadd.s32 $0x120, s23;
	s30 =	sadd.s32 $0x20, s19  }
0x51c: {  	[tilespmem:s31], [sflag:$0x1] =	stream.linear.gather [hbm4b:s30+s3], $0x10, $0x38;
	[tilespmem:$0x10200] =	vst v63  }
0x51d: {  	s24 =	sadd.s32 $0x1A0, s23;
	s20 =	simm.s32 $0x1000;
	s22 =	sadd.s32 $0x30, s19  }
0x51e: {  	[tilespmem:s24], [sflag:$0x1] =	stream.linear.gather [hbm4b:s22+s3], $0x10, $0x38;
	[tilespmem:$0x10200] =	vst v63  }
0x51f: {  	s25 =	sadd.s32 $0x40, s19;
	s26 =	sadd.s32 $0x220, s23;
	s28 =	sadd.s32 $0x50, s19  }
0x520: {  	[tilespmem:s26], [sflag:$0x1] =	stream.linear.gather [hbm4b:s25+s3], $0x10, $0x38;
	[tilespmem:$0x10200] =	vst v63  }
0x521: {  	s29 =	sadd.s32 $0x2A0, s23;
	s30 =	sadd.s32 $0x60, s19;
	s31 =	sadd.s32 $0x320, s23  }
0x522: {  	[tilespmem:s29], [sflag:$0x1] =	stream.linear.gather [hbm4b:s28+s3], $0x10, $0x38;
	[tilespmem:$0x10200] =	vst v63  }
0x523: {  	s23 =	sadd.s32 $0x3A0, s23;
	s22 =	sadd.s32 $0x70, s19;
	s19 =	sadd.s32 $0xF4280, s19  }
0x524: {  	[tilespmem:s31], [sflag:$0x1] =	stream.linear.gather [hbm4b:s30+s3], $0x10, $0x38;
	[tilespmem:$0x10200] =	vst v63  }
.LBB2_40:
0x525: {  	[tilespmem:s23], [sflag:$0x1] =	stream.linear.gather [hbm4b:s22+s3], $0x10, $0x38;
	[tilespmem:$0x10200] =	vst v63  }
0x526: {  	s22 =	smov.u32 s21  }
0x527: {  	s24 =	sadd.s32 $0x4000, s21;
	s23 =	sadd.s32 s20, s18;
	s20 =	sshra.s32 s22, $0x2  }
0x528: {  	p1 =	sne.s32 s21, $0x1C000;
	s21 =	sadd.s32 $0x20, s23  }
0x529: {  	[tilespmem:s21], [sflag:$0x1] =	stream.linear.gather [hbm4b:s19+s3], $0x10, $0x38;
	[tilespmem:$0x10200] =	vst v63  }
0x52a: {  	s22 =	sadd.s32 $0xA0, s23;
	s21 =	sadd.s32 $0x10, s19  }
0x52b: {  	[tilespmem:s22], [sflag:$0x1] =	stream.linear.gather [hbm4b:s21+s3], $0x10, $0x38;
	[tilespmem:$0x10200] =	vst v63  }
0x52c: {  	s21 =	sadd.s32 $0x20, s19;
	s22 =	sadd.s32 $0x120, s23  }
0x52d: {  	[tilespmem:s22], [sflag:$0x1] =	stream.linear.gather [hbm4b:s21+s3], $0x10, $0x38;
	[tilespmem:$0x10200] =	vst v63  }
0x52e: {  	s21 =	sadd.s32 $0x30, s19;
	s22 =	sadd.s32 $0x1A0, s23  }
0x52f: {  	[tilespmem:s22], [sflag:$0x1] =	stream.linear.gather [hbm4b:s21+s3], $0x10, $0x38;
	[tilespmem:$0x10200] =	vst v63  }
0x530: {  	s21 =	sadd.s32 $0x40, s19;
	s22 =	sadd.s32 $0x220, s23  }
0x531: {  	[tilespmem:s22], [sflag:$0x1] =	stream.linear.gather [hbm4b:s21+s3], $0x10, $0x38;
	[tilespmem:$0x10200] =	vst v63  }
.Ltmp23:
0x532: {  	s21 =	sadd.s32 $0x50, s19;
	s22 =	sadd.s32 $0x2A0, s23;
	(pc) =	sbr.rel @p1 .LBB2_40-.Ltmp23, $4  }
0x533: {  	[tilespmem:s22], [sflag:$0x1] =	stream.linear.gather [hbm4b:s21+s3], $0x10, $0x38;
	[tilespmem:$0x10200] =	vst v63  }
0x534: {  	s21 =	sadd.s32 $0x60, s19;
	s22 =	sadd.s32 $0x320, s23;
	s23 =	sadd.s32 $0x3A0, s23  }
0x535: {  	[tilespmem:s22], [sflag:$0x1] =	stream.linear.gather [hbm4b:s21+s3], $0x10, $0x38;
	[tilespmem:$0x10200] =	vst v63  }
0x536: {  	s22 =	sadd.s32 $0x70, s19;
	s19 =	sadd.s32 $0xF4280, s19;
	s21 =	smov.u32 s24  }
0x537: {  	[tilespmem:s23], [sflag:$0x1] =	stream.linear.gather [hbm4b:s22+s3], $0x10, $0x38;
	[tilespmem:$0x10200] =	vst v63  }
0x538: {  	s20 =	sadd.s32 s20, s18;
	(v2sf) =	vpush v2, $0x3  }
0x539: {  	s21 =	sadd.s32 $0x20, s20  }
0x53a: {  	[tilespmem:s21], [sflag:$0x1] =	stream.linear.gather [hbm4b:s19+s3], $0x10, $0x38;
	[tilespmem:$0x10200] =	vst v63  }
0x53b: {  	s28 =	sadd.s32 $0x10, s19;
	s29 =	sadd.s32 $0xA0, s20  }
0x53c: {  	[tilespmem:s29], [sflag:$0x1] =	stream.linear.gather [hbm4b:s28+s3], $0x10, $0x38;
	[tilespmem:$0x10200] =	vst v63  }
0x53d: {  	s30 =	sadd.s32 $0x20, s19;
	s31 =	sadd.s32 $0x120, s20  }
0x53e: {  	[tilespmem:s31], [sflag:$0x1] =	stream.linear.gather [hbm4b:s30+s3], $0x10, $0x38;
	[tilespmem:$0x10200] =	vst v63  }
0x53f: {  	s23 =	sadd.s32 $0x30, s19;
	s24 =	sadd.s32 $0x1A0, s20  }
0x540: {  	[tilespmem:s24], [sflag:$0x1] =	stream.linear.gather [hbm4b:s23+s3], $0x10, $0x38;
	[tilespmem:$0x10200] =	vst v63  }
0x541: {  	s25 =	sadd.s32 $0x40, s19;
	s26 =	sadd.s32 $0x220, s20  }
0x542: {  	[tilespmem:s26], [sflag:$0x1] =	stream.linear.gather [hbm4b:s25+s3], $0x10, $0x38;
	[tilespmem:$0x10200] =	vst v63  }
0x543: {  	s28 =	sadd.s32 $0x50, s19;
	s29 =	sadd.s32 $0x2A0, s20  }
0x544: {  	[tilespmem:s29], [sflag:$0x1] =	stream.linear.gather [hbm4b:s28+s3], $0x10, $0x38;
	[tilespmem:$0x10200] =	vst v63  }
0x545: {  	s30 =	sadd.s32 $0x60, s19;
	s31 =	sadd.s32 $0x320, s20  }
0x546: {  	[tilespmem:s31], [sflag:$0x1] =	stream.linear.gather [hbm4b:s30+s3], $0x10, $0x38;
	[tilespmem:$0x10200] =	vst v63  }
0x547: {  	s21 =	sadd.s32 $0x70, s19;
	s20 =	sadd.s32 $0x3A0, s20;
	s22 =	spop (v2sf)  }
0x548: {  	[tilespmem:s20], [sflag:$0x1] =	stream.linear.gather [hbm4b:s21+s3], $0x10, $0x38;
	[tilespmem:$0x10200] =	vst v63  }
0x549: {  	s23 =	sand.u32 $0xF, s22  }
0x54a: {  	s24 =	sshra.s32 s22, $0x1F;
	p1 =	slt.s32 s22, $0x1;
	p2 =	sne.s32 s23, $0x0  }
0x54b: {  	s25 =	sshrl.u32 s24, $0x1C;
	p1 =	por !p1, !p2  }
0x54c: {  	s20 =	simm.s32 $0x1;
	s19 =	sadd.s32 s25, s22;
	p1 =	por !p1, !p1  }
0x54d: {  	s19 =	sshra.s32 s19, $0x4;
	s20 =	simm.s32 @!p1 $0x0  }
0x54e: {  	s19 =	ssub.s32 s19, s20  }
0x54f: {  	s20 =	sshll.u32 s19, $0x7;
	s19 =	sshll.u32 s19, $0x4  }
0x550: {  	s20 =	sand.u32 $0xFFFFFC00, s20;
	s19 =	sand.u32 $0x70, s19  }
0x551: {  	s19 =	sor.u32 s19, s20  }
0x552: {  	s23 =	sadd.s32 $0x0, s18;
	s19 =	sshrl.u32 s19, $0x3  }
0x553: {  	s26 =	sadd.s32 $0x30, s23;
	s19 =	sadd.s32 s1, s19  }
0x554: {  	[tilespmem:s26], [sflag:$0x1] =	stream.linear.gather [hbm4b:s19+s3], $0x10, $0x38;
	[tilespmem:$0x10200] =	vst v63  }
0x555: {  	s29 =	sadd.s32 $0xB0, s23;
	s28 =	sadd.s32 $0x10, s19  }
0x556: {  	[tilespmem:s29], [sflag:$0x1] =	stream.linear.gather [hbm4b:s28+s3], $0x10, $0x38;
	[tilespmem:$0x10200] =	vst v63  }
0x557: {  	s21 =	simm.s32 $0x8000;
	s31 =	sadd.s32 $0x130, s23;
	s30 =	sadd.s32 $0x20, s19  }
0x558: {  	[tilespmem:s31], [sflag:$0x1] =	stream.linear.gather [hbm4b:s30+s3], $0x10, $0x38;
	[tilespmem:$0x10200] =	vst v63  }
0x559: {  	s24 =	sadd.s32 $0x1B0, s23;
	s20 =	simm.s32 $0x1000;
	s22 =	sadd.s32 $0x30, s19  }
0x55a: {  	[tilespmem:s24], [sflag:$0x1] =	stream.linear.gather [hbm4b:s22+s3], $0x10, $0x38;
	[tilespmem:$0x10200] =	vst v63  }
0x55b: {  	s25 =	sadd.s32 $0x40, s19;
	s26 =	sadd.s32 $0x230, s23;
	s28 =	sadd.s32 $0x50, s19  }
0x55c: {  	[tilespmem:s26], [sflag:$0x1] =	stream.linear.gather [hbm4b:s25+s3], $0x10, $0x38;
	[tilespmem:$0x10200] =	vst v63  }
0x55d: {  	s29 =	sadd.s32 $0x2B0, s23;
	s30 =	sadd.s32 $0x60, s19;
	s31 =	sadd.s32 $0x330, s23  }
0x55e: {  	[tilespmem:s29], [sflag:$0x1] =	stream.linear.gather [hbm4b:s28+s3], $0x10, $0x38;
	[tilespmem:$0x10200] =	vst v63  }
0x55f: {  	s23 =	sadd.s32 $0x3B0, s23;
	s22 =	sadd.s32 $0x70, s19;
	s19 =	sadd.s32 $0xF4280, s19  }
0x560: {  	[tilespmem:s31], [sflag:$0x1] =	stream.linear.gather [hbm4b:s30+s3], $0x10, $0x38;
	[tilespmem:$0x10200] =	vst v63  }
.LBB2_42:
0x561: {  	[tilespmem:s23], [sflag:$0x1] =	stream.linear.gather [hbm4b:s22+s3], $0x10, $0x38;
	[tilespmem:$0x10200] =	vst v63  }
0x562: {  	s22 =	smov.u32 s21  }
0x563: {  	s24 =	sadd.s32 $0x4000, s21;
	s23 =	sadd.s32 s20, s18;
	s20 =	sshra.s32 s22, $0x2  }
0x564: {  	p1 =	sne.s32 s21, $0x1C000;
	s21 =	sadd.s32 $0x30, s23  }
0x565: {  	[tilespmem:s21], [sflag:$0x1] =	stream.linear.gather [hbm4b:s19+s3], $0x10, $0x38;
	[tilespmem:$0x10200] =	vst v63  }
0x566: {  	s22 =	sadd.s32 $0xB0, s23;
	s21 =	sadd.s32 $0x10, s19  }
0x567: {  	[tilespmem:s22], [sflag:$0x1] =	stream.linear.gather [hbm4b:s21+s3], $0x10, $0x38;
	[tilespmem:$0x10200] =	vst v63  }
0x568: {  	s21 =	sadd.s32 $0x20, s19;
	s22 =	sadd.s32 $0x130, s23  }
0x569: {  	[tilespmem:s22], [sflag:$0x1] =	stream.linear.gather [hbm4b:s21+s3], $0x10, $0x38;
	[tilespmem:$0x10200] =	vst v63  }
0x56a: {  	s21 =	sadd.s32 $0x30, s19;
	s22 =	sadd.s32 $0x1B0, s23  }
0x56b: {  	[tilespmem:s22], [sflag:$0x1] =	stream.linear.gather [hbm4b:s21+s3], $0x10, $0x38;
	[tilespmem:$0x10200] =	vst v63  }
0x56c: {  	s21 =	sadd.s32 $0x40, s19;
	s22 =	sadd.s32 $0x230, s23  }
0x56d: {  	[tilespmem:s22], [sflag:$0x1] =	stream.linear.gather [hbm4b:s21+s3], $0x10, $0x38;
	[tilespmem:$0x10200] =	vst v63  }
.Ltmp24:
0x56e: {  	s21 =	sadd.s32 $0x50, s19;
	s22 =	sadd.s32 $0x2B0, s23;
	(pc) =	sbr.rel @p1 .LBB2_42-.Ltmp24, $4  }
0x56f: {  	[tilespmem:s22], [sflag:$0x1] =	stream.linear.gather [hbm4b:s21+s3], $0x10, $0x38;
	[tilespmem:$0x10200] =	vst v63  }
0x570: {  	s21 =	sadd.s32 $0x60, s19;
	s22 =	sadd.s32 $0x330, s23;
	s23 =	sadd.s32 $0x3B0, s23  }
0x571: {  	[tilespmem:s22], [sflag:$0x1] =	stream.linear.gather [hbm4b:s21+s3], $0x10, $0x38;
	[tilespmem:$0x10200] =	vst v63  }
0x572: {  	s22 =	sadd.s32 $0x70, s19;
	s19 =	sadd.s32 $0xF4280, s19;
	s21 =	smov.u32 s24  }
0x573: {  	[tilespmem:s23], [sflag:$0x1] =	stream.linear.gather [hbm4b:s22+s3], $0x10, $0x38;
	[tilespmem:$0x10200] =	vst v63  }
0x574: {  	s20 =	sadd.s32 s20, s18;
	(v2sf) =	vpush v2, $0x4  }
0x575: {  	s21 =	sadd.s32 $0x30, s20  }
0x576: {  	[tilespmem:s21], [sflag:$0x1] =	stream.linear.gather [hbm4b:s19+s3], $0x10, $0x38;
	[tilespmem:$0x10200] =	vst v63  }
0x577: {  	s28 =	sadd.s32 $0x10, s19;
	s29 =	sadd.s32 $0xB0, s20  }
0x578: {  	[tilespmem:s29], [sflag:$0x1] =	stream.linear.gather [hbm4b:s28+s3], $0x10, $0x38;
	[tilespmem:$0x10200] =	vst v63  }
0x579: {  	s30 =	sadd.s32 $0x20, s19;
	s31 =	sadd.s32 $0x130, s20  }
0x57a: {  	[tilespmem:s31], [sflag:$0x1] =	stream.linear.gather [hbm4b:s30+s3], $0x10, $0x38;
	[tilespmem:$0x10200] =	vst v63  }
0x57b: {  	s23 =	sadd.s32 $0x30, s19;
	s24 =	sadd.s32 $0x1B0, s20  }
0x57c: {  	[tilespmem:s24], [sflag:$0x1] =	stream.linear.gather [hbm4b:s23+s3], $0x10, $0x38;
	[tilespmem:$0x10200] =	vst v63  }
0x57d: {  	s25 =	sadd.s32 $0x40, s19;
	s26 =	sadd.s32 $0x230, s20  }
0x57e: {  	[tilespmem:s26], [sflag:$0x1] =	stream.linear.gather [hbm4b:s25+s3], $0x10, $0x38;
	[tilespmem:$0x10200] =	vst v63  }
0x57f: {  	s28 =	sadd.s32 $0x50, s19;
	s29 =	sadd.s32 $0x2B0, s20  }
0x580: {  	[tilespmem:s29], [sflag:$0x1] =	stream.linear.gather [hbm4b:s28+s3], $0x10, $0x38;
	[tilespmem:$0x10200] =	vst v63  }
0x581: {  	s30 =	sadd.s32 $0x60, s19;
	s31 =	sadd.s32 $0x330, s20  }
0x582: {  	[tilespmem:s31], [sflag:$0x1] =	stream.linear.gather [hbm4b:s30+s3], $0x10, $0x38;
	[tilespmem:$0x10200] =	vst v63  }
0x583: {  	s21 =	sadd.s32 $0x70, s19;
	s20 =	sadd.s32 $0x3B0, s20;
	s22 =	spop (v2sf)  }
0x584: {  	[tilespmem:s20], [sflag:$0x1] =	stream.linear.gather [hbm4b:s21+s3], $0x10, $0x38;
	[tilespmem:$0x10200] =	vst v63  }
0x585: {  	s23 =	sand.u32 $0xF, s22  }
0x586: {  	s24 =	sshra.s32 s22, $0x1F;
	p1 =	slt.s32 s22, $0x1;
	p2 =	sne.s32 s23, $0x0  }
0x587: {  	s25 =	sshrl.u32 s24, $0x1C;
	p1 =	por !p1, !p2  }
0x588: {  	s20 =	simm.s32 $0x1;
	s19 =	sadd.s32 s25, s22;
	p1 =	por !p1, !p1  }
0x589: {  	s19 =	sshra.s32 s19, $0x4;
	s20 =	simm.s32 @!p1 $0x0  }
0x58a: {  	s19 =	ssub.s32 s19, s20  }
0x58b: {  	s20 =	sshll.u32 s19, $0x7;
	s19 =	sshll.u32 s19, $0x4  }
0x58c: {  	s20 =	sand.u32 $0xFFFFFC00, s20;
	s19 =	sand.u32 $0x70, s19  }
0x58d: {  	s19 =	sor.u32 s19, s20  }
0x58e: {  	s23 =	sadd.s32 $0x0, s18;
	s19 =	sshrl.u32 s19, $0x3  }
0x58f: {  	s26 =	sadd.s32 $0x40, s23;
	s19 =	sadd.s32 s1, s19  }
0x590: {  	[tilespmem:s26], [sflag:$0x1] =	stream.linear.gather [hbm4b:s19+s3], $0x10, $0x38;
	[tilespmem:$0x10200] =	vst v63  }
0x591: {  	s29 =	sadd.s32 $0xC0, s23;
	s28 =	sadd.s32 $0x10, s19  }
0x592: {  	[tilespmem:s29], [sflag:$0x1] =	stream.linear.gather [hbm4b:s28+s3], $0x10, $0x38;
	[tilespmem:$0x10200] =	vst v63  }
0x593: {  	s21 =	simm.s32 $0x8000;
	s31 =	sadd.s32 $0x140, s23;
	s30 =	sadd.s32 $0x20, s19  }
0x594: {  	[tilespmem:s31], [sflag:$0x1] =	stream.linear.gather [hbm4b:s30+s3], $0x10, $0x38;
	[tilespmem:$0x10200] =	vst v63  }
0x595: {  	s24 =	sadd.s32 $0x1C0, s23;
	s20 =	simm.s32 $0x1000;
	s22 =	sadd.s32 $0x30, s19  }
0x596: {  	[tilespmem:s24], [sflag:$0x1] =	stream.linear.gather [hbm4b:s22+s3], $0x10, $0x38;
	[tilespmem:$0x10200] =	vst v63  }
0x597: {  	s25 =	sadd.s32 $0x40, s19;
	s26 =	sadd.s32 $0x240, s23;
	s28 =	sadd.s32 $0x50, s19  }
0x598: {  	[tilespmem:s26], [sflag:$0x1] =	stream.linear.gather [hbm4b:s25+s3], $0x10, $0x38;
	[tilespmem:$0x10200] =	vst v63  }
0x599: {  	s29 =	sadd.s32 $0x2C0, s23;
	s30 =	sadd.s32 $0x60, s19;
	s31 =	sadd.s32 $0x340, s23  }
0x59a: {  	[tilespmem:s29], [sflag:$0x1] =	stream.linear.gather [hbm4b:s28+s3], $0x10, $0x38;
	[tilespmem:$0x10200] =	vst v63  }
0x59b: {  	s23 =	sadd.s32 $0x3C0, s23;
	s22 =	sadd.s32 $0x70, s19;
	s19 =	sadd.s32 $0xF4280, s19  }
0x59c: {  	[tilespmem:s31], [sflag:$0x1] =	stream.linear.gather [hbm4b:s30+s3], $0x10, $0x38;
	[tilespmem:$0x10200] =	vst v63  }
.LBB2_44:
0x59d: {  	[tilespmem:s23], [sflag:$0x1] =	stream.linear.gather [hbm4b:s22+s3], $0x10, $0x38;
	[tilespmem:$0x10200] =	vst v63  }
0x59e: {  	s22 =	smov.u32 s21  }
0x59f: {  	s24 =	sadd.s32 $0x4000, s21;
	s23 =	sadd.s32 s20, s18;
	s20 =	sshra.s32 s22, $0x2  }
0x5a0: {  	p1 =	sne.s32 s21, $0x1C000;
	s21 =	sadd.s32 $0x40, s23  }
0x5a1: {  	[tilespmem:s21], [sflag:$0x1] =	stream.linear.gather [hbm4b:s19+s3], $0x10, $0x38;
	[tilespmem:$0x10200] =	vst v63  }
0x5a2: {  	s22 =	sadd.s32 $0xC0, s23;
	s21 =	sadd.s32 $0x10, s19  }
0x5a3: {  	[tilespmem:s22], [sflag:$0x1] =	stream.linear.gather [hbm4b:s21+s3], $0x10, $0x38;
	[tilespmem:$0x10200] =	vst v63  }
0x5a4: {  	s21 =	sadd.s32 $0x20, s19;
	s22 =	sadd.s32 $0x140, s23  }
0x5a5: {  	[tilespmem:s22], [sflag:$0x1] =	stream.linear.gather [hbm4b:s21+s3], $0x10, $0x38;
	[tilespmem:$0x10200] =	vst v63  }
0x5a6: {  	s21 =	sadd.s32 $0x30, s19;
	s22 =	sadd.s32 $0x1C0, s23  }
0x5a7: {  	[tilespmem:s22], [sflag:$0x1] =	stream.linear.gather [hbm4b:s21+s3], $0x10, $0x38;
	[tilespmem:$0x10200] =	vst v63  }
0x5a8: {  	s21 =	sadd.s32 $0x40, s19;
	s22 =	sadd.s32 $0x240, s23  }
0x5a9: {  	[tilespmem:s22], [sflag:$0x1] =	stream.linear.gather [hbm4b:s21+s3], $0x10, $0x38;
	[tilespmem:$0x10200] =	vst v63  }
.Ltmp25:
0x5aa: {  	s21 =	sadd.s32 $0x50, s19;
	s22 =	sadd.s32 $0x2C0, s23;
	(pc) =	sbr.rel @p1 .LBB2_44-.Ltmp25, $4  }
0x5ab: {  	[tilespmem:s22], [sflag:$0x1] =	stream.linear.gather [hbm4b:s21+s3], $0x10, $0x38;
	[tilespmem:$0x10200] =	vst v63  }
0x5ac: {  	s21 =	sadd.s32 $0x60, s19;
	s22 =	sadd.s32 $0x340, s23;
	s23 =	sadd.s32 $0x3C0, s23  }
0x5ad: {  	[tilespmem:s22], [sflag:$0x1] =	stream.linear.gather [hbm4b:s21+s3], $0x10, $0x38;
	[tilespmem:$0x10200] =	vst v63  }
0x5ae: {  	s22 =	sadd.s32 $0x70, s19;
	s19 =	sadd.s32 $0xF4280, s19;
	s21 =	smov.u32 s24  }
0x5af: {  	[tilespmem:s23], [sflag:$0x1] =	stream.linear.gather [hbm4b:s22+s3], $0x10, $0x38;
	[tilespmem:$0x10200] =	vst v63  }
0x5b0: {  	s20 =	sadd.s32 s20, s18;
	(v2sf) =	vpush v2, $0x5  }
0x5b1: {  	s21 =	sadd.s32 $0x40, s20  }
0x5b2: {  	[tilespmem:s21], [sflag:$0x1] =	stream.linear.gather [hbm4b:s19+s3], $0x10, $0x38;
	[tilespmem:$0x10200] =	vst v63  }
0x5b3: {  	s28 =	sadd.s32 $0x10, s19;
	s29 =	sadd.s32 $0xC0, s20  }
0x5b4: {  	[tilespmem:s29], [sflag:$0x1] =	stream.linear.gather [hbm4b:s28+s3], $0x10, $0x38;
	[tilespmem:$0x10200] =	vst v63  }
0x5b5: {  	s30 =	sadd.s32 $0x20, s19;
	s31 =	sadd.s32 $0x140, s20  }
0x5b6: {  	[tilespmem:s31], [sflag:$0x1] =	stream.linear.gather [hbm4b:s30+s3], $0x10, $0x38;
	[tilespmem:$0x10200] =	vst v63  }
0x5b7: {  	s23 =	sadd.s32 $0x30, s19;
	s24 =	sadd.s32 $0x1C0, s20  }
0x5b8: {  	[tilespmem:s24], [sflag:$0x1] =	stream.linear.gather [hbm4b:s23+s3], $0x10, $0x38;
	[tilespmem:$0x10200] =	vst v63  }
0x5b9: {  	s25 =	sadd.s32 $0x40, s19;
	s26 =	sadd.s32 $0x240, s20  }
0x5ba: {  	[tilespmem:s26], [sflag:$0x1] =	stream.linear.gather [hbm4b:s25+s3], $0x10, $0x38;
	[tilespmem:$0x10200] =	vst v63  }
0x5bb: {  	s28 =	sadd.s32 $0x50, s19;
	s29 =	sadd.s32 $0x2C0, s20  }
0x5bc: {  	[tilespmem:s29], [sflag:$0x1] =	stream.linear.gather [hbm4b:s28+s3], $0x10, $0x38;
	[tilespmem:$0x10200] =	vst v63  }
0x5bd: {  	s30 =	sadd.s32 $0x60, s19;
	s31 =	sadd.s32 $0x340, s20  }
0x5be: {  	[tilespmem:s31], [sflag:$0x1] =	stream.linear.gather [hbm4b:s30+s3], $0x10, $0x38;
	[tilespmem:$0x10200] =	vst v63  }
0x5bf: {  	s21 =	sadd.s32 $0x70, s19;
	s20 =	sadd.s32 $0x3C0, s20;
	s22 =	spop (v2sf)  }
0x5c0: {  	[tilespmem:s20], [sflag:$0x1] =	stream.linear.gather [hbm4b:s21+s3], $0x10, $0x38;
	[tilespmem:$0x10200] =	vst v63  }
0x5c1: {  	s23 =	sand.u32 $0xF, s22  }
0x5c2: {  	s24 =	sshra.s32 s22, $0x1F;
	p1 =	slt.s32 s22, $0x1;
	p2 =	sne.s32 s23, $0x0  }
0x5c3: {  	s25 =	sshrl.u32 s24, $0x1C;
	p1 =	por !p1, !p2  }
0x5c4: {  	s20 =	simm.s32 $0x1;
	s19 =	sadd.s32 s25, s22;
	p1 =	por !p1, !p1  }
0x5c5: {  	s19 =	sshra.s32 s19, $0x4;
	s20 =	simm.s32 @!p1 $0x0  }
0x5c6: {  	s19 =	ssub.s32 s19, s20  }
0x5c7: {  	s20 =	sshll.u32 s19, $0x7;
	s19 =	sshll.u32 s19, $0x4  }
0x5c8: {  	s20 =	sand.u32 $0xFFFFFC00, s20;
	s19 =	sand.u32 $0x70, s19  }
0x5c9: {  	s19 =	sor.u32 s19, s20  }
0x5ca: {  	s23 =	sadd.s32 $0x0, s18;
	s19 =	sshrl.u32 s19, $0x3  }
0x5cb: {  	s26 =	sadd.s32 $0x50, s23;
	s19 =	sadd.s32 s1, s19  }
0x5cc: {  	[tilespmem:s26], [sflag:$0x1] =	stream.linear.gather [hbm4b:s19+s3], $0x10, $0x38;
	[tilespmem:$0x10200] =	vst v63  }
0x5cd: {  	s29 =	sadd.s32 $0xD0, s23;
	s28 =	sadd.s32 $0x10, s19  }
0x5ce: {  	[tilespmem:s29], [sflag:$0x1] =	stream.linear.gather [hbm4b:s28+s3], $0x10, $0x38;
	[tilespmem:$0x10200] =	vst v63  }
0x5cf: {  	s21 =	simm.s32 $0x8000;
	s31 =	sadd.s32 $0x150, s23;
	s30 =	sadd.s32 $0x20, s19  }
0x5d0: {  	[tilespmem:s31], [sflag:$0x1] =	stream.linear.gather [hbm4b:s30+s3], $0x10, $0x38;
	[tilespmem:$0x10200] =	vst v63  }
0x5d1: {  	s24 =	sadd.s32 $0x1D0, s23;
	s20 =	simm.s32 $0x1000;
	s22 =	sadd.s32 $0x30, s19  }
0x5d2: {  	[tilespmem:s24], [sflag:$0x1] =	stream.linear.gather [hbm4b:s22+s3], $0x10, $0x38;
	[tilespmem:$0x10200] =	vst v63  }
0x5d3: {  	s25 =	sadd.s32 $0x40, s19;
	s26 =	sadd.s32 $0x250, s23;
	s28 =	sadd.s32 $0x50, s19  }
0x5d4: {  	[tilespmem:s26], [sflag:$0x1] =	stream.linear.gather [hbm4b:s25+s3], $0x10, $0x38;
	[tilespmem:$0x10200] =	vst v63  }
0x5d5: {  	s29 =	sadd.s32 $0x2D0, s23;
	s30 =	sadd.s32 $0x60, s19;
	s31 =	sadd.s32 $0x350, s23  }
0x5d6: {  	[tilespmem:s29], [sflag:$0x1] =	stream.linear.gather [hbm4b:s28+s3], $0x10, $0x38;
	[tilespmem:$0x10200] =	vst v63  }
0x5d7: {  	s23 =	sadd.s32 $0x3D0, s23;
	s22 =	sadd.s32 $0x70, s19;
	s19 =	sadd.s32 $0xF4280, s19  }
0x5d8: {  	[tilespmem:s31], [sflag:$0x1] =	stream.linear.gather [hbm4b:s30+s3], $0x10, $0x38;
	[tilespmem:$0x10200] =	vst v63  }
.LBB2_46:
0x5d9: {  	[tilespmem:s23], [sflag:$0x1] =	stream.linear.gather [hbm4b:s22+s3], $0x10, $0x38;
	[tilespmem:$0x10200] =	vst v63  }
0x5da: {  	s22 =	smov.u32 s21  }
0x5db: {  	s24 =	sadd.s32 $0x4000, s21;
	s23 =	sadd.s32 s20, s18;
	s20 =	sshra.s32 s22, $0x2  }
0x5dc: {  	p1 =	sne.s32 s21, $0x1C000;
	s21 =	sadd.s32 $0x50, s23  }
0x5dd: {  	[tilespmem:s21], [sflag:$0x1] =	stream.linear.gather [hbm4b:s19+s3], $0x10, $0x38;
	[tilespmem:$0x10200] =	vst v63  }
0x5de: {  	s22 =	sadd.s32 $0xD0, s23;
	s21 =	sadd.s32 $0x10, s19  }
0x5df: {  	[tilespmem:s22], [sflag:$0x1] =	stream.linear.gather [hbm4b:s21+s3], $0x10, $0x38;
	[tilespmem:$0x10200] =	vst v63  }
0x5e0: {  	s21 =	sadd.s32 $0x20, s19;
	s22 =	sadd.s32 $0x150, s23  }
0x5e1: {  	[tilespmem:s22], [sflag:$0x1] =	stream.linear.gather [hbm4b:s21+s3], $0x10, $0x38;
	[tilespmem:$0x10200] =	vst v63  }
0x5e2: {  	s21 =	sadd.s32 $0x30, s19;
	s22 =	sadd.s32 $0x1D0, s23  }
0x5e3: {  	[tilespmem:s22], [sflag:$0x1] =	stream.linear.gather [hbm4b:s21+s3], $0x10, $0x38;
	[tilespmem:$0x10200] =	vst v63  }
0x5e4: {  	s21 =	sadd.s32 $0x40, s19;
	s22 =	sadd.s32 $0x250, s23  }
0x5e5: {  	[tilespmem:s22], [sflag:$0x1] =	stream.linear.gather [hbm4b:s21+s3], $0x10, $0x38;
	[tilespmem:$0x10200] =	vst v63  }
.Ltmp26:
0x5e6: {  	s21 =	sadd.s32 $0x50, s19;
	s22 =	sadd.s32 $0x2D0, s23;
	(pc) =	sbr.rel @p1 .LBB2_46-.Ltmp26, $4  }
0x5e7: {  	[tilespmem:s22], [sflag:$0x1] =	stream.linear.gather [hbm4b:s21+s3], $0x10, $0x38;
	[tilespmem:$0x10200] =	vst v63  }
0x5e8: {  	s21 =	sadd.s32 $0x60, s19;
	s22 =	sadd.s32 $0x350, s23;
	s23 =	sadd.s32 $0x3D0, s23  }
0x5e9: {  	[tilespmem:s22], [sflag:$0x1] =	stream.linear.gather [hbm4b:s21+s3], $0x10, $0x38;
	[tilespmem:$0x10200] =	vst v63  }
0x5ea: {  	s22 =	sadd.s32 $0x70, s19;
	s19 =	sadd.s32 $0xF4280, s19;
	s21 =	smov.u32 s24  }
0x5eb: {  	[tilespmem:s23], [sflag:$0x1] =	stream.linear.gather [hbm4b:s22+s3], $0x10, $0x38;
	[tilespmem:$0x10200] =	vst v63  }
0x5ec: {  	s20 =	sadd.s32 s20, s18;
	(v2sf) =	vpush v2, $0x6  }
0x5ed: {  	s21 =	sadd.s32 $0x50, s20  }
0x5ee: {  	[tilespmem:s21], [sflag:$0x1] =	stream.linear.gather [hbm4b:s19+s3], $0x10, $0x38;
	[tilespmem:$0x10200] =	vst v63  }
0x5ef: {  	s28 =	sadd.s32 $0x10, s19;
	s29 =	sadd.s32 $0xD0, s20  }
0x5f0: {  	[tilespmem:s29], [sflag:$0x1] =	stream.linear.gather [hbm4b:s28+s3], $0x10, $0x38;
	[tilespmem:$0x10200] =	vst v63  }
0x5f1: {  	s30 =	sadd.s32 $0x20, s19;
	s31 =	sadd.s32 $0x150, s20  }
0x5f2: {  	[tilespmem:s31], [sflag:$0x1] =	stream.linear.gather [hbm4b:s30+s3], $0x10, $0x38;
	[tilespmem:$0x10200] =	vst v63  }
0x5f3: {  	s23 =	sadd.s32 $0x30, s19;
	s24 =	sadd.s32 $0x1D0, s20  }
0x5f4: {  	[tilespmem:s24], [sflag:$0x1] =	stream.linear.gather [hbm4b:s23+s3], $0x10, $0x38;
	[tilespmem:$0x10200] =	vst v63  }
0x5f5: {  	s25 =	sadd.s32 $0x40, s19;
	s26 =	sadd.s32 $0x250, s20  }
0x5f6: {  	[tilespmem:s26], [sflag:$0x1] =	stream.linear.gather [hbm4b:s25+s3], $0x10, $0x38;
	[tilespmem:$0x10200] =	vst v63  }
0x5f7: {  	s28 =	sadd.s32 $0x50, s19;
	s29 =	sadd.s32 $0x2D0, s20  }
0x5f8: {  	[tilespmem:s29], [sflag:$0x1] =	stream.linear.gather [hbm4b:s28+s3], $0x10, $0x38;
	[tilespmem:$0x10200] =	vst v63  }
0x5f9: {  	s30 =	sadd.s32 $0x60, s19;
	s31 =	sadd.s32 $0x350, s20  }
0x5fa: {  	[tilespmem:s31], [sflag:$0x1] =	stream.linear.gather [hbm4b:s30+s3], $0x10, $0x38;
	[tilespmem:$0x10200] =	vst v63  }
0x5fb: {  	s21 =	sadd.s32 $0x70, s19;
	s20 =	sadd.s32 $0x3D0, s20;
	s22 =	spop (v2sf)  }
0x5fc: {  	[tilespmem:s20], [sflag:$0x1] =	stream.linear.gather [hbm4b:s21+s3], $0x10, $0x38;
	[tilespmem:$0x10200] =	vst v63  }
0x5fd: {  	s23 =	sand.u32 $0xF, s22  }
0x5fe: {  	s24 =	sshra.s32 s22, $0x1F;
	p1 =	slt.s32 s22, $0x1;
	p2 =	sne.s32 s23, $0x0  }
0x5ff: {  	s25 =	sshrl.u32 s24, $0x1C;
	p1 =	por !p1, !p2  }
0x600: {  	s20 =	simm.s32 $0x1;
	s19 =	sadd.s32 s25, s22;
	p1 =	por !p1, !p1  }
0x601: {  	s19 =	sshra.s32 s19, $0x4;
	s20 =	simm.s32 @!p1 $0x0  }
0x602: {  	s19 =	ssub.s32 s19, s20  }
0x603: {  	s20 =	sshll.u32 s19, $0x7;
	s19 =	sshll.u32 s19, $0x4  }
0x604: {  	s20 =	sand.u32 $0xFFFFFC00, s20;
	s19 =	sand.u32 $0x70, s19  }
0x605: {  	s19 =	sor.u32 s19, s20  }
0x606: {  	s23 =	sadd.s32 $0x0, s18;
	s19 =	sshrl.u32 s19, $0x3  }
0x607: {  	s26 =	sadd.s32 $0x60, s23;
	s19 =	sadd.s32 s1, s19  }
0x608: {  	[tilespmem:s26], [sflag:$0x1] =	stream.linear.gather [hbm4b:s19+s3], $0x10, $0x38;
	[tilespmem:$0x10200] =	vst v63  }
0x609: {  	s29 =	sadd.s32 $0xE0, s23;
	s28 =	sadd.s32 $0x10, s19  }
0x60a: {  	[tilespmem:s29], [sflag:$0x1] =	stream.linear.gather [hbm4b:s28+s3], $0x10, $0x38;
	[tilespmem:$0x10200] =	vst v63  }
0x60b: {  	s21 =	simm.s32 $0x8000;
	s31 =	sadd.s32 $0x160, s23;
	s30 =	sadd.s32 $0x20, s19  }
0x60c: {  	[tilespmem:s31], [sflag:$0x1] =	stream.linear.gather [hbm4b:s30+s3], $0x10, $0x38;
	[tilespmem:$0x10200] =	vst v63  }
0x60d: {  	s24 =	sadd.s32 $0x1E0, s23;
	s20 =	simm.s32 $0x1000;
	s22 =	sadd.s32 $0x30, s19  }
0x60e: {  	[tilespmem:s24], [sflag:$0x1] =	stream.linear.gather [hbm4b:s22+s3], $0x10, $0x38;
	[tilespmem:$0x10200] =	vst v63  }
0x60f: {  	s25 =	sadd.s32 $0x40, s19;
	s26 =	sadd.s32 $0x260, s23;
	s28 =	sadd.s32 $0x50, s19  }
0x610: {  	[tilespmem:s26], [sflag:$0x1] =	stream.linear.gather [hbm4b:s25+s3], $0x10, $0x38;
	[tilespmem:$0x10200] =	vst v63  }
0x611: {  	s29 =	sadd.s32 $0x2E0, s23;
	s30 =	sadd.s32 $0x60, s19;
	s31 =	sadd.s32 $0x360, s23  }
0x612: {  	[tilespmem:s29], [sflag:$0x1] =	stream.linear.gather [hbm4b:s28+s3], $0x10, $0x38;
	[tilespmem:$0x10200] =	vst v63  }
0x613: {  	s23 =	sadd.s32 $0x3E0, s23;
	s22 =	sadd.s32 $0x70, s19;
	s19 =	sadd.s32 $0xF4280, s19  }
0x614: {  	[tilespmem:s31], [sflag:$0x1] =	stream.linear.gather [hbm4b:s30+s3], $0x10, $0x38;
	[tilespmem:$0x10200] =	vst v63  }
.LBB2_48:
0x615: {  	[tilespmem:s23], [sflag:$0x1] =	stream.linear.gather [hbm4b:s22+s3], $0x10, $0x38;
	[tilespmem:$0x10200] =	vst v63  }
0x616: {  	s22 =	smov.u32 s21  }
0x617: {  	s24 =	sadd.s32 $0x4000, s21;
	s23 =	sadd.s32 s20, s18;
	s20 =	sshra.s32 s22, $0x2  }
0x618: {  	p1 =	sne.s32 s21, $0x1C000;
	s21 =	sadd.s32 $0x60, s23  }
0x619: {  	[tilespmem:s21], [sflag:$0x1] =	stream.linear.gather [hbm4b:s19+s3], $0x10, $0x38;
	[tilespmem:$0x10200] =	vst v63  }
0x61a: {  	s22 =	sadd.s32 $0xE0, s23;
	s21 =	sadd.s32 $0x10, s19  }
0x61b: {  	[tilespmem:s22], [sflag:$0x1] =	stream.linear.gather [hbm4b:s21+s3], $0x10, $0x38;
	[tilespmem:$0x10200] =	vst v63  }
0x61c: {  	s21 =	sadd.s32 $0x20, s19;
	s22 =	sadd.s32 $0x160, s23  }
0x61d: {  	[tilespmem:s22], [sflag:$0x1] =	stream.linear.gather [hbm4b:s21+s3], $0x10, $0x38;
	[tilespmem:$0x10200] =	vst v63  }
0x61e: {  	s21 =	sadd.s32 $0x30, s19;
	s22 =	sadd.s32 $0x1E0, s23  }
0x61f: {  	[tilespmem:s22], [sflag:$0x1] =	stream.linear.gather [hbm4b:s21+s3], $0x10, $0x38;
	[tilespmem:$0x10200] =	vst v63  }
0x620: {  	s21 =	sadd.s32 $0x40, s19;
	s22 =	sadd.s32 $0x260, s23  }
0x621: {  	[tilespmem:s22], [sflag:$0x1] =	stream.linear.gather [hbm4b:s21+s3], $0x10, $0x38;
	[tilespmem:$0x10200] =	vst v63  }
.Ltmp27:
0x622: {  	s21 =	sadd.s32 $0x50, s19;
	s22 =	sadd.s32 $0x2E0, s23;
	(pc) =	sbr.rel @p1 .LBB2_48-.Ltmp27, $4  }
0x623: {  	[tilespmem:s22], [sflag:$0x1] =	stream.linear.gather [hbm4b:s21+s3], $0x10, $0x38;
	[tilespmem:$0x10200] =	vst v63  }
0x624: {  	s21 =	sadd.s32 $0x60, s19;
	s22 =	sadd.s32 $0x360, s23;
	s23 =	sadd.s32 $0x3E0, s23  }
0x625: {  	[tilespmem:s22], [sflag:$0x1] =	stream.linear.gather [hbm4b:s21+s3], $0x10, $0x38;
	[tilespmem:$0x10200] =	vst v63  }
0x626: {  	s22 =	sadd.s32 $0x70, s19;
	s19 =	sadd.s32 $0xF4280, s19;
	s21 =	smov.u32 s24  }
0x627: {  	[tilespmem:s23], [sflag:$0x1] =	stream.linear.gather [hbm4b:s22+s3], $0x10, $0x38;
	[tilespmem:$0x10200] =	vst v63  }
0x628: {  	s20 =	sadd.s32 s20, s18;
	(v2sf) =	vpush v2, $0x7  }
0x629: {  	s21 =	sadd.s32 $0x60, s20  }
0x62a: {  	[tilespmem:s21], [sflag:$0x1] =	stream.linear.gather [hbm4b:s19+s3], $0x10, $0x38;
	[tilespmem:$0x10200] =	vst v63  }
0x62b: {  	s28 =	sadd.s32 $0x10, s19;
	s29 =	sadd.s32 $0xE0, s20  }
0x62c: {  	[tilespmem:s29], [sflag:$0x1] =	stream.linear.gather [hbm4b:s28+s3], $0x10, $0x38;
	[tilespmem:$0x10200] =	vst v63  }
0x62d: {  	s30 =	sadd.s32 $0x20, s19;
	s31 =	sadd.s32 $0x160, s20  }
0x62e: {  	[tilespmem:s31], [sflag:$0x1] =	stream.linear.gather [hbm4b:s30+s3], $0x10, $0x38;
	[tilespmem:$0x10200] =	vst v63  }
0x62f: {  	s23 =	sadd.s32 $0x30, s19;
	s24 =	sadd.s32 $0x1E0, s20  }
0x630: {  	[tilespmem:s24], [sflag:$0x1] =	stream.linear.gather [hbm4b:s23+s3], $0x10, $0x38;
	[tilespmem:$0x10200] =	vst v63  }
0x631: {  	s25 =	sadd.s32 $0x40, s19;
	s26 =	sadd.s32 $0x260, s20  }
0x632: {  	[tilespmem:s26], [sflag:$0x1] =	stream.linear.gather [hbm4b:s25+s3], $0x10, $0x38;
	[tilespmem:$0x10200] =	vst v63  }
0x633: {  	s28 =	sadd.s32 $0x50, s19;
	s29 =	sadd.s32 $0x2E0, s20  }
0x634: {  	[tilespmem:s29], [sflag:$0x1] =	stream.linear.gather [hbm4b:s28+s3], $0x10, $0x38;
	[tilespmem:$0x10200] =	vst v63  }
0x635: {  	s30 =	sadd.s32 $0x60, s19;
	s31 =	sadd.s32 $0x360, s20  }
0x636: {  	[tilespmem:s31], [sflag:$0x1] =	stream.linear.gather [hbm4b:s30+s3], $0x10, $0x38;
	[tilespmem:$0x10200] =	vst v63  }
0x637: {  	s21 =	sadd.s32 $0x70, s19;
	s20 =	sadd.s32 $0x3E0, s20;
	s22 =	spop (v2sf)  }
0x638: {  	[tilespmem:s20], [sflag:$0x1] =	stream.linear.gather [hbm4b:s21+s3], $0x10, $0x38;
	[tilespmem:$0x10200] =	vst v63  }
0x639: {  	s23 =	sand.u32 $0xF, s22  }
0x63a: {  	s24 =	sshra.s32 s22, $0x1F;
	p1 =	slt.s32 s22, $0x1;
	p2 =	sne.s32 s23, $0x0  }
0x63b: {  	s25 =	sshrl.u32 s24, $0x1C;
	p1 =	por !p1, !p2  }
0x63c: {  	s20 =	simm.s32 $0x1;
	s19 =	sadd.s32 s25, s22;
	p1 =	por !p1, !p1  }
0x63d: {  	s19 =	sshra.s32 s19, $0x4;
	s20 =	simm.s32 @!p1 $0x0  }
0x63e: {  	s19 =	ssub.s32 s19, s20  }
0x63f: {  	s20 =	sshll.u32 s19, $0x7;
	s19 =	sshll.u32 s19, $0x4  }
0x640: {  	s20 =	sand.u32 $0xFFFFFC00, s20;
	s19 =	sand.u32 $0x70, s19  }
0x641: {  	s19 =	sor.u32 s19, s20  }
0x642: {  	s23 =	sadd.s32 $0x0, s18;
	s19 =	sshrl.u32 s19, $0x3  }
0x643: {  	s26 =	sadd.s32 $0x70, s23;
	s19 =	sadd.s32 s1, s19  }
0x644: {  	[tilespmem:s26], [sflag:$0x1] =	stream.linear.gather [hbm4b:s19+s3], $0x10, $0x38;
	[tilespmem:$0x10200] =	vst v63  }
0x645: {  	s29 =	sadd.s32 $0xF0, s23;
	s28 =	sadd.s32 $0x10, s19  }
0x646: {  	[tilespmem:s29], [sflag:$0x1] =	stream.linear.gather [hbm4b:s28+s3], $0x10, $0x38;
	[tilespmem:$0x10200] =	vst v63  }
0x647: {  	s21 =	simm.s32 $0x8000;
	s31 =	sadd.s32 $0x170, s23;
	s30 =	sadd.s32 $0x20, s19  }
0x648: {  	[tilespmem:s31], [sflag:$0x1] =	stream.linear.gather [hbm4b:s30+s3], $0x10, $0x38;
	[tilespmem:$0x10200] =	vst v63  }
0x649: {  	s24 =	sadd.s32 $0x1F0, s23;
	s20 =	simm.s32 $0x1000;
	s22 =	sadd.s32 $0x30, s19  }
0x64a: {  	[tilespmem:s24], [sflag:$0x1] =	stream.linear.gather [hbm4b:s22+s3], $0x10, $0x38;
	[tilespmem:$0x10200] =	vst v63  }
0x64b: {  	s25 =	sadd.s32 $0x40, s19;
	s26 =	sadd.s32 $0x270, s23;
	s28 =	sadd.s32 $0x50, s19  }
0x64c: {  	[tilespmem:s26], [sflag:$0x1] =	stream.linear.gather [hbm4b:s25+s3], $0x10, $0x38;
	[tilespmem:$0x10200] =	vst v63  }
0x64d: {  	s29 =	sadd.s32 $0x2F0, s23;
	s30 =	sadd.s32 $0x60, s19;
	s31 =	sadd.s32 $0x370, s23  }
0x64e: {  	[tilespmem:s29], [sflag:$0x1] =	stream.linear.gather [hbm4b:s28+s3], $0x10, $0x38;
	[tilespmem:$0x10200] =	vst v63  }
0x64f: {  	s23 =	sadd.s32 $0x3F0, s23;
	s22 =	sadd.s32 $0x70, s19;
	s19 =	sadd.s32 $0xF4280, s19  }
0x650: {  	[tilespmem:s31], [sflag:$0x1] =	stream.linear.gather [hbm4b:s30+s3], $0x10, $0x38;
	[tilespmem:$0x10200] =	vst v63  }
.LBB2_50:
0x651: {  	[tilespmem:s23], [sflag:$0x1] =	stream.linear.gather [hbm4b:s22+s3], $0x10, $0x38;
	[tilespmem:$0x10200] =	vst v63  }
0x652: {  	s22 =	smov.u32 s21  }
0x653: {  	s24 =	sadd.s32 $0x4000, s21;
	s23 =	sadd.s32 s20, s18;
	s20 =	sshra.s32 s22, $0x2  }
0x654: {  	p1 =	sne.s32 s21, $0x1C000;
	s21 =	sadd.s32 $0x70, s23  }
0x655: {  	[tilespmem:s21], [sflag:$0x1] =	stream.linear.gather [hbm4b:s19+s3], $0x10, $0x38;
	[tilespmem:$0x10200] =	vst v63  }
0x656: {  	s22 =	sadd.s32 $0xF0, s23;
	s21 =	sadd.s32 $0x10, s19  }
0x657: {  	[tilespmem:s22], [sflag:$0x1] =	stream.linear.gather [hbm4b:s21+s3], $0x10, $0x38;
	[tilespmem:$0x10200] =	vst v63  }
0x658: {  	s21 =	sadd.s32 $0x20, s19;
	s22 =	sadd.s32 $0x170, s23  }
0x659: {  	[tilespmem:s22], [sflag:$0x1] =	stream.linear.gather [hbm4b:s21+s3], $0x10, $0x38;
	[tilespmem:$0x10200] =	vst v63  }
0x65a: {  	s21 =	sadd.s32 $0x30, s19;
	s22 =	sadd.s32 $0x1F0, s23  }
0x65b: {  	[tilespmem:s22], [sflag:$0x1] =	stream.linear.gather [hbm4b:s21+s3], $0x10, $0x38;
	[tilespmem:$0x10200] =	vst v63  }
0x65c: {  	s21 =	sadd.s32 $0x40, s19;
	s22 =	sadd.s32 $0x270, s23  }
0x65d: {  	[tilespmem:s22], [sflag:$0x1] =	stream.linear.gather [hbm4b:s21+s3], $0x10, $0x38;
	[tilespmem:$0x10200] =	vst v63  }
.Ltmp28:
0x65e: {  	s21 =	sadd.s32 $0x50, s19;
	s22 =	sadd.s32 $0x2F0, s23;
	(pc) =	sbr.rel @p1 .LBB2_50-.Ltmp28, $4  }
0x65f: {  	[tilespmem:s22], [sflag:$0x1] =	stream.linear.gather [hbm4b:s21+s3], $0x10, $0x38;
	[tilespmem:$0x10200] =	vst v63  }
0x660: {  	s21 =	sadd.s32 $0x60, s19;
	s22 =	sadd.s32 $0x370, s23;
	s23 =	sadd.s32 $0x3F0, s23  }
0x661: {  	[tilespmem:s22], [sflag:$0x1] =	stream.linear.gather [hbm4b:s21+s3], $0x10, $0x38;
	[tilespmem:$0x10200] =	vst v63  }
0x662: {  	s22 =	sadd.s32 $0x70, s19;
	s19 =	sadd.s32 $0xF4280, s19;
	s21 =	smov.u32 s24  }
0x663: {  	[tilespmem:s23], [sflag:$0x1] =	stream.linear.gather [hbm4b:s22+s3], $0x10, $0x38;
	[tilespmem:$0x10200] =	vst v63  }
0x664: {  	s20 =	sadd.s32 s20, s18;
	(v2sf) =	vpush v2, $0x8  }
0x665: {  	s21 =	sadd.s32 $0x70, s20  }
0x666: {  	[tilespmem:s21], [sflag:$0x1] =	stream.linear.gather [hbm4b:s19+s3], $0x10, $0x38;
	[tilespmem:$0x10200] =	vst v63  }
0x667: {  	s28 =	sadd.s32 $0x10, s19;
	s29 =	sadd.s32 $0xF0, s20  }
0x668: {  	[tilespmem:s29], [sflag:$0x1] =	stream.linear.gather [hbm4b:s28+s3], $0x10, $0x38;
	[tilespmem:$0x10200] =	vst v63  }
0x669: {  	s30 =	sadd.s32 $0x20, s19;
	s31 =	sadd.s32 $0x170, s20  }
0x66a: {  	[tilespmem:s31], [sflag:$0x1] =	stream.linear.gather [hbm4b:s30+s3], $0x10, $0x38;
	[tilespmem:$0x10200] =	vst v63  }
0x66b: {  	s23 =	sadd.s32 $0x30, s19;
	s24 =	sadd.s32 $0x1F0, s20  }
0x66c: {  	[tilespmem:s24], [sflag:$0x1] =	stream.linear.gather [hbm4b:s23+s3], $0x10, $0x38;
	[tilespmem:$0x10200] =	vst v63  }
0x66d: {  	s25 =	sadd.s32 $0x40, s19;
	s26 =	sadd.s32 $0x270, s20  }
0x66e: {  	[tilespmem:s26], [sflag:$0x1] =	stream.linear.gather [hbm4b:s25+s3], $0x10, $0x38;
	[tilespmem:$0x10200] =	vst v63  }
0x66f: {  	s28 =	sadd.s32 $0x50, s19;
	s29 =	sadd.s32 $0x2F0, s20  }
0x670: {  	[tilespmem:s29], [sflag:$0x1] =	stream.linear.gather [hbm4b:s28+s3], $0x10, $0x38;
	[tilespmem:$0x10200] =	vst v63  }
0x671: {  	s30 =	sadd.s32 $0x60, s19;
	s31 =	sadd.s32 $0x370, s20  }
0x672: {  	[tilespmem:s31], [sflag:$0x1] =	stream.linear.gather [hbm4b:s30+s3], $0x10, $0x38;
	[tilespmem:$0x10200] =	vst v63  }
0x673: {  	s21 =	sadd.s32 $0x70, s19;
	s20 =	sadd.s32 $0x3F0, s20;
	s22 =	spop (v2sf)  }
0x674: {  	[tilespmem:s20], [sflag:$0x1] =	stream.linear.gather [hbm4b:s21+s3], $0x10, $0x38;
	[tilespmem:$0x10200] =	vst v63  }
0x675: {  	s23 =	sand.u32 $0xF, s22  }
0x676: {  	s24 =	sshra.s32 s22, $0x1F;
	p1 =	slt.s32 s22, $0x1;
	p2 =	sne.s32 s23, $0x0  }
0x677: {  	s25 =	sshrl.u32 s24, $0x1C;
	p1 =	por !p1, !p2  }
0x678: {  	s20 =	simm.s32 $0x1;
	s19 =	sadd.s32 s25, s22;
	p1 =	por !p1, !p1  }
0x679: {  	s19 =	sshra.s32 s19, $0x4;
	s20 =	simm.s32 @!p1 $0x0  }
0x67a: {  	s19 =	ssub.s32 s19, s20  }
0x67b: {  	s20 =	sshll.u32 s19, $0x7;
	s19 =	sshll.u32 s19, $0x4  }
0x67c: {  	s20 =	sand.u32 $0xFFFFFC00, s20;
	s19 =	sand.u32 $0x70, s19  }
0x67d: {  	s19 =	sor.u32 s19, s20  }
0x67e: {  	s23 =	sadd.s32 $0x0, s18;
	s19 =	sshrl.u32 s19, $0x3  }
0x67f: {  	s26 =	sadd.s32 $0x400, s23;
	s19 =	sadd.s32 s1, s19  }
0x680: {  	[tilespmem:s26], [sflag:$0x1] =	stream.linear.gather [hbm4b:s19+s3], $0x10, $0x38;
	[tilespmem:$0x10200] =	vst v63  }
0x681: {  	s29 =	sadd.s32 $0x480, s23;
	s28 =	sadd.s32 $0x10, s19  }
0x682: {  	[tilespmem:s29], [sflag:$0x1] =	stream.linear.gather [hbm4b:s28+s3], $0x10, $0x38;
	[tilespmem:$0x10200] =	vst v63  }
0x683: {  	s21 =	simm.s32 $0x8000;
	s31 =	sadd.s32 $0x500, s23;
	s30 =	sadd.s32 $0x20, s19  }
0x684: {  	[tilespmem:s31], [sflag:$0x1] =	stream.linear.gather [hbm4b:s30+s3], $0x10, $0x38;
	[tilespmem:$0x10200] =	vst v63  }
0x685: {  	s24 =	sadd.s32 $0x580, s23;
	s20 =	simm.s32 $0x1000;
	s22 =	sadd.s32 $0x30, s19  }
0x686: {  	[tilespmem:s24], [sflag:$0x1] =	stream.linear.gather [hbm4b:s22+s3], $0x10, $0x38;
	[tilespmem:$0x10200] =	vst v63  }
0x687: {  	s25 =	sadd.s32 $0x40, s19;
	s26 =	sadd.s32 $0x600, s23;
	s28 =	sadd.s32 $0x50, s19  }
0x688: {  	[tilespmem:s26], [sflag:$0x1] =	stream.linear.gather [hbm4b:s25+s3], $0x10, $0x38;
	[tilespmem:$0x10200] =	vst v63  }
0x689: {  	s29 =	sadd.s32 $0x680, s23;
	s30 =	sadd.s32 $0x60, s19;
	s31 =	sadd.s32 $0x700, s23  }
0x68a: {  	[tilespmem:s29], [sflag:$0x1] =	stream.linear.gather [hbm4b:s28+s3], $0x10, $0x38;
	[tilespmem:$0x10200] =	vst v63  }
0x68b: {  	s23 =	sadd.s32 $0x780, s23;
	s22 =	sadd.s32 $0x70, s19;
	s19 =	sadd.s32 $0xF4280, s19  }
0x68c: {  	[tilespmem:s31], [sflag:$0x1] =	stream.linear.gather [hbm4b:s30+s3], $0x10, $0x38;
	[tilespmem:$0x10200] =	vst v63  }
.LBB2_52:
0x68d: {  	[tilespmem:s23], [sflag:$0x1] =	stream.linear.gather [hbm4b:s22+s3], $0x10, $0x38;
	[tilespmem:$0x10200] =	vst v63  }
0x68e: {  	s22 =	smov.u32 s21  }
0x68f: {  	s24 =	sadd.s32 $0x4000, s21;
	s23 =	sadd.s32 s20, s18;
	s20 =	sshra.s32 s22, $0x2  }
0x690: {  	p1 =	sne.s32 s21, $0x1C000;
	s21 =	sadd.s32 $0x400, s23  }
0x691: {  	[tilespmem:s21], [sflag:$0x1] =	stream.linear.gather [hbm4b:s19+s3], $0x10, $0x38;
	[tilespmem:$0x10200] =	vst v63  }
0x692: {  	s22 =	sadd.s32 $0x480, s23;
	s21 =	sadd.s32 $0x10, s19  }
0x693: {  	[tilespmem:s22], [sflag:$0x1] =	stream.linear.gather [hbm4b:s21+s3], $0x10, $0x38;
	[tilespmem:$0x10200] =	vst v63  }
0x694: {  	s21 =	sadd.s32 $0x20, s19;
	s22 =	sadd.s32 $0x500, s23  }
0x695: {  	[tilespmem:s22], [sflag:$0x1] =	stream.linear.gather [hbm4b:s21+s3], $0x10, $0x38;
	[tilespmem:$0x10200] =	vst v63  }
0x696: {  	s21 =	sadd.s32 $0x30, s19;
	s22 =	sadd.s32 $0x580, s23  }
0x697: {  	[tilespmem:s22], [sflag:$0x1] =	stream.linear.gather [hbm4b:s21+s3], $0x10, $0x38;
	[tilespmem:$0x10200] =	vst v63  }
0x698: {  	s21 =	sadd.s32 $0x40, s19;
	s22 =	sadd.s32 $0x600, s23  }
0x699: {  	[tilespmem:s22], [sflag:$0x1] =	stream.linear.gather [hbm4b:s21+s3], $0x10, $0x38;
	[tilespmem:$0x10200] =	vst v63  }
.Ltmp29:
0x69a: {  	s21 =	sadd.s32 $0x50, s19;
	s22 =	sadd.s32 $0x680, s23;
	(pc) =	sbr.rel @p1 .LBB2_52-.Ltmp29, $4  }
0x69b: {  	[tilespmem:s22], [sflag:$0x1] =	stream.linear.gather [hbm4b:s21+s3], $0x10, $0x38;
	[tilespmem:$0x10200] =	vst v63  }
0x69c: {  	s21 =	sadd.s32 $0x60, s19;
	s22 =	sadd.s32 $0x700, s23;
	s23 =	sadd.s32 $0x780, s23  }
0x69d: {  	[tilespmem:s22], [sflag:$0x1] =	stream.linear.gather [hbm4b:s21+s3], $0x10, $0x38;
	[tilespmem:$0x10200] =	vst v63  }
0x69e: {  	s22 =	sadd.s32 $0x70, s19;
	s19 =	sadd.s32 $0xF4280, s19;
	s21 =	smov.u32 s24  }
0x69f: {  	[tilespmem:s23], [sflag:$0x1] =	stream.linear.gather [hbm4b:s22+s3], $0x10, $0x38;
	[tilespmem:$0x10200] =	vst v63  }
0x6a0: {  	s20 =	sadd.s32 s20, s18;
	(v2sf) =	vpush v2, $0x9  }
0x6a1: {  	s21 =	sadd.s32 $0x400, s20  }
0x6a2: {  	[tilespmem:s21], [sflag:$0x1] =	stream.linear.gather [hbm4b:s19+s3], $0x10, $0x38;
	[tilespmem:$0x10200] =	vst v63  }
0x6a3: {  	s28 =	sadd.s32 $0x10, s19;
	s29 =	sadd.s32 $0x480, s20  }
0x6a4: {  	[tilespmem:s29], [sflag:$0x1] =	stream.linear.gather [hbm4b:s28+s3], $0x10, $0x38;
	[tilespmem:$0x10200] =	vst v63  }
0x6a5: {  	s30 =	sadd.s32 $0x20, s19;
	s31 =	sadd.s32 $0x500, s20  }
0x6a6: {  	[tilespmem:s31], [sflag:$0x1] =	stream.linear.gather [hbm4b:s30+s3], $0x10, $0x38;
	[tilespmem:$0x10200] =	vst v63  }
0x6a7: {  	s23 =	sadd.s32 $0x30, s19;
	s24 =	sadd.s32 $0x580, s20  }
0x6a8: {  	[tilespmem:s24], [sflag:$0x1] =	stream.linear.gather [hbm4b:s23+s3], $0x10, $0x38;
	[tilespmem:$0x10200] =	vst v63  }
0x6a9: {  	s25 =	sadd.s32 $0x40, s19;
	s26 =	sadd.s32 $0x600, s20  }
0x6aa: {  	[tilespmem:s26], [sflag:$0x1] =	stream.linear.gather [hbm4b:s25+s3], $0x10, $0x38;
	[tilespmem:$0x10200] =	vst v63  }
0x6ab: {  	s28 =	sadd.s32 $0x50, s19;
	s29 =	sadd.s32 $0x680, s20  }
0x6ac: {  	[tilespmem:s29], [sflag:$0x1] =	stream.linear.gather [hbm4b:s28+s3], $0x10, $0x38;
	[tilespmem:$0x10200] =	vst v63  }
0x6ad: {  	s30 =	sadd.s32 $0x60, s19;
	s31 =	sadd.s32 $0x700, s20  }
0x6ae: {  	[tilespmem:s31], [sflag:$0x1] =	stream.linear.gather [hbm4b:s30+s3], $0x10, $0x38;
	[tilespmem:$0x10200] =	vst v63  }
0x6af: {  	s21 =	sadd.s32 $0x70, s19;
	s20 =	sadd.s32 $0x780, s20;
	s22 =	spop (v2sf)  }
0x6b0: {  	[tilespmem:s20], [sflag:$0x1] =	stream.linear.gather [hbm4b:s21+s3], $0x10, $0x38;
	[tilespmem:$0x10200] =	vst v63  }
0x6b1: {  	s23 =	sand.u32 $0xF, s22  }
0x6b2: {  	s24 =	sshra.s32 s22, $0x1F;
	p1 =	slt.s32 s22, $0x1;
	p2 =	sne.s32 s23, $0x0  }
0x6b3: {  	s25 =	sshrl.u32 s24, $0x1C;
	p1 =	por !p1, !p2  }
0x6b4: {  	s20 =	simm.s32 $0x1;
	s19 =	sadd.s32 s25, s22;
	p1 =	por !p1, !p1  }
0x6b5: {  	s19 =	sshra.s32 s19, $0x4;
	s20 =	simm.s32 @!p1 $0x0  }
0x6b6: {  	s19 =	ssub.s32 s19, s20  }
0x6b7: {  	s20 =	sshll.u32 s19, $0x7;
	s19 =	sshll.u32 s19, $0x4  }
0x6b8: {  	s20 =	sand.u32 $0xFFFFFC00, s20;
	s19 =	sand.u32 $0x70, s19  }
0x6b9: {  	s19 =	sor.u32 s19, s20  }
0x6ba: {  	s23 =	sadd.s32 $0x0, s18;
	s19 =	sshrl.u32 s19, $0x3  }
0x6bb: {  	s26 =	sadd.s32 $0x410, s23;
	s19 =	sadd.s32 s1, s19  }
0x6bc: {  	[tilespmem:s26], [sflag:$0x1] =	stream.linear.gather [hbm4b:s19+s3], $0x10, $0x38;
	[tilespmem:$0x10200] =	vst v63  }
0x6bd: {  	s29 =	sadd.s32 $0x490, s23;
	s28 =	sadd.s32 $0x10, s19  }
0x6be: {  	[tilespmem:s29], [sflag:$0x1] =	stream.linear.gather [hbm4b:s28+s3], $0x10, $0x38;
	[tilespmem:$0x10200] =	vst v63  }
0x6bf: {  	s21 =	simm.s32 $0x8000;
	s31 =	sadd.s32 $0x510, s23;
	s30 =	sadd.s32 $0x20, s19  }
0x6c0: {  	[tilespmem:s31], [sflag:$0x1] =	stream.linear.gather [hbm4b:s30+s3], $0x10, $0x38;
	[tilespmem:$0x10200] =	vst v63  }
0x6c1: {  	s24 =	sadd.s32 $0x590, s23;
	s20 =	simm.s32 $0x1000;
	s22 =	sadd.s32 $0x30, s19  }
0x6c2: {  	[tilespmem:s24], [sflag:$0x1] =	stream.linear.gather [hbm4b:s22+s3], $0x10, $0x38;
	[tilespmem:$0x10200] =	vst v63  }
0x6c3: {  	s25 =	sadd.s32 $0x40, s19;
	s26 =	sadd.s32 $0x610, s23;
	s28 =	sadd.s32 $0x50, s19  }
0x6c4: {  	[tilespmem:s26], [sflag:$0x1] =	stream.linear.gather [hbm4b:s25+s3], $0x10, $0x38;
	[tilespmem:$0x10200] =	vst v63  }
0x6c5: {  	s29 =	sadd.s32 $0x690, s23;
	s30 =	sadd.s32 $0x60, s19;
	s31 =	sadd.s32 $0x710, s23  }
0x6c6: {  	[tilespmem:s29], [sflag:$0x1] =	stream.linear.gather [hbm4b:s28+s3], $0x10, $0x38;
	[tilespmem:$0x10200] =	vst v63  }
0x6c7: {  	s23 =	sadd.s32 $0x790, s23;
	s22 =	sadd.s32 $0x70, s19;
	s19 =	sadd.s32 $0xF4280, s19  }
0x6c8: {  	[tilespmem:s31], [sflag:$0x1] =	stream.linear.gather [hbm4b:s30+s3], $0x10, $0x38;
	[tilespmem:$0x10200] =	vst v63  }
.LBB2_54:
0x6c9: {  	[tilespmem:s23], [sflag:$0x1] =	stream.linear.gather [hbm4b:s22+s3], $0x10, $0x38;
	[tilespmem:$0x10200] =	vst v63  }
0x6ca: {  	s22 =	smov.u32 s21  }
0x6cb: {  	s24 =	sadd.s32 $0x4000, s21;
	s23 =	sadd.s32 s20, s18;
	s20 =	sshra.s32 s22, $0x2  }
0x6cc: {  	p1 =	sne.s32 s21, $0x1C000;
	s21 =	sadd.s32 $0x410, s23  }
0x6cd: {  	[tilespmem:s21], [sflag:$0x1] =	stream.linear.gather [hbm4b:s19+s3], $0x10, $0x38;
	[tilespmem:$0x10200] =	vst v63  }
0x6ce: {  	s22 =	sadd.s32 $0x490, s23;
	s21 =	sadd.s32 $0x10, s19  }
0x6cf: {  	[tilespmem:s22], [sflag:$0x1] =	stream.linear.gather [hbm4b:s21+s3], $0x10, $0x38;
	[tilespmem:$0x10200] =	vst v63  }
0x6d0: {  	s21 =	sadd.s32 $0x20, s19;
	s22 =	sadd.s32 $0x510, s23  }
0x6d1: {  	[tilespmem:s22], [sflag:$0x1] =	stream.linear.gather [hbm4b:s21+s3], $0x10, $0x38;
	[tilespmem:$0x10200] =	vst v63  }
0x6d2: {  	s21 =	sadd.s32 $0x30, s19;
	s22 =	sadd.s32 $0x590, s23  }
0x6d3: {  	[tilespmem:s22], [sflag:$0x1] =	stream.linear.gather [hbm4b:s21+s3], $0x10, $0x38;
	[tilespmem:$0x10200] =	vst v63  }
0x6d4: {  	s21 =	sadd.s32 $0x40, s19;
	s22 =	sadd.s32 $0x610, s23  }
0x6d5: {  	[tilespmem:s22], [sflag:$0x1] =	stream.linear.gather [hbm4b:s21+s3], $0x10, $0x38;
	[tilespmem:$0x10200] =	vst v63  }
.Ltmp30:
0x6d6: {  	s21 =	sadd.s32 $0x50, s19;
	s22 =	sadd.s32 $0x690, s23;
	(pc) =	sbr.rel @p1 .LBB2_54-.Ltmp30, $4  }
0x6d7: {  	[tilespmem:s22], [sflag:$0x1] =	stream.linear.gather [hbm4b:s21+s3], $0x10, $0x38;
	[tilespmem:$0x10200] =	vst v63  }
0x6d8: {  	s21 =	sadd.s32 $0x60, s19;
	s22 =	sadd.s32 $0x710, s23;
	s23 =	sadd.s32 $0x790, s23  }
0x6d9: {  	[tilespmem:s22], [sflag:$0x1] =	stream.linear.gather [hbm4b:s21+s3], $0x10, $0x38;
	[tilespmem:$0x10200] =	vst v63  }
0x6da: {  	s22 =	sadd.s32 $0x70, s19;
	s19 =	sadd.s32 $0xF4280, s19;
	s21 =	smov.u32 s24  }
0x6db: {  	[tilespmem:s23], [sflag:$0x1] =	stream.linear.gather [hbm4b:s22+s3], $0x10, $0x38;
	[tilespmem:$0x10200] =	vst v63  }
0x6dc: {  	s20 =	sadd.s32 s20, s18;
	(v2sf) =	vpush v2, $0xA  }
0x6dd: {  	s21 =	sadd.s32 $0x410, s20  }
0x6de: {  	[tilespmem:s21], [sflag:$0x1] =	stream.linear.gather [hbm4b:s19+s3], $0x10, $0x38;
	[tilespmem:$0x10200] =	vst v63  }
0x6df: {  	s28 =	sadd.s32 $0x10, s19;
	s29 =	sadd.s32 $0x490, s20  }
0x6e0: {  	[tilespmem:s29], [sflag:$0x1] =	stream.linear.gather [hbm4b:s28+s3], $0x10, $0x38;
	[tilespmem:$0x10200] =	vst v63  }
0x6e1: {  	s30 =	sadd.s32 $0x20, s19;
	s31 =	sadd.s32 $0x510, s20  }
0x6e2: {  	[tilespmem:s31], [sflag:$0x1] =	stream.linear.gather [hbm4b:s30+s3], $0x10, $0x38;
	[tilespmem:$0x10200] =	vst v63  }
0x6e3: {  	s23 =	sadd.s32 $0x30, s19;
	s24 =	sadd.s32 $0x590, s20  }
0x6e4: {  	[tilespmem:s24], [sflag:$0x1] =	stream.linear.gather [hbm4b:s23+s3], $0x10, $0x38;
	[tilespmem:$0x10200] =	vst v63  }
0x6e5: {  	s25 =	sadd.s32 $0x40, s19;
	s26 =	sadd.s32 $0x610, s20  }
0x6e6: {  	[tilespmem:s26], [sflag:$0x1] =	stream.linear.gather [hbm4b:s25+s3], $0x10, $0x38;
	[tilespmem:$0x10200] =	vst v63  }
0x6e7: {  	s28 =	sadd.s32 $0x50, s19;
	s29 =	sadd.s32 $0x690, s20  }
0x6e8: {  	[tilespmem:s29], [sflag:$0x1] =	stream.linear.gather [hbm4b:s28+s3], $0x10, $0x38;
	[tilespmem:$0x10200] =	vst v63  }
0x6e9: {  	s30 =	sadd.s32 $0x60, s19;
	s31 =	sadd.s32 $0x710, s20  }
0x6ea: {  	[tilespmem:s31], [sflag:$0x1] =	stream.linear.gather [hbm4b:s30+s3], $0x10, $0x38;
	[tilespmem:$0x10200] =	vst v63  }
0x6eb: {  	s21 =	sadd.s32 $0x70, s19;
	s20 =	sadd.s32 $0x790, s20;
	s22 =	spop (v2sf)  }
0x6ec: {  	[tilespmem:s20], [sflag:$0x1] =	stream.linear.gather [hbm4b:s21+s3], $0x10, $0x38;
	[tilespmem:$0x10200] =	vst v63  }
0x6ed: {  	s23 =	sand.u32 $0xF, s22  }
0x6ee: {  	s24 =	sshra.s32 s22, $0x1F;
	p1 =	slt.s32 s22, $0x1;
	p2 =	sne.s32 s23, $0x0  }
0x6ef: {  	s25 =	sshrl.u32 s24, $0x1C;
	p1 =	por !p1, !p2  }
0x6f0: {  	s20 =	simm.s32 $0x1;
	s19 =	sadd.s32 s25, s22;
	p1 =	por !p1, !p1  }
0x6f1: {  	s19 =	sshra.s32 s19, $0x4;
	s20 =	simm.s32 @!p1 $0x0  }
0x6f2: {  	s19 =	ssub.s32 s19, s20  }
0x6f3: {  	s20 =	sshll.u32 s19, $0x7;
	s19 =	sshll.u32 s19, $0x4  }
0x6f4: {  	s20 =	sand.u32 $0xFFFFFC00, s20;
	s19 =	sand.u32 $0x70, s19  }
0x6f5: {  	s19 =	sor.u32 s19, s20  }
0x6f6: {  	s23 =	sadd.s32 $0x0, s18;
	s19 =	sshrl.u32 s19, $0x3  }
0x6f7: {  	s26 =	sadd.s32 $0x420, s23;
	s19 =	sadd.s32 s1, s19  }
0x6f8: {  	[tilespmem:s26], [sflag:$0x1] =	stream.linear.gather [hbm4b:s19+s3], $0x10, $0x38;
	[tilespmem:$0x10200] =	vst v63  }
0x6f9: {  	s29 =	sadd.s32 $0x4A0, s23;
	s28 =	sadd.s32 $0x10, s19  }
0x6fa: {  	[tilespmem:s29], [sflag:$0x1] =	stream.linear.gather [hbm4b:s28+s3], $0x10, $0x38;
	[tilespmem:$0x10200] =	vst v63  }
0x6fb: {  	s21 =	simm.s32 $0x8000;
	s31 =	sadd.s32 $0x520, s23;
	s30 =	sadd.s32 $0x20, s19  }
0x6fc: {  	[tilespmem:s31], [sflag:$0x1] =	stream.linear.gather [hbm4b:s30+s3], $0x10, $0x38;
	[tilespmem:$0x10200] =	vst v63  }
0x6fd: {  	s24 =	sadd.s32 $0x5A0, s23;
	s20 =	simm.s32 $0x1000;
	s22 =	sadd.s32 $0x30, s19  }
0x6fe: {  	[tilespmem:s24], [sflag:$0x1] =	stream.linear.gather [hbm4b:s22+s3], $0x10, $0x38;
	[tilespmem:$0x10200] =	vst v63  }
0x6ff: {  	s25 =	sadd.s32 $0x40, s19;
	s26 =	sadd.s32 $0x620, s23;
	s28 =	sadd.s32 $0x50, s19  }
0x700: {  	[tilespmem:s26], [sflag:$0x1] =	stream.linear.gather [hbm4b:s25+s3], $0x10, $0x38;
	[tilespmem:$0x10200] =	vst v63  }
0x701: {  	s29 =	sadd.s32 $0x6A0, s23;
	s30 =	sadd.s32 $0x60, s19;
	s31 =	sadd.s32 $0x720, s23  }
0x702: {  	[tilespmem:s29], [sflag:$0x1] =	stream.linear.gather [hbm4b:s28+s3], $0x10, $0x38;
	[tilespmem:$0x10200] =	vst v63  }
0x703: {  	s23 =	sadd.s32 $0x7A0, s23;
	s22 =	sadd.s32 $0x70, s19;
	s19 =	sadd.s32 $0xF4280, s19  }
0x704: {  	[tilespmem:s31], [sflag:$0x1] =	stream.linear.gather [hbm4b:s30+s3], $0x10, $0x38;
	[tilespmem:$0x10200] =	vst v63  }
.LBB2_56:
0x705: {  	[tilespmem:s23], [sflag:$0x1] =	stream.linear.gather [hbm4b:s22+s3], $0x10, $0x38;
	[tilespmem:$0x10200] =	vst v63  }
0x706: {  	s22 =	smov.u32 s21  }
0x707: {  	s24 =	sadd.s32 $0x4000, s21;
	s23 =	sadd.s32 s20, s18;
	s20 =	sshra.s32 s22, $0x2  }
0x708: {  	p1 =	sne.s32 s21, $0x1C000;
	s21 =	sadd.s32 $0x420, s23  }
0x709: {  	[tilespmem:s21], [sflag:$0x1] =	stream.linear.gather [hbm4b:s19+s3], $0x10, $0x38;
	[tilespmem:$0x10200] =	vst v63  }
0x70a: {  	s22 =	sadd.s32 $0x4A0, s23;
	s21 =	sadd.s32 $0x10, s19  }
0x70b: {  	[tilespmem:s22], [sflag:$0x1] =	stream.linear.gather [hbm4b:s21+s3], $0x10, $0x38;
	[tilespmem:$0x10200] =	vst v63  }
0x70c: {  	s21 =	sadd.s32 $0x20, s19;
	s22 =	sadd.s32 $0x520, s23  }
0x70d: {  	[tilespmem:s22], [sflag:$0x1] =	stream.linear.gather [hbm4b:s21+s3], $0x10, $0x38;
	[tilespmem:$0x10200] =	vst v63  }
0x70e: {  	s21 =	sadd.s32 $0x30, s19;
	s22 =	sadd.s32 $0x5A0, s23  }
0x70f: {  	[tilespmem:s22], [sflag:$0x1] =	stream.linear.gather [hbm4b:s21+s3], $0x10, $0x38;
	[tilespmem:$0x10200] =	vst v63  }
0x710: {  	s21 =	sadd.s32 $0x40, s19;
	s22 =	sadd.s32 $0x620, s23  }
0x711: {  	[tilespmem:s22], [sflag:$0x1] =	stream.linear.gather [hbm4b:s21+s3], $0x10, $0x38;
	[tilespmem:$0x10200] =	vst v63  }
.Ltmp31:
0x712: {  	s21 =	sadd.s32 $0x50, s19;
	s22 =	sadd.s32 $0x6A0, s23;
	(pc) =	sbr.rel @p1 .LBB2_56-.Ltmp31, $4  }
0x713: {  	[tilespmem:s22], [sflag:$0x1] =	stream.linear.gather [hbm4b:s21+s3], $0x10, $0x38;
	[tilespmem:$0x10200] =	vst v63  }
0x714: {  	s21 =	sadd.s32 $0x60, s19;
	s22 =	sadd.s32 $0x720, s23;
	s23 =	sadd.s32 $0x7A0, s23  }
0x715: {  	[tilespmem:s22], [sflag:$0x1] =	stream.linear.gather [hbm4b:s21+s3], $0x10, $0x38;
	[tilespmem:$0x10200] =	vst v63  }
0x716: {  	s22 =	sadd.s32 $0x70, s19;
	s19 =	sadd.s32 $0xF4280, s19;
	s21 =	smov.u32 s24  }
0x717: {  	[tilespmem:s23], [sflag:$0x1] =	stream.linear.gather [hbm4b:s22+s3], $0x10, $0x38;
	[tilespmem:$0x10200] =	vst v63  }
0x718: {  	s20 =	sadd.s32 s20, s18;
	(v2sf) =	vpush v2, $0xB  }
0x719: {  	s21 =	sadd.s32 $0x420, s20  }
0x71a: {  	[tilespmem:s21], [sflag:$0x1] =	stream.linear.gather [hbm4b:s19+s3], $0x10, $0x38;
	[tilespmem:$0x10200] =	vst v63  }
0x71b: {  	s28 =	sadd.s32 $0x10, s19;
	s29 =	sadd.s32 $0x4A0, s20  }
0x71c: {  	[tilespmem:s29], [sflag:$0x1] =	stream.linear.gather [hbm4b:s28+s3], $0x10, $0x38;
	[tilespmem:$0x10200] =	vst v63  }
0x71d: {  	s30 =	sadd.s32 $0x20, s19;
	s31 =	sadd.s32 $0x520, s20  }
0x71e: {  	[tilespmem:s31], [sflag:$0x1] =	stream.linear.gather [hbm4b:s30+s3], $0x10, $0x38;
	[tilespmem:$0x10200] =	vst v63  }
0x71f: {  	s23 =	sadd.s32 $0x30, s19;
	s24 =	sadd.s32 $0x5A0, s20  }
0x720: {  	[tilespmem:s24], [sflag:$0x1] =	stream.linear.gather [hbm4b:s23+s3], $0x10, $0x38;
	[tilespmem:$0x10200] =	vst v63  }
0x721: {  	s25 =	sadd.s32 $0x40, s19;
	s26 =	sadd.s32 $0x620, s20  }
0x722: {  	[tilespmem:s26], [sflag:$0x1] =	stream.linear.gather [hbm4b:s25+s3], $0x10, $0x38;
	[tilespmem:$0x10200] =	vst v63  }
0x723: {  	s28 =	sadd.s32 $0x50, s19;
	s29 =	sadd.s32 $0x6A0, s20  }
0x724: {  	[tilespmem:s29], [sflag:$0x1] =	stream.linear.gather [hbm4b:s28+s3], $0x10, $0x38;
	[tilespmem:$0x10200] =	vst v63  }
0x725: {  	s30 =	sadd.s32 $0x60, s19;
	s31 =	sadd.s32 $0x720, s20  }
0x726: {  	[tilespmem:s31], [sflag:$0x1] =	stream.linear.gather [hbm4b:s30+s3], $0x10, $0x38;
	[tilespmem:$0x10200] =	vst v63  }
0x727: {  	s21 =	sadd.s32 $0x70, s19;
	s20 =	sadd.s32 $0x7A0, s20;
	s22 =	spop (v2sf)  }
0x728: {  	[tilespmem:s20], [sflag:$0x1] =	stream.linear.gather [hbm4b:s21+s3], $0x10, $0x38;
	[tilespmem:$0x10200] =	vst v63  }
0x729: {  	s23 =	sand.u32 $0xF, s22  }
0x72a: {  	s24 =	sshra.s32 s22, $0x1F;
	p1 =	slt.s32 s22, $0x1;
	p2 =	sne.s32 s23, $0x0  }
0x72b: {  	s25 =	sshrl.u32 s24, $0x1C;
	p1 =	por !p1, !p2  }
0x72c: {  	s20 =	simm.s32 $0x1;
	s19 =	sadd.s32 s25, s22;
	p1 =	por !p1, !p1  }
0x72d: {  	s19 =	sshra.s32 s19, $0x4;
	s20 =	simm.s32 @!p1 $0x0  }
0x72e: {  	s19 =	ssub.s32 s19, s20  }
0x72f: {  	s20 =	sshll.u32 s19, $0x7;
	s19 =	sshll.u32 s19, $0x4  }
0x730: {  	s20 =	sand.u32 $0xFFFFFC00, s20;
	s19 =	sand.u32 $0x70, s19  }
0x731: {  	s19 =	sor.u32 s19, s20  }
0x732: {  	s23 =	sadd.s32 $0x0, s18;
	s19 =	sshrl.u32 s19, $0x3  }
0x733: {  	s26 =	sadd.s32 $0x430, s23;
	s19 =	sadd.s32 s1, s19  }
0x734: {  	[tilespmem:s26], [sflag:$0x1] =	stream.linear.gather [hbm4b:s19+s3], $0x10, $0x38;
	[tilespmem:$0x10200] =	vst v63  }
0x735: {  	s29 =	sadd.s32 $0x4B0, s23;
	s28 =	sadd.s32 $0x10, s19  }
0x736: {  	[tilespmem:s29], [sflag:$0x1] =	stream.linear.gather [hbm4b:s28+s3], $0x10, $0x38;
	[tilespmem:$0x10200] =	vst v63  }
0x737: {  	s21 =	simm.s32 $0x8000;
	s31 =	sadd.s32 $0x530, s23;
	s30 =	sadd.s32 $0x20, s19  }
0x738: {  	[tilespmem:s31], [sflag:$0x1] =	stream.linear.gather [hbm4b:s30+s3], $0x10, $0x38;
	[tilespmem:$0x10200] =	vst v63  }
0x739: {  	s24 =	sadd.s32 $0x5B0, s23;
	s20 =	simm.s32 $0x1000;
	s22 =	sadd.s32 $0x30, s19  }
0x73a: {  	[tilespmem:s24], [sflag:$0x1] =	stream.linear.gather [hbm4b:s22+s3], $0x10, $0x38;
	[tilespmem:$0x10200] =	vst v63  }
0x73b: {  	s25 =	sadd.s32 $0x40, s19;
	s26 =	sadd.s32 $0x630, s23;
	s28 =	sadd.s32 $0x50, s19  }
0x73c: {  	[tilespmem:s26], [sflag:$0x1] =	stream.linear.gather [hbm4b:s25+s3], $0x10, $0x38;
	[tilespmem:$0x10200] =	vst v63  }
0x73d: {  	s29 =	sadd.s32 $0x6B0, s23;
	s30 =	sadd.s32 $0x60, s19;
	s31 =	sadd.s32 $0x730, s23  }
0x73e: {  	[tilespmem:s29], [sflag:$0x1] =	stream.linear.gather [hbm4b:s28+s3], $0x10, $0x38;
	[tilespmem:$0x10200] =	vst v63  }
0x73f: {  	s23 =	sadd.s32 $0x7B0, s23;
	s22 =	sadd.s32 $0x70, s19;
	s19 =	sadd.s32 $0xF4280, s19  }
0x740: {  	[tilespmem:s31], [sflag:$0x1] =	stream.linear.gather [hbm4b:s30+s3], $0x10, $0x38;
	[tilespmem:$0x10200] =	vst v63  }
.LBB2_58:
0x741: {  	[tilespmem:s23], [sflag:$0x1] =	stream.linear.gather [hbm4b:s22+s3], $0x10, $0x38;
	[tilespmem:$0x10200] =	vst v63  }
0x742: {  	s22 =	smov.u32 s21  }
0x743: {  	s24 =	sadd.s32 $0x4000, s21;
	s23 =	sadd.s32 s20, s18;
	s20 =	sshra.s32 s22, $0x2  }
0x744: {  	p1 =	sne.s32 s21, $0x1C000;
	s21 =	sadd.s32 $0x430, s23  }
0x745: {  	[tilespmem:s21], [sflag:$0x1] =	stream.linear.gather [hbm4b:s19+s3], $0x10, $0x38;
	[tilespmem:$0x10200] =	vst v63  }
0x746: {  	s22 =	sadd.s32 $0x4B0, s23;
	s21 =	sadd.s32 $0x10, s19  }
0x747: {  	[tilespmem:s22], [sflag:$0x1] =	stream.linear.gather [hbm4b:s21+s3], $0x10, $0x38;
	[tilespmem:$0x10200] =	vst v63  }
0x748: {  	s21 =	sadd.s32 $0x20, s19;
	s22 =	sadd.s32 $0x530, s23  }
0x749: {  	[tilespmem:s22], [sflag:$0x1] =	stream.linear.gather [hbm4b:s21+s3], $0x10, $0x38;
	[tilespmem:$0x10200] =	vst v63  }
0x74a: {  	s21 =	sadd.s32 $0x30, s19;
	s22 =	sadd.s32 $0x5B0, s23  }
0x74b: {  	[tilespmem:s22], [sflag:$0x1] =	stream.linear.gather [hbm4b:s21+s3], $0x10, $0x38;
	[tilespmem:$0x10200] =	vst v63  }
0x74c: {  	s21 =	sadd.s32 $0x40, s19;
	s22 =	sadd.s32 $0x630, s23  }
0x74d: {  	[tilespmem:s22], [sflag:$0x1] =	stream.linear.gather [hbm4b:s21+s3], $0x10, $0x38;
	[tilespmem:$0x10200] =	vst v63  }
.Ltmp32:
0x74e: {  	s21 =	sadd.s32 $0x50, s19;
	s22 =	sadd.s32 $0x6B0, s23;
	(pc) =	sbr.rel @p1 .LBB2_58-.Ltmp32, $4  }
0x74f: {  	[tilespmem:s22], [sflag:$0x1] =	stream.linear.gather [hbm4b:s21+s3], $0x10, $0x38;
	[tilespmem:$0x10200] =	vst v63  }
0x750: {  	s21 =	sadd.s32 $0x60, s19;
	s22 =	sadd.s32 $0x730, s23;
	s23 =	sadd.s32 $0x7B0, s23  }
0x751: {  	[tilespmem:s22], [sflag:$0x1] =	stream.linear.gather [hbm4b:s21+s3], $0x10, $0x38;
	[tilespmem:$0x10200] =	vst v63  }
0x752: {  	s22 =	sadd.s32 $0x70, s19;
	s19 =	sadd.s32 $0xF4280, s19;
	s21 =	smov.u32 s24  }
0x753: {  	[tilespmem:s23], [sflag:$0x1] =	stream.linear.gather [hbm4b:s22+s3], $0x10, $0x38;
	[tilespmem:$0x10200] =	vst v63  }
0x754: {  	s20 =	sadd.s32 s20, s18;
	(v2sf) =	vpush v2, $0xC  }
0x755: {  	s21 =	sadd.s32 $0x430, s20  }
0x756: {  	[tilespmem:s21], [sflag:$0x1] =	stream.linear.gather [hbm4b:s19+s3], $0x10, $0x38;
	[tilespmem:$0x10200] =	vst v63  }
0x757: {  	s28 =	sadd.s32 $0x10, s19;
	s29 =	sadd.s32 $0x4B0, s20  }
0x758: {  	[tilespmem:s29], [sflag:$0x1] =	stream.linear.gather [hbm4b:s28+s3], $0x10, $0x38;
	[tilespmem:$0x10200] =	vst v63  }
0x759: {  	s30 =	sadd.s32 $0x20, s19;
	s31 =	sadd.s32 $0x530, s20  }
0x75a: {  	[tilespmem:s31], [sflag:$0x1] =	stream.linear.gather [hbm4b:s30+s3], $0x10, $0x38;
	[tilespmem:$0x10200] =	vst v63  }
0x75b: {  	s23 =	sadd.s32 $0x30, s19;
	s24 =	sadd.s32 $0x5B0, s20  }
0x75c: {  	[tilespmem:s24], [sflag:$0x1] =	stream.linear.gather [hbm4b:s23+s3], $0x10, $0x38;
	[tilespmem:$0x10200] =	vst v63  }
0x75d: {  	s25 =	sadd.s32 $0x40, s19;
	s26 =	sadd.s32 $0x630, s20  }
0x75e: {  	[tilespmem:s26], [sflag:$0x1] =	stream.linear.gather [hbm4b:s25+s3], $0x10, $0x38;
	[tilespmem:$0x10200] =	vst v63  }
0x75f: {  	s28 =	sadd.s32 $0x50, s19;
	s29 =	sadd.s32 $0x6B0, s20  }
0x760: {  	[tilespmem:s29], [sflag:$0x1] =	stream.linear.gather [hbm4b:s28+s3], $0x10, $0x38;
	[tilespmem:$0x10200] =	vst v63  }
0x761: {  	s30 =	sadd.s32 $0x60, s19;
	s31 =	sadd.s32 $0x730, s20  }
0x762: {  	[tilespmem:s31], [sflag:$0x1] =	stream.linear.gather [hbm4b:s30+s3], $0x10, $0x38;
	[tilespmem:$0x10200] =	vst v63  }
0x763: {  	s21 =	sadd.s32 $0x70, s19;
	s20 =	sadd.s32 $0x7B0, s20;
	s22 =	spop (v2sf)  }
0x764: {  	[tilespmem:s20], [sflag:$0x1] =	stream.linear.gather [hbm4b:s21+s3], $0x10, $0x38;
	[tilespmem:$0x10200] =	vst v63  }
0x765: {  	s23 =	sand.u32 $0xF, s22  }
0x766: {  	s24 =	sshra.s32 s22, $0x1F;
	p1 =	slt.s32 s22, $0x1;
	p2 =	sne.s32 s23, $0x0  }
0x767: {  	s25 =	sshrl.u32 s24, $0x1C;
	p1 =	por !p1, !p2  }
0x768: {  	s20 =	simm.s32 $0x1;
	s19 =	sadd.s32 s25, s22;
	p1 =	por !p1, !p1  }
0x769: {  	s19 =	sshra.s32 s19, $0x4;
	s20 =	simm.s32 @!p1 $0x0  }
0x76a: {  	s19 =	ssub.s32 s19, s20  }
0x76b: {  	s20 =	sshll.u32 s19, $0x7;
	s19 =	sshll.u32 s19, $0x4  }
0x76c: {  	s20 =	sand.u32 $0xFFFFFC00, s20;
	s19 =	sand.u32 $0x70, s19  }
0x76d: {  	s19 =	sor.u32 s19, s20  }
0x76e: {  	s23 =	sadd.s32 $0x0, s18;
	s19 =	sshrl.u32 s19, $0x3  }
0x76f: {  	s26 =	sadd.s32 $0x440, s23;
	s19 =	sadd.s32 s1, s19  }
0x770: {  	[tilespmem:s26], [sflag:$0x1] =	stream.linear.gather [hbm4b:s19+s3], $0x10, $0x38;
	[tilespmem:$0x10200] =	vst v63  }
0x771: {  	s29 =	sadd.s32 $0x4C0, s23;
	s28 =	sadd.s32 $0x10, s19  }
0x772: {  	[tilespmem:s29], [sflag:$0x1] =	stream.linear.gather [hbm4b:s28+s3], $0x10, $0x38;
	[tilespmem:$0x10200] =	vst v63  }
0x773: {  	s21 =	simm.s32 $0x8000;
	s31 =	sadd.s32 $0x540, s23;
	s30 =	sadd.s32 $0x20, s19  }
0x774: {  	[tilespmem:s31], [sflag:$0x1] =	stream.linear.gather [hbm4b:s30+s3], $0x10, $0x38;
	[tilespmem:$0x10200] =	vst v63  }
0x775: {  	s24 =	sadd.s32 $0x5C0, s23;
	s20 =	simm.s32 $0x1000;
	s22 =	sadd.s32 $0x30, s19  }
0x776: {  	[tilespmem:s24], [sflag:$0x1] =	stream.linear.gather [hbm4b:s22+s3], $0x10, $0x38;
	[tilespmem:$0x10200] =	vst v63  }
0x777: {  	s25 =	sadd.s32 $0x40, s19;
	s26 =	sadd.s32 $0x640, s23;
	s28 =	sadd.s32 $0x50, s19  }
0x778: {  	[tilespmem:s26], [sflag:$0x1] =	stream.linear.gather [hbm4b:s25+s3], $0x10, $0x38;
	[tilespmem:$0x10200] =	vst v63  }
0x779: {  	s29 =	sadd.s32 $0x6C0, s23;
	s30 =	sadd.s32 $0x60, s19;
	s31 =	sadd.s32 $0x740, s23  }
0x77a: {  	[tilespmem:s29], [sflag:$0x1] =	stream.linear.gather [hbm4b:s28+s3], $0x10, $0x38;
	[tilespmem:$0x10200] =	vst v63  }
0x77b: {  	s23 =	sadd.s32 $0x7C0, s23;
	s22 =	sadd.s32 $0x70, s19;
	s19 =	sadd.s32 $0xF4280, s19  }
0x77c: {  	[tilespmem:s31], [sflag:$0x1] =	stream.linear.gather [hbm4b:s30+s3], $0x10, $0x38;
	[tilespmem:$0x10200] =	vst v63  }
.LBB2_60:
0x77d: {  	[tilespmem:s23], [sflag:$0x1] =	stream.linear.gather [hbm4b:s22+s3], $0x10, $0x38;
	[tilespmem:$0x10200] =	vst v63  }
0x77e: {  	s22 =	smov.u32 s21  }
0x77f: {  	s24 =	sadd.s32 $0x4000, s21;
	s23 =	sadd.s32 s20, s18;
	s20 =	sshra.s32 s22, $0x2  }
0x780: {  	p1 =	sne.s32 s21, $0x1C000;
	s21 =	sadd.s32 $0x440, s23  }
0x781: {  	[tilespmem:s21], [sflag:$0x1] =	stream.linear.gather [hbm4b:s19+s3], $0x10, $0x38;
	[tilespmem:$0x10200] =	vst v63  }
0x782: {  	s22 =	sadd.s32 $0x4C0, s23;
	s21 =	sadd.s32 $0x10, s19  }
0x783: {  	[tilespmem:s22], [sflag:$0x1] =	stream.linear.gather [hbm4b:s21+s3], $0x10, $0x38;
	[tilespmem:$0x10200] =	vst v63  }
0x784: {  	s21 =	sadd.s32 $0x20, s19;
	s22 =	sadd.s32 $0x540, s23  }
0x785: {  	[tilespmem:s22], [sflag:$0x1] =	stream.linear.gather [hbm4b:s21+s3], $0x10, $0x38;
	[tilespmem:$0x10200] =	vst v63  }
0x786: {  	s21 =	sadd.s32 $0x30, s19;
	s22 =	sadd.s32 $0x5C0, s23  }
0x787: {  	[tilespmem:s22], [sflag:$0x1] =	stream.linear.gather [hbm4b:s21+s3], $0x10, $0x38;
	[tilespmem:$0x10200] =	vst v63  }
0x788: {  	s21 =	sadd.s32 $0x40, s19;
	s22 =	sadd.s32 $0x640, s23  }
0x789: {  	[tilespmem:s22], [sflag:$0x1] =	stream.linear.gather [hbm4b:s21+s3], $0x10, $0x38;
	[tilespmem:$0x10200] =	vst v63  }
.Ltmp33:
0x78a: {  	s21 =	sadd.s32 $0x50, s19;
	s22 =	sadd.s32 $0x6C0, s23;
	(pc) =	sbr.rel @p1 .LBB2_60-.Ltmp33, $4  }
0x78b: {  	[tilespmem:s22], [sflag:$0x1] =	stream.linear.gather [hbm4b:s21+s3], $0x10, $0x38;
	[tilespmem:$0x10200] =	vst v63  }
0x78c: {  	s21 =	sadd.s32 $0x60, s19;
	s22 =	sadd.s32 $0x740, s23;
	s23 =	sadd.s32 $0x7C0, s23  }
0x78d: {  	[tilespmem:s22], [sflag:$0x1] =	stream.linear.gather [hbm4b:s21+s3], $0x10, $0x38;
	[tilespmem:$0x10200] =	vst v63  }
0x78e: {  	s22 =	sadd.s32 $0x70, s19;
	s19 =	sadd.s32 $0xF4280, s19;
	s21 =	smov.u32 s24  }
0x78f: {  	[tilespmem:s23], [sflag:$0x1] =	stream.linear.gather [hbm4b:s22+s3], $0x10, $0x38;
	[tilespmem:$0x10200] =	vst v63  }
0x790: {  	s20 =	sadd.s32 s20, s18;
	(v2sf) =	vpush v2, $0xD  }
0x791: {  	s21 =	sadd.s32 $0x440, s20  }
0x792: {  	[tilespmem:s21], [sflag:$0x1] =	stream.linear.gather [hbm4b:s19+s3], $0x10, $0x38;
	[tilespmem:$0x10200] =	vst v63  }
0x793: {  	s28 =	sadd.s32 $0x10, s19;
	s29 =	sadd.s32 $0x4C0, s20  }
0x794: {  	[tilespmem:s29], [sflag:$0x1] =	stream.linear.gather [hbm4b:s28+s3], $0x10, $0x38;
	[tilespmem:$0x10200] =	vst v63  }
0x795: {  	s30 =	sadd.s32 $0x20, s19;
	s31 =	sadd.s32 $0x540, s20  }
0x796: {  	[tilespmem:s31], [sflag:$0x1] =	stream.linear.gather [hbm4b:s30+s3], $0x10, $0x38;
	[tilespmem:$0x10200] =	vst v63  }
0x797: {  	s23 =	sadd.s32 $0x30, s19;
	s24 =	sadd.s32 $0x5C0, s20  }
0x798: {  	[tilespmem:s24], [sflag:$0x1] =	stream.linear.gather [hbm4b:s23+s3], $0x10, $0x38;
	[tilespmem:$0x10200] =	vst v63  }
0x799: {  	s25 =	sadd.s32 $0x40, s19;
	s26 =	sadd.s32 $0x640, s20  }
0x79a: {  	[tilespmem:s26], [sflag:$0x1] =	stream.linear.gather [hbm4b:s25+s3], $0x10, $0x38;
	[tilespmem:$0x10200] =	vst v63  }
0x79b: {  	s28 =	sadd.s32 $0x50, s19;
	s29 =	sadd.s32 $0x6C0, s20  }
0x79c: {  	[tilespmem:s29], [sflag:$0x1] =	stream.linear.gather [hbm4b:s28+s3], $0x10, $0x38;
	[tilespmem:$0x10200] =	vst v63  }
0x79d: {  	s30 =	sadd.s32 $0x60, s19;
	s31 =	sadd.s32 $0x740, s20  }
0x79e: {  	[tilespmem:s31], [sflag:$0x1] =	stream.linear.gather [hbm4b:s30+s3], $0x10, $0x38;
	[tilespmem:$0x10200] =	vst v63  }
0x79f: {  	s21 =	sadd.s32 $0x70, s19;
	s20 =	sadd.s32 $0x7C0, s20;
	s22 =	spop (v2sf)  }
0x7a0: {  	[tilespmem:s20], [sflag:$0x1] =	stream.linear.gather [hbm4b:s21+s3], $0x10, $0x38;
	[tilespmem:$0x10200] =	vst v63  }
0x7a1: {  	s23 =	sand.u32 $0xF, s22  }
0x7a2: {  	s24 =	sshra.s32 s22, $0x1F;
	p1 =	slt.s32 s22, $0x1;
	p2 =	sne.s32 s23, $0x0  }
0x7a3: {  	s25 =	sshrl.u32 s24, $0x1C;
	p1 =	por !p1, !p2  }
0x7a4: {  	s20 =	simm.s32 $0x1;
	s19 =	sadd.s32 s25, s22;
	p1 =	por !p1, !p1  }
0x7a5: {  	s19 =	sshra.s32 s19, $0x4;
	s20 =	simm.s32 @!p1 $0x0  }
0x7a6: {  	s19 =	ssub.s32 s19, s20  }
0x7a7: {  	s20 =	sshll.u32 s19, $0x7;
	s19 =	sshll.u32 s19, $0x4  }
0x7a8: {  	s20 =	sand.u32 $0xFFFFFC00, s20;
	s19 =	sand.u32 $0x70, s19  }
0x7a9: {  	s19 =	sor.u32 s19, s20  }
0x7aa: {  	s23 =	sadd.s32 $0x0, s18;
	s19 =	sshrl.u32 s19, $0x3  }
0x7ab: {  	s26 =	sadd.s32 $0x450, s23;
	s19 =	sadd.s32 s1, s19  }
0x7ac: {  	[tilespmem:s26], [sflag:$0x1] =	stream.linear.gather [hbm4b:s19+s3], $0x10, $0x38;
	[tilespmem:$0x10200] =	vst v63  }
0x7ad: {  	s29 =	sadd.s32 $0x4D0, s23;
	s28 =	sadd.s32 $0x10, s19  }
0x7ae: {  	[tilespmem:s29], [sflag:$0x1] =	stream.linear.gather [hbm4b:s28+s3], $0x10, $0x38;
	[tilespmem:$0x10200] =	vst v63  }
0x7af: {  	s21 =	simm.s32 $0x8000;
	s31 =	sadd.s32 $0x550, s23;
	s30 =	sadd.s32 $0x20, s19  }
0x7b0: {  	[tilespmem:s31], [sflag:$0x1] =	stream.linear.gather [hbm4b:s30+s3], $0x10, $0x38;
	[tilespmem:$0x10200] =	vst v63  }
0x7b1: {  	s24 =	sadd.s32 $0x5D0, s23;
	s20 =	simm.s32 $0x1000;
	s22 =	sadd.s32 $0x30, s19  }
0x7b2: {  	[tilespmem:s24], [sflag:$0x1] =	stream.linear.gather [hbm4b:s22+s3], $0x10, $0x38;
	[tilespmem:$0x10200] =	vst v63  }
0x7b3: {  	s25 =	sadd.s32 $0x40, s19;
	s26 =	sadd.s32 $0x650, s23;
	s28 =	sadd.s32 $0x50, s19  }
0x7b4: {  	[tilespmem:s26], [sflag:$0x1] =	stream.linear.gather [hbm4b:s25+s3], $0x10, $0x38;
	[tilespmem:$0x10200] =	vst v63  }
0x7b5: {  	s29 =	sadd.s32 $0x6D0, s23;
	s30 =	sadd.s32 $0x60, s19;
	s31 =	sadd.s32 $0x750, s23  }
0x7b6: {  	[tilespmem:s29], [sflag:$0x1] =	stream.linear.gather [hbm4b:s28+s3], $0x10, $0x38;
	[tilespmem:$0x10200] =	vst v63  }
0x7b7: {  	s23 =	sadd.s32 $0x7D0, s23;
	s22 =	sadd.s32 $0x70, s19;
	s19 =	sadd.s32 $0xF4280, s19  }
0x7b8: {  	[tilespmem:s31], [sflag:$0x1] =	stream.linear.gather [hbm4b:s30+s3], $0x10, $0x38;
	[tilespmem:$0x10200] =	vst v63  }
.LBB2_62:
0x7b9: {  	[tilespmem:s23], [sflag:$0x1] =	stream.linear.gather [hbm4b:s22+s3], $0x10, $0x38;
	[tilespmem:$0x10200] =	vst v63  }
0x7ba: {  	s22 =	smov.u32 s21  }
0x7bb: {  	s24 =	sadd.s32 $0x4000, s21;
	s23 =	sadd.s32 s20, s18;
	s20 =	sshra.s32 s22, $0x2  }
0x7bc: {  	p1 =	sne.s32 s21, $0x1C000;
	s21 =	sadd.s32 $0x450, s23  }
0x7bd: {  	[tilespmem:s21], [sflag:$0x1] =	stream.linear.gather [hbm4b:s19+s3], $0x10, $0x38;
	[tilespmem:$0x10200] =	vst v63  }
0x7be: {  	s22 =	sadd.s32 $0x4D0, s23;
	s21 =	sadd.s32 $0x10, s19  }
0x7bf: {  	[tilespmem:s22], [sflag:$0x1] =	stream.linear.gather [hbm4b:s21+s3], $0x10, $0x38;
	[tilespmem:$0x10200] =	vst v63  }
0x7c0: {  	s21 =	sadd.s32 $0x20, s19;
	s22 =	sadd.s32 $0x550, s23  }
0x7c1: {  	[tilespmem:s22], [sflag:$0x1] =	stream.linear.gather [hbm4b:s21+s3], $0x10, $0x38;
	[tilespmem:$0x10200] =	vst v63  }
0x7c2: {  	s21 =	sadd.s32 $0x30, s19;
	s22 =	sadd.s32 $0x5D0, s23  }
0x7c3: {  	[tilespmem:s22], [sflag:$0x1] =	stream.linear.gather [hbm4b:s21+s3], $0x10, $0x38;
	[tilespmem:$0x10200] =	vst v63  }
0x7c4: {  	s21 =	sadd.s32 $0x40, s19;
	s22 =	sadd.s32 $0x650, s23  }
0x7c5: {  	[tilespmem:s22], [sflag:$0x1] =	stream.linear.gather [hbm4b:s21+s3], $0x10, $0x38;
	[tilespmem:$0x10200] =	vst v63  }
.Ltmp34:
0x7c6: {  	s21 =	sadd.s32 $0x50, s19;
	s22 =	sadd.s32 $0x6D0, s23;
	(pc) =	sbr.rel @p1 .LBB2_62-.Ltmp34, $4  }
0x7c7: {  	[tilespmem:s22], [sflag:$0x1] =	stream.linear.gather [hbm4b:s21+s3], $0x10, $0x38;
	[tilespmem:$0x10200] =	vst v63  }
0x7c8: {  	s21 =	sadd.s32 $0x60, s19;
	s22 =	sadd.s32 $0x750, s23;
	s23 =	sadd.s32 $0x7D0, s23  }
0x7c9: {  	[tilespmem:s22], [sflag:$0x1] =	stream.linear.gather [hbm4b:s21+s3], $0x10, $0x38;
	[tilespmem:$0x10200] =	vst v63  }
0x7ca: {  	s22 =	sadd.s32 $0x70, s19;
	s19 =	sadd.s32 $0xF4280, s19;
	s21 =	smov.u32 s24  }
0x7cb: {  	[tilespmem:s23], [sflag:$0x1] =	stream.linear.gather [hbm4b:s22+s3], $0x10, $0x38;
	[tilespmem:$0x10200] =	vst v63  }
0x7cc: {  	s20 =	sadd.s32 s20, s18;
	(v2sf) =	vpush v2, $0xE  }
0x7cd: {  	s21 =	sadd.s32 $0x450, s20  }
0x7ce: {  	[tilespmem:s21], [sflag:$0x1] =	stream.linear.gather [hbm4b:s19+s3], $0x10, $0x38;
	[tilespmem:$0x10200] =	vst v63  }
0x7cf: {  	s28 =	sadd.s32 $0x10, s19;
	s29 =	sadd.s32 $0x4D0, s20  }
0x7d0: {  	[tilespmem:s29], [sflag:$0x1] =	stream.linear.gather [hbm4b:s28+s3], $0x10, $0x38;
	[tilespmem:$0x10200] =	vst v63  }
0x7d1: {  	s30 =	sadd.s32 $0x20, s19;
	s31 =	sadd.s32 $0x550, s20  }
0x7d2: {  	[tilespmem:s31], [sflag:$0x1] =	stream.linear.gather [hbm4b:s30+s3], $0x10, $0x38;
	[tilespmem:$0x10200] =	vst v63  }
0x7d3: {  	s23 =	sadd.s32 $0x30, s19;
	s24 =	sadd.s32 $0x5D0, s20  }
0x7d4: {  	[tilespmem:s24], [sflag:$0x1] =	stream.linear.gather [hbm4b:s23+s3], $0x10, $0x38;
	[tilespmem:$0x10200] =	vst v63  }
0x7d5: {  	s25 =	sadd.s32 $0x40, s19;
	s26 =	sadd.s32 $0x650, s20  }
0x7d6: {  	[tilespmem:s26], [sflag:$0x1] =	stream.linear.gather [hbm4b:s25+s3], $0x10, $0x38;
	[tilespmem:$0x10200] =	vst v63  }
0x7d7: {  	s28 =	sadd.s32 $0x50, s19;
	s29 =	sadd.s32 $0x6D0, s20  }
0x7d8: {  	[tilespmem:s29], [sflag:$0x1] =	stream.linear.gather [hbm4b:s28+s3], $0x10, $0x38;
	[tilespmem:$0x10200] =	vst v63  }
0x7d9: {  	s30 =	sadd.s32 $0x60, s19;
	s31 =	sadd.s32 $0x750, s20  }
0x7da: {  	[tilespmem:s31], [sflag:$0x1] =	stream.linear.gather [hbm4b:s30+s3], $0x10, $0x38;
	[tilespmem:$0x10200] =	vst v63  }
0x7db: {  	s21 =	sadd.s32 $0x70, s19;
	s20 =	sadd.s32 $0x7D0, s20;
	s22 =	spop (v2sf)  }
0x7dc: {  	[tilespmem:s20], [sflag:$0x1] =	stream.linear.gather [hbm4b:s21+s3], $0x10, $0x38;
	[tilespmem:$0x10200] =	vst v63  }
0x7dd: {  	s23 =	sand.u32 $0xF, s22  }
0x7de: {  	s24 =	sshra.s32 s22, $0x1F;
	p1 =	slt.s32 s22, $0x1;
	p2 =	sne.s32 s23, $0x0  }
0x7df: {  	s25 =	sshrl.u32 s24, $0x1C;
	p1 =	por !p1, !p2  }
0x7e0: {  	s20 =	simm.s32 $0x1;
	s19 =	sadd.s32 s25, s22;
	p1 =	por !p1, !p1  }
0x7e1: {  	s19 =	sshra.s32 s19, $0x4;
	s20 =	simm.s32 @!p1 $0x0  }
0x7e2: {  	s19 =	ssub.s32 s19, s20  }
0x7e3: {  	s20 =	sshll.u32 s19, $0x7;
	s19 =	sshll.u32 s19, $0x4  }
0x7e4: {  	s20 =	sand.u32 $0xFFFFFC00, s20;
	s19 =	sand.u32 $0x70, s19  }
0x7e5: {  	s19 =	sor.u32 s19, s20  }
0x7e6: {  	s23 =	sadd.s32 $0x0, s18;
	s19 =	sshrl.u32 s19, $0x3  }
0x7e7: {  	s26 =	sadd.s32 $0x460, s23;
	s19 =	sadd.s32 s1, s19  }
0x7e8: {  	[tilespmem:s26], [sflag:$0x1] =	stream.linear.gather [hbm4b:s19+s3], $0x10, $0x38;
	[tilespmem:$0x10200] =	vst v63  }
0x7e9: {  	s29 =	sadd.s32 $0x4E0, s23;
	s28 =	sadd.s32 $0x10, s19  }
0x7ea: {  	[tilespmem:s29], [sflag:$0x1] =	stream.linear.gather [hbm4b:s28+s3], $0x10, $0x38;
	[tilespmem:$0x10200] =	vst v63  }
0x7eb: {  	s21 =	simm.s32 $0x8000;
	s31 =	sadd.s32 $0x560, s23;
	s30 =	sadd.s32 $0x20, s19  }
0x7ec: {  	[tilespmem:s31], [sflag:$0x1] =	stream.linear.gather [hbm4b:s30+s3], $0x10, $0x38;
	[tilespmem:$0x10200] =	vst v63  }
0x7ed: {  	s24 =	sadd.s32 $0x5E0, s23;
	s20 =	simm.s32 $0x1000;
	s22 =	sadd.s32 $0x30, s19  }
0x7ee: {  	[tilespmem:s24], [sflag:$0x1] =	stream.linear.gather [hbm4b:s22+s3], $0x10, $0x38;
	[tilespmem:$0x10200] =	vst v63  }
0x7ef: {  	s25 =	sadd.s32 $0x40, s19;
	s26 =	sadd.s32 $0x660, s23;
	s28 =	sadd.s32 $0x50, s19  }
0x7f0: {  	[tilespmem:s26], [sflag:$0x1] =	stream.linear.gather [hbm4b:s25+s3], $0x10, $0x38;
	[tilespmem:$0x10200] =	vst v63  }
0x7f1: {  	s29 =	sadd.s32 $0x6E0, s23;
	s30 =	sadd.s32 $0x60, s19;
	s31 =	sadd.s32 $0x760, s23  }
0x7f2: {  	[tilespmem:s29], [sflag:$0x1] =	stream.linear.gather [hbm4b:s28+s3], $0x10, $0x38;
	[tilespmem:$0x10200] =	vst v63  }
0x7f3: {  	s23 =	sadd.s32 $0x7E0, s23;
	s22 =	sadd.s32 $0x70, s19;
	s19 =	sadd.s32 $0xF4280, s19  }
0x7f4: {  	[tilespmem:s31], [sflag:$0x1] =	stream.linear.gather [hbm4b:s30+s3], $0x10, $0x38;
	[tilespmem:$0x10200] =	vst v63  }
.LBB2_64:
0x7f5: {  	[tilespmem:s23], [sflag:$0x1] =	stream.linear.gather [hbm4b:s22+s3], $0x10, $0x38;
	[tilespmem:$0x10200] =	vst v63  }
0x7f6: {  	s22 =	smov.u32 s21  }
0x7f7: {  	s24 =	sadd.s32 $0x4000, s21;
	s23 =	sadd.s32 s20, s18;
	s20 =	sshra.s32 s22, $0x2  }
0x7f8: {  	p1 =	sne.s32 s21, $0x1C000;
	s21 =	sadd.s32 $0x460, s23  }
0x7f9: {  	[tilespmem:s21], [sflag:$0x1] =	stream.linear.gather [hbm4b:s19+s3], $0x10, $0x38;
	[tilespmem:$0x10200] =	vst v63  }
0x7fa: {  	s22 =	sadd.s32 $0x4E0, s23;
	s21 =	sadd.s32 $0x10, s19  }
0x7fb: {  	[tilespmem:s22], [sflag:$0x1] =	stream.linear.gather [hbm4b:s21+s3], $0x10, $0x38;
	[tilespmem:$0x10200] =	vst v63  }
0x7fc: {  	s21 =	sadd.s32 $0x20, s19;
	s22 =	sadd.s32 $0x560, s23  }
0x7fd: {  	[tilespmem:s22], [sflag:$0x1] =	stream.linear.gather [hbm4b:s21+s3], $0x10, $0x38;
	[tilespmem:$0x10200] =	vst v63  }
0x7fe: {  	s21 =	sadd.s32 $0x30, s19;
	s22 =	sadd.s32 $0x5E0, s23  }
0x7ff: {  	[tilespmem:s22], [sflag:$0x1] =	stream.linear.gather [hbm4b:s21+s3], $0x10, $0x38;
	[tilespmem:$0x10200] =	vst v63  }
0x800: {  	s21 =	sadd.s32 $0x40, s19;
	s22 =	sadd.s32 $0x660, s23  }
0x801: {  	[tilespmem:s22], [sflag:$0x1] =	stream.linear.gather [hbm4b:s21+s3], $0x10, $0x38;
	[tilespmem:$0x10200] =	vst v63  }
.Ltmp35:
0x802: {  	s21 =	sadd.s32 $0x50, s19;
	s22 =	sadd.s32 $0x6E0, s23;
	(pc) =	sbr.rel @p1 .LBB2_64-.Ltmp35, $4  }
0x803: {  	[tilespmem:s22], [sflag:$0x1] =	stream.linear.gather [hbm4b:s21+s3], $0x10, $0x38;
	[tilespmem:$0x10200] =	vst v63  }
0x804: {  	s21 =	sadd.s32 $0x60, s19;
	s22 =	sadd.s32 $0x760, s23;
	s23 =	sadd.s32 $0x7E0, s23  }
0x805: {  	[tilespmem:s22], [sflag:$0x1] =	stream.linear.gather [hbm4b:s21+s3], $0x10, $0x38;
	[tilespmem:$0x10200] =	vst v63  }
0x806: {  	s22 =	sadd.s32 $0x70, s19;
	s19 =	sadd.s32 $0xF4280, s19;
	s21 =	smov.u32 s24  }
0x807: {  	[tilespmem:s23], [sflag:$0x1] =	stream.linear.gather [hbm4b:s22+s3], $0x10, $0x38;
	[tilespmem:$0x10200] =	vst v63  }
0x808: {  	s20 =	sadd.s32 s20, s18;
	(v2sf) =	vpush v2, $0xF  }
0x809: {  	s21 =	sadd.s32 $0x460, s20  }
0x80a: {  	[tilespmem:s21], [sflag:$0x1] =	stream.linear.gather [hbm4b:s19+s3], $0x10, $0x38;
	[tilespmem:$0x10200] =	vst v63  }
0x80b: {  	s28 =	sadd.s32 $0x10, s19;
	s29 =	sadd.s32 $0x4E0, s20  }
0x80c: {  	[tilespmem:s29], [sflag:$0x1] =	stream.linear.gather [hbm4b:s28+s3], $0x10, $0x38;
	[tilespmem:$0x10200] =	vst v63  }
0x80d: {  	s30 =	sadd.s32 $0x20, s19;
	s31 =	sadd.s32 $0x560, s20  }
0x80e: {  	[tilespmem:s31], [sflag:$0x1] =	stream.linear.gather [hbm4b:s30+s3], $0x10, $0x38;
	[tilespmem:$0x10200] =	vst v63  }
0x80f: {  	s23 =	sadd.s32 $0x30, s19;
	s24 =	sadd.s32 $0x5E0, s20  }
0x810: {  	[tilespmem:s24], [sflag:$0x1] =	stream.linear.gather [hbm4b:s23+s3], $0x10, $0x38;
	[tilespmem:$0x10200] =	vst v63  }
0x811: {  	s25 =	sadd.s32 $0x40, s19;
	s26 =	sadd.s32 $0x660, s20  }
0x812: {  	[tilespmem:s26], [sflag:$0x1] =	stream.linear.gather [hbm4b:s25+s3], $0x10, $0x38;
	[tilespmem:$0x10200] =	vst v63  }
0x813: {  	s28 =	sadd.s32 $0x50, s19;
	s29 =	sadd.s32 $0x6E0, s20  }
0x814: {  	[tilespmem:s29], [sflag:$0x1] =	stream.linear.gather [hbm4b:s28+s3], $0x10, $0x38;
	[tilespmem:$0x10200] =	vst v63  }
0x815: {  	s30 =	sadd.s32 $0x60, s19;
	s31 =	sadd.s32 $0x760, s20  }
0x816: {  	[tilespmem:s31], [sflag:$0x1] =	stream.linear.gather [hbm4b:s30+s3], $0x10, $0x38;
	[tilespmem:$0x10200] =	vst v63  }
0x817: {  	s21 =	sadd.s32 $0x70, s19;
	s20 =	sadd.s32 $0x7E0, s20;
	s22 =	spop (v2sf)  }
0x818: {  	[tilespmem:s20], [sflag:$0x1] =	stream.linear.gather [hbm4b:s21+s3], $0x10, $0x38;
	[tilespmem:$0x10200] =	vst v63  }
0x819: {  	s23 =	sand.u32 $0xF, s22  }
0x81a: {  	s24 =	sshra.s32 s22, $0x1F;
	p1 =	slt.s32 s22, $0x1;
	p2 =	sne.s32 s23, $0x0  }
0x81b: {  	s25 =	sshrl.u32 s24, $0x1C;
	p1 =	por !p1, !p2  }
0x81c: {  	s20 =	simm.s32 $0x1;
	s19 =	sadd.s32 s25, s22;
	p1 =	por !p1, !p1  }
0x81d: {  	s19 =	sshra.s32 s19, $0x4;
	s20 =	simm.s32 @!p1 $0x0  }
0x81e: {  	s19 =	ssub.s32 s19, s20  }
0x81f: {  	s20 =	sshll.u32 s19, $0x7;
	s19 =	sshll.u32 s19, $0x4  }
0x820: {  	s20 =	sand.u32 $0xFFFFFC00, s20;
	s19 =	sand.u32 $0x70, s19  }
0x821: {  	s19 =	sor.u32 s19, s20  }
0x822: {  	s23 =	sadd.s32 $0x0, s18;
	s19 =	sshrl.u32 s19, $0x3  }
0x823: {  	s26 =	sadd.s32 $0x470, s23;
	s19 =	sadd.s32 s1, s19  }
0x824: {  	[tilespmem:s26], [sflag:$0x1] =	stream.linear.gather [hbm4b:s19+s3], $0x10, $0x38;
	[tilespmem:$0x10200] =	vst v63  }
0x825: {  	s29 =	sadd.s32 $0x4F0, s23;
	s28 =	sadd.s32 $0x10, s19  }
0x826: {  	[tilespmem:s29], [sflag:$0x1] =	stream.linear.gather [hbm4b:s28+s3], $0x10, $0x38;
	[tilespmem:$0x10200] =	vst v63  }
0x827: {  	s21 =	simm.s32 $0x8000;
	s31 =	sadd.s32 $0x570, s23;
	s30 =	sadd.s32 $0x20, s19  }
0x828: {  	[tilespmem:s31], [sflag:$0x1] =	stream.linear.gather [hbm4b:s30+s3], $0x10, $0x38;
	[tilespmem:$0x10200] =	vst v63  }
0x829: {  	s24 =	sadd.s32 $0x5F0, s23;
	s20 =	simm.s32 $0x1000;
	s22 =	sadd.s32 $0x30, s19  }
0x82a: {  	[tilespmem:s24], [sflag:$0x1] =	stream.linear.gather [hbm4b:s22+s3], $0x10, $0x38;
	[tilespmem:$0x10200] =	vst v63  }
0x82b: {  	s25 =	sadd.s32 $0x40, s19;
	s26 =	sadd.s32 $0x670, s23;
	s28 =	sadd.s32 $0x50, s19  }
0x82c: {  	[tilespmem:s26], [sflag:$0x1] =	stream.linear.gather [hbm4b:s25+s3], $0x10, $0x38;
	[tilespmem:$0x10200] =	vst v63  }
0x82d: {  	s29 =	sadd.s32 $0x6F0, s23;
	s30 =	sadd.s32 $0x60, s19;
	s31 =	sadd.s32 $0x770, s23  }
0x82e: {  	[tilespmem:s29], [sflag:$0x1] =	stream.linear.gather [hbm4b:s28+s3], $0x10, $0x38;
	[tilespmem:$0x10200] =	vst v63  }
0x82f: {  	s23 =	sadd.s32 $0x7F0, s23;
	s22 =	sadd.s32 $0x70, s19;
	s19 =	sadd.s32 $0xF4280, s19  }
0x830: {  	[tilespmem:s31], [sflag:$0x1] =	stream.linear.gather [hbm4b:s30+s3], $0x10, $0x38;
	[tilespmem:$0x10200] =	vst v63  }
.LBB2_66:
0x831: {  	[tilespmem:s23], [sflag:$0x1] =	stream.linear.gather [hbm4b:s22+s3], $0x10, $0x38;
	[tilespmem:$0x10200] =	vst v63  }
0x832: {  	s22 =	smov.u32 s21  }
0x833: {  	s24 =	sadd.s32 $0x4000, s21;
	s23 =	sadd.s32 s20, s18;
	s20 =	sshra.s32 s22, $0x2  }
0x834: {  	p1 =	sne.s32 s21, $0x1C000;
	s21 =	sadd.s32 $0x470, s23  }
0x835: {  	[tilespmem:s21], [sflag:$0x1] =	stream.linear.gather [hbm4b:s19+s3], $0x10, $0x38;
	[tilespmem:$0x10200] =	vst v63  }
0x836: {  	s22 =	sadd.s32 $0x4F0, s23;
	s21 =	sadd.s32 $0x10, s19  }
0x837: {  	[tilespmem:s22], [sflag:$0x1] =	stream.linear.gather [hbm4b:s21+s3], $0x10, $0x38;
	[tilespmem:$0x10200] =	vst v63  }
0x838: {  	s21 =	sadd.s32 $0x20, s19;
	s22 =	sadd.s32 $0x570, s23  }
0x839: {  	[tilespmem:s22], [sflag:$0x1] =	stream.linear.gather [hbm4b:s21+s3], $0x10, $0x38;
	[tilespmem:$0x10200] =	vst v63  }
0x83a: {  	s21 =	sadd.s32 $0x30, s19;
	s22 =	sadd.s32 $0x5F0, s23  }
0x83b: {  	[tilespmem:s22], [sflag:$0x1] =	stream.linear.gather [hbm4b:s21+s3], $0x10, $0x38;
	[tilespmem:$0x10200] =	vst v63  }
0x83c: {  	s21 =	sadd.s32 $0x40, s19;
	s22 =	sadd.s32 $0x670, s23  }
0x83d: {  	[tilespmem:s22], [sflag:$0x1] =	stream.linear.gather [hbm4b:s21+s3], $0x10, $0x38;
	[tilespmem:$0x10200] =	vst v63  }
.Ltmp36:
0x83e: {  	s21 =	sadd.s32 $0x50, s19;
	s22 =	sadd.s32 $0x6F0, s23;
	(pc) =	sbr.rel @p1 .LBB2_66-.Ltmp36, $4  }
0x83f: {  	[tilespmem:s22], [sflag:$0x1] =	stream.linear.gather [hbm4b:s21+s3], $0x10, $0x38;
	[tilespmem:$0x10200] =	vst v63  }
0x840: {  	s21 =	sadd.s32 $0x60, s19;
	s22 =	sadd.s32 $0x770, s23;
	s23 =	sadd.s32 $0x7F0, s23  }
0x841: {  	[tilespmem:s22], [sflag:$0x1] =	stream.linear.gather [hbm4b:s21+s3], $0x10, $0x38;
	[tilespmem:$0x10200] =	vst v63  }
0x842: {  	s22 =	sadd.s32 $0x70, s19;
	s19 =	sadd.s32 $0xF4280, s19;
	s21 =	smov.u32 s24  }
0x843: {  	[tilespmem:s23], [sflag:$0x1] =	stream.linear.gather [hbm4b:s22+s3], $0x10, $0x38;
	[tilespmem:$0x10200] =	vst v63  }
0x844: {  	s18 =	sadd.s32 s20, s18  }
0x845: {  	s20 =	sadd.s32 $0x470, s18  }
0x846: {  	[tilespmem:s20], [sflag:$0x1] =	stream.linear.gather [hbm4b:s19+s3], $0x10, $0x38;
	[tilespmem:$0x10200] =	vst v63  }
0x847: {  	s29 =	sadd.s32 $0x10, s19;
	s21 =	sadd.s32 $0x4F0, s18  }
0x848: {  	[tilespmem:s21], [sflag:$0x1] =	stream.linear.gather [hbm4b:s29+s3], $0x10, $0x38;
	[tilespmem:$0x10200] =	vst v63  }
0x849: {  	s30 =	sadd.s32 $0x20, s19;
	s31 =	sadd.s32 $0x570, s18  }
0x84a: {  	[tilespmem:s31], [sflag:$0x1] =	stream.linear.gather [hbm4b:s30+s3], $0x10, $0x38;
	[tilespmem:$0x10200] =	vst v63  }
0x84b: {  	s22 =	sadd.s32 $0x30, s19;
	s23 =	sadd.s32 $0x5F0, s18  }
0x84c: {  	[tilespmem:s23], [sflag:$0x1] =	stream.linear.gather [hbm4b:s22+s3], $0x10, $0x38;
	[tilespmem:$0x10200] =	vst v63  }
0x84d: {  	s24 =	sadd.s32 $0x40, s19;
	s25 =	sadd.s32 $0x670, s18  }
0x84e: {  	[tilespmem:s25], [sflag:$0x1] =	stream.linear.gather [hbm4b:s24+s3], $0x10, $0x38;
	[tilespmem:$0x10200] =	vst v63  }
0x84f: {  	s26 =	sadd.s32 $0x50, s19;
	s28 =	sadd.s32 $0x6F0, s18  }
0x850: {  	[tilespmem:s28], [sflag:$0x1] =	stream.linear.gather [hbm4b:s26+s3], $0x10, $0x38;
	[tilespmem:$0x10200] =	vst v63  }
.Ltmp37:
0x851: {  	_ = 	snop;
	(pc) =	sbr.rel .LBB2_68-.Ltmp37, $4  }
0x852: {  	s29 =	sadd.s32 $0x60, s19;
	s30 =	sadd.s32 $0x770, s18  }
0x853: {  	[tilespmem:s30], [sflag:$0x1] =	stream.linear.gather [hbm4b:s29+s3], $0x10, $0x38;
	[tilespmem:$0x10200] =	vst v63  }
0x854: {  	s31 =	sadd.s32 $0x70, s19;
	s18 =	sadd.s32 $0x7F0, s18  }
0x855: {  	[tilespmem:s18], [sflag:$0x1] =	stream.linear.gather [hbm4b:s31+s3], $0x10, $0x38;
	[tilespmem:$0x10200] =	vst v63  }
.LBB2_70:
0x856: {  	_ =	sfence.sel $0x180000  }
0x857: {  	[bflag:$0x0] =	sbarrier.arrive $0xFFFF  }
0x858: {  	p0 =	sne.s32 s0, $0x0;
	_ =	strace $0x90000047  }
0x859: {  	s0 =	sadd.s32 @!p0 $0x100000, s2;
	[bflag:$0x2] =	sbarrier.arrive $0xFFFF  }
0x85a: {  	[sflag:s0] =	ssyncadd.tile.s32 @!p0 $0x1;
	_ =	shalt  }
.Lfunc_end2:
_tile_overlayer_lowered:
.L_overlay_start_2:
0x85b: {  	(tag) =	ssettag $0x2  }
0x85c: {  	s0 =	rddreg [dreg:$0x0];
	s2 =	stileid.u32  }
0x85d: {  	s1 =	rddreg [dreg:$0x1];
	p0 =	sne.s32 s2, $0x0  }
0x85e: {  	s3 =	rddreg [dreg:$0x2];
	[bflag:$0x3] =	sbarrier.arrive $0xFFFF;
	s2 =	simm.s32 @!p0 $0x1C02  }
0x85f: {  	[timem:s3], [sflag:s2] =	dma.local @!p0 [hbm:s0], s1  }
0x860: {  	s0 =	simm.s32 @!p0 $0x2  }
0x861: {  	_ =	swait.ge @!p0 [sflag:s0], s1  }
0x862: {  	s1 =	ssub.s32 @!p0 $0x0, s1;
	[sflag:s0] =	ssyncset.done @!p0 $0x0  }
0x863: {  	[sflag:s0] =	ssyncadd.s32 @!p0 s1  }
0x864: {  	[bflag:$0x3] =	sbarrier.arrive $0xFFFF  }
0x865: {  	_ =	shalt  }

</sc_bundles>
